<compile_context>
chip_gen: v7x
topology: tpu7x:2x2x1
jax: 0.10.2.dev20260603
libtpu: 0.0.44.dev20260713+nightly
codegen_flags: <defaults>
</compile_context>

<pallas_src>
import functools

import jax
import jax.numpy as jnp
from jax import lax
from jax.experimental import pallas as pl
from jax.experimental.pallas import tpu as pltpu
from jax.experimental.pallas import tpu_sc as plsc

N = 10000
E = 320000
D_IN = 128
HID = 8
HEADS = 8
D_OUT = 64

NC = 2
NS = 16
NT = NC * NS
CK = 128
CPT = 80
EPAD = NT * CPT * CK
NPAD = 10112
RPT = NPAD // NS
ACCW = 72
BN = 1000
GRID = N // BN


def _leaky_exp(z):
    return jnp.exp(jnp.maximum(z, 0.2 * z))



def _tc_pre_body(x_ref, w_ref, as_ref, ad_ref, hb_ref, az_ref):
    h = jnp.dot(x_ref[...], w_ref[...], preferred_element_type=jnp.float32)
    asrc = jnp.dot(h, as_ref[...], preferred_element_type=jnp.float32)
    adst = jnp.dot(h, ad_ref[...], preferred_element_type=jnp.float32)
    hb_ref[...] = h.astype(jnp.bfloat16)
    az_ref[...] = jnp.concatenate([asrc, adst], axis=1)


def _tc_mid_body(acc_ref, hb_ref, az_ref, b1_ref, w2_ref, a2s_ref, a2d_ref,
                 r_ref, hb2_ref, az2_ref):
    h = hb_ref[...].astype(jnp.float32)
    asrc = az_ref[...][:, :8]
    adst = az_ref[...][:, 8:16]
    num = acc_ref[0][:, :64] + acc_ref[1][:, :64]
    den8 = acc_ref[0][:, 64:72] + acc_ref[1][:, 64:72]
    exs = _leaky_exp(asrc + adst)
    rmat = r_ref[...]
    num = num + jnp.dot(exs, rmat, preferred_element_type=jnp.float32) * h
    den = jnp.dot(den8 + exs, rmat, preferred_element_type=jnp.float32)
    v = num / (den + 1e-16) + b1_ref[...]
    h1 = jnp.where(v > 0, v, jnp.exp(jnp.minimum(v, 0.0)) - 1.0)
    h2 = jnp.dot(h1, w2_ref[...], preferred_element_type=jnp.float32)
    as2 = jnp.dot(h2, a2s_ref[...], preferred_element_type=jnp.float32)
    ad2 = jnp.dot(h2, a2d_ref[...], preferred_element_type=jnp.float32)
    hb2_ref[...] = h2.astype(jnp.bfloat16)
    pad7 = jnp.zeros((h2.shape[0], 7), jnp.float32)
    az2_ref[...] = jnp.concatenate([as2, pad7, ad2, pad7], axis=1)


def _tc_post_body(acc_ref, hb2_ref, az2_ref, b2_ref, out_ref):
    h2 = hb2_ref[...].astype(jnp.float32)
    as2 = az2_ref[...][:, 0:1]
    ad2 = az2_ref[...][:, 8:9]
    num = acc_ref[0][:, :64] + acc_ref[1][:, :64]
    den = acc_ref[0][:, 64:65] + acc_ref[1][:, 64:65]
    exs = _leaky_exp(as2 + ad2)
    logits = (num + exs * h2) / (den + exs + 1e-16) + b2_ref[...]
    m = jnp.max(logits, axis=1, keepdims=True)
    out_ref[...] = logits - m - jnp.log(
        jnp.sum(jnp.exp(logits - m), axis=1, keepdims=True))



def _zero_mbuf(mbuf):
    iota = lax.iota(jnp.int32, 16)
    zeros = jnp.zeros((16,), jnp.float32)

    def body(i, carry):
        mbuf[i, pl.ds(0, 16)] = zeros
        mbuf[i, pl.ds(16, 16)] = zeros
        mbuf[i, pl.ds(32, 16)] = zeros
        mbuf[i, pl.ds(48, 16)] = zeros
        plsc.store_scatter(mbuf, [jnp.full((16,), i, jnp.int32), 56 + iota],
                           zeros)
        return carry

    lax.fori_loop(0, CK, body, 0)


def _zero_spmem(mbuf, acc_sp, s):
    base = s * RPT
    off = 0
    while off + CK <= RPT:
        pltpu.sync_copy(mbuf, acc_sp.at[pl.ds(base + off, CK), :])
        off += CK
    if off < RPT:
        pltpu.sync_copy(mbuf.at[pl.ds(0, RPT - off), :],
                        acc_sp.at[pl.ds(base + off, RPT - off), :])


def _copy_out(acc_sp, acc_hbm, c, s):
    base = s * RPT
    pltpu.sync_copy(acc_sp.at[pl.ds(base, RPT), :],
                    acc_hbm.at[c, pl.ds(base, RPT), :])


def _vbcast(v, idx16):
    dn = lax.GatherDimensionNumbers(
        offset_dims=(), collapsed_slice_dims=(0,), start_index_map=(0,))
    return lax.gather(v, idx16[:, None], dn, (1,),
                      mode=lax.GatherScatterMode.PROMISE_IN_BOUNDS)


def _zero_idx_tail(srci, dsti):
    zi = jnp.zeros((16,), jnp.int32)
    for r in (CPT, CPT + 1):
        for k in range(CK // 16):
            srci[r, pl.ds(16 * k, 16)] = zi
            dsti[r, pl.ds(16 * k, 16)] = zi


def _unpack_mul_store(hbuf, mbuf, erow, rsplat, exv, pidx, e2):
    for k in range(2):
        hv32 = hbuf[erow, pl.ds(32 * k, 32)]
        pa, pb = plsc.unpack(hv32, format=plsc.PackFormat.INTERLEAVED)
        exb = _vbcast(exv, pidx[k])
        plsc.store_scatter(mbuf, [rsplat, e2 + 32 * k], pa * exb)
        plsc.store_scatter(mbuf, [rsplat, e2 + 32 * k + 1], pb * exb)


def _compute_chunk1(hbuf, arows, brows, mbuf, iota, step8, col8, bidx):
    c64p = 64 + col8
    e2 = 2 * iota

    def body2(p, carry2):
        r16 = 2 * p + step8
        a = plsc.load_gather(arows, [r16, col8])
        b = plsc.load_gather(brows, [r16, 8 + col8])
        ex = _leaky_exp(a + b)
        plsc.store_scatter(mbuf, [r16, c64p], ex)
        for edge in range(2):
            erow = 2 * p + edge
            rsplat = jnp.zeros((16,), jnp.int32) + erow
            _unpack_mul_store(hbuf, mbuf, erow, rsplat, ex, bidx[edge], e2)
        return carry2

    lax.fori_loop(0, CK // 2, body2, 0)


def _compute_chunk2(hbuf, arows, brows, mbuf, iota, c64, c0, c8, eidx):
    e2 = 2 * iota

    def group_body(g, carry2):
        rows16 = 16 * g + iota
        a = plsc.load_gather(arows, [rows16, c0])
        b = plsc.load_gather(brows, [rows16, c8])
        ex = _leaky_exp(a + b)
        plsc.store_scatter(mbuf, [rows16, c64], ex)
        for e in range(16):
            erow = 16 * g + e
            rsplat = jnp.zeros((16,), jnp.int32) + erow
            _unpack_mul_store(hbuf, mbuf, erow, rsplat, ex,
                              [eidx[e], eidx[e]], e2)
        return carry2

    lax.fori_loop(0, CK // 16, group_body, 0)


def _edge_pass_pipelined(compute, srcc, dstc, hb_hbm, az_hbm, acc_hbm,
                         srci, dsti, hbufA, hbufB, arowsA, arowsB,
                         browsA, browsB, mbuf, acc_sp, gsemA, gsemB):
    c = lax.axis_index("c")
    s = lax.axis_index("s")
    t = c * NS + s

    _zero_mbuf(mbuf)
    _zero_spmem(mbuf, acc_sp, s)
    _zero_idx_tail(srci, dsti)
    plsc.subcore_barrier()

    pltpu.sync_copy(srcc.at[t], srci.at[pl.ds(0, CPT), :])
    pltpu.sync_copy(dstc.at[t], dsti.at[pl.ds(0, CPT), :])

    def fire_gather(j, hbuf, arows, brows, gsem):
        pltpu.async_copy(hb_hbm.at[srci.at[j]], hbuf, gsem)
        pltpu.async_copy(az_hbm.at[srci.at[j]], arows, gsem)
        pltpu.async_copy(az_hbm.at[dsti.at[j]], brows, gsem)

    def wait_gather(j, hbuf, arows, brows, gsem):
        pltpu.make_async_copy(hb_hbm.at[srci.at[j]], hbuf, gsem).wait()
        pltpu.make_async_copy(az_hbm.at[srci.at[j]], arows, gsem).wait()
        pltpu.make_async_copy(az_hbm.at[dsti.at[j]], brows, gsem).wait()

    fire_gather(0, hbufA, arowsA, browsA, gsemA)

    def body(jj, carry):
        j0 = 2 * jj
        j1 = 2 * jj + 1
        wait_gather(j0, hbufA, arowsA, browsA, gsemA)
        fire_gather(j1, hbufB, arowsB, browsB, gsemB)
        compute(hbufA, arowsA, browsA, mbuf)
        pltpu.sync_copy(mbuf, acc_sp.at[dsti.at[j0]], add=True)
        wait_gather(j1, hbufB, arowsB, browsB, gsemB)
        fire_gather(j0 + 2, hbufA, arowsA, browsA, gsemA)
        compute(hbufB, arowsB, browsB, mbuf)
        pltpu.sync_copy(mbuf, acc_sp.at[dsti.at[j1]], add=True)
        return carry

    lax.fori_loop(0, CPT // 2, body, 0)

    wait_gather(CPT, hbufA, arowsA, browsA, gsemA)
    plsc.subcore_barrier()
    _copy_out(acc_sp, acc_hbm, c, s)


def _edge_pass1(srcc, dstc, hb_hbm, az_hbm, acc_hbm,
                srci, dsti, hbufA, hbufB, arowsA, arowsB,
                browsA, browsB, mbuf, acc_sp, gsemA, gsemB):
    iota = lax.iota(jnp.int32, 16)
    step8 = jnp.where(iota >= 8, 1, 0)
    col8 = iota & 7
    q4 = iota // 4
    bidx = [[8 * edge + 4 * k + q4 for k in range(2)] for edge in range(2)]

    def comp(hbuf, arows, brows, mb):
        _compute_chunk1(hbuf, arows, brows, mb, iota, step8, col8, bidx)

    _edge_pass_pipelined(comp, srcc, dstc, hb_hbm, az_hbm, acc_hbm,
                         srci, dsti, hbufA, hbufB, arowsA, arowsB,
                         browsA, browsB, mbuf, acc_sp, gsemA, gsemB)


def _edge_pass2(srcc, dstc, hb_hbm, az_hbm, acc_hbm,
                srci, dsti, hbufA, hbufB, arowsA, arowsB,
                browsA, browsB, mbuf, acc_sp, gsemA, gsemB):
    iota = lax.iota(jnp.int32, 16)
    c64 = jnp.full((16,), 64, jnp.int32)
    c0 = jnp.zeros((16,), jnp.int32)
    c8 = jnp.full((16,), 8, jnp.int32)
    eidx = [jnp.full((16,), e, jnp.int32) for e in range(16)]

    def comp(hbuf, arows, brows, mb):
        _compute_chunk2(hbuf, arows, brows, mb, iota, c64, c0, c8, eidx)

    _edge_pass_pipelined(comp, srcc, dstc, hb_hbm, az_hbm, acc_hbm,
                         srci, dsti, hbufA, hbufB, arowsA, arowsB,
                         browsA, browsB, mbuf, acc_sp, gsemA, gsemB)



@functools.lru_cache(maxsize=None)
def _sc_kernels():
    mesh = plsc.VectorSubcoreMesh(
        core_axis_name="c", subcore_axis_name="s",
        num_cores=NC, num_subcores=NS)
    scratch = [
        pltpu.VMEM((CPT + 2, CK), jnp.int32),
        pltpu.VMEM((CPT + 2, CK), jnp.int32),
        pltpu.VMEM((CK, 64), jnp.bfloat16),
        pltpu.VMEM((CK, 64), jnp.bfloat16),
        pltpu.VMEM((CK, 16), jnp.float32),
        pltpu.VMEM((CK, 16), jnp.float32),
        pltpu.VMEM((CK, 16), jnp.float32),
        pltpu.VMEM((CK, 16), jnp.float32),
        pltpu.VMEM((CK, ACCW), jnp.float32),
        pltpu.VMEM_SHARED((NPAD, ACCW), jnp.float32),
        pltpu.SemaphoreType.DMA,
        pltpu.SemaphoreType.DMA,
    ]
    mk = functools.partial(
        pl.kernel,
        out_type=jax.ShapeDtypeStruct((NC, NPAD, ACCW), jnp.float32),
        mesh=mesh, scratch_types=scratch,
        compiler_params=pltpu.CompilerParams(
            needs_layout_passes=False, use_tc_tiling_on_sc=False))
    return mk(_edge_pass1), mk(_edge_pass2)


def _node_specs(widths):
    return [pl.BlockSpec((BN, w), lambda i: (i, 0)) for w in widths]


def kernel(x, edge_index, W1, att_src1, att_dst1, b1, W2, att_src2,
           att_dst2, b2):
    f32 = jnp.float32
    eye8 = jnp.eye(8, dtype=f32)
    a_s = (eye8[:, None, :] * att_src1[:, :, None]).reshape(64, 8)
    a_d = (eye8[:, None, :] * att_dst1[:, :, None]).reshape(64, 8)
    rmat = jnp.repeat(eye8, 8, axis=1)

    hb, az = pl.pallas_call(
        _tc_pre_body,
        grid=(GRID,),
        in_specs=[
            pl.BlockSpec((BN, D_IN), lambda i: (i, 0)),
            pl.BlockSpec((D_IN, 64), lambda i: (0, 0)),
            pl.BlockSpec((64, 8), lambda i: (0, 0)),
            pl.BlockSpec((64, 8), lambda i: (0, 0)),
        ],
        out_specs=_node_specs([64, 16]),
        out_shape=[
            jax.ShapeDtypeStruct((N, 64), jnp.bfloat16),
            jax.ShapeDtypeStruct((N, 16), f32),
        ],
    )(x, W1, a_s, a_d)

    src = edge_index[0]
    dst = edge_index[1]
    pad = EPAD - E
    srcc = jnp.concatenate([src, jnp.zeros((pad,), jnp.int32)])
    srcc = srcc.reshape(NT, CPT, CK)
    dstc = jnp.concatenate([dst, jnp.full((pad,), N, jnp.int32)])
    dstc = dstc.reshape(NT, CPT, CK)
    az_p = jnp.pad(az, ((0, 16), (0, 0)))
    hb_p = jnp.pad(hb, ((0, 16), (0, 0)))

    edge_pass1, edge_pass2 = _sc_kernels()
    acc1 = edge_pass1(srcc, dstc, hb_p, az_p)

    hb2, az2 = pl.pallas_call(
        _tc_mid_body,
        grid=(GRID,),
        in_specs=[
            pl.BlockSpec((NC, BN, ACCW), lambda i: (0, i, 0)),
            pl.BlockSpec((BN, 64), lambda i: (i, 0)),
            pl.BlockSpec((BN, 16), lambda i: (i, 0)),
            pl.BlockSpec((1, 64), lambda i: (0, 0)),
            pl.BlockSpec((64, 64), lambda i: (0, 0)),
            pl.BlockSpec((64, 1), lambda i: (0, 0)),
            pl.BlockSpec((64, 1), lambda i: (0, 0)),
            pl.BlockSpec((8, 64), lambda i: (0, 0)),
        ],
        out_specs=_node_specs([64, 16]),
        out_shape=[
            jax.ShapeDtypeStruct((N, 64), jnp.bfloat16),
            jax.ShapeDtypeStruct((N, 16), f32),
        ],
    )(acc1[:, :N, :], hb, az, b1.reshape(1, 64), W2,
      att_src2.reshape(64, 1), att_dst2.reshape(64, 1), rmat)

    az2_p = jnp.pad(az2, ((0, 16), (0, 0)))
    hb2_p = jnp.pad(hb2, ((0, 16), (0, 0)))
    acc2 = edge_pass2(srcc, dstc, hb2_p, az2_p)

    out = pl.pallas_call(
        _tc_post_body,
        grid=(GRID,),
        in_specs=[
            pl.BlockSpec((NC, BN, ACCW), lambda i: (0, i, 0)),
            pl.BlockSpec((BN, 64), lambda i: (i, 0)),
            pl.BlockSpec((BN, 16), lambda i: (i, 0)),
            pl.BlockSpec((1, 64), lambda i: (0, 0)),
        ],
        out_specs=pl.BlockSpec((BN, D_OUT), lambda i: (i, 0)),
        out_shape=jax.ShapeDtypeStruct((N, D_OUT), f32),
    )(acc2[:, :N, :], hb2, az2, b2.reshape(1, 64))

    return out

# --- scband reference (transcript-rebuilt; emitter-appended) ---
"""Pipeline reference for scband-gat-8916352106937 (READ-ONLY COPY).

The authoritative reference and input builder live on the scoring server;
editing this copy changes nothing except your own understanding.
"""

import jax, jax.numpy as jnp
import numpy as np

N = 10000
E = 320000
D_IN = 128
HID = 8
HEADS = 8
D_OUT = 64


def setup_inputs(seed: int = 0) -> dict:
    key = jax.random.key(seed)
    ks = jax.random.split(key, 12)
    x = jax.random.normal(ks[0], (N, D_IN), dtype=jnp.float32)
    edge_index = jax.random.randint(ks[1], (2, E), 0, N, dtype=jnp.int32)
    s1 = 1.0 / np.sqrt(D_IN)
    W1 = jax.random.normal(ks[2], (D_IN, HEADS * HID), dtype=jnp.float32) * s1
    att_src1 = jax.random.normal(ks[3], (HEADS, HID), dtype=jnp.float32) * 0.1
    att_dst1 = jax.random.normal(ks[4], (HEADS, HID), dtype=jnp.float32) * 0.1
    b1 = jnp.zeros((HEADS * HID,), dtype=jnp.float32)
    s2 = 1.0 / np.sqrt(HEADS * HID)
    W2 = jax.random.normal(ks[5], (HEADS * HID, D_OUT), dtype=jnp.float32) * s2
    att_src2 = jax.random.normal(ks[6], (1, D_OUT), dtype=jnp.float32) * 0.1
    att_dst2 = jax.random.normal(ks[7], (1, D_OUT), dtype=jnp.float32) * 0.1
    b2 = jnp.zeros((D_OUT,), dtype=jnp.float32)
    return {"x": x, "edge_index": edge_index, "W1": W1, "att_src1": att_src1,
            "att_dst1": att_dst1, "b1": b1, "W2": W2, "att_src2": att_src2,
            "att_dst2": att_dst2, "b2": b2}


def _gat_conv(x, edge_index, W, a_src, a_dst, b, heads, ch):
    # PyG-style GATConv with add_self_loops=True, concat heads, leaky_relu(0.2)
    n = x.shape[0]
    loops = jnp.arange(n, dtype=edge_index.dtype)
    src = jnp.concatenate([edge_index[0], loops])
    dst = jnp.concatenate([edge_index[1], loops])
    h = (x @ W).reshape(n, heads, ch)                      # [N, H, C]
    alpha_src = jnp.sum(h * a_src[None, :, :], axis=-1)    # [N, H]
    alpha_dst = jnp.sum(h * a_dst[None, :, :], axis=-1)    # [N, H]
    e = jax.nn.leaky_relu(alpha_src[src] + alpha_dst[dst], negative_slope=0.2)  # [Etot, H]
    e_max = jax.ops.segment_max(e, dst, num_segments=n)
    e_max = jax.lax.stop_gradient(jnp.where(jnp.isfinite(e_max), e_max, 0.0))
    ex = jnp.exp(e - e_max[dst])
    denom = jax.ops.segment_sum(ex, dst, num_segments=n)
    alpha = ex / (denom[dst] + 1e-16)                      # softmax over incoming edges
    msg = h[src] * alpha[:, :, None]                       # [Etot, H, C]
    out = jax.ops.segment_sum(msg, dst, num_segments=n)    # [N, H, C]
    return out.reshape(n, heads * ch) + b


def reference(x, edge_index, W1, att_src1, att_dst1, b1, W2, att_src2, att_dst2, b2):
    # dropout is inactive in eval mode -> identity
    h1 = jax.nn.elu(_gat_conv(x, edge_index, W1, att_src1, att_dst1, b1, HEADS, HID))
    out = _gat_conv(h1, edge_index, W2, att_src2, att_dst2, b2, 1, D_OUT)
    return jax.nn.log_softmax(out, axis=1)

if __name__ == "__main__":
    import jax
    _d = setup_inputs()
    print(jax.jit(kernel)(*tuple(_d.values())))

</pallas_src>

<mosaic_0001>
#map = affine_map<(d0, d1) -> (0, 0, 0)>
#map1 = affine_map<(d0, d1) -> (0, 0)>
module attributes {stable_mosaic.version = 14 : i64} {
  func.func @_edge_pass1(%arg0: i32, %arg1: i32, %arg2: memref<32x80x128xi32, #tpu.memory_space<hbm>>, %arg3: memref<32x80x128xi32, #tpu.memory_space<hbm>>, %arg4: memref<10016x64xbf16, #tpu.memory_space<hbm>>, %arg5: memref<10016x16xf32, #tpu.memory_space<hbm>>, %arg6: memref<2x10112x72xf32, #tpu.memory_space<hbm>>, %arg7: memref<82x128xi32, #tpu.memory_space<vmem>>, %arg8: memref<82x128xi32, #tpu.memory_space<vmem>>, %arg9: memref<128x64xbf16, #tpu.memory_space<vmem>>, %arg10: memref<128x64xbf16, #tpu.memory_space<vmem>>, %arg11: memref<128x16xf32, #tpu.memory_space<vmem>>, %arg12: memref<128x16xf32, #tpu.memory_space<vmem>>, %arg13: memref<128x16xf32, #tpu.memory_space<vmem>>, %arg14: memref<128x16xf32, #tpu.memory_space<vmem>>, %arg15: memref<128x72xf32, #tpu.memory_space<vmem>>, %arg16: memref<10112x72xf32, #tpu.memory_space<vmem_shared>>, %arg17: memref<!tpu.dma_semaphore, #tpu.memory_space<semaphore_mem>>, %arg18: memref<!tpu.dma_semaphore, #tpu.memory_space<semaphore_mem>>) attributes {dimension_semantics = [#tpu.dimension_semantics<core_parallel>, #tpu.dimension_semantics<subcore_parallel>], iteration_bounds = array<i64: 2, 16>, scalar_prefetch = 0 : i64, scratch_operands = 12 : i64, tpu.core_type = #tpu.core_type<sc_vector_subcore>, window_params = [{transform_indices = #map}, {transform_indices = #map}, {transform_indices = #map1}, {transform_indices = #map1}, {transform_indices = #map}]} {
    %iota3A = tpu.iota {dimensions = array<i32: 0>} : vector<16xi32>
    %ge3A = arith.constant 8 : i32
    %ge3A_0 = vector.broadcast %ge3A : i32 to vector<16xi32>
    %ge3A_1 = arith.cmpi sge, %iota3A, %ge3A_0 : vector<16xi32>
    %jit3A = arith.constant 1 : i32
    %jit3A_2 = arith.constant 0 : i32
    %broadcast_in_dim3A = vector.broadcast %jit3A : i32 to vector<16xi32>
    %broadcast_in_dim3A_3 = vector.broadcast %jit3A_2 : i32 to vector<16xi32>
    %select_n3A = arith.select %ge3A_1, %broadcast_in_dim3A, %broadcast_in_dim3A_3 : vector<16xi1>, vector<16xi32>
    %and3A = arith.constant 7 : i32
    %and3A_4 = vector.broadcast %and3A : i32 to vector<16xi32>
    %and3A_5 = arith.andi %iota3A, %and3A_4 : vector<16xi32>
    %jit3A_6 = arith.constant 4 : i32
    %div3A = vector.broadcast %jit3A_6 : i32 to vector<16xi32>
    %div3A_7 = arith.divsi %iota3A, %div3A : vector<16xi32>
    %sign3A = arith.constant 0 : i32
    %sign3A_8 = vector.broadcast %sign3A : i32 to vector<16xi32>
    %sign3A_9 = arith.cmpi sgt, %iota3A, %sign3A_8 : vector<16xi32>
    %sign3A_10 = arith.extui %sign3A_9 : vector<16xi1> to vector<16xi32>
    %sign3A_11 = arith.constant 0 : i32
    %sign3A_12 = vector.broadcast %sign3A_11 : i32 to vector<16xi32>
    %sign3A_13 = arith.cmpi slt, %iota3A, %sign3A_12 : vector<16xi32>
    %sign3A_14 = arith.extui %sign3A_13 : vector<16xi1> to vector<16xi32>
    %sign3A_15 = arith.subi %sign3A_10, %sign3A_14 : vector<16xi32>
    %sign3A_16 = arith.constant 0 : i32
    %sign3A_17 = arith.cmpi sgt, %jit3A_6, %sign3A_16 : i32
    %sign3A_18 = arith.extui %sign3A_17 : i1 to i32
    %sign3A_19 = arith.constant 0 : i32
    %sign3A_20 = arith.cmpi slt, %jit3A_6, %sign3A_19 : i32
    %sign3A_21 = arith.extui %sign3A_20 : i1 to i32
    %sign3A_22 = arith.subi %sign3A_18, %sign3A_21 : i32
    %ne3A = vector.broadcast %sign3A_22 : i32 to vector<16xi32>
    %ne3A_23 = arith.cmpi ne, %sign3A_15, %ne3A : vector<16xi32>
    %rem3A = vector.broadcast %jit3A_6 : i32 to vector<16xi32>
    %rem3A_24 = arith.remsi %iota3A, %rem3A : vector<16xi32>
    %ne3A_25 = arith.constant 0 : i32
    %ne3A_26 = vector.broadcast %ne3A_25 : i32 to vector<16xi32>
    %ne3A_27 = arith.cmpi ne, %rem3A_24, %ne3A_26 : vector<16xi32>
    %and3A_28 = arith.andi %ne3A_23, %ne3A_27 : vector<16xi1>
    %sub3A = arith.constant 1 : i32
    %sub3A_29 = vector.broadcast %sub3A : i32 to vector<16xi32>
    %sub3A_30 = arith.subi %div3A_7, %sub3A_29 : vector<16xi32>
    %select_n3A_31 = arith.select %and3A_28, %sub3A_30, %div3A_7 : vector<16xi1>, vector<16xi32>
    %add3A = arith.constant 0 : i32
    %add3A_32 = vector.broadcast %add3A : i32 to vector<16xi32>
    %add3A_33 = arith.addi %add3A_32, %select_n3A_31 : vector<16xi32>
    %add3A_34 = arith.constant 4 : i32
    %add3A_35 = vector.broadcast %add3A_34 : i32 to vector<16xi32>
    %add3A_36 = arith.addi %add3A_35, %select_n3A_31 : vector<16xi32>
    %add3A_37 = arith.constant 8 : i32
    %add3A_38 = vector.broadcast %add3A_37 : i32 to vector<16xi32>
    %add3A_39 = arith.addi %add3A_38, %select_n3A_31 : vector<16xi32>
    %add3A_40 = arith.constant 12 : i32
    %add3A_41 = vector.broadcast %add3A_40 : i32 to vector<16xi32>
    %add3A_42 = arith.addi %add3A_41, %select_n3A_31 : vector<16xi32>
    %mul3A = arith.constant 16 : i32
    %mul3A_43 = arith.muli %arg0, %mul3A : i32
    %add3A_44 = arith.addi %mul3A_43, %arg1 : i32
    %iota3A_45 = tpu.iota {dimensions = array<i32: 0>} : vector<16xi32>
    %broadcast_in_dim3A_46 = arith.constant 0.000000e+00 : f32
    %broadcast_in_dim3A_47 = vector.broadcast %broadcast_in_dim3A_46 : f32 to vector<16xf32>
    %scan3A = arith.constant 0 : i32
    %scan3A_48 = arith.constant 0 : i32
    %scan3A_49 = arith.constant 128 : i32
    %scan3A_50 = arith.addi %scan3A_48, %scan3A_49 : i32
    %scan3A_51 = arith.constant 1 : i32
    scf.for %scan3A_243 = %scan3A_48 to %scan3A_50 step %scan3A_51  : i32 {
      %swap3A_244 = arith.index_cast %scan3A_243 : i32 to index
      %swap3A_245 = arith.constant 0 : index
      %swap3A_246 = tpu.vector_load %arg15[%swap3A_244, %swap3A_245] {strides = array<i32>} : memref<128x72xf32, #tpu.memory_space<vmem>>, vector<16xf32>,
      tpu.vector_store %arg15[%swap3A_244, %swap3A_245], %broadcast_in_dim3A_47 {strides = array<i32>} : memref<128x72xf32, #tpu.memory_space<vmem>>, vector<16xf32>,
      %swap3A_247 = arith.index_cast %scan3A_243 : i32 to index
      %swap3A_248 = arith.constant 16 : index
      %swap3A_249 = tpu.vector_load %arg15[%swap3A_247, %swap3A_248] {strides = array<i32>} : memref<128x72xf32, #tpu.memory_space<vmem>>, vector<16xf32>,
      tpu.vector_store %arg15[%swap3A_247, %swap3A_248], %broadcast_in_dim3A_47 {strides = array<i32>} : memref<128x72xf32, #tpu.memory_space<vmem>>, vector<16xf32>,
      %swap3A_250 = arith.index_cast %scan3A_243 : i32 to index
      %swap3A_251 = arith.constant 32 : index
      %swap3A_252 = tpu.vector_load %arg15[%swap3A_250, %swap3A_251] {strides = array<i32>} : memref<128x72xf32, #tpu.memory_space<vmem>>, vector<16xf32>,
      tpu.vector_store %arg15[%swap3A_250, %swap3A_251], %broadcast_in_dim3A_47 {strides = array<i32>} : memref<128x72xf32, #tpu.memory_space<vmem>>, vector<16xf32>,
      %swap3A_253 = arith.index_cast %scan3A_243 : i32 to index
      %swap3A_254 = arith.constant 48 : index
      %swap3A_255 = tpu.vector_load %arg15[%swap3A_253, %swap3A_254] {strides = array<i32>} : memref<128x72xf32, #tpu.memory_space<vmem>>, vector<16xf32>,
      tpu.vector_store %arg15[%swap3A_253, %swap3A_254], %broadcast_in_dim3A_47 {strides = array<i32>} : memref<128x72xf32, #tpu.memory_space<vmem>>, vector<16xf32>,
      %broadcast_in_dim3A_256 = vector.broadcast %scan3A_243 : i32 to vector<16xi32>
      %add3A_257 = arith.constant 56 : i32
      %add3A_258 = vector.broadcast %add3A_257 : i32 to vector<16xi32>
      %add3A_259 = arith.addi %add3A_258, %iota3A_45 : vector<16xi32>
      tpu.vector_store_idx %arg15[%broadcast_in_dim3A_256, %add3A_259], %broadcast_in_dim3A_47 : memref<128x72xf32, #tpu.memory_space<vmem>>[vector<16xi32>, vector<16xi32>], vector<16xf32>,
    }
    %scan3A_52 = arith.constant 128 : i32
    %mul3A_53 = arith.constant 632 : i32
    %mul3A_54 = arith.muli %arg1, %mul3A_53 : i32
    %add3A_55 = arith.constant 0 : i32
    %add3A_56 = arith.addi %mul3A_54, %add3A_55 : i32
    "tpu.region"() ({
      %run_scoped3A = tpu.sem_alloc : memref<!tpu.dma_semaphore, #tpu.memory_space<semaphore_mem>>
      %dma_start3A_243 = arith.constant 0 : i32
      %dma_start3A_244 = tpu.memref_slice %arg16[%add3A_56, %dma_start3A_243] : memref<10112x72xf32, #tpu.memory_space<vmem_shared>> -> memref<128x72xf32, #tpu.memory_space<vmem_shared>>
      %dma_start3A_245 = arith.constant 0 : i32
      %dma_start3A_246 = tpu.memref_slice %arg16[%add3A_56, %dma_start3A_245] : memref<10112x72xf32, #tpu.memory_space<vmem_shared>> -> memref<128x72xf32, #tpu.memory_space<vmem_shared>>
      tpu.enqueue_dma source(%arg15 : memref<128x72xf32, #tpu.memory_space<vmem>>) target(%dma_start3A_246 : memref<128x72xf32, #tpu.memory_space<vmem_shared>>) target_semaphore(%run_scoped3A : memref<!tpu.dma_semaphore, #tpu.memory_space<semaphore_mem>>)
      %dma_wait3A_247 = arith.constant 0 : i32
      %dma_wait3A_248 = tpu.memref_slice %arg16[%add3A_56, %dma_wait3A_247] : memref<10112x72xf32, #tpu.memory_space<vmem_shared>> -> memref<128x72xf32, #tpu.memory_space<vmem_shared>>
      %dma_wait3A_249 = arith.constant 0 : i32
      %dma_wait3A_250 = tpu.memref_slice %arg16[%add3A_56, %dma_wait3A_249] : memref<10112x72xf32, #tpu.memory_space<vmem_shared>> -> memref<128x72xf32, #tpu.memory_space<vmem_shared>>
      tpu.wait_dma2 semaphore(%run_scoped3A : memref<!tpu.dma_semaphore, #tpu.memory_space<semaphore_mem>>) src(%arg15 : memref<128x72xf32, #tpu.memory_space<vmem>>) dst(%dma_wait3A_250 : memref<128x72xf32, #tpu.memory_space<vmem_shared>>)
      tpu.yield
    }) : () -> ()
    %add3A_57 = arith.constant 128 : i32
    %add3A_58 = arith.addi %mul3A_54, %add3A_57 : i32
    "tpu.region"() ({
      %run_scoped3A = tpu.sem_alloc : memref<!tpu.dma_semaphore, #tpu.memory_space<semaphore_mem>>
      %dma_start3A_243 = arith.constant 0 : i32
      %dma_start3A_244 = tpu.memref_slice %arg16[%add3A_58, %dma_start3A_243] : memref<10112x72xf32, #tpu.memory_space<vmem_shared>> -> memref<128x72xf32, #tpu.memory_space<vmem_shared>>
      %dma_start3A_245 = arith.constant 0 : i32
      %dma_start3A_246 = tpu.memref_slice %arg16[%add3A_58, %dma_start3A_245] : memref<10112x72xf32, #tpu.memory_space<vmem_shared>> -> memref<128x72xf32, #tpu.memory_space<vmem_shared>>
      tpu.enqueue_dma source(%arg15 : memref<128x72xf32, #tpu.memory_space<vmem>>) target(%dma_start3A_246 : memref<128x72xf32, #tpu.memory_space<vmem_shared>>) target_semaphore(%run_scoped3A : memref<!tpu.dma_semaphore, #tpu.memory_space<semaphore_mem>>)
      %dma_wait3A_247 = arith.constant 0 : i32
      %dma_wait3A_248 = tpu.memref_slice %arg16[%add3A_58, %dma_wait3A_247] : memref<10112x72xf32, #tpu.memory_space<vmem_shared>> -> memref<128x72xf32, #tpu.memory_space<vmem_shared>>
      %dma_wait3A_249 = arith.constant 0 : i32
      %dma_wait3A_250 = tpu.memref_slice %arg16[%add3A_58, %dma_wait3A_249] : memref<10112x72xf32, #tpu.memory_space<vmem_shared>> -> memref<128x72xf32, #tpu.memory_space<vmem_shared>>
      tpu.wait_dma2 semaphore(%run_scoped3A : memref<!tpu.dma_semaphore, #tpu.memory_space<semaphore_mem>>) src(%arg15 : memref<128x72xf32, #tpu.memory_space<vmem>>) dst(%dma_wait3A_250 : memref<128x72xf32, #tpu.memory_space<vmem_shared>>)
      tpu.yield
    }) : () -> ()
    %add3A_59 = arith.constant 256 : i32
    %add3A_60 = arith.addi %mul3A_54, %add3A_59 : i32
    "tpu.region"() ({
      %run_scoped3A = tpu.sem_alloc : memref<!tpu.dma_semaphore, #tpu.memory_space<semaphore_mem>>
      %dma_start3A_243 = arith.constant 0 : i32
      %dma_start3A_244 = tpu.memref_slice %arg16[%add3A_60, %dma_start3A_243] : memref<10112x72xf32, #tpu.memory_space<vmem_shared>> -> memref<128x72xf32, #tpu.memory_space<vmem_shared>>
      %dma_start3A_245 = arith.constant 0 : i32
      %dma_start3A_246 = tpu.memref_slice %arg16[%add3A_60, %dma_start3A_245] : memref<10112x72xf32, #tpu.memory_space<vmem_shared>> -> memref<128x72xf32, #tpu.memory_space<vmem_shared>>
      tpu.enqueue_dma source(%arg15 : memref<128x72xf32, #tpu.memory_space<vmem>>) target(%dma_start3A_246 : memref<128x72xf32, #tpu.memory_space<vmem_shared>>) target_semaphore(%run_scoped3A : memref<!tpu.dma_semaphore, #tpu.memory_space<semaphore_mem>>)
      %dma_wait3A_247 = arith.constant 0 : i32
      %dma_wait3A_248 = tpu.memref_slice %arg16[%add3A_60, %dma_wait3A_247] : memref<10112x72xf32, #tpu.memory_space<vmem_shared>> -> memref<128x72xf32, #tpu.memory_space<vmem_shared>>
      %dma_wait3A_249 = arith.constant 0 : i32
      %dma_wait3A_250 = tpu.memref_slice %arg16[%add3A_60, %dma_wait3A_249] : memref<10112x72xf32, #tpu.memory_space<vmem_shared>> -> memref<128x72xf32, #tpu.memory_space<vmem_shared>>
      tpu.wait_dma2 semaphore(%run_scoped3A : memref<!tpu.dma_semaphore, #tpu.memory_space<semaphore_mem>>) src(%arg15 : memref<128x72xf32, #tpu.memory_space<vmem>>) dst(%dma_wait3A_250 : memref<128x72xf32, #tpu.memory_space<vmem_shared>>)
      tpu.yield
    }) : () -> ()
    %add3A_61 = arith.constant 384 : i32
    %add3A_62 = arith.addi %mul3A_54, %add3A_61 : i32
    "tpu.region"() ({
      %run_scoped3A = tpu.sem_alloc : memref<!tpu.dma_semaphore, #tpu.memory_space<semaphore_mem>>
      %dma_start3A_243 = arith.constant 0 : i32
      %dma_start3A_244 = tpu.memref_slice %arg16[%add3A_62, %dma_start3A_243] : memref<10112x72xf32, #tpu.memory_space<vmem_shared>> -> memref<128x72xf32, #tpu.memory_space<vmem_shared>>
      %dma_start3A_245 = arith.constant 0 : i32
      %dma_start3A_246 = tpu.memref_slice %arg16[%add3A_62, %dma_start3A_245] : memref<10112x72xf32, #tpu.memory_space<vmem_shared>> -> memref<128x72xf32, #tpu.memory_space<vmem_shared>>
      tpu.enqueue_dma source(%arg15 : memref<128x72xf32, #tpu.memory_space<vmem>>) target(%dma_start3A_246 : memref<128x72xf32, #tpu.memory_space<vmem_shared>>) target_semaphore(%run_scoped3A : memref<!tpu.dma_semaphore, #tpu.memory_space<semaphore_mem>>)
      %dma_wait3A_247 = arith.constant 0 : i32
      %dma_wait3A_248 = tpu.memref_slice %arg16[%add3A_62, %dma_wait3A_247] : memref<10112x72xf32, #tpu.memory_space<vmem_shared>> -> memref<128x72xf32, #tpu.memory_space<vmem_shared>>
      %dma_wait3A_249 = arith.constant 0 : i32
      %dma_wait3A_250 = tpu.memref_slice %arg16[%add3A_62, %dma_wait3A_249] : memref<10112x72xf32, #tpu.memory_space<vmem_shared>> -> memref<128x72xf32, #tpu.memory_space<vmem_shared>>
      tpu.wait_dma2 semaphore(%run_scoped3A : memref<!tpu.dma_semaphore, #tpu.memory_space<semaphore_mem>>) src(%arg15 : memref<128x72xf32, #tpu.memory_space<vmem>>) dst(%dma_wait3A_250 : memref<128x72xf32, #tpu.memory_space<vmem_shared>>)
      tpu.yield
    }) : () -> ()
    %add3A_63 = arith.constant 512 : i32
    %add3A_64 = arith.addi %mul3A_54, %add3A_63 : i32
    "tpu.region"() ({
      %run_scoped3A = tpu.sem_alloc : memref<!tpu.dma_semaphore, #tpu.memory_space<semaphore_mem>>
      %dma_start3A_243 = arith.constant 0 : i32
      %dma_start3A_244 = arith.constant 0 : i32
      %dma_start3A_245 = tpu.memref_slice %arg15[%dma_start3A_243, %dma_start3A_244] : memref<128x72xf32, #tpu.memory_space<vmem>> -> memref<120x72xf32, #tpu.memory_space<vmem>>
      %dma_start3A_246 = arith.constant 0 : i32
      %dma_start3A_247 = tpu.memref_slice %arg16[%add3A_64, %dma_start3A_246] : memref<10112x72xf32, #tpu.memory_space<vmem_shared>> -> memref<120x72xf32, #tpu.memory_space<vmem_shared>>
      %dma_start3A_248 = arith.constant 0 : i32
      %dma_start3A_249 = tpu.memref_slice %arg16[%add3A_64, %dma_start3A_248] : memref<10112x72xf32, #tpu.memory_space<vmem_shared>> -> memref<120x72xf32, #tpu.memory_space<vmem_shared>>
      %dma_start3A_250 = arith.constant 0 : i32
      %dma_start3A_251 = arith.constant 0 : i32
      %dma_start3A_252 = tpu.memref_slice %arg15[%dma_start3A_250, %dma_start3A_251] : memref<128x72xf32, #tpu.memory_space<vmem>> -> memref<120x72xf32, #tpu.memory_space<vmem>>
      tpu.enqueue_dma source(%dma_start3A_252 : memref<120x72xf32, #tpu.memory_space<vmem>>) target(%dma_start3A_249 : memref<120x72xf32, #tpu.memory_space<vmem_shared>>) target_semaphore(%run_scoped3A : memref<!tpu.dma_semaphore, #tpu.memory_space<semaphore_mem>>)
      %dma_wait3A_253 = arith.constant 0 : i32
      %dma_wait3A_254 = arith.constant 0 : i32
      %dma_wait3A_255 = tpu.memref_slice %arg15[%dma_wait3A_253, %dma_wait3A_254] : memref<128x72xf32, #tpu.memory_space<vmem>> -> memref<120x72xf32, #tpu.memory_space<vmem>>
      %dma_wait3A_256 = arith.constant 0 : i32
      %dma_wait3A_257 = tpu.memref_slice %arg16[%add3A_64, %dma_wait3A_256] : memref<10112x72xf32, #tpu.memory_space<vmem_shared>> -> memref<120x72xf32, #tpu.memory_space<vmem_shared>>
      %dma_wait3A_258 = arith.constant 0 : i32
      %dma_wait3A_259 = tpu.memref_slice %arg16[%add3A_64, %dma_wait3A_258] : memref<10112x72xf32, #tpu.memory_space<vmem_shared>> -> memref<120x72xf32, #tpu.memory_space<vmem_shared>>
      %dma_wait3A_260 = arith.constant 0 : i32
      %dma_wait3A_261 = arith.constant 0 : i32
      %dma_wait3A_262 = tpu.memref_slice %arg15[%dma_wait3A_260, %dma_wait3A_261] : memref<128x72xf32, #tpu.memory_space<vmem>> -> memref<120x72xf32, #tpu.memory_space<vmem>>
      tpu.wait_dma2 semaphore(%run_scoped3A : memref<!tpu.dma_semaphore, #tpu.memory_space<semaphore_mem>>) src(%dma_wait3A_262 : memref<120x72xf32, #tpu.memory_space<vmem>>) dst(%dma_wait3A_259 : memref<120x72xf32, #tpu.memory_space<vmem_shared>>)
      tpu.yield
    }) : () -> ()
    %broadcast_in_dim3A_65 = arith.constant 0 : i32
    %broadcast_in_dim3A_66 = vector.broadcast %broadcast_in_dim3A_65 : i32 to vector<16xi32>
    %swap3A = arith.constant 80 : i32
    %swap3A_67 = arith.index_cast %swap3A : i32 to index
    %swap3A_68 = arith.constant 0 : index
    %swap3A_69 = tpu.vector_load %arg7[%swap3A_67, %swap3A_68] {strides = array<i32>} : memref<82x128xi32, #tpu.memory_space<vmem>>, vector<16xi32>,
    tpu.vector_store %arg7[%swap3A_67, %swap3A_68], %broadcast_in_dim3A_66 {strides = array<i32>} : memref<82x128xi32, #tpu.memory_space<vmem>>, vector<16xi32>,
    %swap3A_70 = arith.constant 80 : i32
    %swap3A_71 = arith.index_cast %swap3A_70 : i32 to index
    %swap3A_72 = arith.constant 0 : index
    %swap3A_73 = tpu.vector_load %arg8[%swap3A_71, %swap3A_72] {strides = array<i32>} : memref<82x128xi32, #tpu.memory_space<vmem>>, vector<16xi32>,
    tpu.vector_store %arg8[%swap3A_71, %swap3A_72], %broadcast_in_dim3A_66 {strides = array<i32>} : memref<82x128xi32, #tpu.memory_space<vmem>>, vector<16xi32>,
    %swap3A_74 = arith.constant 80 : i32
    %swap3A_75 = arith.index_cast %swap3A_74 : i32 to index
    %swap3A_76 = arith.constant 16 : index
    %swap3A_77 = tpu.vector_load %arg7[%swap3A_75, %swap3A_76] {strides = array<i32>} : memref<82x128xi32, #tpu.memory_space<vmem>>, vector<16xi32>,
    tpu.vector_store %arg7[%swap3A_75, %swap3A_76], %broadcast_in_dim3A_66 {strides = array<i32>} : memref<82x128xi32, #tpu.memory_space<vmem>>, vector<16xi32>,
    %swap3A_78 = arith.constant 80 : i32
    %swap3A_79 = arith.index_cast %swap3A_78 : i32 to index
    %swap3A_80 = arith.constant 16 : index
    %swap3A_81 = tpu.vector_load %arg8[%swap3A_79, %swap3A_80] {strides = array<i32>} : memref<82x128xi32, #tpu.memory_space<vmem>>, vector<16xi32>,
    tpu.vector_store %arg8[%swap3A_79, %swap3A_80], %broadcast_in_dim3A_66 {strides = array<i32>} : memref<82x128xi32, #tpu.memory_space<vmem>>, vector<16xi32>,
    %swap3A_82 = arith.constant 80 : i32
    %swap3A_83 = arith.index_cast %swap3A_82 : i32 to index
    %swap3A_84 = arith.constant 32 : index
    %swap3A_85 = tpu.vector_load %arg7[%swap3A_83, %swap3A_84] {strides = array<i32>} : memref<82x128xi32, #tpu.memory_space<vmem>>, vector<16xi32>,
    tpu.vector_store %arg7[%swap3A_83, %swap3A_84], %broadcast_in_dim3A_66 {strides = array<i32>} : memref<82x128xi32, #tpu.memory_space<vmem>>, vector<16xi32>,
    %swap3A_86 = arith.constant 80 : i32
    %swap3A_87 = arith.index_cast %swap3A_86 : i32 to index
    %swap3A_88 = arith.constant 32 : index
    %swap3A_89 = tpu.vector_load %arg8[%swap3A_87, %swap3A_88] {strides = array<i32>} : memref<82x128xi32, #tpu.memory_space<vmem>>, vector<16xi32>,
    tpu.vector_store %arg8[%swap3A_87, %swap3A_88], %broadcast_in_dim3A_66 {strides = array<i32>} : memref<82x128xi32, #tpu.memory_space<vmem>>, vector<16xi32>,
    %swap3A_90 = arith.constant 80 : i32
    %swap3A_91 = arith.index_cast %swap3A_90 : i32 to index
    %swap3A_92 = arith.constant 48 : index
    %swap3A_93 = tpu.vector_load %arg7[%swap3A_91, %swap3A_92] {strides = array<i32>} : memref<82x128xi32, #tpu.memory_space<vmem>>, vector<16xi32>,
    tpu.vector_store %arg7[%swap3A_91, %swap3A_92], %broadcast_in_dim3A_66 {strides = array<i32>} : memref<82x128xi32, #tpu.memory_space<vmem>>, vector<16xi32>,
    %swap3A_94 = arith.constant 80 : i32
    %swap3A_95 = arith.index_cast %swap3A_94 : i32 to index
    %swap3A_96 = arith.constant 48 : index
    %swap3A_97 = tpu.vector_load %arg8[%swap3A_95, %swap3A_96] {strides = array<i32>} : memref<82x128xi32, #tpu.memory_space<vmem>>, vector<16xi32>,
    tpu.vector_store %arg8[%swap3A_95, %swap3A_96], %broadcast_in_dim3A_66 {strides = array<i32>} : memref<82x128xi32, #tpu.memory_space<vmem>>, vector<16xi32>,
    %swap3A_98 = arith.constant 80 : i32
    %swap3A_99 = arith.index_cast %swap3A_98 : i32 to index
    %swap3A_100 = arith.constant 64 : index
    %swap3A_101 = tpu.vector_load %arg7[%swap3A_99, %swap3A_100] {strides = array<i32>} : memref<82x128xi32, #tpu.memory_space<vmem>>, vector<16xi32>,
    tpu.vector_store %arg7[%swap3A_99, %swap3A_100], %broadcast_in_dim3A_66 {strides = array<i32>} : memref<82x128xi32, #tpu.memory_space<vmem>>, vector<16xi32>,
    %swap3A_102 = arith.constant 80 : i32
    %swap3A_103 = arith.index_cast %swap3A_102 : i32 to index
    %swap3A_104 = arith.constant 64 : index
    %swap3A_105 = tpu.vector_load %arg8[%swap3A_103, %swap3A_104] {strides = array<i32>} : memref<82x128xi32, #tpu.memory_space<vmem>>, vector<16xi32>,
    tpu.vector_store %arg8[%swap3A_103, %swap3A_104], %broadcast_in_dim3A_66 {strides = array<i32>} : memref<82x128xi32, #tpu.memory_space<vmem>>, vector<16xi32>,
    %swap3A_106 = arith.constant 80 : i32
    %swap3A_107 = arith.index_cast %swap3A_106 : i32 to index
    %swap3A_108 = arith.constant 80 : index
    %swap3A_109 = tpu.vector_load %arg7[%swap3A_107, %swap3A_108] {strides = array<i32>} : memref<82x128xi32, #tpu.memory_space<vmem>>, vector<16xi32>,
    tpu.vector_store %arg7[%swap3A_107, %swap3A_108], %broadcast_in_dim3A_66 {strides = array<i32>} : memref<82x128xi32, #tpu.memory_space<vmem>>, vector<16xi32>,
    %swap3A_110 = arith.constant 80 : i32
    %swap3A_111 = arith.index_cast %swap3A_110 : i32 to index
    %swap3A_112 = arith.constant 80 : index
    %swap3A_113 = tpu.vector_load %arg8[%swap3A_111, %swap3A_112] {strides = array<i32>} : memref<82x128xi32, #tpu.memory_space<vmem>>, vector<16xi32>,
    tpu.vector_store %arg8[%swap3A_111, %swap3A_112], %broadcast_in_dim3A_66 {strides = array<i32>} : memref<82x128xi32, #tpu.memory_space<vmem>>, vector<16xi32>,
    %swap3A_114 = arith.constant 80 : i32
    %swap3A_115 = arith.index_cast %swap3A_114 : i32 to index
    %swap3A_116 = arith.constant 96 : index
    %swap3A_117 = tpu.vector_load %arg7[%swap3A_115, %swap3A_116] {strides = array<i32>} : memref<82x128xi32, #tpu.memory_space<vmem>>, vector<16xi32>,
    tpu.vector_store %arg7[%swap3A_115, %swap3A_116], %broadcast_in_dim3A_66 {strides = array<i32>} : memref<82x128xi32, #tpu.memory_space<vmem>>, vector<16xi32>,
    %swap3A_118 = arith.constant 80 : i32
    %swap3A_119 = arith.index_cast %swap3A_118 : i32 to index
    %swap3A_120 = arith.constant 96 : index
    %swap3A_121 = tpu.vector_load %arg8[%swap3A_119, %swap3A_120] {strides = array<i32>} : memref<82x128xi32, #tpu.memory_space<vmem>>, vector<16xi32>,
    tpu.vector_store %arg8[%swap3A_119, %swap3A_120], %broadcast_in_dim3A_66 {strides = array<i32>} : memref<82x128xi32, #tpu.memory_space<vmem>>, vector<16xi32>,
    %swap3A_122 = arith.constant 80 : i32
    %swap3A_123 = arith.index_cast %swap3A_122 : i32 to index
    %swap3A_124 = arith.constant 112 : index
    %swap3A_125 = tpu.vector_load %arg7[%swap3A_123, %swap3A_124] {strides = array<i32>} : memref<82x128xi32, #tpu.memory_space<vmem>>, vector<16xi32>,
    tpu.vector_store %arg7[%swap3A_123, %swap3A_124], %broadcast_in_dim3A_66 {strides = array<i32>} : memref<82x128xi32, #tpu.memory_space<vmem>>, vector<16xi32>,
    %swap3A_126 = arith.constant 80 : i32
    %swap3A_127 = arith.index_cast %swap3A_126 : i32 to index
    %swap3A_128 = arith.constant 112 : index
    %swap3A_129 = tpu.vector_load %arg8[%swap3A_127, %swap3A_128] {strides = array<i32>} : memref<82x128xi32, #tpu.memory_space<vmem>>, vector<16xi32>,
    tpu.vector_store %arg8[%swap3A_127, %swap3A_128], %broadcast_in_dim3A_66 {strides = array<i32>} : memref<82x128xi32, #tpu.memory_space<vmem>>, vector<16xi32>,
    %swap3A_130 = arith.constant 81 : i32
    %swap3A_131 = arith.index_cast %swap3A_130 : i32 to index
    %swap3A_132 = arith.constant 0 : index
    %swap3A_133 = tpu.vector_load %arg7[%swap3A_131, %swap3A_132] {strides = array<i32>} : memref<82x128xi32, #tpu.memory_space<vmem>>, vector<16xi32>,
    tpu.vector_store %arg7[%swap3A_131, %swap3A_132], %broadcast_in_dim3A_66 {strides = array<i32>} : memref<82x128xi32, #tpu.memory_space<vmem>>, vector<16xi32>,
    %swap3A_134 = arith.constant 81 : i32
    %swap3A_135 = arith.index_cast %swap3A_134 : i32 to index
    %swap3A_136 = arith.constant 0 : index
    %swap3A_137 = tpu.vector_load %arg8[%swap3A_135, %swap3A_136] {strides = array<i32>} : memref<82x128xi32, #tpu.memory_space<vmem>>, vector<16xi32>,
    tpu.vector_store %arg8[%swap3A_135, %swap3A_136], %broadcast_in_dim3A_66 {strides = array<i32>} : memref<82x128xi32, #tpu.memory_space<vmem>>, vector<16xi32>,
    %swap3A_138 = arith.constant 81 : i32
    %swap3A_139 = arith.index_cast %swap3A_138 : i32 to index
    %swap3A_140 = arith.constant 16 : index
    %swap3A_141 = tpu.vector_load %arg7[%swap3A_139, %swap3A_140] {strides = array<i32>} : memref<82x128xi32, #tpu.memory_space<vmem>>, vector<16xi32>,
    tpu.vector_store %arg7[%swap3A_139, %swap3A_140], %broadcast_in_dim3A_66 {strides = array<i32>} : memref<82x128xi32, #tpu.memory_space<vmem>>, vector<16xi32>,
    %swap3A_142 = arith.constant 81 : i32
    %swap3A_143 = arith.index_cast %swap3A_142 : i32 to index
    %swap3A_144 = arith.constant 16 : index
    %swap3A_145 = tpu.vector_load %arg8[%swap3A_143, %swap3A_144] {strides = array<i32>} : memref<82x128xi32, #tpu.memory_space<vmem>>, vector<16xi32>,
    tpu.vector_store %arg8[%swap3A_143, %swap3A_144], %broadcast_in_dim3A_66 {strides = array<i32>} : memref<82x128xi32, #tpu.memory_space<vmem>>, vector<16xi32>,
    %swap3A_146 = arith.constant 81 : i32
    %swap3A_147 = arith.index_cast %swap3A_146 : i32 to index
    %swap3A_148 = arith.constant 32 : index
    %swap3A_149 = tpu.vector_load %arg7[%swap3A_147, %swap3A_148] {strides = array<i32>} : memref<82x128xi32, #tpu.memory_space<vmem>>, vector<16xi32>,
    tpu.vector_store %arg7[%swap3A_147, %swap3A_148], %broadcast_in_dim3A_66 {strides = array<i32>} : memref<82x128xi32, #tpu.memory_space<vmem>>, vector<16xi32>,
    %swap3A_150 = arith.constant 81 : i32
    %swap3A_151 = arith.index_cast %swap3A_150 : i32 to index
    %swap3A_152 = arith.constant 32 : index
    %swap3A_153 = tpu.vector_load %arg8[%swap3A_151, %swap3A_152] {strides = array<i32>} : memref<82x128xi32, #tpu.memory_space<vmem>>, vector<16xi32>,
    tpu.vector_store %arg8[%swap3A_151, %swap3A_152], %broadcast_in_dim3A_66 {strides = array<i32>} : memref<82x128xi32, #tpu.memory_space<vmem>>, vector<16xi32>,
    %swap3A_154 = arith.constant 81 : i32
    %swap3A_155 = arith.index_cast %swap3A_154 : i32 to index
    %swap3A_156 = arith.constant 48 : index
    %swap3A_157 = tpu.vector_load %arg7[%swap3A_155, %swap3A_156] {strides = array<i32>} : memref<82x128xi32, #tpu.memory_space<vmem>>, vector<16xi32>,
    tpu.vector_store %arg7[%swap3A_155, %swap3A_156], %broadcast_in_dim3A_66 {strides = array<i32>} : memref<82x128xi32, #tpu.memory_space<vmem>>, vector<16xi32>,
    %swap3A_158 = arith.constant 81 : i32
    %swap3A_159 = arith.index_cast %swap3A_158 : i32 to index
    %swap3A_160 = arith.constant 48 : index
    %swap3A_161 = tpu.vector_load %arg8[%swap3A_159, %swap3A_160] {strides = array<i32>} : memref<82x128xi32, #tpu.memory_space<vmem>>, vector<16xi32>,
    tpu.vector_store %arg8[%swap3A_159, %swap3A_160], %broadcast_in_dim3A_66 {strides = array<i32>} : memref<82x128xi32, #tpu.memory_space<vmem>>, vector<16xi32>,
    %swap3A_162 = arith.constant 81 : i32
    %swap3A_163 = arith.index_cast %swap3A_162 : i32 to index
    %swap3A_164 = arith.constant 64 : index
    %swap3A_165 = tpu.vector_load %arg7[%swap3A_163, %swap3A_164] {strides = array<i32>} : memref<82x128xi32, #tpu.memory_space<vmem>>, vector<16xi32>,
    tpu.vector_store %arg7[%swap3A_163, %swap3A_164], %broadcast_in_dim3A_66 {strides = array<i32>} : memref<82x128xi32, #tpu.memory_space<vmem>>, vector<16xi32>,
    %swap3A_166 = arith.constant 81 : i32
    %swap3A_167 = arith.index_cast %swap3A_166 : i32 to index
    %swap3A_168 = arith.constant 64 : index
    %swap3A_169 = tpu.vector_load %arg8[%swap3A_167, %swap3A_168] {strides = array<i32>} : memref<82x128xi32, #tpu.memory_space<vmem>>, vector<16xi32>,
    tpu.vector_store %arg8[%swap3A_167, %swap3A_168], %broadcast_in_dim3A_66 {strides = array<i32>} : memref<82x128xi32, #tpu.memory_space<vmem>>, vector<16xi32>,
    %swap3A_170 = arith.constant 81 : i32
    %swap3A_171 = arith.index_cast %swap3A_170 : i32 to index
    %swap3A_172 = arith.constant 80 : index
    %swap3A_173 = tpu.vector_load %arg7[%swap3A_171, %swap3A_172] {strides = array<i32>} : memref<82x128xi32, #tpu.memory_space<vmem>>, vector<16xi32>,
    tpu.vector_store %arg7[%swap3A_171, %swap3A_172], %broadcast_in_dim3A_66 {strides = array<i32>} : memref<82x128xi32, #tpu.memory_space<vmem>>, vector<16xi32>,
    %swap3A_174 = arith.constant 81 : i32
    %swap3A_175 = arith.index_cast %swap3A_174 : i32 to index
    %swap3A_176 = arith.constant 80 : index
    %swap3A_177 = tpu.vector_load %arg8[%swap3A_175, %swap3A_176] {strides = array<i32>} : memref<82x128xi32, #tpu.memory_space<vmem>>, vector<16xi32>,
    tpu.vector_store %arg8[%swap3A_175, %swap3A_176], %broadcast_in_dim3A_66 {strides = array<i32>} : memref<82x128xi32, #tpu.memory_space<vmem>>, vector<16xi32>,
    %swap3A_178 = arith.constant 81 : i32
    %swap3A_179 = arith.index_cast %swap3A_178 : i32 to index
    %swap3A_180 = arith.constant 96 : index
    %swap3A_181 = tpu.vector_load %arg7[%swap3A_179, %swap3A_180] {strides = array<i32>} : memref<82x128xi32, #tpu.memory_space<vmem>>, vector<16xi32>,
    tpu.vector_store %arg7[%swap3A_179, %swap3A_180], %broadcast_in_dim3A_66 {strides = array<i32>} : memref<82x128xi32, #tpu.memory_space<vmem>>, vector<16xi32>,
    %swap3A_182 = arith.constant 81 : i32
    %swap3A_183 = arith.index_cast %swap3A_182 : i32 to index
    %swap3A_184 = arith.constant 96 : index
    %swap3A_185 = tpu.vector_load %arg8[%swap3A_183, %swap3A_184] {strides = array<i32>} : memref<82x128xi32, #tpu.memory_space<vmem>>, vector<16xi32>,
    tpu.vector_store %arg8[%swap3A_183, %swap3A_184], %broadcast_in_dim3A_66 {strides = array<i32>} : memref<82x128xi32, #tpu.memory_space<vmem>>, vector<16xi32>,
    %swap3A_186 = arith.constant 81 : i32
    %swap3A_187 = arith.index_cast %swap3A_186 : i32 to index
    %swap3A_188 = arith.constant 112 : index
    %swap3A_189 = tpu.vector_load %arg7[%swap3A_187, %swap3A_188] {strides = array<i32>} : memref<82x128xi32, #tpu.memory_space<vmem>>, vector<16xi32>,
    tpu.vector_store %arg7[%swap3A_187, %swap3A_188], %broadcast_in_dim3A_66 {strides = array<i32>} : memref<82x128xi32, #tpu.memory_space<vmem>>, vector<16xi32>,
    %swap3A_190 = arith.constant 81 : i32
    %swap3A_191 = arith.index_cast %swap3A_190 : i32 to index
    %swap3A_192 = arith.constant 112 : index
    %swap3A_193 = tpu.vector_load %arg8[%swap3A_191, %swap3A_192] {strides = array<i32>} : memref<82x128xi32, #tpu.memory_space<vmem>>, vector<16xi32>,
    tpu.vector_store %arg8[%swap3A_191, %swap3A_192], %broadcast_in_dim3A_66 {strides = array<i32>} : memref<82x128xi32, #tpu.memory_space<vmem>>, vector<16xi32>,
    %barrier3A = arith.constant 0 : index
    tpu.barrier barrier_id(%barrier3A)
    "tpu.region"() ({
      %run_scoped3A = tpu.sem_alloc : memref<!tpu.dma_semaphore, #tpu.memory_space<semaphore_mem>>
      %dma_start3A_243 = arith.constant 0 : i32
      %dma_start3A_244 = arith.constant 0 : i32
      %dma_start3A_245 = tpu.memref_slice %arg7[%dma_start3A_243, %dma_start3A_244] : memref<82x128xi32, #tpu.memory_space<vmem>> -> memref<80x128xi32, #tpu.memory_space<vmem>>
      %dma_start3A_246 = arith.constant 0 : i32
      %dma_start3A_247 = arith.constant 0 : i32
      %dma_start3A_248 = tpu.memref_slice %arg2[%add3A_44, %dma_start3A_246, %dma_start3A_247] : memref<32x80x128xi32, #tpu.memory_space<hbm>> -> memref<1x80x128xi32, #tpu.memory_space<hbm>>
      %dma_start3A_249 = tpu.memref_squeeze %dma_start3A_248 : memref<1x80x128xi32, #tpu.memory_space<hbm>> -> memref<80x128xi32, #tpu.memory_space<hbm>>
      %dma_start3A_250 = arith.constant 0 : i32
      %dma_start3A_251 = arith.constant 0 : i32
      %dma_start3A_252 = tpu.memref_slice %arg7[%dma_start3A_250, %dma_start3A_251] : memref<82x128xi32, #tpu.memory_space<vmem>> -> memref<80x128xi32, #tpu.memory_space<vmem>>
      %dma_start3A_253 = arith.constant 0 : i32
      %dma_start3A_254 = arith.constant 0 : i32
      %dma_start3A_255 = tpu.memref_slice %arg2[%add3A_44, %dma_start3A_253, %dma_start3A_254] : memref<32x80x128xi32, #tpu.memory_space<hbm>> -> memref<1x80x128xi32, #tpu.memory_space<hbm>>
      %dma_start3A_256 = tpu.memref_squeeze %dma_start3A_255 : memref<1x80x128xi32, #tpu.memory_space<hbm>> -> memref<80x128xi32, #tpu.memory_space<hbm>>
      tpu.enqueue_dma source(%dma_start3A_256 : memref<80x128xi32, #tpu.memory_space<hbm>>) target(%dma_start3A_252 : memref<80x128xi32, #tpu.memory_space<vmem>>) target_semaphore(%run_scoped3A : memref<!tpu.dma_semaphore, #tpu.memory_space<semaphore_mem>>)
      %dma_wait3A_257 = arith.constant 0 : i32
      %dma_wait3A_258 = arith.constant 0 : i32
      %dma_wait3A_259 = tpu.memref_slice %arg7[%dma_wait3A_257, %dma_wait3A_258] : memref<82x128xi32, #tpu.memory_space<vmem>> -> memref<80x128xi32, #tpu.memory_space<vmem>>
      %dma_wait3A_260 = arith.constant 0 : i32
      %dma_wait3A_261 = arith.constant 0 : i32
      %dma_wait3A_262 = tpu.memref_slice %arg2[%add3A_44, %dma_wait3A_260, %dma_wait3A_261] : memref<32x80x128xi32, #tpu.memory_space<hbm>> -> memref<1x80x128xi32, #tpu.memory_space<hbm>>
      %dma_wait3A_263 = tpu.memref_squeeze %dma_wait3A_262 : memref<1x80x128xi32, #tpu.memory_space<hbm>> -> memref<80x128xi32, #tpu.memory_space<hbm>>
      %dma_wait3A_264 = arith.constant 0 : i32
      %dma_wait3A_265 = arith.constant 0 : i32
      %dma_wait3A_266 = tpu.memref_slice %arg7[%dma_wait3A_264, %dma_wait3A_265] : memref<82x128xi32, #tpu.memory_space<vmem>> -> memref<80x128xi32, #tpu.memory_space<vmem>>
      %dma_wait3A_267 = arith.constant 0 : i32
      %dma_wait3A_268 = arith.constant 0 : i32
      %dma_wait3A_269 = tpu.memref_slice %arg2[%add3A_44, %dma_wait3A_267, %dma_wait3A_268] : memref<32x80x128xi32, #tpu.memory_space<hbm>> -> memref<1x80x128xi32, #tpu.memory_space<hbm>>
      %dma_wait3A_270 = tpu.memref_squeeze %dma_wait3A_269 : memref<1x80x128xi32, #tpu.memory_space<hbm>> -> memref<80x128xi32, #tpu.memory_space<hbm>>
      tpu.wait_dma2 semaphore(%run_scoped3A : memref<!tpu.dma_semaphore, #tpu.memory_space<semaphore_mem>>) src(%dma_wait3A_270 : memref<80x128xi32, #tpu.memory_space<hbm>>) dst(%dma_wait3A_266 : memref<80x128xi32, #tpu.memory_space<vmem>>)
      tpu.yield
    }) : () -> ()
    "tpu.region"() ({
      %run_scoped3A = tpu.sem_alloc : memref<!tpu.dma_semaphore, #tpu.memory_space<semaphore_mem>>
      %dma_start3A_243 = arith.constant 0 : i32
      %dma_start3A_244 = arith.constant 0 : i32
      %dma_start3A_245 = tpu.memref_slice %arg8[%dma_start3A_243, %dma_start3A_244] : memref<82x128xi32, #tpu.memory_space<vmem>> -> memref<80x128xi32, #tpu.memory_space<vmem>>
      %dma_start3A_246 = arith.constant 0 : i32
      %dma_start3A_247 = arith.constant 0 : i32
      %dma_start3A_248 = tpu.memref_slice %arg3[%add3A_44, %dma_start3A_246, %dma_start3A_247] : memref<32x80x128xi32, #tpu.memory_space<hbm>> -> memref<1x80x128xi32, #tpu.memory_space<hbm>>
      %dma_start3A_249 = tpu.memref_squeeze %dma_start3A_248 : memref<1x80x128xi32, #tpu.memory_space<hbm>> -> memref<80x128xi32, #tpu.memory_space<hbm>>
      %dma_start3A_250 = arith.constant 0 : i32
      %dma_start3A_251 = arith.constant 0 : i32
      %dma_start3A_252 = tpu.memref_slice %arg8[%dma_start3A_250, %dma_start3A_251] : memref<82x128xi32, #tpu.memory_space<vmem>> -> memref<80x128xi32, #tpu.memory_space<vmem>>
      %dma_start3A_253 = arith.constant 0 : i32
      %dma_start3A_254 = arith.constant 0 : i32
      %dma_start3A_255 = tpu.memref_slice %arg3[%add3A_44, %dma_start3A_253, %dma_start3A_254] : memref<32x80x128xi32, #tpu.memory_space<hbm>> -> memref<1x80x128xi32, #tpu.memory_space<hbm>>
      %dma_start3A_256 = tpu.memref_squeeze %dma_start3A_255 : memref<1x80x128xi32, #tpu.memory_space<hbm>> -> memref<80x128xi32, #tpu.memory_space<hbm>>
      tpu.enqueue_dma source(%dma_start3A_256 : memref<80x128xi32, #tpu.memory_space<hbm>>) target(%dma_start3A_252 : memref<80x128xi32, #tpu.memory_space<vmem>>) target_semaphore(%run_scoped3A : memref<!tpu.dma_semaphore, #tpu.memory_space<semaphore_mem>>)
      %dma_wait3A_257 = arith.constant 0 : i32
      %dma_wait3A_258 = arith.constant 0 : i32
      %dma_wait3A_259 = tpu.memref_slice %arg8[%dma_wait3A_257, %dma_wait3A_258] : memref<82x128xi32, #tpu.memory_space<vmem>> -> memref<80x128xi32, #tpu.memory_space<vmem>>
      %dma_wait3A_260 = arith.constant 0 : i32
      %dma_wait3A_261 = arith.constant 0 : i32
      %dma_wait3A_262 = tpu.memref_slice %arg3[%add3A_44, %dma_wait3A_260, %dma_wait3A_261] : memref<32x80x128xi32, #tpu.memory_space<hbm>> -> memref<1x80x128xi32, #tpu.memory_space<hbm>>
      %dma_wait3A_263 = tpu.memref_squeeze %dma_wait3A_262 : memref<1x80x128xi32, #tpu.memory_space<hbm>> -> memref<80x128xi32, #tpu.memory_space<hbm>>
      %dma_wait3A_264 = arith.constant 0 : i32
      %dma_wait3A_265 = arith.constant 0 : i32
      %dma_wait3A_266 = tpu.memref_slice %arg8[%dma_wait3A_264, %dma_wait3A_265] : memref<82x128xi32, #tpu.memory_space<vmem>> -> memref<80x128xi32, #tpu.memory_space<vmem>>
      %dma_wait3A_267 = arith.constant 0 : i32
      %dma_wait3A_268 = arith.constant 0 : i32
      %dma_wait3A_269 = tpu.memref_slice %arg3[%add3A_44, %dma_wait3A_267, %dma_wait3A_268] : memref<32x80x128xi32, #tpu.memory_space<hbm>> -> memref<1x80x128xi32, #tpu.memory_space<hbm>>
      %dma_wait3A_270 = tpu.memref_squeeze %dma_wait3A_269 : memref<1x80x128xi32, #tpu.memory_space<hbm>> -> memref<80x128xi32, #tpu.memory_space<hbm>>
      tpu.wait_dma2 semaphore(%run_scoped3A : memref<!tpu.dma_semaphore, #tpu.memory_space<semaphore_mem>>) src(%dma_wait3A_270 : memref<80x128xi32, #tpu.memory_space<hbm>>) dst(%dma_wait3A_266 : memref<80x128xi32, #tpu.memory_space<vmem>>)
      tpu.yield
    }) : () -> ()
    %dma_start3A = arith.constant 0 : i32
    %dma_start3A_194 = arith.constant 0 : i32
    %dma_start3A_195 = tpu.memref_slice %arg7[%dma_start3A, %dma_start3A_194] : memref<82x128xi32, #tpu.memory_space<vmem>> -> memref<1x128xi32, #tpu.memory_space<vmem>>
    %dma_start3A_196 = tpu.memref_squeeze %dma_start3A_195 : memref<1x128xi32, #tpu.memory_space<vmem>> -> memref<128xi32, #tpu.memory_space<vmem>>
    %dma_start3A_197 = arith.constant 0 : i32
    %dma_start3A_198 = arith.constant 0 : i32
    %dma_start3A_199 = tpu.memref_slice %arg4[%dma_start3A_197, %dma_start3A_198] : memref<10016x64xbf16, #tpu.memory_space<hbm>> -> memref<10016x64xbf16, #tpu.memory_space<hbm>>
    tpu.enqueue_indirect_dma source(%dma_start3A_199 : memref<10016x64xbf16, #tpu.memory_space<hbm>>) target(%arg9 : memref<128x64xbf16, #tpu.memory_space<vmem>>) offsets(%dma_start3A_196 : memref<128xi32, #tpu.memory_space<vmem>>) semaphore(%arg17 : memref<!tpu.dma_semaphore, #tpu.memory_space<semaphore_mem>>)
    %dma_start3A_200 = arith.constant 0 : i32
    %dma_start3A_201 = arith.constant 0 : i32
    %dma_start3A_202 = tpu.memref_slice %arg7[%dma_start3A_200, %dma_start3A_201] : memref<82x128xi32, #tpu.memory_space<vmem>> -> memref<1x128xi32, #tpu.memory_space<vmem>>
    %dma_start3A_203 = tpu.memref_squeeze %dma_start3A_202 : memref<1x128xi32, #tpu.memory_space<vmem>> -> memref<128xi32, #tpu.memory_space<vmem>>
    %dma_start3A_204 = arith.constant 0 : i32
    %dma_start3A_205 = arith.constant 0 : i32
    %dma_start3A_206 = tpu.memref_slice %arg5[%dma_start3A_204, %dma_start3A_205] : memref<10016x16xf32, #tpu.memory_space<hbm>> -> memref<10016x16xf32, #tpu.memory_space<hbm>>
    tpu.enqueue_indirect_dma source(%dma_start3A_206 : memref<10016x16xf32, #tpu.memory_space<hbm>>) target(%arg11 : memref<128x16xf32, #tpu.memory_space<vmem>>) offsets(%dma_start3A_203 : memref<128xi32, #tpu.memory_space<vmem>>) semaphore(%arg17 : memref<!tpu.dma_semaphore, #tpu.memory_space<semaphore_mem>>)
    %dma_start3A_207 = arith.constant 0 : i32
    %dma_start3A_208 = arith.constant 0 : i32
    %dma_start3A_209 = tpu.memref_slice %arg8[%dma_start3A_207, %dma_start3A_208] : memref<82x128xi32, #tpu.memory_space<vmem>> -> memref<1x128xi32, #tpu.memory_space<vmem>>
    %dma_start3A_210 = tpu.memref_squeeze %dma_start3A_209 : memref<1x128xi32, #tpu.memory_space<vmem>> -> memref<128xi32, #tpu.memory_space<vmem>>
    %dma_start3A_211 = arith.constant 0 : i32
    %dma_start3A_212 = arith.constant 0 : i32
    %dma_start3A_213 = tpu.memref_slice %arg5[%dma_start3A_211, %dma_start3A_212] : memref<10016x16xf32, #tpu.memory_space<hbm>> -> memref<10016x16xf32, #tpu.memory_space<hbm>>
    tpu.enqueue_indirect_dma source(%dma_start3A_213 : memref<10016x16xf32, #tpu.memory_space<hbm>>) target(%arg13 : memref<128x16xf32, #tpu.memory_space<vmem>>) offsets(%dma_start3A_210 : memref<128xi32, #tpu.memory_space<vmem>>) semaphore(%arg17 : memref<!tpu.dma_semaphore, #tpu.memory_space<semaphore_mem>>)
    %scan3A_214 = arith.constant 0 : i32
    %scan3A_215 = arith.constant 0 : i32
    %scan3A_216 = arith.constant 40 : i32
    %scan3A_217 = arith.addi %scan3A_215, %scan3A_216 : i32
    %scan3A_218 = arith.constant 1 : i32
    scf.for %scan3A_243 = %scan3A_215 to %scan3A_217 step %scan3A_218  : i32 {
      %mul3A_244 = arith.constant 2 : i32
      %mul3A_245 = arith.muli %mul3A_244, %scan3A_243 : i32
      %mul3A_246 = arith.constant 2 : i32
      %mul3A_247 = arith.muli %mul3A_246, %scan3A_243 : i32
      %add3A_248 = arith.constant 1 : i32
      %add3A_249 = arith.addi %mul3A_247, %add3A_248 : i32
      %dma_wait3A_250 = arith.constant 0 : i32
      %dma_wait3A_251 = tpu.memref_slice %arg7[%mul3A_245, %dma_wait3A_250] : memref<82x128xi32, #tpu.memory_space<vmem>> -> memref<1x128xi32, #tpu.memory_space<vmem>>
      %dma_wait3A_252 = tpu.memref_squeeze %dma_wait3A_251 : memref<1x128xi32, #tpu.memory_space<vmem>> -> memref<128xi32, #tpu.memory_space<vmem>>
      %dma_wait3A_253 = arith.constant 0 : i32
      %dma_wait3A_254 = arith.constant 0 : i32
      %dma_wait3A_255 = tpu.memref_slice %arg4[%dma_wait3A_253, %dma_wait3A_254] : memref<10016x64xbf16, #tpu.memory_space<hbm>> -> memref<10016x64xbf16, #tpu.memory_space<hbm>>
      tpu.wait_indirect_dma semaphore(%arg17 : memref<!tpu.dma_semaphore, #tpu.memory_space<semaphore_mem>>) src(%dma_wait3A_255 : memref<10016x64xbf16, #tpu.memory_space<hbm>>) dst(%arg9 : memref<128x64xbf16, #tpu.memory_space<vmem>>)
      %dma_wait3A_256 = arith.constant 0 : i32
      %dma_wait3A_257 = tpu.memref_slice %arg7[%mul3A_245, %dma_wait3A_256] : memref<82x128xi32, #tpu.memory_space<vmem>> -> memref<1x128xi32, #tpu.memory_space<vmem>>
      %dma_wait3A_258 = tpu.memref_squeeze %dma_wait3A_257 : memref<1x128xi32, #tpu.memory_space<vmem>> -> memref<128xi32, #tpu.memory_space<vmem>>
      %dma_wait3A_259 = arith.constant 0 : i32
      %dma_wait3A_260 = arith.constant 0 : i32
      %dma_wait3A_261 = tpu.memref_slice %arg5[%dma_wait3A_259, %dma_wait3A_260] : memref<10016x16xf32, #tpu.memory_space<hbm>> -> memref<10016x16xf32, #tpu.memory_space<hbm>>
      tpu.wait_indirect_dma semaphore(%arg17 : memref<!tpu.dma_semaphore, #tpu.memory_space<semaphore_mem>>) src(%dma_wait3A_261 : memref<10016x16xf32, #tpu.memory_space<hbm>>) dst(%arg11 : memref<128x16xf32, #tpu.memory_space<vmem>>)
      %dma_wait3A_262 = arith.constant 0 : i32
      %dma_wait3A_263 = tpu.memref_slice %arg8[%mul3A_245, %dma_wait3A_262] : memref<82x128xi32, #tpu.memory_space<vmem>> -> memref<1x128xi32, #tpu.memory_space<vmem>>
      %dma_wait3A_264 = tpu.memref_squeeze %dma_wait3A_263 : memref<1x128xi32, #tpu.memory_space<vmem>> -> memref<128xi32, #tpu.memory_space<vmem>>
      %dma_wait3A_265 = arith.constant 0 : i32
      %dma_wait3A_266 = arith.constant 0 : i32
      %dma_wait3A_267 = tpu.memref_slice %arg5[%dma_wait3A_265, %dma_wait3A_266] : memref<10016x16xf32, #tpu.memory_space<hbm>> -> memref<10016x16xf32, #tpu.memory_space<hbm>>
      tpu.wait_indirect_dma semaphore(%arg17 : memref<!tpu.dma_semaphore, #tpu.memory_space<semaphore_mem>>) src(%dma_wait3A_267 : memref<10016x16xf32, #tpu.memory_space<hbm>>) dst(%arg13 : memref<128x16xf32, #tpu.memory_space<vmem>>)
      %dma_start3A_268 = arith.constant 0 : i32
      %dma_start3A_269 = tpu.memref_slice %arg7[%add3A_249, %dma_start3A_268] : memref<82x128xi32, #tpu.memory_space<vmem>> -> memref<1x128xi32, #tpu.memory_space<vmem>>
      %dma_start3A_270 = tpu.memref_squeeze %dma_start3A_269 : memref<1x128xi32, #tpu.memory_space<vmem>> -> memref<128xi32, #tpu.memory_space<vmem>>
      %dma_start3A_271 = arith.constant 0 : i32
      %dma_start3A_272 = arith.constant 0 : i32
      %dma_start3A_273 = tpu.memref_slice %arg4[%dma_start3A_271, %dma_start3A_272] : memref<10016x64xbf16, #tpu.memory_space<hbm>> -> memref<10016x64xbf16, #tpu.memory_space<hbm>>
      tpu.enqueue_indirect_dma source(%dma_start3A_273 : memref<10016x64xbf16, #tpu.memory_space<hbm>>) target(%arg10 : memref<128x64xbf16, #tpu.memory_space<vmem>>) offsets(%dma_start3A_270 : memref<128xi32, #tpu.memory_space<vmem>>) semaphore(%arg18 : memref<!tpu.dma_semaphore, #tpu.memory_space<semaphore_mem>>)
      %dma_start3A_274 = arith.constant 0 : i32
      %dma_start3A_275 = tpu.memref_slice %arg7[%add3A_249, %dma_start3A_274] : memref<82x128xi32, #tpu.memory_space<vmem>> -> memref<1x128xi32, #tpu.memory_space<vmem>>
      %dma_start3A_276 = tpu.memref_squeeze %dma_start3A_275 : memref<1x128xi32, #tpu.memory_space<vmem>> -> memref<128xi32, #tpu.memory_space<vmem>>
      %dma_start3A_277 = arith.constant 0 : i32
      %dma_start3A_278 = arith.constant 0 : i32
      %dma_start3A_279 = tpu.memref_slice %arg5[%dma_start3A_277, %dma_start3A_278] : memref<10016x16xf32, #tpu.memory_space<hbm>> -> memref<10016x16xf32, #tpu.memory_space<hbm>>
      tpu.enqueue_indirect_dma source(%dma_start3A_279 : memref<10016x16xf32, #tpu.memory_space<hbm>>) target(%arg12 : memref<128x16xf32, #tpu.memory_space<vmem>>) offsets(%dma_start3A_276 : memref<128xi32, #tpu.memory_space<vmem>>) semaphore(%arg18 : memref<!tpu.dma_semaphore, #tpu.memory_space<semaphore_mem>>)
      %dma_start3A_280 = arith.constant 0 : i32
      %dma_start3A_281 = tpu.memref_slice %arg8[%add3A_249, %dma_start3A_280] : memref<82x128xi32, #tpu.memory_space<vmem>> -> memref<1x128xi32, #tpu.memory_space<vmem>>
      %dma_start3A_282 = tpu.memref_squeeze %dma_start3A_281 : memref<1x128xi32, #tpu.memory_space<vmem>> -> memref<128xi32, #tpu.memory_space<vmem>>
      %dma_start3A_283 = arith.constant 0 : i32
      %dma_start3A_284 = arith.constant 0 : i32
      %dma_start3A_285 = tpu.memref_slice %arg5[%dma_start3A_283, %dma_start3A_284] : memref<10016x16xf32, #tpu.memory_space<hbm>> -> memref<10016x16xf32, #tpu.memory_space<hbm>>
      tpu.enqueue_indirect_dma source(%dma_start3A_285 : memref<10016x16xf32, #tpu.memory_space<hbm>>) target(%arg14 : memref<128x16xf32, #tpu.memory_space<vmem>>) offsets(%dma_start3A_282 : memref<128xi32, #tpu.memory_space<vmem>>) semaphore(%arg18 : memref<!tpu.dma_semaphore, #tpu.memory_space<semaphore_mem>>)
      %add3A_286 = arith.constant 64 : i32
      %add3A_287 = vector.broadcast %add3A_286 : i32 to vector<16xi32>
      %add3A_288 = arith.addi %add3A_287, %and3A_5 : vector<16xi32>
      %mul3A_289 = arith.constant 2 : i32
      %mul3A_290 = vector.broadcast %mul3A_289 : i32 to vector<16xi32>
      %mul3A_291 = arith.muli %mul3A_290, %iota3A : vector<16xi32>
      %scan3A_292 = arith.constant 0 : i32
      %scan3A_293 = arith.constant 0 : i32
      %scan3A_294 = arith.constant 64 : i32
      %scan3A_295 = arith.addi %scan3A_293, %scan3A_294 : i32
      %scan3A_296 = arith.constant 1 : i32
      scf.for %scan3A_348 = %scan3A_293 to %scan3A_295 step %scan3A_296  : i32 {
        %mul3A_349 = arith.constant 2 : i32
        %mul3A_350 = arith.muli %mul3A_349, %scan3A_348 : i32
        %add3A_351 = vector.broadcast %mul3A_350 : i32 to vector<16xi32>
        %add3A_352 = arith.addi %add3A_351, %select_n3A : vector<16xi32>
        %gather3A = tpu.vector_load_idx %arg11[%add3A_352, %and3A_5] : memref<128x16xf32, #tpu.memory_space<vmem>>[vector<16xi32>, vector<16xi32>], vector<16xf32>,
        %add3A_353 = arith.constant 8 : i32
        %add3A_354 = vector.broadcast %add3A_353 : i32 to vector<16xi32>
        %add3A_355 = arith.addi %add3A_354, %and3A_5 : vector<16xi32>
        %gather3A_356 = tpu.vector_load_idx %arg13[%add3A_352, %add3A_355] : memref<128x16xf32, #tpu.memory_space<vmem>>[vector<16xi32>, vector<16xi32>], vector<16xf32>,
        %add3A_357 = arith.addf %gather3A, %gather3A_356 : vector<16xf32>
        %mul3A_358 = arith.constant 2.000000e-01 : f32
        %mul3A_359 = vector.broadcast %mul3A_358 : f32 to vector<16xf32>
        %mul3A_360 = arith.mulf %mul3A_359, %add3A_357 : vector<16xf32>
        %max3A = arith.maximumf %add3A_357, %mul3A_360 : vector<16xf32>
        %exp3A = math.exp %max3A : vector<16xf32>
        tpu.vector_store_idx %arg15[%add3A_352, %add3A_288], %exp3A : memref<128x72xf32, #tpu.memory_space<vmem>>[vector<16xi32>, vector<16xi32>], vector<16xf32>,
        %mul3A_361 = arith.constant 2 : i32
        %mul3A_362 = arith.muli %mul3A_361, %scan3A_348 : i32
        %add3A_363 = arith.constant 0 : i32
        %add3A_364 = arith.addi %mul3A_362, %add3A_363 : i32
        %broadcast_in_dim3A_365 = arith.constant 0 : i32
        %broadcast_in_dim3A_366 = vector.broadcast %broadcast_in_dim3A_365 : i32 to vector<16xi32>
        %add3A_367 = vector.broadcast %add3A_364 : i32 to vector<16xi32>
        %add3A_368 = arith.addi %broadcast_in_dim3A_366, %add3A_367 : vector<16xi32>
        %get3A = arith.index_cast %add3A_364 : i32 to index
        %get3A_369 = arith.constant 0 : index
        %get3A_370 = tpu.vector_load %arg9[%get3A, %get3A_369] {strides = array<i32>} : memref<128x64xbf16, #tpu.memory_space<vmem>>, vector<32xbf16>,
        %unpack3A = tpu.unpack_subelements %get3A_370, 0 {pack_format = #tpu.pack_format<interleaved>} : vector<32xbf16> -> vector<16xf32>
        %unpack3A_371 = tpu.unpack_subelements %get3A_370, 1 {pack_format = #tpu.pack_format<interleaved>} : vector<32xbf16> -> vector<16xf32>
        %broadcast_in_dim3A_372 = vector.shape_cast %add3A_33 : vector<16xi32> to vector<16x1xi32>
        %gather3A_373 = vector.shape_cast %broadcast_in_dim3A_372 : vector<16x1xi32> to vector<16xi32>
        %gather3A_374 = tpu.dynamic_gather %exp3A[%gather3A_373] in [0] : vector<16xf32>, vector<16xi32> -> vector<16xf32>
        %add3A_375 = arith.constant 0 : i32
        %add3A_376 = vector.broadcast %add3A_375 : i32 to vector<16xi32>
        %add3A_377 = arith.addi %mul3A_291, %add3A_376 : vector<16xi32>
        %mul3A_378 = arith.mulf %unpack3A, %gather3A_374 : vector<16xf32>
        tpu.vector_store_idx %arg15[%add3A_368, %add3A_377], %mul3A_378 : memref<128x72xf32, #tpu.memory_space<vmem>>[vector<16xi32>, vector<16xi32>], vector<16xf32>,
        %add3A_379 = arith.constant 0 : i32
        %add3A_380 = vector.broadcast %add3A_379 : i32 to vector<16xi32>
        %add3A_381 = arith.addi %mul3A_291, %add3A_380 : vector<16xi32>
        %add3A_382 = arith.constant 1 : i32
        %add3A_383 = vector.broadcast %add3A_382 : i32 to vector<16xi32>
        %add3A_384 = arith.addi %add3A_381, %add3A_383 : vector<16xi32>
        %mul3A_385 = arith.mulf %unpack3A_371, %gather3A_374 : vector<16xf32>
        tpu.vector_store_idx %arg15[%add3A_368, %add3A_384], %mul3A_385 : memref<128x72xf32, #tpu.memory_space<vmem>>[vector<16xi32>, vector<16xi32>], vector<16xf32>,
        %get3A_386 = arith.index_cast %add3A_364 : i32 to index
        %get3A_387 = arith.constant 32 : index
        %get3A_388 = tpu.vector_load %arg9[%get3A_386, %get3A_387] {strides = array<i32>} : memref<128x64xbf16, #tpu.memory_space<vmem>>, vector<32xbf16>,
        %unpack3A_389 = tpu.unpack_subelements %get3A_388, 0 {pack_format = #tpu.pack_format<interleaved>} : vector<32xbf16> -> vector<16xf32>
        %unpack3A_390 = tpu.unpack_subelements %get3A_388, 1 {pack_format = #tpu.pack_format<interleaved>} : vector<32xbf16> -> vector<16xf32>
        %broadcast_in_dim3A_391 = vector.shape_cast %add3A_36 : vector<16xi32> to vector<16x1xi32>
        %gather3A_392 = vector.shape_cast %broadcast_in_dim3A_391 : vector<16x1xi32> to vector<16xi32>
        %gather3A_393 = tpu.dynamic_gather %exp3A[%gather3A_392] in [0] : vector<16xf32>, vector<16xi32> -> vector<16xf32>
        %add3A_394 = arith.constant 32 : i32
        %add3A_395 = vector.broadcast %add3A_394 : i32 to vector<16xi32>
        %add3A_396 = arith.addi %mul3A_291, %add3A_395 : vector<16xi32>
        %mul3A_397 = arith.mulf %unpack3A_389, %gather3A_393 : vector<16xf32>
        tpu.vector_store_idx %arg15[%add3A_368, %add3A_396], %mul3A_397 : memref<128x72xf32, #tpu.memory_space<vmem>>[vector<16xi32>, vector<16xi32>], vector<16xf32>,
        %add3A_398 = arith.constant 32 : i32
        %add3A_399 = vector.broadcast %add3A_398 : i32 to vector<16xi32>
        %add3A_400 = arith.addi %mul3A_291, %add3A_399 : vector<16xi32>
        %add3A_401 = arith.constant 1 : i32
        %add3A_402 = vector.broadcast %add3A_401 : i32 to vector<16xi32>
        %add3A_403 = arith.addi %add3A_400, %add3A_402 : vector<16xi32>
        %mul3A_404 = arith.mulf %unpack3A_390, %gather3A_393 : vector<16xf32>
        tpu.vector_store_idx %arg15[%add3A_368, %add3A_403], %mul3A_404 : memref<128x72xf32, #tpu.memory_space<vmem>>[vector<16xi32>, vector<16xi32>], vector<16xf32>,
        %mul3A_405 = arith.constant 2 : i32
        %mul3A_406 = arith.muli %mul3A_405, %scan3A_348 : i32
        %add3A_407 = arith.constant 1 : i32
        %add3A_408 = arith.addi %mul3A_406, %add3A_407 : i32
        %broadcast_in_dim3A_409 = arith.constant 0 : i32
        %broadcast_in_dim3A_410 = vector.broadcast %broadcast_in_dim3A_409 : i32 to vector<16xi32>
        %add3A_411 = vector.broadcast %add3A_408 : i32 to vector<16xi32>
        %add3A_412 = arith.addi %broadcast_in_dim3A_410, %add3A_411 : vector<16xi32>
        %get3A_413 = arith.index_cast %add3A_408 : i32 to index
        %get3A_414 = arith.constant 0 : index
        %get3A_415 = tpu.vector_load %arg9[%get3A_413, %get3A_414] {strides = array<i32>} : memref<128x64xbf16, #tpu.memory_space<vmem>>, vector<32xbf16>,
        %unpack3A_416 = tpu.unpack_subelements %get3A_415, 0 {pack_format = #tpu.pack_format<interleaved>} : vector<32xbf16> -> vector<16xf32>
        %unpack3A_417 = tpu.unpack_subelements %get3A_415, 1 {pack_format = #tpu.pack_format<interleaved>} : vector<32xbf16> -> vector<16xf32>
        %broadcast_in_dim3A_418 = vector.shape_cast %add3A_39 : vector<16xi32> to vector<16x1xi32>
        %gather3A_419 = vector.shape_cast %broadcast_in_dim3A_418 : vector<16x1xi32> to vector<16xi32>
        %gather3A_420 = tpu.dynamic_gather %exp3A[%gather3A_419] in [0] : vector<16xf32>, vector<16xi32> -> vector<16xf32>
        %add3A_421 = arith.constant 0 : i32
        %add3A_422 = vector.broadcast %add3A_421 : i32 to vector<16xi32>
        %add3A_423 = arith.addi %mul3A_291, %add3A_422 : vector<16xi32>
        %mul3A_424 = arith.mulf %unpack3A_416, %gather3A_420 : vector<16xf32>
        tpu.vector_store_idx %arg15[%add3A_412, %add3A_423], %mul3A_424 : memref<128x72xf32, #tpu.memory_space<vmem>>[vector<16xi32>, vector<16xi32>], vector<16xf32>,
        %add3A_425 = arith.constant 0 : i32
        %add3A_426 = vector.broadcast %add3A_425 : i32 to vector<16xi32>
        %add3A_427 = arith.addi %mul3A_291, %add3A_426 : vector<16xi32>
        %add3A_428 = arith.constant 1 : i32
        %add3A_429 = vector.broadcast %add3A_428 : i32 to vector<16xi32>
        %add3A_430 = arith.addi %add3A_427, %add3A_429 : vector<16xi32>
        %mul3A_431 = arith.mulf %unpack3A_417, %gather3A_420 : vector<16xf32>
        tpu.vector_store_idx %arg15[%add3A_412, %add3A_430], %mul3A_431 : memref<128x72xf32, #tpu.memory_space<vmem>>[vector<16xi32>, vector<16xi32>], vector<16xf32>,
        %get3A_432 = arith.index_cast %add3A_408 : i32 to index
        %get3A_433 = arith.constant 32 : index
        %get3A_434 = tpu.vector_load %arg9[%get3A_432, %get3A_433] {strides = array<i32>} : memref<128x64xbf16, #tpu.memory_space<vmem>>, vector<32xbf16>,
        %unpack3A_435 = tpu.unpack_subelements %get3A_434, 0 {pack_format = #tpu.pack_format<interleaved>} : vector<32xbf16> -> vector<16xf32>
        %unpack3A_436 = tpu.unpack_subelements %get3A_434, 1 {pack_format = #tpu.pack_format<interleaved>} : vector<32xbf16> -> vector<16xf32>
        %broadcast_in_dim3A_437 = vector.shape_cast %add3A_42 : vector<16xi32> to vector<16x1xi32>
        %gather3A_438 = vector.shape_cast %broadcast_in_dim3A_437 : vector<16x1xi32> to vector<16xi32>
        %gather3A_439 = tpu.dynamic_gather %exp3A[%gather3A_438] in [0] : vector<16xf32>, vector<16xi32> -> vector<16xf32>
        %add3A_440 = arith.constant 32 : i32
        %add3A_441 = vector.broadcast %add3A_440 : i32 to vector<16xi32>
        %add3A_442 = arith.addi %mul3A_291, %add3A_441 : vector<16xi32>
        %mul3A_443 = arith.mulf %unpack3A_435, %gather3A_439 : vector<16xf32>
        tpu.vector_store_idx %arg15[%add3A_412, %add3A_442], %mul3A_443 : memref<128x72xf32, #tpu.memory_space<vmem>>[vector<16xi32>, vector<16xi32>], vector<16xf32>,
        %add3A_444 = arith.constant 32 : i32
        %add3A_445 = vector.broadcast %add3A_444 : i32 to vector<16xi32>
        %add3A_446 = arith.addi %mul3A_291, %add3A_445 : vector<16xi32>
        %add3A_447 = arith.constant 1 : i32
        %add3A_448 = vector.broadcast %add3A_447 : i32 to vector<16xi32>
        %add3A_449 = arith.addi %add3A_446, %add3A_448 : vector<16xi32>
        %mul3A_450 = arith.mulf %unpack3A_436, %gather3A_439 : vector<16xf32>
        tpu.vector_store_idx %arg15[%add3A_412, %add3A_449], %mul3A_450 : memref<128x72xf32, #tpu.memory_space<vmem>>[vector<16xi32>, vector<16xi32>], vector<16xf32>,
      }
      %scan3A_297 = arith.constant 64 : i32
      "tpu.region"() ({
        %run_scoped3A = tpu.sem_alloc : memref<!tpu.dma_semaphore, #tpu.memory_space<semaphore_mem>>
        %dma_start3A_348 = arith.constant 0 : i32
        %dma_start3A_349 = tpu.memref_slice %arg8[%mul3A_245, %dma_start3A_348] : memref<82x128xi32, #tpu.memory_space<vmem>> -> memref<1x128xi32, #tpu.memory_space<vmem>>
        %dma_start3A_350 = tpu.memref_squeeze %dma_start3A_349 : memref<1x128xi32, #tpu.memory_space<vmem>> -> memref<128xi32, #tpu.memory_space<vmem>>
        %dma_start3A_351 = arith.constant 0 : i32
        %dma_start3A_352 = arith.constant 0 : i32
        %dma_start3A_353 = tpu.memref_slice %arg16[%dma_start3A_351, %dma_start3A_352] : memref<10112x72xf32, #tpu.memory_space<vmem_shared>> -> memref<10112x72xf32, #tpu.memory_space<vmem_shared>>
        tpu.enqueue_indirect_dma source(%arg15 : memref<128x72xf32, #tpu.memory_space<vmem>>) target(%dma_start3A_353 : memref<10112x72xf32, #tpu.memory_space<vmem_shared>>) offsets(%dma_start3A_350 : memref<128xi32, #tpu.memory_space<vmem>>) semaphore(%run_scoped3A : memref<!tpu.dma_semaphore, #tpu.memory_space<semaphore_mem>>) {add = true}
        %dma_wait3A_354 = arith.constant 0 : i32
        %dma_wait3A_355 = tpu.memref_slice %arg8[%mul3A_245, %dma_wait3A_354] : memref<82x128xi32, #tpu.memory_space<vmem>> -> memref<1x128xi32, #tpu.memory_space<vmem>>
        %dma_wait3A_356 = tpu.memref_squeeze %dma_wait3A_355 : memref<1x128xi32, #tpu.memory_space<vmem>> -> memref<128xi32, #tpu.memory_space<vmem>>
        %dma_wait3A_357 = arith.constant 0 : i32
        %dma_wait3A_358 = arith.constant 0 : i32
        %dma_wait3A_359 = tpu.memref_slice %arg16[%dma_wait3A_357, %dma_wait3A_358] : memref<10112x72xf32, #tpu.memory_space<vmem_shared>> -> memref<10112x72xf32, #tpu.memory_space<vmem_shared>>
        tpu.wait_indirect_dma semaphore(%run_scoped3A : memref<!tpu.dma_semaphore, #tpu.memory_space<semaphore_mem>>) src(%arg15 : memref<128x72xf32, #tpu.memory_space<vmem>>) dst(%dma_wait3A_359 : memref<10112x72xf32, #tpu.memory_space<vmem_shared>>)
        tpu.yield
      }) : () -> ()
      %dma_wait3A_298 = arith.constant 0 : i32
      %dma_wait3A_299 = tpu.memref_slice %arg7[%add3A_249, %dma_wait3A_298] : memref<82x128xi32, #tpu.memory_space<vmem>> -> memref<1x128xi32, #tpu.memory_space<vmem>>
      %dma_wait3A_300 = tpu.memref_squeeze %dma_wait3A_299 : memref<1x128xi32, #tpu.memory_space<vmem>> -> memref<128xi32, #tpu.memory_space<vmem>>
      %dma_wait3A_301 = arith.constant 0 : i32
      %dma_wait3A_302 = arith.constant 0 : i32
      %dma_wait3A_303 = tpu.memref_slice %arg4[%dma_wait3A_301, %dma_wait3A_302] : memref<10016x64xbf16, #tpu.memory_space<hbm>> -> memref<10016x64xbf16, #tpu.memory_space<hbm>>
      tpu.wait_indirect_dma semaphore(%arg18 : memref<!tpu.dma_semaphore, #tpu.memory_space<semaphore_mem>>) src(%dma_wait3A_303 : memref<10016x64xbf16, #tpu.memory_space<hbm>>) dst(%arg10 : memref<128x64xbf16, #tpu.memory_space<vmem>>)
      %dma_wait3A_304 = arith.constant 0 : i32
      %dma_wait3A_305 = tpu.memref_slice %arg7[%add3A_249, %dma_wait3A_304] : memref<82x128xi32, #tpu.memory_space<vmem>> -> memref<1x128xi32, #tpu.memory_space<vmem>>
      %dma_wait3A_306 = tpu.memref_squeeze %dma_wait3A_305 : memref<1x128xi32, #tpu.memory_space<vmem>> -> memref<128xi32, #tpu.memory_space<vmem>>
      %dma_wait3A_307 = arith.constant 0 : i32
      %dma_wait3A_308 = arith.constant 0 : i32
      %dma_wait3A_309 = tpu.memref_slice %arg5[%dma_wait3A_307, %dma_wait3A_308] : memref<10016x16xf32, #tpu.memory_space<hbm>> -> memref<10016x16xf32, #tpu.memory_space<hbm>>
      tpu.wait_indirect_dma semaphore(%arg18 : memref<!tpu.dma_semaphore, #tpu.memory_space<semaphore_mem>>) src(%dma_wait3A_309 : memref<10016x16xf32, #tpu.memory_space<hbm>>) dst(%arg12 : memref<128x16xf32, #tpu.memory_space<vmem>>)
      %dma_wait3A_310 = arith.constant 0 : i32
      %dma_wait3A_311 = tpu.memref_slice %arg8[%add3A_249, %dma_wait3A_310] : memref<82x128xi32, #tpu.memory_space<vmem>> -> memref<1x128xi32, #tpu.memory_space<vmem>>
      %dma_wait3A_312 = tpu.memref_squeeze %dma_wait3A_311 : memref<1x128xi32, #tpu.memory_space<vmem>> -> memref<128xi32, #tpu.memory_space<vmem>>
      %dma_wait3A_313 = arith.constant 0 : i32
      %dma_wait3A_314 = arith.constant 0 : i32
      %dma_wait3A_315 = tpu.memref_slice %arg5[%dma_wait3A_313, %dma_wait3A_314] : memref<10016x16xf32, #tpu.memory_space<hbm>> -> memref<10016x16xf32, #tpu.memory_space<hbm>>
      tpu.wait_indirect_dma semaphore(%arg18 : memref<!tpu.dma_semaphore, #tpu.memory_space<semaphore_mem>>) src(%dma_wait3A_315 : memref<10016x16xf32, #tpu.memory_space<hbm>>) dst(%arg14 : memref<128x16xf32, #tpu.memory_space<vmem>>)
      %add3A_316 = arith.constant 2 : i32
      %add3A_317 = arith.addi %mul3A_245, %add3A_316 : i32
      %dma_start3A_318 = arith.constant 0 : i32
      %dma_start3A_319 = tpu.memref_slice %arg7[%add3A_317, %dma_start3A_318] : memref<82x128xi32, #tpu.memory_space<vmem>> -> memref<1x128xi32, #tpu.memory_space<vmem>>
      %dma_start3A_320 = tpu.memref_squeeze %dma_start3A_319 : memref<1x128xi32, #tpu.memory_space<vmem>> -> memref<128xi32, #tpu.memory_space<vmem>>
      %dma_start3A_321 = arith.constant 0 : i32
      %dma_start3A_322 = arith.constant 0 : i32
      %dma_start3A_323 = tpu.memref_slice %arg4[%dma_start3A_321, %dma_start3A_322] : memref<10016x64xbf16, #tpu.memory_space<hbm>> -> memref<10016x64xbf16, #tpu.memory_space<hbm>>
      tpu.enqueue_indirect_dma source(%dma_start3A_323 : memref<10016x64xbf16, #tpu.memory_space<hbm>>) target(%arg9 : memref<128x64xbf16, #tpu.memory_space<vmem>>) offsets(%dma_start3A_320 : memref<128xi32, #tpu.memory_space<vmem>>) semaphore(%arg17 : memref<!tpu.dma_semaphore, #tpu.memory_space<semaphore_mem>>)
      %dma_start3A_324 = arith.constant 0 : i32
      %dma_start3A_325 = tpu.memref_slice %arg7[%add3A_317, %dma_start3A_324] : memref<82x128xi32, #tpu.memory_space<vmem>> -> memref<1x128xi32, #tpu.memory_space<vmem>>
      %dma_start3A_326 = tpu.memref_squeeze %dma_start3A_325 : memref<1x128xi32, #tpu.memory_space<vmem>> -> memref<128xi32, #tpu.memory_space<vmem>>
      %dma_start3A_327 = arith.constant 0 : i32
      %dma_start3A_328 = arith.constant 0 : i32
      %dma_start3A_329 = tpu.memref_slice %arg5[%dma_start3A_327, %dma_start3A_328] : memref<10016x16xf32, #tpu.memory_space<hbm>> -> memref<10016x16xf32, #tpu.memory_space<hbm>>
      tpu.enqueue_indirect_dma source(%dma_start3A_329 : memref<10016x16xf32, #tpu.memory_space<hbm>>) target(%arg11 : memref<128x16xf32, #tpu.memory_space<vmem>>) offsets(%dma_start3A_326 : memref<128xi32, #tpu.memory_space<vmem>>) semaphore(%arg17 : memref<!tpu.dma_semaphore, #tpu.memory_space<semaphore_mem>>)
      %dma_start3A_330 = arith.constant 0 : i32
      %dma_start3A_331 = tpu.memref_slice %arg8[%add3A_317, %dma_start3A_330] : memref<82x128xi32, #tpu.memory_space<vmem>> -> memref<1x128xi32, #tpu.memory_space<vmem>>
      %dma_start3A_332 = tpu.memref_squeeze %dma_start3A_331 : memref<1x128xi32, #tpu.memory_space<vmem>> -> memref<128xi32, #tpu.memory_space<vmem>>
      %dma_start3A_333 = arith.constant 0 : i32
      %dma_start3A_334 = arith.constant 0 : i32
      %dma_start3A_335 = tpu.memref_slice %arg5[%dma_start3A_333, %dma_start3A_334] : memref<10016x16xf32, #tpu.memory_space<hbm>> -> memref<10016x16xf32, #tpu.memory_space<hbm>>
      tpu.enqueue_indirect_dma source(%dma_start3A_335 : memref<10016x16xf32, #tpu.memory_space<hbm>>) target(%arg13 : memref<128x16xf32, #tpu.memory_space<vmem>>) offsets(%dma_start3A_332 : memref<128xi32, #tpu.memory_space<vmem>>) semaphore(%arg17 : memref<!tpu.dma_semaphore, #tpu.memory_space<semaphore_mem>>)
      %add3A_336 = arith.constant 64 : i32
      %add3A_337 = vector.broadcast %add3A_336 : i32 to vector<16xi32>
      %add3A_338 = arith.addi %add3A_337, %and3A_5 : vector<16xi32>
      %mul3A_339 = arith.constant 2 : i32
      %mul3A_340 = vector.broadcast %mul3A_339 : i32 to vector<16xi32>
      %mul3A_341 = arith.muli %mul3A_340, %iota3A : vector<16xi32>
      %scan3A_342 = arith.constant 0 : i32
      %scan3A_343 = arith.constant 0 : i32
      %scan3A_344 = arith.constant 64 : i32
      %scan3A_345 = arith.addi %scan3A_343, %scan3A_344 : i32
      %scan3A_346 = arith.constant 1 : i32
      scf.for %scan3A_348 = %scan3A_343 to %scan3A_345 step %scan3A_346  : i32 {
        %mul3A_349 = arith.constant 2 : i32
        %mul3A_350 = arith.muli %mul3A_349, %scan3A_348 : i32
        %add3A_351 = vector.broadcast %mul3A_350 : i32 to vector<16xi32>
        %add3A_352 = arith.addi %add3A_351, %select_n3A : vector<16xi32>
        %gather3A = tpu.vector_load_idx %arg12[%add3A_352, %and3A_5] : memref<128x16xf32, #tpu.memory_space<vmem>>[vector<16xi32>, vector<16xi32>], vector<16xf32>,
        %add3A_353 = arith.constant 8 : i32
        %add3A_354 = vector.broadcast %add3A_353 : i32 to vector<16xi32>
        %add3A_355 = arith.addi %add3A_354, %and3A_5 : vector<16xi32>
        %gather3A_356 = tpu.vector_load_idx %arg14[%add3A_352, %add3A_355] : memref<128x16xf32, #tpu.memory_space<vmem>>[vector<16xi32>, vector<16xi32>], vector<16xf32>,
        %add3A_357 = arith.addf %gather3A, %gather3A_356 : vector<16xf32>
        %mul3A_358 = arith.constant 2.000000e-01 : f32
        %mul3A_359 = vector.broadcast %mul3A_358 : f32 to vector<16xf32>
        %mul3A_360 = arith.mulf %mul3A_359, %add3A_357 : vector<16xf32>
        %max3A = arith.maximumf %add3A_357, %mul3A_360 : vector<16xf32>
        %exp3A = math.exp %max3A : vector<16xf32>
        tpu.vector_store_idx %arg15[%add3A_352, %add3A_338], %exp3A : memref<128x72xf32, #tpu.memory_space<vmem>>[vector<16xi32>, vector<16xi32>], vector<16xf32>,
        %mul3A_361 = arith.constant 2 : i32
        %mul3A_362 = arith.muli %mul3A_361, %scan3A_348 : i32
        %add3A_363 = arith.constant 0 : i32
        %add3A_364 = arith.addi %mul3A_362, %add3A_363 : i32
        %broadcast_in_dim3A_365 = arith.constant 0 : i32
        %broadcast_in_dim3A_366 = vector.broadcast %broadcast_in_dim3A_365 : i32 to vector<16xi32>
        %add3A_367 = vector.broadcast %add3A_364 : i32 to vector<16xi32>
        %add3A_368 = arith.addi %broadcast_in_dim3A_366, %add3A_367 : vector<16xi32>
        %get3A = arith.index_cast %add3A_364 : i32 to index
        %get3A_369 = arith.constant 0 : index
        %get3A_370 = tpu.vector_load %arg10[%get3A, %get3A_369] {strides = array<i32>} : memref<128x64xbf16, #tpu.memory_space<vmem>>, vector<32xbf16>,
        %unpack3A = tpu.unpack_subelements %get3A_370, 0 {pack_format = #tpu.pack_format<interleaved>} : vector<32xbf16> -> vector<16xf32>
        %unpack3A_371 = tpu.unpack_subelements %get3A_370, 1 {pack_format = #tpu.pack_format<interleaved>} : vector<32xbf16> -> vector<16xf32>
        %broadcast_in_dim3A_372 = vector.shape_cast %add3A_33 : vector<16xi32> to vector<16x1xi32>
        %gather3A_373 = vector.shape_cast %broadcast_in_dim3A_372 : vector<16x1xi32> to vector<16xi32>
        %gather3A_374 = tpu.dynamic_gather %exp3A[%gather3A_373] in [0] : vector<16xf32>, vector<16xi32> -> vector<16xf32>
        %add3A_375 = arith.constant 0 : i32
        %add3A_376 = vector.broadcast %add3A_375 : i32 to vector<16xi32>
        %add3A_377 = arith.addi %mul3A_341, %add3A_376 : vector<16xi32>
        %mul3A_378 = arith.mulf %unpack3A, %gather3A_374 : vector<16xf32>
        tpu.vector_store_idx %arg15[%add3A_368, %add3A_377], %mul3A_378 : memref<128x72xf32, #tpu.memory_space<vmem>>[vector<16xi32>, vector<16xi32>], vector<16xf32>,
        %add3A_379 = arith.constant 0 : i32
        %add3A_380 = vector.broadcast %add3A_379 : i32 to vector<16xi32>
        %add3A_381 = arith.addi %mul3A_341, %add3A_380 : vector<16xi32>
        %add3A_382 = arith.constant 1 : i32
        %add3A_383 = vector.broadcast %add3A_382 : i32 to vector<16xi32>
        %add3A_384 = arith.addi %add3A_381, %add3A_383 : vector<16xi32>
        %mul3A_385 = arith.mulf %unpack3A_371, %gather3A_374 : vector<16xf32>
        tpu.vector_store_idx %arg15[%add3A_368, %add3A_384], %mul3A_385 : memref<128x72xf32, #tpu.memory_space<vmem>>[vector<16xi32>, vector<16xi32>], vector<16xf32>,
        %get3A_386 = arith.index_cast %add3A_364 : i32 to index
        %get3A_387 = arith.constant 32 : index
        %get3A_388 = tpu.vector_load %arg10[%get3A_386, %get3A_387] {strides = array<i32>} : memref<128x64xbf16, #tpu.memory_space<vmem>>, vector<32xbf16>,
        %unpack3A_389 = tpu.unpack_subelements %get3A_388, 0 {pack_format = #tpu.pack_format<interleaved>} : vector<32xbf16> -> vector<16xf32>
        %unpack3A_390 = tpu.unpack_subelements %get3A_388, 1 {pack_format = #tpu.pack_format<interleaved>} : vector<32xbf16> -> vector<16xf32>
        %broadcast_in_dim3A_391 = vector.shape_cast %add3A_36 : vector<16xi32> to vector<16x1xi32>
        %gather3A_392 = vector.shape_cast %broadcast_in_dim3A_391 : vector<16x1xi32> to vector<16xi32>
        %gather3A_393 = tpu.dynamic_gather %exp3A[%gather3A_392] in [0] : vector<16xf32>, vector<16xi32> -> vector<16xf32>
        %add3A_394 = arith.constant 32 : i32
        %add3A_395 = vector.broadcast %add3A_394 : i32 to vector<16xi32>
        %add3A_396 = arith.addi %mul3A_341, %add3A_395 : vector<16xi32>
        %mul3A_397 = arith.mulf %unpack3A_389, %gather3A_393 : vector<16xf32>
        tpu.vector_store_idx %arg15[%add3A_368, %add3A_396], %mul3A_397 : memref<128x72xf32, #tpu.memory_space<vmem>>[vector<16xi32>, vector<16xi32>], vector<16xf32>,
        %add3A_398 = arith.constant 32 : i32
        %add3A_399 = vector.broadcast %add3A_398 : i32 to vector<16xi32>
        %add3A_400 = arith.addi %mul3A_341, %add3A_399 : vector<16xi32>
        %add3A_401 = arith.constant 1 : i32
        %add3A_402 = vector.broadcast %add3A_401 : i32 to vector<16xi32>
        %add3A_403 = arith.addi %add3A_400, %add3A_402 : vector<16xi32>
        %mul3A_404 = arith.mulf %unpack3A_390, %gather3A_393 : vector<16xf32>
        tpu.vector_store_idx %arg15[%add3A_368, %add3A_403], %mul3A_404 : memref<128x72xf32, #tpu.memory_space<vmem>>[vector<16xi32>, vector<16xi32>], vector<16xf32>,
        %mul3A_405 = arith.constant 2 : i32
        %mul3A_406 = arith.muli %mul3A_405, %scan3A_348 : i32
        %add3A_407 = arith.constant 1 : i32
        %add3A_408 = arith.addi %mul3A_406, %add3A_407 : i32
        %broadcast_in_dim3A_409 = arith.constant 0 : i32
        %broadcast_in_dim3A_410 = vector.broadcast %broadcast_in_dim3A_409 : i32 to vector<16xi32>
        %add3A_411 = vector.broadcast %add3A_408 : i32 to vector<16xi32>
        %add3A_412 = arith.addi %broadcast_in_dim3A_410, %add3A_411 : vector<16xi32>
        %get3A_413 = arith.index_cast %add3A_408 : i32 to index
        %get3A_414 = arith.constant 0 : index
        %get3A_415 = tpu.vector_load %arg10[%get3A_413, %get3A_414] {strides = array<i32>} : memref<128x64xbf16, #tpu.memory_space<vmem>>, vector<32xbf16>,
        %unpack3A_416 = tpu.unpack_subelements %get3A_415, 0 {pack_format = #tpu.pack_format<interleaved>} : vector<32xbf16> -> vector<16xf32>
        %unpack3A_417 = tpu.unpack_subelements %get3A_415, 1 {pack_format = #tpu.pack_format<interleaved>} : vector<32xbf16> -> vector<16xf32>
        %broadcast_in_dim3A_418 = vector.shape_cast %add3A_39 : vector<16xi32> to vector<16x1xi32>
        %gather3A_419 = vector.shape_cast %broadcast_in_dim3A_418 : vector<16x1xi32> to vector<16xi32>
        %gather3A_420 = tpu.dynamic_gather %exp3A[%gather3A_419] in [0] : vector<16xf32>, vector<16xi32> -> vector<16xf32>
        %add3A_421 = arith.constant 0 : i32
        %add3A_422 = vector.broadcast %add3A_421 : i32 to vector<16xi32>
        %add3A_423 = arith.addi %mul3A_341, %add3A_422 : vector<16xi32>
        %mul3A_424 = arith.mulf %unpack3A_416, %gather3A_420 : vector<16xf32>
        tpu.vector_store_idx %arg15[%add3A_412, %add3A_423], %mul3A_424 : memref<128x72xf32, #tpu.memory_space<vmem>>[vector<16xi32>, vector<16xi32>], vector<16xf32>,
        %add3A_425 = arith.constant 0 : i32
        %add3A_426 = vector.broadcast %add3A_425 : i32 to vector<16xi32>
        %add3A_427 = arith.addi %mul3A_341, %add3A_426 : vector<16xi32>
        %add3A_428 = arith.constant 1 : i32
        %add3A_429 = vector.broadcast %add3A_428 : i32 to vector<16xi32>
        %add3A_430 = arith.addi %add3A_427, %add3A_429 : vector<16xi32>
        %mul3A_431 = arith.mulf %unpack3A_417, %gather3A_420 : vector<16xf32>
        tpu.vector_store_idx %arg15[%add3A_412, %add3A_430], %mul3A_431 : memref<128x72xf32, #tpu.memory_space<vmem>>[vector<16xi32>, vector<16xi32>], vector<16xf32>,
        %get3A_432 = arith.index_cast %add3A_408 : i32 to index
        %get3A_433 = arith.constant 32 : index
        %get3A_434 = tpu.vector_load %arg10[%get3A_432, %get3A_433] {strides = array<i32>} : memref<128x64xbf16, #tpu.memory_space<vmem>>, vector<32xbf16>,
        %unpack3A_435 = tpu.unpack_subelements %get3A_434, 0 {pack_format = #tpu.pack_format<interleaved>} : vector<32xbf16> -> vector<16xf32>
        %unpack3A_436 = tpu.unpack_subelements %get3A_434, 1 {pack_format = #tpu.pack_format<interleaved>} : vector<32xbf16> -> vector<16xf32>
        %broadcast_in_dim3A_437 = vector.shape_cast %add3A_42 : vector<16xi32> to vector<16x1xi32>
        %gather3A_438 = vector.shape_cast %broadcast_in_dim3A_437 : vector<16x1xi32> to vector<16xi32>
        %gather3A_439 = tpu.dynamic_gather %exp3A[%gather3A_438] in [0] : vector<16xf32>, vector<16xi32> -> vector<16xf32>
        %add3A_440 = arith.constant 32 : i32
        %add3A_441 = vector.broadcast %add3A_440 : i32 to vector<16xi32>
        %add3A_442 = arith.addi %mul3A_341, %add3A_441 : vector<16xi32>
        %mul3A_443 = arith.mulf %unpack3A_435, %gather3A_439 : vector<16xf32>
        tpu.vector_store_idx %arg15[%add3A_412, %add3A_442], %mul3A_443 : memref<128x72xf32, #tpu.memory_space<vmem>>[vector<16xi32>, vector<16xi32>], vector<16xf32>,
        %add3A_444 = arith.constant 32 : i32
        %add3A_445 = vector.broadcast %add3A_444 : i32 to vector<16xi32>
        %add3A_446 = arith.addi %mul3A_341, %add3A_445 : vector<16xi32>
        %add3A_447 = arith.constant 1 : i32
        %add3A_448 = vector.broadcast %add3A_447 : i32 to vector<16xi32>
        %add3A_449 = arith.addi %add3A_446, %add3A_448 : vector<16xi32>
        %mul3A_450 = arith.mulf %unpack3A_436, %gather3A_439 : vector<16xf32>
        tpu.vector_store_idx %arg15[%add3A_412, %add3A_449], %mul3A_450 : memref<128x72xf32, #tpu.memory_space<vmem>>[vector<16xi32>, vector<16xi32>], vector<16xf32>,
      }
      %scan3A_347 = arith.constant 64 : i32
      "tpu.region"() ({
        %run_scoped3A = tpu.sem_alloc : memref<!tpu.dma_semaphore, #tpu.memory_space<semaphore_mem>>
        %dma_start3A_348 = arith.constant 0 : i32
        %dma_start3A_349 = tpu.memref_slice %arg8[%add3A_249, %dma_start3A_348] : memref<82x128xi32, #tpu.memory_space<vmem>> -> memref<1x128xi32, #tpu.memory_space<vmem>>
        %dma_start3A_350 = tpu.memref_squeeze %dma_start3A_349 : memref<1x128xi32, #tpu.memory_space<vmem>> -> memref<128xi32, #tpu.memory_space<vmem>>
        %dma_start3A_351 = arith.constant 0 : i32
        %dma_start3A_352 = arith.constant 0 : i32
        %dma_start3A_353 = tpu.memref_slice %arg16[%dma_start3A_351, %dma_start3A_352] : memref<10112x72xf32, #tpu.memory_space<vmem_shared>> -> memref<10112x72xf32, #tpu.memory_space<vmem_shared>>
        tpu.enqueue_indirect_dma source(%arg15 : memref<128x72xf32, #tpu.memory_space<vmem>>) target(%dma_start3A_353 : memref<10112x72xf32, #tpu.memory_space<vmem_shared>>) offsets(%dma_start3A_350 : memref<128xi32, #tpu.memory_space<vmem>>) semaphore(%run_scoped3A : memref<!tpu.dma_semaphore, #tpu.memory_space<semaphore_mem>>) {add = true}
        %dma_wait3A_354 = arith.constant 0 : i32
        %dma_wait3A_355 = tpu.memref_slice %arg8[%add3A_249, %dma_wait3A_354] : memref<82x128xi32, #tpu.memory_space<vmem>> -> memref<1x128xi32, #tpu.memory_space<vmem>>
        %dma_wait3A_356 = tpu.memref_squeeze %dma_wait3A_355 : memref<1x128xi32, #tpu.memory_space<vmem>> -> memref<128xi32, #tpu.memory_space<vmem>>
        %dma_wait3A_357 = arith.constant 0 : i32
        %dma_wait3A_358 = arith.constant 0 : i32
        %dma_wait3A_359 = tpu.memref_slice %arg16[%dma_wait3A_357, %dma_wait3A_358] : memref<10112x72xf32, #tpu.memory_space<vmem_shared>> -> memref<10112x72xf32, #tpu.memory_space<vmem_shared>>
        tpu.wait_indirect_dma semaphore(%run_scoped3A : memref<!tpu.dma_semaphore, #tpu.memory_space<semaphore_mem>>) src(%arg15 : memref<128x72xf32, #tpu.memory_space<vmem>>) dst(%dma_wait3A_359 : memref<10112x72xf32, #tpu.memory_space<vmem_shared>>)
        tpu.yield
      }) : () -> ()
    }
    %scan3A_219 = arith.constant 40 : i32
    %dma_wait3A = arith.constant 80 : i32
    %dma_wait3A_220 = arith.constant 0 : i32
    %dma_wait3A_221 = tpu.memref_slice %arg7[%dma_wait3A, %dma_wait3A_220] : memref<82x128xi32, #tpu.memory_space<vmem>> -> memref<1x128xi32, #tpu.memory_space<vmem>>
    %dma_wait3A_222 = tpu.memref_squeeze %dma_wait3A_221 : memref<1x128xi32, #tpu.memory_space<vmem>> -> memref<128xi32, #tpu.memory_space<vmem>>
    %dma_wait3A_223 = arith.constant 0 : i32
    %dma_wait3A_224 = arith.constant 0 : i32
    %dma_wait3A_225 = tpu.memref_slice %arg4[%dma_wait3A_223, %dma_wait3A_224] : memref<10016x64xbf16, #tpu.memory_space<hbm>> -> memref<10016x64xbf16, #tpu.memory_space<hbm>>
    tpu.wait_indirect_dma semaphore(%arg17 : memref<!tpu.dma_semaphore, #tpu.memory_space<semaphore_mem>>) src(%dma_wait3A_225 : memref<10016x64xbf16, #tpu.memory_space<hbm>>) dst(%arg9 : memref<128x64xbf16, #tpu.memory_space<vmem>>)
    %dma_wait3A_226 = arith.constant 80 : i32
    %dma_wait3A_227 = arith.constant 0 : i32
    %dma_wait3A_228 = tpu.memref_slice %arg7[%dma_wait3A_226, %dma_wait3A_227] : memref<82x128xi32, #tpu.memory_space<vmem>> -> memref<1x128xi32, #tpu.memory_space<vmem>>
    %dma_wait3A_229 = tpu.memref_squeeze %dma_wait3A_228 : memref<1x128xi32, #tpu.memory_space<vmem>> -> memref<128xi32, #tpu.memory_space<vmem>>
    %dma_wait3A_230 = arith.constant 0 : i32
    %dma_wait3A_231 = arith.constant 0 : i32
    %dma_wait3A_232 = tpu.memref_slice %arg5[%dma_wait3A_230, %dma_wait3A_231] : memref<10016x16xf32, #tpu.memory_space<hbm>> -> memref<10016x16xf32, #tpu.memory_space<hbm>>
    tpu.wait_indirect_dma semaphore(%arg17 : memref<!tpu.dma_semaphore, #tpu.memory_space<semaphore_mem>>) src(%dma_wait3A_232 : memref<10016x16xf32, #tpu.memory_space<hbm>>) dst(%arg11 : memref<128x16xf32, #tpu.memory_space<vmem>>)
    %dma_wait3A_233 = arith.constant 80 : i32
    %dma_wait3A_234 = arith.constant 0 : i32
    %dma_wait3A_235 = tpu.memref_slice %arg8[%dma_wait3A_233, %dma_wait3A_234] : memref<82x128xi32, #tpu.memory_space<vmem>> -> memref<1x128xi32, #tpu.memory_space<vmem>>
    %dma_wait3A_236 = tpu.memref_squeeze %dma_wait3A_235 : memref<1x128xi32, #tpu.memory_space<vmem>> -> memref<128xi32, #tpu.memory_space<vmem>>
    %dma_wait3A_237 = arith.constant 0 : i32
    %dma_wait3A_238 = arith.constant 0 : i32
    %dma_wait3A_239 = tpu.memref_slice %arg5[%dma_wait3A_237, %dma_wait3A_238] : memref<10016x16xf32, #tpu.memory_space<hbm>> -> memref<10016x16xf32, #tpu.memory_space<hbm>>
    tpu.wait_indirect_dma semaphore(%arg17 : memref<!tpu.dma_semaphore, #tpu.memory_space<semaphore_mem>>) src(%dma_wait3A_239 : memref<10016x16xf32, #tpu.memory_space<hbm>>) dst(%arg13 : memref<128x16xf32, #tpu.memory_space<vmem>>)
    %barrier3A_240 = arith.constant 0 : index
    tpu.barrier barrier_id(%barrier3A_240)
    %mul3A_241 = arith.constant 632 : i32
    %mul3A_242 = arith.muli %arg1, %mul3A_241 : i32
    "tpu.region"() ({
      %run_scoped3A = tpu.sem_alloc : memref<!tpu.dma_semaphore, #tpu.memory_space<semaphore_mem>>
      %dma_start3A_243 = arith.constant 0 : i32
      %dma_start3A_244 = tpu.memref_slice %arg6[%arg0, %mul3A_242, %dma_start3A_243] : memref<2x10112x72xf32, #tpu.memory_space<hbm>> -> memref<1x632x72xf32, #tpu.memory_space<hbm>>
      %dma_start3A_245 = tpu.memref_squeeze %dma_start3A_244 : memref<1x632x72xf32, #tpu.memory_space<hbm>> -> memref<632x72xf32, #tpu.memory_space<hbm>>
      %dma_start3A_246 = arith.constant 0 : i32
      %dma_start3A_247 = tpu.memref_slice %arg16[%mul3A_242, %dma_start3A_246] : memref<10112x72xf32, #tpu.memory_space<vmem_shared>> -> memref<632x72xf32, #tpu.memory_space<vmem_shared>>
      tpu.enqueue_dma source(%dma_start3A_247 : memref<632x72xf32, #tpu.memory_space<vmem_shared>>) target(%dma_start3A_245 : memref<632x72xf32, #tpu.memory_space<hbm>>) target_semaphore(%run_scoped3A : memref<!tpu.dma_semaphore, #tpu.memory_space<semaphore_mem>>)
      %dma_wait3A_248 = arith.constant 0 : i32
      %dma_wait3A_249 = tpu.memref_slice %arg6[%arg0, %mul3A_242, %dma_wait3A_248] : memref<2x10112x72xf32, #tpu.memory_space<hbm>> -> memref<1x632x72xf32, #tpu.memory_space<hbm>>
      %dma_wait3A_250 = tpu.memref_squeeze %dma_wait3A_249 : memref<1x632x72xf32, #tpu.memory_space<hbm>> -> memref<632x72xf32, #tpu.memory_space<hbm>>
      %dma_wait3A_251 = arith.constant 0 : i32
      %dma_wait3A_252 = tpu.memref_slice %arg16[%mul3A_242, %dma_wait3A_251] : memref<10112x72xf32, #tpu.memory_space<vmem_shared>> -> memref<632x72xf32, #tpu.memory_space<vmem_shared>>
      tpu.wait_dma2 semaphore(%run_scoped3A : memref<!tpu.dma_semaphore, #tpu.memory_space<semaphore_mem>>) src(%dma_wait3A_252 : memref<632x72xf32, #tpu.memory_space<vmem_shared>>) dst(%dma_wait3A_250 : memref<632x72xf32, #tpu.memory_space<hbm>>)
      tpu.yield
    }) : () -> ()
    return
  }
}

#map = affine_map<(d0, d1) -> (0, 0, 0)>
#map1 = affine_map<(d0, d1) -> (0, 0)>
module attributes {stable_mosaic.version = 14 : i64} {
  func.func @_edge_pass2(%arg0: i32, %arg1: i32, %arg2: memref<32x80x128xi32, #tpu.memory_space<hbm>>, %arg3: memref<32x80x128xi32, #tpu.memory_space<hbm>>, %arg4: memref<10016x64xbf16, #tpu.memory_space<hbm>>, %arg5: memref<10016x16xf32, #tpu.memory_space<hbm>>, %arg6: memref<2x10112x72xf32, #tpu.memory_space<hbm>>, %arg7: memref<82x128xi32, #tpu.memory_space<vmem>>, %arg8: memref<82x128xi32, #tpu.memory_space<vmem>>, %arg9: memref<128x64xbf16, #tpu.memory_space<vmem>>, %arg10: memref<128x64xbf16, #tpu.memory_space<vmem>>, %arg11: memref<128x16xf32, #tpu.memory_space<vmem>>, %arg12: memref<128x16xf32, #tpu.memory_space<vmem>>, %arg13: memref<128x16xf32, #tpu.memory_space<vmem>>, %arg14: memref<128x16xf32, #tpu.memory_space<vmem>>, %arg15: memref<128x72xf32, #tpu.memory_space<vmem>>, %arg16: memref<10112x72xf32, #tpu.memory_space<vmem_shared>>, %arg17: memref<!tpu.dma_semaphore, #tpu.memory_space<semaphore_mem>>, %arg18: memref<!tpu.dma_semaphore, #tpu.memory_space<semaphore_mem>>) attributes {dimension_semantics = [#tpu.dimension_semantics<core_parallel>, #tpu.dimension_semantics<subcore_parallel>], iteration_bounds = array<i64: 2, 16>, scalar_prefetch = 0 : i64, scratch_operands = 12 : i64, tpu.core_type = #tpu.core_type<sc_vector_subcore>, window_params = [{transform_indices = #map}, {transform_indices = #map}, {transform_indices = #map1}, {transform_indices = #map1}, {transform_indices = #map}]} {
    %iota3A = tpu.iota {dimensions = array<i32: 0>} : vector<16xi32>
    %broadcast_in_dim3A = arith.constant 64 : i32
    %broadcast_in_dim3A_0 = vector.broadcast %broadcast_in_dim3A : i32 to vector<16xi32>
    %broadcast_in_dim3A_1 = arith.constant 0 : i32
    %broadcast_in_dim3A_2 = vector.broadcast %broadcast_in_dim3A_1 : i32 to vector<16xi32>
    %broadcast_in_dim3A_3 = arith.constant 8 : i32
    %broadcast_in_dim3A_4 = vector.broadcast %broadcast_in_dim3A_3 : i32 to vector<16xi32>
    %broadcast_in_dim3A_5 = arith.constant 0 : i32
    %broadcast_in_dim3A_6 = vector.broadcast %broadcast_in_dim3A_5 : i32 to vector<16xi32>
    %broadcast_in_dim3A_7 = arith.constant 1 : i32
    %broadcast_in_dim3A_8 = vector.broadcast %broadcast_in_dim3A_7 : i32 to vector<16xi32>
    %broadcast_in_dim3A_9 = arith.constant 2 : i32
    %broadcast_in_dim3A_10 = vector.broadcast %broadcast_in_dim3A_9 : i32 to vector<16xi32>
    %broadcast_in_dim3A_11 = arith.constant 3 : i32
    %broadcast_in_dim3A_12 = vector.broadcast %broadcast_in_dim3A_11 : i32 to vector<16xi32>
    %broadcast_in_dim3A_13 = arith.constant 4 : i32
    %broadcast_in_dim3A_14 = vector.broadcast %broadcast_in_dim3A_13 : i32 to vector<16xi32>
    %broadcast_in_dim3A_15 = arith.constant 5 : i32
    %broadcast_in_dim3A_16 = vector.broadcast %broadcast_in_dim3A_15 : i32 to vector<16xi32>
    %broadcast_in_dim3A_17 = arith.constant 6 : i32
    %broadcast_in_dim3A_18 = vector.broadcast %broadcast_in_dim3A_17 : i32 to vector<16xi32>
    %broadcast_in_dim3A_19 = arith.constant 7 : i32
    %broadcast_in_dim3A_20 = vector.broadcast %broadcast_in_dim3A_19 : i32 to vector<16xi32>
    %broadcast_in_dim3A_21 = arith.constant 8 : i32
    %broadcast_in_dim3A_22 = vector.broadcast %broadcast_in_dim3A_21 : i32 to vector<16xi32>
    %broadcast_in_dim3A_23 = arith.constant 9 : i32
    %broadcast_in_dim3A_24 = vector.broadcast %broadcast_in_dim3A_23 : i32 to vector<16xi32>
    %broadcast_in_dim3A_25 = arith.constant 10 : i32
    %broadcast_in_dim3A_26 = vector.broadcast %broadcast_in_dim3A_25 : i32 to vector<16xi32>
    %broadcast_in_dim3A_27 = arith.constant 11 : i32
    %broadcast_in_dim3A_28 = vector.broadcast %broadcast_in_dim3A_27 : i32 to vector<16xi32>
    %broadcast_in_dim3A_29 = arith.constant 12 : i32
    %broadcast_in_dim3A_30 = vector.broadcast %broadcast_in_dim3A_29 : i32 to vector<16xi32>
    %broadcast_in_dim3A_31 = arith.constant 13 : i32
    %broadcast_in_dim3A_32 = vector.broadcast %broadcast_in_dim3A_31 : i32 to vector<16xi32>
    %broadcast_in_dim3A_33 = arith.constant 14 : i32
    %broadcast_in_dim3A_34 = vector.broadcast %broadcast_in_dim3A_33 : i32 to vector<16xi32>
    %broadcast_in_dim3A_35 = arith.constant 15 : i32
    %broadcast_in_dim3A_36 = vector.broadcast %broadcast_in_dim3A_35 : i32 to vector<16xi32>
    %mul3A = arith.constant 16 : i32
    %mul3A_37 = arith.muli %arg0, %mul3A : i32
    %add3A = arith.addi %mul3A_37, %arg1 : i32
    %iota3A_38 = tpu.iota {dimensions = array<i32: 0>} : vector<16xi32>
    %broadcast_in_dim3A_39 = arith.constant 0.000000e+00 : f32
    %broadcast_in_dim3A_40 = vector.broadcast %broadcast_in_dim3A_39 : f32 to vector<16xf32>
    %scan3A = arith.constant 0 : i32
    %scan3A_41 = arith.constant 0 : i32
    %scan3A_42 = arith.constant 128 : i32
    %scan3A_43 = arith.addi %scan3A_41, %scan3A_42 : i32
    %scan3A_44 = arith.constant 1 : i32
    scf.for %scan3A_236 = %scan3A_41 to %scan3A_43 step %scan3A_44  : i32 {
      %swap3A_237 = arith.index_cast %scan3A_236 : i32 to index
      %swap3A_238 = arith.constant 0 : index
      %swap3A_239 = tpu.vector_load %arg15[%swap3A_237, %swap3A_238] {strides = array<i32>} : memref<128x72xf32, #tpu.memory_space<vmem>>, vector<16xf32>,
      tpu.vector_store %arg15[%swap3A_237, %swap3A_238], %broadcast_in_dim3A_40 {strides = array<i32>} : memref<128x72xf32, #tpu.memory_space<vmem>>, vector<16xf32>,
      %swap3A_240 = arith.index_cast %scan3A_236 : i32 to index
      %swap3A_241 = arith.constant 16 : index
      %swap3A_242 = tpu.vector_load %arg15[%swap3A_240, %swap3A_241] {strides = array<i32>} : memref<128x72xf32, #tpu.memory_space<vmem>>, vector<16xf32>,
      tpu.vector_store %arg15[%swap3A_240, %swap3A_241], %broadcast_in_dim3A_40 {strides = array<i32>} : memref<128x72xf32, #tpu.memory_space<vmem>>, vector<16xf32>,
      %swap3A_243 = arith.index_cast %scan3A_236 : i32 to index
      %swap3A_244 = arith.constant 32 : index
      %swap3A_245 = tpu.vector_load %arg15[%swap3A_243, %swap3A_244] {strides = array<i32>} : memref<128x72xf32, #tpu.memory_space<vmem>>, vector<16xf32>,
      tpu.vector_store %arg15[%swap3A_243, %swap3A_244], %broadcast_in_dim3A_40 {strides = array<i32>} : memref<128x72xf32, #tpu.memory_space<vmem>>, vector<16xf32>,
      %swap3A_246 = arith.index_cast %scan3A_236 : i32 to index
      %swap3A_247 = arith.constant 48 : index
      %swap3A_248 = tpu.vector_load %arg15[%swap3A_246, %swap3A_247] {strides = array<i32>} : memref<128x72xf32, #tpu.memory_space<vmem>>, vector<16xf32>,
      tpu.vector_store %arg15[%swap3A_246, %swap3A_247], %broadcast_in_dim3A_40 {strides = array<i32>} : memref<128x72xf32, #tpu.memory_space<vmem>>, vector<16xf32>,
      %broadcast_in_dim3A_249 = vector.broadcast %scan3A_236 : i32 to vector<16xi32>
      %add3A_250 = arith.constant 56 : i32
      %add3A_251 = vector.broadcast %add3A_250 : i32 to vector<16xi32>
      %add3A_252 = arith.addi %add3A_251, %iota3A_38 : vector<16xi32>
      tpu.vector_store_idx %arg15[%broadcast_in_dim3A_249, %add3A_252], %broadcast_in_dim3A_40 : memref<128x72xf32, #tpu.memory_space<vmem>>[vector<16xi32>, vector<16xi32>], vector<16xf32>,
    }
    %scan3A_45 = arith.constant 128 : i32
    %mul3A_46 = arith.constant 632 : i32
    %mul3A_47 = arith.muli %arg1, %mul3A_46 : i32
    %add3A_48 = arith.constant 0 : i32
    %add3A_49 = arith.addi %mul3A_47, %add3A_48 : i32
    "tpu.region"() ({
      %run_scoped3A = tpu.sem_alloc : memref<!tpu.dma_semaphore, #tpu.memory_space<semaphore_mem>>
      %dma_start3A_236 = arith.constant 0 : i32
      %dma_start3A_237 = tpu.memref_slice %arg16[%add3A_49, %dma_start3A_236] : memref<10112x72xf32, #tpu.memory_space<vmem_shared>> -> memref<128x72xf32, #tpu.memory_space<vmem_shared>>
      %dma_start3A_238 = arith.constant 0 : i32
      %dma_start3A_239 = tpu.memref_slice %arg16[%add3A_49, %dma_start3A_238] : memref<10112x72xf32, #tpu.memory_space<vmem_shared>> -> memref<128x72xf32, #tpu.memory_space<vmem_shared>>
      tpu.enqueue_dma source(%arg15 : memref<128x72xf32, #tpu.memory_space<vmem>>) target(%dma_start3A_239 : memref<128x72xf32, #tpu.memory_space<vmem_shared>>) target_semaphore(%run_scoped3A : memref<!tpu.dma_semaphore, #tpu.memory_space<semaphore_mem>>)
      %dma_wait3A_240 = arith.constant 0 : i32
      %dma_wait3A_241 = tpu.memref_slice %arg16[%add3A_49, %dma_wait3A_240] : memref<10112x72xf32, #tpu.memory_space<vmem_shared>> -> memref<128x72xf32, #tpu.memory_space<vmem_shared>>
      %dma_wait3A_242 = arith.constant 0 : i32
      %dma_wait3A_243 = tpu.memref_slice %arg16[%add3A_49, %dma_wait3A_242] : memref<10112x72xf32, #tpu.memory_space<vmem_shared>> -> memref<128x72xf32, #tpu.memory_space<vmem_shared>>
      tpu.wait_dma2 semaphore(%run_scoped3A : memref<!tpu.dma_semaphore, #tpu.memory_space<semaphore_mem>>) src(%arg15 : memref<128x72xf32, #tpu.memory_space<vmem>>) dst(%dma_wait3A_243 : memref<128x72xf32, #tpu.memory_space<vmem_shared>>)
      tpu.yield
    }) : () -> ()
    %add3A_50 = arith.constant 128 : i32
    %add3A_51 = arith.addi %mul3A_47, %add3A_50 : i32
    "tpu.region"() ({
      %run_scoped3A = tpu.sem_alloc : memref<!tpu.dma_semaphore, #tpu.memory_space<semaphore_mem>>
      %dma_start3A_236 = arith.constant 0 : i32
      %dma_start3A_237 = tpu.memref_slice %arg16[%add3A_51, %dma_start3A_236] : memref<10112x72xf32, #tpu.memory_space<vmem_shared>> -> memref<128x72xf32, #tpu.memory_space<vmem_shared>>
      %dma_start3A_238 = arith.constant 0 : i32
      %dma_start3A_239 = tpu.memref_slice %arg16[%add3A_51, %dma_start3A_238] : memref<10112x72xf32, #tpu.memory_space<vmem_shared>> -> memref<128x72xf32, #tpu.memory_space<vmem_shared>>
      tpu.enqueue_dma source(%arg15 : memref<128x72xf32, #tpu.memory_space<vmem>>) target(%dma_start3A_239 : memref<128x72xf32, #tpu.memory_space<vmem_shared>>) target_semaphore(%run_scoped3A : memref<!tpu.dma_semaphore, #tpu.memory_space<semaphore_mem>>)
      %dma_wait3A_240 = arith.constant 0 : i32
      %dma_wait3A_241 = tpu.memref_slice %arg16[%add3A_51, %dma_wait3A_240] : memref<10112x72xf32, #tpu.memory_space<vmem_shared>> -> memref<128x72xf32, #tpu.memory_space<vmem_shared>>
      %dma_wait3A_242 = arith.constant 0 : i32
      %dma_wait3A_243 = tpu.memref_slice %arg16[%add3A_51, %dma_wait3A_242] : memref<10112x72xf32, #tpu.memory_space<vmem_shared>> -> memref<128x72xf32, #tpu.memory_space<vmem_shared>>
      tpu.wait_dma2 semaphore(%run_scoped3A : memref<!tpu.dma_semaphore, #tpu.memory_space<semaphore_mem>>) src(%arg15 : memref<128x72xf32, #tpu.memory_space<vmem>>) dst(%dma_wait3A_243 : memref<128x72xf32, #tpu.memory_space<vmem_shared>>)
      tpu.yield
    }) : () -> ()
    %add3A_52 = arith.constant 256 : i32
    %add3A_53 = arith.addi %mul3A_47, %add3A_52 : i32
    "tpu.region"() ({
      %run_scoped3A = tpu.sem_alloc : memref<!tpu.dma_semaphore, #tpu.memory_space<semaphore_mem>>
      %dma_start3A_236 = arith.constant 0 : i32
      %dma_start3A_237 = tpu.memref_slice %arg16[%add3A_53, %dma_start3A_236] : memref<10112x72xf32, #tpu.memory_space<vmem_shared>> -> memref<128x72xf32, #tpu.memory_space<vmem_shared>>
      %dma_start3A_238 = arith.constant 0 : i32
      %dma_start3A_239 = tpu.memref_slice %arg16[%add3A_53, %dma_start3A_238] : memref<10112x72xf32, #tpu.memory_space<vmem_shared>> -> memref<128x72xf32, #tpu.memory_space<vmem_shared>>
      tpu.enqueue_dma source(%arg15 : memref<128x72xf32, #tpu.memory_space<vmem>>) target(%dma_start3A_239 : memref<128x72xf32, #tpu.memory_space<vmem_shared>>) target_semaphore(%run_scoped3A : memref<!tpu.dma_semaphore, #tpu.memory_space<semaphore_mem>>)
      %dma_wait3A_240 = arith.constant 0 : i32
      %dma_wait3A_241 = tpu.memref_slice %arg16[%add3A_53, %dma_wait3A_240] : memref<10112x72xf32, #tpu.memory_space<vmem_shared>> -> memref<128x72xf32, #tpu.memory_space<vmem_shared>>
      %dma_wait3A_242 = arith.constant 0 : i32
      %dma_wait3A_243 = tpu.memref_slice %arg16[%add3A_53, %dma_wait3A_242] : memref<10112x72xf32, #tpu.memory_space<vmem_shared>> -> memref<128x72xf32, #tpu.memory_space<vmem_shared>>
      tpu.wait_dma2 semaphore(%run_scoped3A : memref<!tpu.dma_semaphore, #tpu.memory_space<semaphore_mem>>) src(%arg15 : memref<128x72xf32, #tpu.memory_space<vmem>>) dst(%dma_wait3A_243 : memref<128x72xf32, #tpu.memory_space<vmem_shared>>)
      tpu.yield
    }) : () -> ()
    %add3A_54 = arith.constant 384 : i32
    %add3A_55 = arith.addi %mul3A_47, %add3A_54 : i32
    "tpu.region"() ({
      %run_scoped3A = tpu.sem_alloc : memref<!tpu.dma_semaphore, #tpu.memory_space<semaphore_mem>>
      %dma_start3A_236 = arith.constant 0 : i32
      %dma_start3A_237 = tpu.memref_slice %arg16[%add3A_55, %dma_start3A_236] : memref<10112x72xf32, #tpu.memory_space<vmem_shared>> -> memref<128x72xf32, #tpu.memory_space<vmem_shared>>
      %dma_start3A_238 = arith.constant 0 : i32
      %dma_start3A_239 = tpu.memref_slice %arg16[%add3A_55, %dma_start3A_238] : memref<10112x72xf32, #tpu.memory_space<vmem_shared>> -> memref<128x72xf32, #tpu.memory_space<vmem_shared>>
      tpu.enqueue_dma source(%arg15 : memref<128x72xf32, #tpu.memory_space<vmem>>) target(%dma_start3A_239 : memref<128x72xf32, #tpu.memory_space<vmem_shared>>) target_semaphore(%run_scoped3A : memref<!tpu.dma_semaphore, #tpu.memory_space<semaphore_mem>>)
      %dma_wait3A_240 = arith.constant 0 : i32
      %dma_wait3A_241 = tpu.memref_slice %arg16[%add3A_55, %dma_wait3A_240] : memref<10112x72xf32, #tpu.memory_space<vmem_shared>> -> memref<128x72xf32, #tpu.memory_space<vmem_shared>>
      %dma_wait3A_242 = arith.constant 0 : i32
      %dma_wait3A_243 = tpu.memref_slice %arg16[%add3A_55, %dma_wait3A_242] : memref<10112x72xf32, #tpu.memory_space<vmem_shared>> -> memref<128x72xf32, #tpu.memory_space<vmem_shared>>
      tpu.wait_dma2 semaphore(%run_scoped3A : memref<!tpu.dma_semaphore, #tpu.memory_space<semaphore_mem>>) src(%arg15 : memref<128x72xf32, #tpu.memory_space<vmem>>) dst(%dma_wait3A_243 : memref<128x72xf32, #tpu.memory_space<vmem_shared>>)
      tpu.yield
    }) : () -> ()
    %add3A_56 = arith.constant 512 : i32
    %add3A_57 = arith.addi %mul3A_47, %add3A_56 : i32
    "tpu.region"() ({
      %run_scoped3A = tpu.sem_alloc : memref<!tpu.dma_semaphore, #tpu.memory_space<semaphore_mem>>
      %dma_start3A_236 = arith.constant 0 : i32
      %dma_start3A_237 = arith.constant 0 : i32
      %dma_start3A_238 = tpu.memref_slice %arg15[%dma_start3A_236, %dma_start3A_237] : memref<128x72xf32, #tpu.memory_space<vmem>> -> memref<120x72xf32, #tpu.memory_space<vmem>>
      %dma_start3A_239 = arith.constant 0 : i32
      %dma_start3A_240 = tpu.memref_slice %arg16[%add3A_57, %dma_start3A_239] : memref<10112x72xf32, #tpu.memory_space<vmem_shared>> -> memref<120x72xf32, #tpu.memory_space<vmem_shared>>
      %dma_start3A_241 = arith.constant 0 : i32
      %dma_start3A_242 = tpu.memref_slice %arg16[%add3A_57, %dma_start3A_241] : memref<10112x72xf32, #tpu.memory_space<vmem_shared>> -> memref<120x72xf32, #tpu.memory_space<vmem_shared>>
      %dma_start3A_243 = arith.constant 0 : i32
      %dma_start3A_244 = arith.constant 0 : i32
      %dma_start3A_245 = tpu.memref_slice %arg15[%dma_start3A_243, %dma_start3A_244] : memref<128x72xf32, #tpu.memory_space<vmem>> -> memref<120x72xf32, #tpu.memory_space<vmem>>
      tpu.enqueue_dma source(%dma_start3A_245 : memref<120x72xf32, #tpu.memory_space<vmem>>) target(%dma_start3A_242 : memref<120x72xf32, #tpu.memory_space<vmem_shared>>) target_semaphore(%run_scoped3A : memref<!tpu.dma_semaphore, #tpu.memory_space<semaphore_mem>>)
      %dma_wait3A_246 = arith.constant 0 : i32
      %dma_wait3A_247 = arith.constant 0 : i32
      %dma_wait3A_248 = tpu.memref_slice %arg15[%dma_wait3A_246, %dma_wait3A_247] : memref<128x72xf32, #tpu.memory_space<vmem>> -> memref<120x72xf32, #tpu.memory_space<vmem>>
      %dma_wait3A_249 = arith.constant 0 : i32
      %dma_wait3A_250 = tpu.memref_slice %arg16[%add3A_57, %dma_wait3A_249] : memref<10112x72xf32, #tpu.memory_space<vmem_shared>> -> memref<120x72xf32, #tpu.memory_space<vmem_shared>>
      %dma_wait3A_251 = arith.constant 0 : i32
      %dma_wait3A_252 = tpu.memref_slice %arg16[%add3A_57, %dma_wait3A_251] : memref<10112x72xf32, #tpu.memory_space<vmem_shared>> -> memref<120x72xf32, #tpu.memory_space<vmem_shared>>
      %dma_wait3A_253 = arith.constant 0 : i32
      %dma_wait3A_254 = arith.constant 0 : i32
      %dma_wait3A_255 = tpu.memref_slice %arg15[%dma_wait3A_253, %dma_wait3A_254] : memref<128x72xf32, #tpu.memory_space<vmem>> -> memref<120x72xf32, #tpu.memory_space<vmem>>
      tpu.wait_dma2 semaphore(%run_scoped3A : memref<!tpu.dma_semaphore, #tpu.memory_space<semaphore_mem>>) src(%dma_wait3A_255 : memref<120x72xf32, #tpu.memory_space<vmem>>) dst(%dma_wait3A_252 : memref<120x72xf32, #tpu.memory_space<vmem_shared>>)
      tpu.yield
    }) : () -> ()
    %broadcast_in_dim3A_58 = arith.constant 0 : i32
    %broadcast_in_dim3A_59 = vector.broadcast %broadcast_in_dim3A_58 : i32 to vector<16xi32>
    %swap3A = arith.constant 80 : i32
    %swap3A_60 = arith.index_cast %swap3A : i32 to index
    %swap3A_61 = arith.constant 0 : index
    %swap3A_62 = tpu.vector_load %arg7[%swap3A_60, %swap3A_61] {strides = array<i32>} : memref<82x128xi32, #tpu.memory_space<vmem>>, vector<16xi32>,
    tpu.vector_store %arg7[%swap3A_60, %swap3A_61], %broadcast_in_dim3A_59 {strides = array<i32>} : memref<82x128xi32, #tpu.memory_space<vmem>>, vector<16xi32>,
    %swap3A_63 = arith.constant 80 : i32
    %swap3A_64 = arith.index_cast %swap3A_63 : i32 to index
    %swap3A_65 = arith.constant 0 : index
    %swap3A_66 = tpu.vector_load %arg8[%swap3A_64, %swap3A_65] {strides = array<i32>} : memref<82x128xi32, #tpu.memory_space<vmem>>, vector<16xi32>,
    tpu.vector_store %arg8[%swap3A_64, %swap3A_65], %broadcast_in_dim3A_59 {strides = array<i32>} : memref<82x128xi32, #tpu.memory_space<vmem>>, vector<16xi32>,
    %swap3A_67 = arith.constant 80 : i32
    %swap3A_68 = arith.index_cast %swap3A_67 : i32 to index
    %swap3A_69 = arith.constant 16 : index
    %swap3A_70 = tpu.vector_load %arg7[%swap3A_68, %swap3A_69] {strides = array<i32>} : memref<82x128xi32, #tpu.memory_space<vmem>>, vector<16xi32>,
    tpu.vector_store %arg7[%swap3A_68, %swap3A_69], %broadcast_in_dim3A_59 {strides = array<i32>} : memref<82x128xi32, #tpu.memory_space<vmem>>, vector<16xi32>,
    %swap3A_71 = arith.constant 80 : i32
    %swap3A_72 = arith.index_cast %swap3A_71 : i32 to index
    %swap3A_73 = arith.constant 16 : index
    %swap3A_74 = tpu.vector_load %arg8[%swap3A_72, %swap3A_73] {strides = array<i32>} : memref<82x128xi32, #tpu.memory_space<vmem>>, vector<16xi32>,
    tpu.vector_store %arg8[%swap3A_72, %swap3A_73], %broadcast_in_dim3A_59 {strides = array<i32>} : memref<82x128xi32, #tpu.memory_space<vmem>>, vector<16xi32>,
    %swap3A_75 = arith.constant 80 : i32
    %swap3A_76 = arith.index_cast %swap3A_75 : i32 to index
    %swap3A_77 = arith.constant 32 : index
    %swap3A_78 = tpu.vector_load %arg7[%swap3A_76, %swap3A_77] {strides = array<i32>} : memref<82x128xi32, #tpu.memory_space<vmem>>, vector<16xi32>,
    tpu.vector_store %arg7[%swap3A_76, %swap3A_77], %broadcast_in_dim3A_59 {strides = array<i32>} : memref<82x128xi32, #tpu.memory_space<vmem>>, vector<16xi32>,
    %swap3A_79 = arith.constant 80 : i32
    %swap3A_80 = arith.index_cast %swap3A_79 : i32 to index
    %swap3A_81 = arith.constant 32 : index
    %swap3A_82 = tpu.vector_load %arg8[%swap3A_80, %swap3A_81] {strides = array<i32>} : memref<82x128xi32, #tpu.memory_space<vmem>>, vector<16xi32>,
    tpu.vector_store %arg8[%swap3A_80, %swap3A_81], %broadcast_in_dim3A_59 {strides = array<i32>} : memref<82x128xi32, #tpu.memory_space<vmem>>, vector<16xi32>,
    %swap3A_83 = arith.constant 80 : i32
    %swap3A_84 = arith.index_cast %swap3A_83 : i32 to index
    %swap3A_85 = arith.constant 48 : index
    %swap3A_86 = tpu.vector_load %arg7[%swap3A_84, %swap3A_85] {strides = array<i32>} : memref<82x128xi32, #tpu.memory_space<vmem>>, vector<16xi32>,
    tpu.vector_store %arg7[%swap3A_84, %swap3A_85], %broadcast_in_dim3A_59 {strides = array<i32>} : memref<82x128xi32, #tpu.memory_space<vmem>>, vector<16xi32>,
    %swap3A_87 = arith.constant 80 : i32
    %swap3A_88 = arith.index_cast %swap3A_87 : i32 to index
    %swap3A_89 = arith.constant 48 : index
    %swap3A_90 = tpu.vector_load %arg8[%swap3A_88, %swap3A_89] {strides = array<i32>} : memref<82x128xi32, #tpu.memory_space<vmem>>, vector<16xi32>,
    tpu.vector_store %arg8[%swap3A_88, %swap3A_89], %broadcast_in_dim3A_59 {strides = array<i32>} : memref<82x128xi32, #tpu.memory_space<vmem>>, vector<16xi32>,
    %swap3A_91 = arith.constant 80 : i32
    %swap3A_92 = arith.index_cast %swap3A_91 : i32 to index
    %swap3A_93 = arith.constant 64 : index
    %swap3A_94 = tpu.vector_load %arg7[%swap3A_92, %swap3A_93] {strides = array<i32>} : memref<82x128xi32, #tpu.memory_space<vmem>>, vector<16xi32>,
    tpu.vector_store %arg7[%swap3A_92, %swap3A_93], %broadcast_in_dim3A_59 {strides = array<i32>} : memref<82x128xi32, #tpu.memory_space<vmem>>, vector<16xi32>,
    %swap3A_95 = arith.constant 80 : i32
    %swap3A_96 = arith.index_cast %swap3A_95 : i32 to index
    %swap3A_97 = arith.constant 64 : index
    %swap3A_98 = tpu.vector_load %arg8[%swap3A_96, %swap3A_97] {strides = array<i32>} : memref<82x128xi32, #tpu.memory_space<vmem>>, vector<16xi32>,
    tpu.vector_store %arg8[%swap3A_96, %swap3A_97], %broadcast_in_dim3A_59 {strides = array<i32>} : memref<82x128xi32, #tpu.memory_space<vmem>>, vector<16xi32>,
    %swap3A_99 = arith.constant 80 : i32
    %swap3A_100 = arith.index_cast %swap3A_99 : i32 to index
    %swap3A_101 = arith.constant 80 : index
    %swap3A_102 = tpu.vector_load %arg7[%swap3A_100, %swap3A_101] {strides = array<i32>} : memref<82x128xi32, #tpu.memory_space<vmem>>, vector<16xi32>,
    tpu.vector_store %arg7[%swap3A_100, %swap3A_101], %broadcast_in_dim3A_59 {strides = array<i32>} : memref<82x128xi32, #tpu.memory_space<vmem>>, vector<16xi32>,
    %swap3A_103 = arith.constant 80 : i32
    %swap3A_104 = arith.index_cast %swap3A_103 : i32 to index
    %swap3A_105 = arith.constant 80 : index
    %swap3A_106 = tpu.vector_load %arg8[%swap3A_104, %swap3A_105] {strides = array<i32>} : memref<82x128xi32, #tpu.memory_space<vmem>>, vector<16xi32>,
    tpu.vector_store %arg8[%swap3A_104, %swap3A_105], %broadcast_in_dim3A_59 {strides = array<i32>} : memref<82x128xi32, #tpu.memory_space<vmem>>, vector<16xi32>,
    %swap3A_107 = arith.constant 80 : i32
    %swap3A_108 = arith.index_cast %swap3A_107 : i32 to index
    %swap3A_109 = arith.constant 96 : index
    %swap3A_110 = tpu.vector_load %arg7[%swap3A_108, %swap3A_109] {strides = array<i32>} : memref<82x128xi32, #tpu.memory_space<vmem>>, vector<16xi32>,
    tpu.vector_store %arg7[%swap3A_108, %swap3A_109], %broadcast_in_dim3A_59 {strides = array<i32>} : memref<82x128xi32, #tpu.memory_space<vmem>>, vector<16xi32>,
    %swap3A_111 = arith.constant 80 : i32
    %swap3A_112 = arith.index_cast %swap3A_111 : i32 to index
    %swap3A_113 = arith.constant 96 : index
    %swap3A_114 = tpu.vector_load %arg8[%swap3A_112, %swap3A_113] {strides = array<i32>} : memref<82x128xi32, #tpu.memory_space<vmem>>, vector<16xi32>,
    tpu.vector_store %arg8[%swap3A_112, %swap3A_113], %broadcast_in_dim3A_59 {strides = array<i32>} : memref<82x128xi32, #tpu.memory_space<vmem>>, vector<16xi32>,
    %swap3A_115 = arith.constant 80 : i32
    %swap3A_116 = arith.index_cast %swap3A_115 : i32 to index
    %swap3A_117 = arith.constant 112 : index
    %swap3A_118 = tpu.vector_load %arg7[%swap3A_116, %swap3A_117] {strides = array<i32>} : memref<82x128xi32, #tpu.memory_space<vmem>>, vector<16xi32>,
    tpu.vector_store %arg7[%swap3A_116, %swap3A_117], %broadcast_in_dim3A_59 {strides = array<i32>} : memref<82x128xi32, #tpu.memory_space<vmem>>, vector<16xi32>,
    %swap3A_119 = arith.constant 80 : i32
    %swap3A_120 = arith.index_cast %swap3A_119 : i32 to index
    %swap3A_121 = arith.constant 112 : index
    %swap3A_122 = tpu.vector_load %arg8[%swap3A_120, %swap3A_121] {strides = array<i32>} : memref<82x128xi32, #tpu.memory_space<vmem>>, vector<16xi32>,
    tpu.vector_store %arg8[%swap3A_120, %swap3A_121], %broadcast_in_dim3A_59 {strides = array<i32>} : memref<82x128xi32, #tpu.memory_space<vmem>>, vector<16xi32>,
    %swap3A_123 = arith.constant 81 : i32
    %swap3A_124 = arith.index_cast %swap3A_123 : i32 to index
    %swap3A_125 = arith.constant 0 : index
    %swap3A_126 = tpu.vector_load %arg7[%swap3A_124, %swap3A_125] {strides = array<i32>} : memref<82x128xi32, #tpu.memory_space<vmem>>, vector<16xi32>,
    tpu.vector_store %arg7[%swap3A_124, %swap3A_125], %broadcast_in_dim3A_59 {strides = array<i32>} : memref<82x128xi32, #tpu.memory_space<vmem>>, vector<16xi32>,
    %swap3A_127 = arith.constant 81 : i32
    %swap3A_128 = arith.index_cast %swap3A_127 : i32 to index
    %swap3A_129 = arith.constant 0 : index
    %swap3A_130 = tpu.vector_load %arg8[%swap3A_128, %swap3A_129] {strides = array<i32>} : memref<82x128xi32, #tpu.memory_space<vmem>>, vector<16xi32>,
    tpu.vector_store %arg8[%swap3A_128, %swap3A_129], %broadcast_in_dim3A_59 {strides = array<i32>} : memref<82x128xi32, #tpu.memory_space<vmem>>, vector<16xi32>,
    %swap3A_131 = arith.constant 81 : i32
    %swap3A_132 = arith.index_cast %swap3A_131 : i32 to index
    %swap3A_133 = arith.constant 16 : index
    %swap3A_134 = tpu.vector_load %arg7[%swap3A_132, %swap3A_133] {strides = array<i32>} : memref<82x128xi32, #tpu.memory_space<vmem>>, vector<16xi32>,
    tpu.vector_store %arg7[%swap3A_132, %swap3A_133], %broadcast_in_dim3A_59 {strides = array<i32>} : memref<82x128xi32, #tpu.memory_space<vmem>>, vector<16xi32>,
    %swap3A_135 = arith.constant 81 : i32
    %swap3A_136 = arith.index_cast %swap3A_135 : i32 to index
    %swap3A_137 = arith.constant 16 : index
    %swap3A_138 = tpu.vector_load %arg8[%swap3A_136, %swap3A_137] {strides = array<i32>} : memref<82x128xi32, #tpu.memory_space<vmem>>, vector<16xi32>,
    tpu.vector_store %arg8[%swap3A_136, %swap3A_137], %broadcast_in_dim3A_59 {strides = array<i32>} : memref<82x128xi32, #tpu.memory_space<vmem>>, vector<16xi32>,
    %swap3A_139 = arith.constant 81 : i32
    %swap3A_140 = arith.index_cast %swap3A_139 : i32 to index
    %swap3A_141 = arith.constant 32 : index
    %swap3A_142 = tpu.vector_load %arg7[%swap3A_140, %swap3A_141] {strides = array<i32>} : memref<82x128xi32, #tpu.memory_space<vmem>>, vector<16xi32>,
    tpu.vector_store %arg7[%swap3A_140, %swap3A_141], %broadcast_in_dim3A_59 {strides = array<i32>} : memref<82x128xi32, #tpu.memory_space<vmem>>, vector<16xi32>,
    %swap3A_143 = arith.constant 81 : i32
    %swap3A_144 = arith.index_cast %swap3A_143 : i32 to index
    %swap3A_145 = arith.constant 32 : index
    %swap3A_146 = tpu.vector_load %arg8[%swap3A_144, %swap3A_145] {strides = array<i32>} : memref<82x128xi32, #tpu.memory_space<vmem>>, vector<16xi32>,
    tpu.vector_store %arg8[%swap3A_144, %swap3A_145], %broadcast_in_dim3A_59 {strides = array<i32>} : memref<82x128xi32, #tpu.memory_space<vmem>>, vector<16xi32>,
    %swap3A_147 = arith.constant 81 : i32
    %swap3A_148 = arith.index_cast %swap3A_147 : i32 to index
    %swap3A_149 = arith.constant 48 : index
    %swap3A_150 = tpu.vector_load %arg7[%swap3A_148, %swap3A_149] {strides = array<i32>} : memref<82x128xi32, #tpu.memory_space<vmem>>, vector<16xi32>,
    tpu.vector_store %arg7[%swap3A_148, %swap3A_149], %broadcast_in_dim3A_59 {strides = array<i32>} : memref<82x128xi32, #tpu.memory_space<vmem>>, vector<16xi32>,
    %swap3A_151 = arith.constant 81 : i32
    %swap3A_152 = arith.index_cast %swap3A_151 : i32 to index
    %swap3A_153 = arith.constant 48 : index
    %swap3A_154 = tpu.vector_load %arg8[%swap3A_152, %swap3A_153] {strides = array<i32>} : memref<82x128xi32, #tpu.memory_space<vmem>>, vector<16xi32>,
    tpu.vector_store %arg8[%swap3A_152, %swap3A_153], %broadcast_in_dim3A_59 {strides = array<i32>} : memref<82x128xi32, #tpu.memory_space<vmem>>, vector<16xi32>,
    %swap3A_155 = arith.constant 81 : i32
    %swap3A_156 = arith.index_cast %swap3A_155 : i32 to index
    %swap3A_157 = arith.constant 64 : index
    %swap3A_158 = tpu.vector_load %arg7[%swap3A_156, %swap3A_157] {strides = array<i32>} : memref<82x128xi32, #tpu.memory_space<vmem>>, vector<16xi32>,
    tpu.vector_store %arg7[%swap3A_156, %swap3A_157], %broadcast_in_dim3A_59 {strides = array<i32>} : memref<82x128xi32, #tpu.memory_space<vmem>>, vector<16xi32>,
    %swap3A_159 = arith.constant 81 : i32
    %swap3A_160 = arith.index_cast %swap3A_159 : i32 to index
    %swap3A_161 = arith.constant 64 : index
    %swap3A_162 = tpu.vector_load %arg8[%swap3A_160, %swap3A_161] {strides = array<i32>} : memref<82x128xi32, #tpu.memory_space<vmem>>, vector<16xi32>,
    tpu.vector_store %arg8[%swap3A_160, %swap3A_161], %broadcast_in_dim3A_59 {strides = array<i32>} : memref<82x128xi32, #tpu.memory_space<vmem>>, vector<16xi32>,
    %swap3A_163 = arith.constant 81 : i32
    %swap3A_164 = arith.index_cast %swap3A_163 : i32 to index
    %swap3A_165 = arith.constant 80 : index
    %swap3A_166 = tpu.vector_load %arg7[%swap3A_164, %swap3A_165] {strides = array<i32>} : memref<82x128xi32, #tpu.memory_space<vmem>>, vector<16xi32>,
    tpu.vector_store %arg7[%swap3A_164, %swap3A_165], %broadcast_in_dim3A_59 {strides = array<i32>} : memref<82x128xi32, #tpu.memory_space<vmem>>, vector<16xi32>,
    %swap3A_167 = arith.constant 81 : i32
    %swap3A_168 = arith.index_cast %swap3A_167 : i32 to index
    %swap3A_169 = arith.constant 80 : index
    %swap3A_170 = tpu.vector_load %arg8[%swap3A_168, %swap3A_169] {strides = array<i32>} : memref<82x128xi32, #tpu.memory_space<vmem>>, vector<16xi32>,
    tpu.vector_store %arg8[%swap3A_168, %swap3A_169], %broadcast_in_dim3A_59 {strides = array<i32>} : memref<82x128xi32, #tpu.memory_space<vmem>>, vector<16xi32>,
    %swap3A_171 = arith.constant 81 : i32
    %swap3A_172 = arith.index_cast %swap3A_171 : i32 to index
    %swap3A_173 = arith.constant 96 : index
    %swap3A_174 = tpu.vector_load %arg7[%swap3A_172, %swap3A_173] {strides = array<i32>} : memref<82x128xi32, #tpu.memory_space<vmem>>, vector<16xi32>,
    tpu.vector_store %arg7[%swap3A_172, %swap3A_173], %broadcast_in_dim3A_59 {strides = array<i32>} : memref<82x128xi32, #tpu.memory_space<vmem>>, vector<16xi32>,
    %swap3A_175 = arith.constant 81 : i32
    %swap3A_176 = arith.index_cast %swap3A_175 : i32 to index
    %swap3A_177 = arith.constant 96 : index
    %swap3A_178 = tpu.vector_load %arg8[%swap3A_176, %swap3A_177] {strides = array<i32>} : memref<82x128xi32, #tpu.memory_space<vmem>>, vector<16xi32>,
    tpu.vector_store %arg8[%swap3A_176, %swap3A_177], %broadcast_in_dim3A_59 {strides = array<i32>} : memref<82x128xi32, #tpu.memory_space<vmem>>, vector<16xi32>,
    %swap3A_179 = arith.constant 81 : i32
    %swap3A_180 = arith.index_cast %swap3A_179 : i32 to index
    %swap3A_181 = arith.constant 112 : index
    %swap3A_182 = tpu.vector_load %arg7[%swap3A_180, %swap3A_181] {strides = array<i32>} : memref<82x128xi32, #tpu.memory_space<vmem>>, vector<16xi32>,
    tpu.vector_store %arg7[%swap3A_180, %swap3A_181], %broadcast_in_dim3A_59 {strides = array<i32>} : memref<82x128xi32, #tpu.memory_space<vmem>>, vector<16xi32>,
    %swap3A_183 = arith.constant 81 : i32
    %swap3A_184 = arith.index_cast %swap3A_183 : i32 to index
    %swap3A_185 = arith.constant 112 : index
    %swap3A_186 = tpu.vector_load %arg8[%swap3A_184, %swap3A_185] {strides = array<i32>} : memref<82x128xi32, #tpu.memory_space<vmem>>, vector<16xi32>,
    tpu.vector_store %arg8[%swap3A_184, %swap3A_185], %broadcast_in_dim3A_59 {strides = array<i32>} : memref<82x128xi32, #tpu.memory_space<vmem>>, vector<16xi32>,
    %barrier3A = arith.constant 0 : index
    tpu.barrier barrier_id(%barrier3A)
    "tpu.region"() ({
      %run_scoped3A = tpu.sem_alloc : memref<!tpu.dma_semaphore, #tpu.memory_space<semaphore_mem>>
      %dma_start3A_236 = arith.constant 0 : i32
      %dma_start3A_237 = arith.constant 0 : i32
      %dma_start3A_238 = tpu.memref_slice %arg7[%dma_start3A_236, %dma_start3A_237] : memref<82x128xi32, #tpu.memory_space<vmem>> -> memref<80x128xi32, #tpu.memory_space<vmem>>
      %dma_start3A_239 = arith.constant 0 : i32
      %dma_start3A_240 = arith.constant 0 : i32
      %dma_start3A_241 = tpu.memref_slice %arg2[%add3A, %dma_start3A_239, %dma_start3A_240] : memref<32x80x128xi32, #tpu.memory_space<hbm>> -> memref<1x80x128xi32, #tpu.memory_space<hbm>>
      %dma_start3A_242 = tpu.memref_squeeze %dma_start3A_241 : memref<1x80x128xi32, #tpu.memory_space<hbm>> -> memref<80x128xi32, #tpu.memory_space<hbm>>
      %dma_start3A_243 = arith.constant 0 : i32
      %dma_start3A_244 = arith.constant 0 : i32
      %dma_start3A_245 = tpu.memref_slice %arg7[%dma_start3A_243, %dma_start3A_244] : memref<82x128xi32, #tpu.memory_space<vmem>> -> memref<80x128xi32, #tpu.memory_space<vmem>>
      %dma_start3A_246 = arith.constant 0 : i32
      %dma_start3A_247 = arith.constant 0 : i32
      %dma_start3A_248 = tpu.memref_slice %arg2[%add3A, %dma_start3A_246, %dma_start3A_247] : memref<32x80x128xi32, #tpu.memory_space<hbm>> -> memref<1x80x128xi32, #tpu.memory_space<hbm>>
      %dma_start3A_249 = tpu.memref_squeeze %dma_start3A_248 : memref<1x80x128xi32, #tpu.memory_space<hbm>> -> memref<80x128xi32, #tpu.memory_space<hbm>>
      tpu.enqueue_dma source(%dma_start3A_249 : memref<80x128xi32, #tpu.memory_space<hbm>>) target(%dma_start3A_245 : memref<80x128xi32, #tpu.memory_space<vmem>>) target_semaphore(%run_scoped3A : memref<!tpu.dma_semaphore, #tpu.memory_space<semaphore_mem>>)
      %dma_wait3A_250 = arith.constant 0 : i32
      %dma_wait3A_251 = arith.constant 0 : i32
      %dma_wait3A_252 = tpu.memref_slice %arg7[%dma_wait3A_250, %dma_wait3A_251] : memref<82x128xi32, #tpu.memory_space<vmem>> -> memref<80x128xi32, #tpu.memory_space<vmem>>
      %dma_wait3A_253 = arith.constant 0 : i32
      %dma_wait3A_254 = arith.constant 0 : i32
      %dma_wait3A_255 = tpu.memref_slice %arg2[%add3A, %dma_wait3A_253, %dma_wait3A_254] : memref<32x80x128xi32, #tpu.memory_space<hbm>> -> memref<1x80x128xi32, #tpu.memory_space<hbm>>
      %dma_wait3A_256 = tpu.memref_squeeze %dma_wait3A_255 : memref<1x80x128xi32, #tpu.memory_space<hbm>> -> memref<80x128xi32, #tpu.memory_space<hbm>>
      %dma_wait3A_257 = arith.constant 0 : i32
      %dma_wait3A_258 = arith.constant 0 : i32
      %dma_wait3A_259 = tpu.memref_slice %arg7[%dma_wait3A_257, %dma_wait3A_258] : memref<82x128xi32, #tpu.memory_space<vmem>> -> memref<80x128xi32, #tpu.memory_space<vmem>>
      %dma_wait3A_260 = arith.constant 0 : i32
      %dma_wait3A_261 = arith.constant 0 : i32
      %dma_wait3A_262 = tpu.memref_slice %arg2[%add3A, %dma_wait3A_260, %dma_wait3A_261] : memref<32x80x128xi32, #tpu.memory_space<hbm>> -> memref<1x80x128xi32, #tpu.memory_space<hbm>>
      %dma_wait3A_263 = tpu.memref_squeeze %dma_wait3A_262 : memref<1x80x128xi32, #tpu.memory_space<hbm>> -> memref<80x128xi32, #tpu.memory_space<hbm>>
      tpu.wait_dma2 semaphore(%run_scoped3A : memref<!tpu.dma_semaphore, #tpu.memory_space<semaphore_mem>>) src(%dma_wait3A_263 : memref<80x128xi32, #tpu.memory_space<hbm>>) dst(%dma_wait3A_259 : memref<80x128xi32, #tpu.memory_space<vmem>>)
      tpu.yield
    }) : () -> ()
    "tpu.region"() ({
      %run_scoped3A = tpu.sem_alloc : memref<!tpu.dma_semaphore, #tpu.memory_space<semaphore_mem>>
      %dma_start3A_236 = arith.constant 0 : i32
      %dma_start3A_237 = arith.constant 0 : i32
      %dma_start3A_238 = tpu.memref_slice %arg8[%dma_start3A_236, %dma_start3A_237] : memref<82x128xi32, #tpu.memory_space<vmem>> -> memref<80x128xi32, #tpu.memory_space<vmem>>
      %dma_start3A_239 = arith.constant 0 : i32
      %dma_start3A_240 = arith.constant 0 : i32
      %dma_start3A_241 = tpu.memref_slice %arg3[%add3A, %dma_start3A_239, %dma_start3A_240] : memref<32x80x128xi32, #tpu.memory_space<hbm>> -> memref<1x80x128xi32, #tpu.memory_space<hbm>>
      %dma_start3A_242 = tpu.memref_squeeze %dma_start3A_241 : memref<1x80x128xi32, #tpu.memory_space<hbm>> -> memref<80x128xi32, #tpu.memory_space<hbm>>
      %dma_start3A_243 = arith.constant 0 : i32
      %dma_start3A_244 = arith.constant 0 : i32
      %dma_start3A_245 = tpu.memref_slice %arg8[%dma_start3A_243, %dma_start3A_244] : memref<82x128xi32, #tpu.memory_space<vmem>> -> memref<80x128xi32, #tpu.memory_space<vmem>>
      %dma_start3A_246 = arith.constant 0 : i32
      %dma_start3A_247 = arith.constant 0 : i32
      %dma_start3A_248 = tpu.memref_slice %arg3[%add3A, %dma_start3A_246, %dma_start3A_247] : memref<32x80x128xi32, #tpu.memory_space<hbm>> -> memref<1x80x128xi32, #tpu.memory_space<hbm>>
      %dma_start3A_249 = tpu.memref_squeeze %dma_start3A_248 : memref<1x80x128xi32, #tpu.memory_space<hbm>> -> memref<80x128xi32, #tpu.memory_space<hbm>>
      tpu.enqueue_dma source(%dma_start3A_249 : memref<80x128xi32, #tpu.memory_space<hbm>>) target(%dma_start3A_245 : memref<80x128xi32, #tpu.memory_space<vmem>>) target_semaphore(%run_scoped3A : memref<!tpu.dma_semaphore, #tpu.memory_space<semaphore_mem>>)
      %dma_wait3A_250 = arith.constant 0 : i32
      %dma_wait3A_251 = arith.constant 0 : i32
      %dma_wait3A_252 = tpu.memref_slice %arg8[%dma_wait3A_250, %dma_wait3A_251] : memref<82x128xi32, #tpu.memory_space<vmem>> -> memref<80x128xi32, #tpu.memory_space<vmem>>
      %dma_wait3A_253 = arith.constant 0 : i32
      %dma_wait3A_254 = arith.constant 0 : i32
      %dma_wait3A_255 = tpu.memref_slice %arg3[%add3A, %dma_wait3A_253, %dma_wait3A_254] : memref<32x80x128xi32, #tpu.memory_space<hbm>> -> memref<1x80x128xi32, #tpu.memory_space<hbm>>
      %dma_wait3A_256 = tpu.memref_squeeze %dma_wait3A_255 : memref<1x80x128xi32, #tpu.memory_space<hbm>> -> memref<80x128xi32, #tpu.memory_space<hbm>>
      %dma_wait3A_257 = arith.constant 0 : i32
      %dma_wait3A_258 = arith.constant 0 : i32
      %dma_wait3A_259 = tpu.memref_slice %arg8[%dma_wait3A_257, %dma_wait3A_258] : memref<82x128xi32, #tpu.memory_space<vmem>> -> memref<80x128xi32, #tpu.memory_space<vmem>>
      %dma_wait3A_260 = arith.constant 0 : i32
      %dma_wait3A_261 = arith.constant 0 : i32
      %dma_wait3A_262 = tpu.memref_slice %arg3[%add3A, %dma_wait3A_260, %dma_wait3A_261] : memref<32x80x128xi32, #tpu.memory_space<hbm>> -> memref<1x80x128xi32, #tpu.memory_space<hbm>>
      %dma_wait3A_263 = tpu.memref_squeeze %dma_wait3A_262 : memref<1x80x128xi32, #tpu.memory_space<hbm>> -> memref<80x128xi32, #tpu.memory_space<hbm>>
      tpu.wait_dma2 semaphore(%run_scoped3A : memref<!tpu.dma_semaphore, #tpu.memory_space<semaphore_mem>>) src(%dma_wait3A_263 : memref<80x128xi32, #tpu.memory_space<hbm>>) dst(%dma_wait3A_259 : memref<80x128xi32, #tpu.memory_space<vmem>>)
      tpu.yield
    }) : () -> ()
    %dma_start3A = arith.constant 0 : i32
    %dma_start3A_187 = arith.constant 0 : i32
    %dma_start3A_188 = tpu.memref_slice %arg7[%dma_start3A, %dma_start3A_187] : memref<82x128xi32, #tpu.memory_space<vmem>> -> memref<1x128xi32, #tpu.memory_space<vmem>>
    %dma_start3A_189 = tpu.memref_squeeze %dma_start3A_188 : memref<1x128xi32, #tpu.memory_space<vmem>> -> memref<128xi32, #tpu.memory_space<vmem>>
    %dma_start3A_190 = arith.constant 0 : i32
    %dma_start3A_191 = arith.constant 0 : i32
    %dma_start3A_192 = tpu.memref_slice %arg4[%dma_start3A_190, %dma_start3A_191] : memref<10016x64xbf16, #tpu.memory_space<hbm>> -> memref<10016x64xbf16, #tpu.memory_space<hbm>>
    tpu.enqueue_indirect_dma source(%dma_start3A_192 : memref<10016x64xbf16, #tpu.memory_space<hbm>>) target(%arg9 : memref<128x64xbf16, #tpu.memory_space<vmem>>) offsets(%dma_start3A_189 : memref<128xi32, #tpu.memory_space<vmem>>) semaphore(%arg17 : memref<!tpu.dma_semaphore, #tpu.memory_space<semaphore_mem>>)
    %dma_start3A_193 = arith.constant 0 : i32
    %dma_start3A_194 = arith.constant 0 : i32
    %dma_start3A_195 = tpu.memref_slice %arg7[%dma_start3A_193, %dma_start3A_194] : memref<82x128xi32, #tpu.memory_space<vmem>> -> memref<1x128xi32, #tpu.memory_space<vmem>>
    %dma_start3A_196 = tpu.memref_squeeze %dma_start3A_195 : memref<1x128xi32, #tpu.memory_space<vmem>> -> memref<128xi32, #tpu.memory_space<vmem>>
    %dma_start3A_197 = arith.constant 0 : i32
    %dma_start3A_198 = arith.constant 0 : i32
    %dma_start3A_199 = tpu.memref_slice %arg5[%dma_start3A_197, %dma_start3A_198] : memref<10016x16xf32, #tpu.memory_space<hbm>> -> memref<10016x16xf32, #tpu.memory_space<hbm>>
    tpu.enqueue_indirect_dma source(%dma_start3A_199 : memref<10016x16xf32, #tpu.memory_space<hbm>>) target(%arg11 : memref<128x16xf32, #tpu.memory_space<vmem>>) offsets(%dma_start3A_196 : memref<128xi32, #tpu.memory_space<vmem>>) semaphore(%arg17 : memref<!tpu.dma_semaphore, #tpu.memory_space<semaphore_mem>>)
    %dma_start3A_200 = arith.constant 0 : i32
    %dma_start3A_201 = arith.constant 0 : i32
    %dma_start3A_202 = tpu.memref_slice %arg8[%dma_start3A_200, %dma_start3A_201] : memref<82x128xi32, #tpu.memory_space<vmem>> -> memref<1x128xi32, #tpu.memory_space<vmem>>
    %dma_start3A_203 = tpu.memref_squeeze %dma_start3A_202 : memref<1x128xi32, #tpu.memory_space<vmem>> -> memref<128xi32, #tpu.memory_space<vmem>>
    %dma_start3A_204 = arith.constant 0 : i32
    %dma_start3A_205 = arith.constant 0 : i32
    %dma_start3A_206 = tpu.memref_slice %arg5[%dma_start3A_204, %dma_start3A_205] : memref<10016x16xf32, #tpu.memory_space<hbm>> -> memref<10016x16xf32, #tpu.memory_space<hbm>>
    tpu.enqueue_indirect_dma source(%dma_start3A_206 : memref<10016x16xf32, #tpu.memory_space<hbm>>) target(%arg13 : memref<128x16xf32, #tpu.memory_space<vmem>>) offsets(%dma_start3A_203 : memref<128xi32, #tpu.memory_space<vmem>>) semaphore(%arg17 : memref<!tpu.dma_semaphore, #tpu.memory_space<semaphore_mem>>)
    %scan3A_207 = arith.constant 0 : i32
    %scan3A_208 = arith.constant 0 : i32
    %scan3A_209 = arith.constant 40 : i32
    %scan3A_210 = arith.addi %scan3A_208, %scan3A_209 : i32
    %scan3A_211 = arith.constant 1 : i32
    scf.for %scan3A_236 = %scan3A_208 to %scan3A_210 step %scan3A_211  : i32 {
      %mul3A_237 = arith.constant 2 : i32
      %mul3A_238 = arith.muli %mul3A_237, %scan3A_236 : i32
      %mul3A_239 = arith.constant 2 : i32
      %mul3A_240 = arith.muli %mul3A_239, %scan3A_236 : i32
      %add3A_241 = arith.constant 1 : i32
      %add3A_242 = arith.addi %mul3A_240, %add3A_241 : i32
      %dma_wait3A_243 = arith.constant 0 : i32
      %dma_wait3A_244 = tpu.memref_slice %arg7[%mul3A_238, %dma_wait3A_243] : memref<82x128xi32, #tpu.memory_space<vmem>> -> memref<1x128xi32, #tpu.memory_space<vmem>>
      %dma_wait3A_245 = tpu.memref_squeeze %dma_wait3A_244 : memref<1x128xi32, #tpu.memory_space<vmem>> -> memref<128xi32, #tpu.memory_space<vmem>>
      %dma_wait3A_246 = arith.constant 0 : i32
      %dma_wait3A_247 = arith.constant 0 : i32
      %dma_wait3A_248 = tpu.memref_slice %arg4[%dma_wait3A_246, %dma_wait3A_247] : memref<10016x64xbf16, #tpu.memory_space<hbm>> -> memref<10016x64xbf16, #tpu.memory_space<hbm>>
      tpu.wait_indirect_dma semaphore(%arg17 : memref<!tpu.dma_semaphore, #tpu.memory_space<semaphore_mem>>) src(%dma_wait3A_248 : memref<10016x64xbf16, #tpu.memory_space<hbm>>) dst(%arg9 : memref<128x64xbf16, #tpu.memory_space<vmem>>)
      %dma_wait3A_249 = arith.constant 0 : i32
      %dma_wait3A_250 = tpu.memref_slice %arg7[%mul3A_238, %dma_wait3A_249] : memref<82x128xi32, #tpu.memory_space<vmem>> -> memref<1x128xi32, #tpu.memory_space<vmem>>
      %dma_wait3A_251 = tpu.memref_squeeze %dma_wait3A_250 : memref<1x128xi32, #tpu.memory_space<vmem>> -> memref<128xi32, #tpu.memory_space<vmem>>
      %dma_wait3A_252 = arith.constant 0 : i32
      %dma_wait3A_253 = arith.constant 0 : i32
      %dma_wait3A_254 = tpu.memref_slice %arg5[%dma_wait3A_252, %dma_wait3A_253] : memref<10016x16xf32, #tpu.memory_space<hbm>> -> memref<10016x16xf32, #tpu.memory_space<hbm>>
      tpu.wait_indirect_dma semaphore(%arg17 : memref<!tpu.dma_semaphore, #tpu.memory_space<semaphore_mem>>) src(%dma_wait3A_254 : memref<10016x16xf32, #tpu.memory_space<hbm>>) dst(%arg11 : memref<128x16xf32, #tpu.memory_space<vmem>>)
      %dma_wait3A_255 = arith.constant 0 : i32
      %dma_wait3A_256 = tpu.memref_slice %arg8[%mul3A_238, %dma_wait3A_255] : memref<82x128xi32, #tpu.memory_space<vmem>> -> memref<1x128xi32, #tpu.memory_space<vmem>>
      %dma_wait3A_257 = tpu.memref_squeeze %dma_wait3A_256 : memref<1x128xi32, #tpu.memory_space<vmem>> -> memref<128xi32, #tpu.memory_space<vmem>>
      %dma_wait3A_258 = arith.constant 0 : i32
      %dma_wait3A_259 = arith.constant 0 : i32
      %dma_wait3A_260 = tpu.memref_slice %arg5[%dma_wait3A_258, %dma_wait3A_259] : memref<10016x16xf32, #tpu.memory_space<hbm>> -> memref<10016x16xf32, #tpu.memory_space<hbm>>
      tpu.wait_indirect_dma semaphore(%arg17 : memref<!tpu.dma_semaphore, #tpu.memory_space<semaphore_mem>>) src(%dma_wait3A_260 : memref<10016x16xf32, #tpu.memory_space<hbm>>) dst(%arg13 : memref<128x16xf32, #tpu.memory_space<vmem>>)
      %dma_start3A_261 = arith.constant 0 : i32
      %dma_start3A_262 = tpu.memref_slice %arg7[%add3A_242, %dma_start3A_261] : memref<82x128xi32, #tpu.memory_space<vmem>> -> memref<1x128xi32, #tpu.memory_space<vmem>>
      %dma_start3A_263 = tpu.memref_squeeze %dma_start3A_262 : memref<1x128xi32, #tpu.memory_space<vmem>> -> memref<128xi32, #tpu.memory_space<vmem>>
      %dma_start3A_264 = arith.constant 0 : i32
      %dma_start3A_265 = arith.constant 0 : i32
      %dma_start3A_266 = tpu.memref_slice %arg4[%dma_start3A_264, %dma_start3A_265] : memref<10016x64xbf16, #tpu.memory_space<hbm>> -> memref<10016x64xbf16, #tpu.memory_space<hbm>>
      tpu.enqueue_indirect_dma source(%dma_start3A_266 : memref<10016x64xbf16, #tpu.memory_space<hbm>>) target(%arg10 : memref<128x64xbf16, #tpu.memory_space<vmem>>) offsets(%dma_start3A_263 : memref<128xi32, #tpu.memory_space<vmem>>) semaphore(%arg18 : memref<!tpu.dma_semaphore, #tpu.memory_space<semaphore_mem>>)
      %dma_start3A_267 = arith.constant 0 : i32
      %dma_start3A_268 = tpu.memref_slice %arg7[%add3A_242, %dma_start3A_267] : memref<82x128xi32, #tpu.memory_space<vmem>> -> memref<1x128xi32, #tpu.memory_space<vmem>>
      %dma_start3A_269 = tpu.memref_squeeze %dma_start3A_268 : memref<1x128xi32, #tpu.memory_space<vmem>> -> memref<128xi32, #tpu.memory_space<vmem>>
      %dma_start3A_270 = arith.constant 0 : i32
      %dma_start3A_271 = arith.constant 0 : i32
      %dma_start3A_272 = tpu.memref_slice %arg5[%dma_start3A_270, %dma_start3A_271] : memref<10016x16xf32, #tpu.memory_space<hbm>> -> memref<10016x16xf32, #tpu.memory_space<hbm>>
      tpu.enqueue_indirect_dma source(%dma_start3A_272 : memref<10016x16xf32, #tpu.memory_space<hbm>>) target(%arg12 : memref<128x16xf32, #tpu.memory_space<vmem>>) offsets(%dma_start3A_269 : memref<128xi32, #tpu.memory_space<vmem>>) semaphore(%arg18 : memref<!tpu.dma_semaphore, #tpu.memory_space<semaphore_mem>>)
      %dma_start3A_273 = arith.constant 0 : i32
      %dma_start3A_274 = tpu.memref_slice %arg8[%add3A_242, %dma_start3A_273] : memref<82x128xi32, #tpu.memory_space<vmem>> -> memref<1x128xi32, #tpu.memory_space<vmem>>
      %dma_start3A_275 = tpu.memref_squeeze %dma_start3A_274 : memref<1x128xi32, #tpu.memory_space<vmem>> -> memref<128xi32, #tpu.memory_space<vmem>>
      %dma_start3A_276 = arith.constant 0 : i32
      %dma_start3A_277 = arith.constant 0 : i32
      %dma_start3A_278 = tpu.memref_slice %arg5[%dma_start3A_276, %dma_start3A_277] : memref<10016x16xf32, #tpu.memory_space<hbm>> -> memref<10016x16xf32, #tpu.memory_space<hbm>>
      tpu.enqueue_indirect_dma source(%dma_start3A_278 : memref<10016x16xf32, #tpu.memory_space<hbm>>) target(%arg14 : memref<128x16xf32, #tpu.memory_space<vmem>>) offsets(%dma_start3A_275 : memref<128xi32, #tpu.memory_space<vmem>>) semaphore(%arg18 : memref<!tpu.dma_semaphore, #tpu.memory_space<semaphore_mem>>)
      %mul3A_279 = arith.constant 2 : i32
      %mul3A_280 = vector.broadcast %mul3A_279 : i32 to vector<16xi32>
      %mul3A_281 = arith.muli %mul3A_280, %iota3A : vector<16xi32>
      %scan3A_282 = arith.constant 0 : i32
      %scan3A_283 = arith.constant 0 : i32
      %scan3A_284 = arith.constant 8 : i32
      %scan3A_285 = arith.addi %scan3A_283, %scan3A_284 : i32
      %scan3A_286 = arith.constant 1 : i32
      scf.for %scan3A_335 = %scan3A_283 to %scan3A_285 step %scan3A_286  : i32 {
        %mul3A_336 = arith.constant 16 : i32
        %mul3A_337 = arith.muli %mul3A_336, %scan3A_335 : i32
        %add3A_338 = vector.broadcast %mul3A_337 : i32 to vector<16xi32>
        %add3A_339 = arith.addi %add3A_338, %iota3A : vector<16xi32>
        %gather3A = tpu.vector_load_idx %arg11[%add3A_339, %broadcast_in_dim3A_2] : memref<128x16xf32, #tpu.memory_space<vmem>>[vector<16xi32>, vector<16xi32>], vector<16xf32>,
        %gather3A_340 = tpu.vector_load_idx %arg13[%add3A_339, %broadcast_in_dim3A_4] : memref<128x16xf32, #tpu.memory_space<vmem>>[vector<16xi32>, vector<16xi32>], vector<16xf32>,
        %add3A_341 = arith.addf %gather3A, %gather3A_340 : vector<16xf32>
        %mul3A_342 = arith.constant 2.000000e-01 : f32
        %mul3A_343 = vector.broadcast %mul3A_342 : f32 to vector<16xf32>
        %mul3A_344 = arith.mulf %mul3A_343, %add3A_341 : vector<16xf32>
        %max3A = arith.maximumf %add3A_341, %mul3A_344 : vector<16xf32>
        %exp3A = math.exp %max3A : vector<16xf32>
        tpu.vector_store_idx %arg15[%add3A_339, %broadcast_in_dim3A_0], %exp3A : memref<128x72xf32, #tpu.memory_space<vmem>>[vector<16xi32>, vector<16xi32>], vector<16xf32>,
        %mul3A_345 = arith.constant 16 : i32
        %mul3A_346 = arith.muli %mul3A_345, %scan3A_335 : i32
        %add3A_347 = arith.constant 0 : i32
        %add3A_348 = arith.addi %mul3A_346, %add3A_347 : i32
        %broadcast_in_dim3A_349 = arith.constant 0 : i32
        %broadcast_in_dim3A_350 = vector.broadcast %broadcast_in_dim3A_349 : i32 to vector<16xi32>
        %add3A_351 = vector.broadcast %add3A_348 : i32 to vector<16xi32>
        %add3A_352 = arith.addi %broadcast_in_dim3A_350, %add3A_351 : vector<16xi32>
        %get3A = arith.index_cast %add3A_348 : i32 to index
        %get3A_353 = arith.constant 0 : index
        %get3A_354 = tpu.vector_load %arg9[%get3A, %get3A_353] {strides = array<i32>} : memref<128x64xbf16, #tpu.memory_space<vmem>>, vector<32xbf16>,
        %unpack3A = tpu.unpack_subelements %get3A_354, 0 {pack_format = #tpu.pack_format<interleaved>} : vector<32xbf16> -> vector<16xf32>
        %unpack3A_355 = tpu.unpack_subelements %get3A_354, 1 {pack_format = #tpu.pack_format<interleaved>} : vector<32xbf16> -> vector<16xf32>
        %broadcast_in_dim3A_356 = vector.shape_cast %broadcast_in_dim3A_6 : vector<16xi32> to vector<16x1xi32>
        %gather3A_357 = vector.shape_cast %broadcast_in_dim3A_356 : vector<16x1xi32> to vector<16xi32>
        %gather3A_358 = tpu.dynamic_gather %exp3A[%gather3A_357] in [0] : vector<16xf32>, vector<16xi32> -> vector<16xf32>
        %add3A_359 = arith.constant 0 : i32
        %add3A_360 = vector.broadcast %add3A_359 : i32 to vector<16xi32>
        %add3A_361 = arith.addi %mul3A_281, %add3A_360 : vector<16xi32>
        %mul3A_362 = arith.mulf %unpack3A, %gather3A_358 : vector<16xf32>
        tpu.vector_store_idx %arg15[%add3A_352, %add3A_361], %mul3A_362 : memref<128x72xf32, #tpu.memory_space<vmem>>[vector<16xi32>, vector<16xi32>], vector<16xf32>,
        %add3A_363 = arith.constant 0 : i32
        %add3A_364 = vector.broadcast %add3A_363 : i32 to vector<16xi32>
        %add3A_365 = arith.addi %mul3A_281, %add3A_364 : vector<16xi32>
        %add3A_366 = arith.constant 1 : i32
        %add3A_367 = vector.broadcast %add3A_366 : i32 to vector<16xi32>
        %add3A_368 = arith.addi %add3A_365, %add3A_367 : vector<16xi32>
        %mul3A_369 = arith.mulf %unpack3A_355, %gather3A_358 : vector<16xf32>
        tpu.vector_store_idx %arg15[%add3A_352, %add3A_368], %mul3A_369 : memref<128x72xf32, #tpu.memory_space<vmem>>[vector<16xi32>, vector<16xi32>], vector<16xf32>,
        %get3A_370 = arith.index_cast %add3A_348 : i32 to index
        %get3A_371 = arith.constant 32 : index
        %get3A_372 = tpu.vector_load %arg9[%get3A_370, %get3A_371] {strides = array<i32>} : memref<128x64xbf16, #tpu.memory_space<vmem>>, vector<32xbf16>,
        %unpack3A_373 = tpu.unpack_subelements %get3A_372, 0 {pack_format = #tpu.pack_format<interleaved>} : vector<32xbf16> -> vector<16xf32>
        %unpack3A_374 = tpu.unpack_subelements %get3A_372, 1 {pack_format = #tpu.pack_format<interleaved>} : vector<32xbf16> -> vector<16xf32>
        %broadcast_in_dim3A_375 = vector.shape_cast %broadcast_in_dim3A_6 : vector<16xi32> to vector<16x1xi32>
        %gather3A_376 = vector.shape_cast %broadcast_in_dim3A_375 : vector<16x1xi32> to vector<16xi32>
        %gather3A_377 = tpu.dynamic_gather %exp3A[%gather3A_376] in [0] : vector<16xf32>, vector<16xi32> -> vector<16xf32>
        %add3A_378 = arith.constant 32 : i32
        %add3A_379 = vector.broadcast %add3A_378 : i32 to vector<16xi32>
        %add3A_380 = arith.addi %mul3A_281, %add3A_379 : vector<16xi32>
        %mul3A_381 = arith.mulf %unpack3A_373, %gather3A_377 : vector<16xf32>
        tpu.vector_store_idx %arg15[%add3A_352, %add3A_380], %mul3A_381 : memref<128x72xf32, #tpu.memory_space<vmem>>[vector<16xi32>, vector<16xi32>], vector<16xf32>,
        %add3A_382 = arith.constant 32 : i32
        %add3A_383 = vector.broadcast %add3A_382 : i32 to vector<16xi32>
        %add3A_384 = arith.addi %mul3A_281, %add3A_383 : vector<16xi32>
        %add3A_385 = arith.constant 1 : i32
        %add3A_386 = vector.broadcast %add3A_385 : i32 to vector<16xi32>
        %add3A_387 = arith.addi %add3A_384, %add3A_386 : vector<16xi32>
        %mul3A_388 = arith.mulf %unpack3A_374, %gather3A_377 : vector<16xf32>
        tpu.vector_store_idx %arg15[%add3A_352, %add3A_387], %mul3A_388 : memref<128x72xf32, #tpu.memory_space<vmem>>[vector<16xi32>, vector<16xi32>], vector<16xf32>,
        %mul3A_389 = arith.constant 16 : i32
        %mul3A_390 = arith.muli %mul3A_389, %scan3A_335 : i32
        %add3A_391 = arith.constant 1 : i32
        %add3A_392 = arith.addi %mul3A_390, %add3A_391 : i32
        %broadcast_in_dim3A_393 = arith.constant 0 : i32
        %broadcast_in_dim3A_394 = vector.broadcast %broadcast_in_dim3A_393 : i32 to vector<16xi32>
        %add3A_395 = vector.broadcast %add3A_392 : i32 to vector<16xi32>
        %add3A_396 = arith.addi %broadcast_in_dim3A_394, %add3A_395 : vector<16xi32>
        %get3A_397 = arith.index_cast %add3A_392 : i32 to index
        %get3A_398 = arith.constant 0 : index
        %get3A_399 = tpu.vector_load %arg9[%get3A_397, %get3A_398] {strides = array<i32>} : memref<128x64xbf16, #tpu.memory_space<vmem>>, vector<32xbf16>,
        %unpack3A_400 = tpu.unpack_subelements %get3A_399, 0 {pack_format = #tpu.pack_format<interleaved>} : vector<32xbf16> -> vector<16xf32>
        %unpack3A_401 = tpu.unpack_subelements %get3A_399, 1 {pack_format = #tpu.pack_format<interleaved>} : vector<32xbf16> -> vector<16xf32>
        %broadcast_in_dim3A_402 = vector.shape_cast %broadcast_in_dim3A_8 : vector<16xi32> to vector<16x1xi32>
        %gather3A_403 = vector.shape_cast %broadcast_in_dim3A_402 : vector<16x1xi32> to vector<16xi32>
        %gather3A_404 = tpu.dynamic_gather %exp3A[%gather3A_403] in [0] : vector<16xf32>, vector<16xi32> -> vector<16xf32>
        %add3A_405 = arith.constant 0 : i32
        %add3A_406 = vector.broadcast %add3A_405 : i32 to vector<16xi32>
        %add3A_407 = arith.addi %mul3A_281, %add3A_406 : vector<16xi32>
        %mul3A_408 = arith.mulf %unpack3A_400, %gather3A_404 : vector<16xf32>
        tpu.vector_store_idx %arg15[%add3A_396, %add3A_407], %mul3A_408 : memref<128x72xf32, #tpu.memory_space<vmem>>[vector<16xi32>, vector<16xi32>], vector<16xf32>,
        %add3A_409 = arith.constant 0 : i32
        %add3A_410 = vector.broadcast %add3A_409 : i32 to vector<16xi32>
        %add3A_411 = arith.addi %mul3A_281, %add3A_410 : vector<16xi32>
        %add3A_412 = arith.constant 1 : i32
        %add3A_413 = vector.broadcast %add3A_412 : i32 to vector<16xi32>
        %add3A_414 = arith.addi %add3A_411, %add3A_413 : vector<16xi32>
        %mul3A_415 = arith.mulf %unpack3A_401, %gather3A_404 : vector<16xf32>
        tpu.vector_store_idx %arg15[%add3A_396, %add3A_414], %mul3A_415 : memref<128x72xf32, #tpu.memory_space<vmem>>[vector<16xi32>, vector<16xi32>], vector<16xf32>,
        %get3A_416 = arith.index_cast %add3A_392 : i32 to index
        %get3A_417 = arith.constant 32 : index
        %get3A_418 = tpu.vector_load %arg9[%get3A_416, %get3A_417] {strides = array<i32>} : memref<128x64xbf16, #tpu.memory_space<vmem>>, vector<32xbf16>,
        %unpack3A_419 = tpu.unpack_subelements %get3A_418, 0 {pack_format = #tpu.pack_format<interleaved>} : vector<32xbf16> -> vector<16xf32>
        %unpack3A_420 = tpu.unpack_subelements %get3A_418, 1 {pack_format = #tpu.pack_format<interleaved>} : vector<32xbf16> -> vector<16xf32>
        %broadcast_in_dim3A_421 = vector.shape_cast %broadcast_in_dim3A_8 : vector<16xi32> to vector<16x1xi32>
        %gather3A_422 = vector.shape_cast %broadcast_in_dim3A_421 : vector<16x1xi32> to vector<16xi32>
        %gather3A_423 = tpu.dynamic_gather %exp3A[%gather3A_422] in [0] : vector<16xf32>, vector<16xi32> -> vector<16xf32>
        %add3A_424 = arith.constant 32 : i32
        %add3A_425 = vector.broadcast %add3A_424 : i32 to vector<16xi32>
        %add3A_426 = arith.addi %mul3A_281, %add3A_425 : vector<16xi32>
        %mul3A_427 = arith.mulf %unpack3A_419, %gather3A_423 : vector<16xf32>
        tpu.vector_store_idx %arg15[%add3A_396, %add3A_426], %mul3A_427 : memref<128x72xf32, #tpu.memory_space<vmem>>[vector<16xi32>, vector<16xi32>], vector<16xf32>,
        %add3A_428 = arith.constant 32 : i32
        %add3A_429 = vector.broadcast %add3A_428 : i32 to vector<16xi32>
        %add3A_430 = arith.addi %mul3A_281, %add3A_429 : vector<16xi32>
        %add3A_431 = arith.constant 1 : i32
        %add3A_432 = vector.broadcast %add3A_431 : i32 to vector<16xi32>
        %add3A_433 = arith.addi %add3A_430, %add3A_432 : vector<16xi32>
        %mul3A_434 = arith.mulf %unpack3A_420, %gather3A_423 : vector<16xf32>
        tpu.vector_store_idx %arg15[%add3A_396, %add3A_433], %mul3A_434 : memref<128x72xf32, #tpu.memory_space<vmem>>[vector<16xi32>, vector<16xi32>], vector<16xf32>,
        %mul3A_435 = arith.constant 16 : i32
        %mul3A_436 = arith.muli %mul3A_435, %scan3A_335 : i32
        %add3A_437 = arith.constant 2 : i32
        %add3A_438 = arith.addi %mul3A_436, %add3A_437 : i32
        %broadcast_in_dim3A_439 = arith.constant 0 : i32
        %broadcast_in_dim3A_440 = vector.broadcast %broadcast_in_dim3A_439 : i32 to vector<16xi32>
        %add3A_441 = vector.broadcast %add3A_438 : i32 to vector<16xi32>
        %add3A_442 = arith.addi %broadcast_in_dim3A_440, %add3A_441 : vector<16xi32>
        %get3A_443 = arith.index_cast %add3A_438 : i32 to index
        %get3A_444 = arith.constant 0 : index
        %get3A_445 = tpu.vector_load %arg9[%get3A_443, %get3A_444] {strides = array<i32>} : memref<128x64xbf16, #tpu.memory_space<vmem>>, vector<32xbf16>,
        %unpack3A_446 = tpu.unpack_subelements %get3A_445, 0 {pack_format = #tpu.pack_format<interleaved>} : vector<32xbf16> -> vector<16xf32>
        %unpack3A_447 = tpu.unpack_subelements %get3A_445, 1 {pack_format = #tpu.pack_format<interleaved>} : vector<32xbf16> -> vector<16xf32>
        %broadcast_in_dim3A_448 = vector.shape_cast %broadcast_in_dim3A_10 : vector<16xi32> to vector<16x1xi32>
        %gather3A_449 = vector.shape_cast %broadcast_in_dim3A_448 : vector<16x1xi32> to vector<16xi32>
        %gather3A_450 = tpu.dynamic_gather %exp3A[%gather3A_449] in [0] : vector<16xf32>, vector<16xi32> -> vector<16xf32>
        %add3A_451 = arith.constant 0 : i32
        %add3A_452 = vector.broadcast %add3A_451 : i32 to vector<16xi32>
        %add3A_453 = arith.addi %mul3A_281, %add3A_452 : vector<16xi32>
        %mul3A_454 = arith.mulf %unpack3A_446, %gather3A_450 : vector<16xf32>
        tpu.vector_store_idx %arg15[%add3A_442, %add3A_453], %mul3A_454 : memref<128x72xf32, #tpu.memory_space<vmem>>[vector<16xi32>, vector<16xi32>], vector<16xf32>,
        %add3A_455 = arith.constant 0 : i32
        %add3A_456 = vector.broadcast %add3A_455 : i32 to vector<16xi32>
        %add3A_457 = arith.addi %mul3A_281, %add3A_456 : vector<16xi32>
        %add3A_458 = arith.constant 1 : i32
        %add3A_459 = vector.broadcast %add3A_458 : i32 to vector<16xi32>
        %add3A_460 = arith.addi %add3A_457, %add3A_459 : vector<16xi32>
        %mul3A_461 = arith.mulf %unpack3A_447, %gather3A_450 : vector<16xf32>
        tpu.vector_store_idx %arg15[%add3A_442, %add3A_460], %mul3A_461 : memref<128x72xf32, #tpu.memory_space<vmem>>[vector<16xi32>, vector<16xi32>], vector<16xf32>,
        %get3A_462 = arith.index_cast %add3A_438 : i32 to index
        %get3A_463 = arith.constant 32 : index
        %get3A_464 = tpu.vector_load %arg9[%get3A_462, %get3A_463] {strides = array<i32>} : memref<128x64xbf16, #tpu.memory_space<vmem>>, vector<32xbf16>,
        %unpack3A_465 = tpu.unpack_subelements %get3A_464, 0 {pack_format = #tpu.pack_format<interleaved>} : vector<32xbf16> -> vector<16xf32>
        %unpack3A_466 = tpu.unpack_subelements %get3A_464, 1 {pack_format = #tpu.pack_format<interleaved>} : vector<32xbf16> -> vector<16xf32>
        %broadcast_in_dim3A_467 = vector.shape_cast %broadcast_in_dim3A_10 : vector<16xi32> to vector<16x1xi32>
        %gather3A_468 = vector.shape_cast %broadcast_in_dim3A_467 : vector<16x1xi32> to vector<16xi32>
        %gather3A_469 = tpu.dynamic_gather %exp3A[%gather3A_468] in [0] : vector<16xf32>, vector<16xi32> -> vector<16xf32>
        %add3A_470 = arith.constant 32 : i32
        %add3A_471 = vector.broadcast %add3A_470 : i32 to vector<16xi32>
        %add3A_472 = arith.addi %mul3A_281, %add3A_471 : vector<16xi32>
        %mul3A_473 = arith.mulf %unpack3A_465, %gather3A_469 : vector<16xf32>
        tpu.vector_store_idx %arg15[%add3A_442, %add3A_472], %mul3A_473 : memref<128x72xf32, #tpu.memory_space<vmem>>[vector<16xi32>, vector<16xi32>], vector<16xf32>,
        %add3A_474 = arith.constant 32 : i32
        %add3A_475 = vector.broadcast %add3A_474 : i32 to vector<16xi32>
        %add3A_476 = arith.addi %mul3A_281, %add3A_475 : vector<16xi32>
        %add3A_477 = arith.constant 1 : i32
        %add3A_478 = vector.broadcast %add3A_477 : i32 to vector<16xi32>
        %add3A_479 = arith.addi %add3A_476, %add3A_478 : vector<16xi32>
        %mul3A_480 = arith.mulf %unpack3A_466, %gather3A_469 : vector<16xf32>
        tpu.vector_store_idx %arg15[%add3A_442, %add3A_479], %mul3A_480 : memref<128x72xf32, #tpu.memory_space<vmem>>[vector<16xi32>, vector<16xi32>], vector<16xf32>,
        %mul3A_481 = arith.constant 16 : i32
        %mul3A_482 = arith.muli %mul3A_481, %scan3A_335 : i32
        %add3A_483 = arith.constant 3 : i32
        %add3A_484 = arith.addi %mul3A_482, %add3A_483 : i32
        %broadcast_in_dim3A_485 = arith.constant 0 : i32
        %broadcast_in_dim3A_486 = vector.broadcast %broadcast_in_dim3A_485 : i32 to vector<16xi32>
        %add3A_487 = vector.broadcast %add3A_484 : i32 to vector<16xi32>
        %add3A_488 = arith.addi %broadcast_in_dim3A_486, %add3A_487 : vector<16xi32>
        %get3A_489 = arith.index_cast %add3A_484 : i32 to index
        %get3A_490 = arith.constant 0 : index
        %get3A_491 = tpu.vector_load %arg9[%get3A_489, %get3A_490] {strides = array<i32>} : memref<128x64xbf16, #tpu.memory_space<vmem>>, vector<32xbf16>,
        %unpack3A_492 = tpu.unpack_subelements %get3A_491, 0 {pack_format = #tpu.pack_format<interleaved>} : vector<32xbf16> -> vector<16xf32>
        %unpack3A_493 = tpu.unpack_subelements %get3A_491, 1 {pack_format = #tpu.pack_format<interleaved>} : vector<32xbf16> -> vector<16xf32>
        %broadcast_in_dim3A_494 = vector.shape_cast %broadcast_in_dim3A_12 : vector<16xi32> to vector<16x1xi32>
        %gather3A_495 = vector.shape_cast %broadcast_in_dim3A_494 : vector<16x1xi32> to vector<16xi32>
        %gather3A_496 = tpu.dynamic_gather %exp3A[%gather3A_495] in [0] : vector<16xf32>, vector<16xi32> -> vector<16xf32>
        %add3A_497 = arith.constant 0 : i32
        %add3A_498 = vector.broadcast %add3A_497 : i32 to vector<16xi32>
        %add3A_499 = arith.addi %mul3A_281, %add3A_498 : vector<16xi32>
        %mul3A_500 = arith.mulf %unpack3A_492, %gather3A_496 : vector<16xf32>
        tpu.vector_store_idx %arg15[%add3A_488, %add3A_499], %mul3A_500 : memref<128x72xf32, #tpu.memory_space<vmem>>[vector<16xi32>, vector<16xi32>], vector<16xf32>,
        %add3A_501 = arith.constant 0 : i32
        %add3A_502 = vector.broadcast %add3A_501 : i32 to vector<16xi32>
        %add3A_503 = arith.addi %mul3A_281, %add3A_502 : vector<16xi32>
        %add3A_504 = arith.constant 1 : i32
        %add3A_505 = vector.broadcast %add3A_504 : i32 to vector<16xi32>
        %add3A_506 = arith.addi %add3A_503, %add3A_505 : vector<16xi32>
        %mul3A_507 = arith.mulf %unpack3A_493, %gather3A_496 : vector<16xf32>
        tpu.vector_store_idx %arg15[%add3A_488, %add3A_506], %mul3A_507 : memref<128x72xf32, #tpu.memory_space<vmem>>[vector<16xi32>, vector<16xi32>], vector<16xf32>,
        %get3A_508 = arith.index_cast %add3A_484 : i32 to index
        %get3A_509 = arith.constant 32 : index
        %get3A_510 = tpu.vector_load %arg9[%get3A_508, %get3A_509] {strides = array<i32>} : memref<128x64xbf16, #tpu.memory_space<vmem>>, vector<32xbf16>,
        %unpack3A_511 = tpu.unpack_subelements %get3A_510, 0 {pack_format = #tpu.pack_format<interleaved>} : vector<32xbf16> -> vector<16xf32>
        %unpack3A_512 = tpu.unpack_subelements %get3A_510, 1 {pack_format = #tpu.pack_format<interleaved>} : vector<32xbf16> -> vector<16xf32>
        %broadcast_in_dim3A_513 = vector.shape_cast %broadcast_in_dim3A_12 : vector<16xi32> to vector<16x1xi32>
        %gather3A_514 = vector.shape_cast %broadcast_in_dim3A_513 : vector<16x1xi32> to vector<16xi32>
        %gather3A_515 = tpu.dynamic_gather %exp3A[%gather3A_514] in [0] : vector<16xf32>, vector<16xi32> -> vector<16xf32>
        %add3A_516 = arith.constant 32 : i32
        %add3A_517 = vector.broadcast %add3A_516 : i32 to vector<16xi32>
        %add3A_518 = arith.addi %mul3A_281, %add3A_517 : vector<16xi32>
        %mul3A_519 = arith.mulf %unpack3A_511, %gather3A_515 : vector<16xf32>
        tpu.vector_store_idx %arg15[%add3A_488, %add3A_518], %mul3A_519 : memref<128x72xf32, #tpu.memory_space<vmem>>[vector<16xi32>, vector<16xi32>], vector<16xf32>,
        %add3A_520 = arith.constant 32 : i32
        %add3A_521 = vector.broadcast %add3A_520 : i32 to vector<16xi32>
        %add3A_522 = arith.addi %mul3A_281, %add3A_521 : vector<16xi32>
        %add3A_523 = arith.constant 1 : i32
        %add3A_524 = vector.broadcast %add3A_523 : i32 to vector<16xi32>
        %add3A_525 = arith.addi %add3A_522, %add3A_524 : vector<16xi32>
        %mul3A_526 = arith.mulf %unpack3A_512, %gather3A_515 : vector<16xf32>
        tpu.vector_store_idx %arg15[%add3A_488, %add3A_525], %mul3A_526 : memref<128x72xf32, #tpu.memory_space<vmem>>[vector<16xi32>, vector<16xi32>], vector<16xf32>,
        %mul3A_527 = arith.constant 16 : i32
        %mul3A_528 = arith.muli %mul3A_527, %scan3A_335 : i32
        %add3A_529 = arith.constant 4 : i32
        %add3A_530 = arith.addi %mul3A_528, %add3A_529 : i32
        %broadcast_in_dim3A_531 = arith.constant 0 : i32
        %broadcast_in_dim3A_532 = vector.broadcast %broadcast_in_dim3A_531 : i32 to vector<16xi32>
        %add3A_533 = vector.broadcast %add3A_530 : i32 to vector<16xi32>
        %add3A_534 = arith.addi %broadcast_in_dim3A_532, %add3A_533 : vector<16xi32>
        %get3A_535 = arith.index_cast %add3A_530 : i32 to index
        %get3A_536 = arith.constant 0 : index
        %get3A_537 = tpu.vector_load %arg9[%get3A_535, %get3A_536] {strides = array<i32>} : memref<128x64xbf16, #tpu.memory_space<vmem>>, vector<32xbf16>,
        %unpack3A_538 = tpu.unpack_subelements %get3A_537, 0 {pack_format = #tpu.pack_format<interleaved>} : vector<32xbf16> -> vector<16xf32>
        %unpack3A_539 = tpu.unpack_subelements %get3A_537, 1 {pack_format = #tpu.pack_format<interleaved>} : vector<32xbf16> -> vector<16xf32>
        %broadcast_in_dim3A_540 = vector.shape_cast %broadcast_in_dim3A_14 : vector<16xi32> to vector<16x1xi32>
        %gather3A_541 = vector.shape_cast %broadcast_in_dim3A_540 : vector<16x1xi32> to vector<16xi32>
        %gather3A_542 = tpu.dynamic_gather %exp3A[%gather3A_541] in [0] : vector<16xf32>, vector<16xi32> -> vector<16xf32>
        %add3A_543 = arith.constant 0 : i32
        %add3A_544 = vector.broadcast %add3A_543 : i32 to vector<16xi32>
        %add3A_545 = arith.addi %mul3A_281, %add3A_544 : vector<16xi32>
        %mul3A_546 = arith.mulf %unpack3A_538, %gather3A_542 : vector<16xf32>
        tpu.vector_store_idx %arg15[%add3A_534, %add3A_545], %mul3A_546 : memref<128x72xf32, #tpu.memory_space<vmem>>[vector<16xi32>, vector<16xi32>], vector<16xf32>,
        %add3A_547 = arith.constant 0 : i32
        %add3A_548 = vector.broadcast %add3A_547 : i32 to vector<16xi32>
        %add3A_549 = arith.addi %mul3A_281, %add3A_548 : vector<16xi32>
        %add3A_550 = arith.constant 1 : i32
        %add3A_551 = vector.broadcast %add3A_550 : i32 to vector<16xi32>
        %add3A_552 = arith.addi %add3A_549, %add3A_551 : vector<16xi32>
        %mul3A_553 = arith.mulf %unpack3A_539, %gather3A_542 : vector<16xf32>
        tpu.vector_store_idx %arg15[%add3A_534, %add3A_552], %mul3A_553 : memref<128x72xf32, #tpu.memory_space<vmem>>[vector<16xi32>, vector<16xi32>], vector<16xf32>,
        %get3A_554 = arith.index_cast %add3A_530 : i32 to index
        %get3A_555 = arith.constant 32 : index
        %get3A_556 = tpu.vector_load %arg9[%get3A_554, %get3A_555] {strides = array<i32>} : memref<128x64xbf16, #tpu.memory_space<vmem>>, vector<32xbf16>,
        %unpack3A_557 = tpu.unpack_subelements %get3A_556, 0 {pack_format = #tpu.pack_format<interleaved>} : vector<32xbf16> -> vector<16xf32>
        %unpack3A_558 = tpu.unpack_subelements %get3A_556, 1 {pack_format = #tpu.pack_format<interleaved>} : vector<32xbf16> -> vector<16xf32>
        %broadcast_in_dim3A_559 = vector.shape_cast %broadcast_in_dim3A_14 : vector<16xi32> to vector<16x1xi32>
        %gather3A_560 = vector.shape_cast %broadcast_in_dim3A_559 : vector<16x1xi32> to vector<16xi32>
        %gather3A_561 = tpu.dynamic_gather %exp3A[%gather3A_560] in [0] : vector<16xf32>, vector<16xi32> -> vector<16xf32>
        %add3A_562 = arith.constant 32 : i32
        %add3A_563 = vector.broadcast %add3A_562 : i32 to vector<16xi32>
        %add3A_564 = arith.addi %mul3A_281, %add3A_563 : vector<16xi32>
        %mul3A_565 = arith.mulf %unpack3A_557, %gather3A_561 : vector<16xf32>
        tpu.vector_store_idx %arg15[%add3A_534, %add3A_564], %mul3A_565 : memref<128x72xf32, #tpu.memory_space<vmem>>[vector<16xi32>, vector<16xi32>], vector<16xf32>,
        %add3A_566 = arith.constant 32 : i32
        %add3A_567 = vector.broadcast %add3A_566 : i32 to vector<16xi32>
        %add3A_568 = arith.addi %mul3A_281, %add3A_567 : vector<16xi32>
        %add3A_569 = arith.constant 1 : i32
        %add3A_570 = vector.broadcast %add3A_569 : i32 to vector<16xi32>
        %add3A_571 = arith.addi %add3A_568, %add3A_570 : vector<16xi32>
        %mul3A_572 = arith.mulf %unpack3A_558, %gather3A_561 : vector<16xf32>
        tpu.vector_store_idx %arg15[%add3A_534, %add3A_571], %mul3A_572 : memref<128x72xf32, #tpu.memory_space<vmem>>[vector<16xi32>, vector<16xi32>], vector<16xf32>,
        %mul3A_573 = arith.constant 16 : i32
        %mul3A_574 = arith.muli %mul3A_573, %scan3A_335 : i32
        %add3A_575 = arith.constant 5 : i32
        %add3A_576 = arith.addi %mul3A_574, %add3A_575 : i32
        %broadcast_in_dim3A_577 = arith.constant 0 : i32
        %broadcast_in_dim3A_578 = vector.broadcast %broadcast_in_dim3A_577 : i32 to vector<16xi32>
        %add3A_579 = vector.broadcast %add3A_576 : i32 to vector<16xi32>
        %add3A_580 = arith.addi %broadcast_in_dim3A_578, %add3A_579 : vector<16xi32>
        %get3A_581 = arith.index_cast %add3A_576 : i32 to index
        %get3A_582 = arith.constant 0 : index
        %get3A_583 = tpu.vector_load %arg9[%get3A_581, %get3A_582] {strides = array<i32>} : memref<128x64xbf16, #tpu.memory_space<vmem>>, vector<32xbf16>,
        %unpack3A_584 = tpu.unpack_subelements %get3A_583, 0 {pack_format = #tpu.pack_format<interleaved>} : vector<32xbf16> -> vector<16xf32>
        %unpack3A_585 = tpu.unpack_subelements %get3A_583, 1 {pack_format = #tpu.pack_format<interleaved>} : vector<32xbf16> -> vector<16xf32>
        %broadcast_in_dim3A_586 = vector.shape_cast %broadcast_in_dim3A_16 : vector<16xi32> to vector<16x1xi32>
        %gather3A_587 = vector.shape_cast %broadcast_in_dim3A_586 : vector<16x1xi32> to vector<16xi32>
        %gather3A_588 = tpu.dynamic_gather %exp3A[%gather3A_587] in [0] : vector<16xf32>, vector<16xi32> -> vector<16xf32>
        %add3A_589 = arith.constant 0 : i32
        %add3A_590 = vector.broadcast %add3A_589 : i32 to vector<16xi32>
        %add3A_591 = arith.addi %mul3A_281, %add3A_590 : vector<16xi32>
        %mul3A_592 = arith.mulf %unpack3A_584, %gather3A_588 : vector<16xf32>
        tpu.vector_store_idx %arg15[%add3A_580, %add3A_591], %mul3A_592 : memref<128x72xf32, #tpu.memory_space<vmem>>[vector<16xi32>, vector<16xi32>], vector<16xf32>,
        %add3A_593 = arith.constant 0 : i32
        %add3A_594 = vector.broadcast %add3A_593 : i32 to vector<16xi32>
        %add3A_595 = arith.addi %mul3A_281, %add3A_594 : vector<16xi32>
        %add3A_596 = arith.constant 1 : i32
        %add3A_597 = vector.broadcast %add3A_596 : i32 to vector<16xi32>
        %add3A_598 = arith.addi %add3A_595, %add3A_597 : vector<16xi32>
        %mul3A_599 = arith.mulf %unpack3A_585, %gather3A_588 : vector<16xf32>
        tpu.vector_store_idx %arg15[%add3A_580, %add3A_598], %mul3A_599 : memref<128x72xf32, #tpu.memory_space<vmem>>[vector<16xi32>, vector<16xi32>], vector<16xf32>,
        %get3A_600 = arith.index_cast %add3A_576 : i32 to index
        %get3A_601 = arith.constant 32 : index
        %get3A_602 = tpu.vector_load %arg9[%get3A_600, %get3A_601] {strides = array<i32>} : memref<128x64xbf16, #tpu.memory_space<vmem>>, vector<32xbf16>,
        %unpack3A_603 = tpu.unpack_subelements %get3A_602, 0 {pack_format = #tpu.pack_format<interleaved>} : vector<32xbf16> -> vector<16xf32>
        %unpack3A_604 = tpu.unpack_subelements %get3A_602, 1 {pack_format = #tpu.pack_format<interleaved>} : vector<32xbf16> -> vector<16xf32>
        %broadcast_in_dim3A_605 = vector.shape_cast %broadcast_in_dim3A_16 : vector<16xi32> to vector<16x1xi32>
        %gather3A_606 = vector.shape_cast %broadcast_in_dim3A_605 : vector<16x1xi32> to vector<16xi32>
        %gather3A_607 = tpu.dynamic_gather %exp3A[%gather3A_606] in [0] : vector<16xf32>, vector<16xi32> -> vector<16xf32>
        %add3A_608 = arith.constant 32 : i32
        %add3A_609 = vector.broadcast %add3A_608 : i32 to vector<16xi32>
        %add3A_610 = arith.addi %mul3A_281, %add3A_609 : vector<16xi32>
        %mul3A_611 = arith.mulf %unpack3A_603, %gather3A_607 : vector<16xf32>
        tpu.vector_store_idx %arg15[%add3A_580, %add3A_610], %mul3A_611 : memref<128x72xf32, #tpu.memory_space<vmem>>[vector<16xi32>, vector<16xi32>], vector<16xf32>,
        %add3A_612 = arith.constant 32 : i32
        %add3A_613 = vector.broadcast %add3A_612 : i32 to vector<16xi32>
        %add3A_614 = arith.addi %mul3A_281, %add3A_613 : vector<16xi32>
        %add3A_615 = arith.constant 1 : i32
        %add3A_616 = vector.broadcast %add3A_615 : i32 to vector<16xi32>
        %add3A_617 = arith.addi %add3A_614, %add3A_616 : vector<16xi32>
        %mul3A_618 = arith.mulf %unpack3A_604, %gather3A_607 : vector<16xf32>
        tpu.vector_store_idx %arg15[%add3A_580, %add3A_617], %mul3A_618 : memref<128x72xf32, #tpu.memory_space<vmem>>[vector<16xi32>, vector<16xi32>], vector<16xf32>,
        %mul3A_619 = arith.constant 16 : i32
        %mul3A_620 = arith.muli %mul3A_619, %scan3A_335 : i32
        %add3A_621 = arith.constant 6 : i32
        %add3A_622 = arith.addi %mul3A_620, %add3A_621 : i32
        %broadcast_in_dim3A_623 = arith.constant 0 : i32
        %broadcast_in_dim3A_624 = vector.broadcast %broadcast_in_dim3A_623 : i32 to vector<16xi32>
        %add3A_625 = vector.broadcast %add3A_622 : i32 to vector<16xi32>
        %add3A_626 = arith.addi %broadcast_in_dim3A_624, %add3A_625 : vector<16xi32>
        %get3A_627 = arith.index_cast %add3A_622 : i32 to index
        %get3A_628 = arith.constant 0 : index
        %get3A_629 = tpu.vector_load %arg9[%get3A_627, %get3A_628] {strides = array<i32>} : memref<128x64xbf16, #tpu.memory_space<vmem>>, vector<32xbf16>,
        %unpack3A_630 = tpu.unpack_subelements %get3A_629, 0 {pack_format = #tpu.pack_format<interleaved>} : vector<32xbf16> -> vector<16xf32>
        %unpack3A_631 = tpu.unpack_subelements %get3A_629, 1 {pack_format = #tpu.pack_format<interleaved>} : vector<32xbf16> -> vector<16xf32>
        %broadcast_in_dim3A_632 = vector.shape_cast %broadcast_in_dim3A_18 : vector<16xi32> to vector<16x1xi32>
        %gather3A_633 = vector.shape_cast %broadcast_in_dim3A_632 : vector<16x1xi32> to vector<16xi32>
        %gather3A_634 = tpu.dynamic_gather %exp3A[%gather3A_633] in [0] : vector<16xf32>, vector<16xi32> -> vector<16xf32>
        %add3A_635 = arith.constant 0 : i32
        %add3A_636 = vector.broadcast %add3A_635 : i32 to vector<16xi32>
        %add3A_637 = arith.addi %mul3A_281, %add3A_636 : vector<16xi32>
        %mul3A_638 = arith.mulf %unpack3A_630, %gather3A_634 : vector<16xf32>
        tpu.vector_store_idx %arg15[%add3A_626, %add3A_637], %mul3A_638 : memref<128x72xf32, #tpu.memory_space<vmem>>[vector<16xi32>, vector<16xi32>], vector<16xf32>,
        %add3A_639 = arith.constant 0 : i32
        %add3A_640 = vector.broadcast %add3A_639 : i32 to vector<16xi32>
        %add3A_641 = arith.addi %mul3A_281, %add3A_640 : vector<16xi32>
        %add3A_642 = arith.constant 1 : i32
        %add3A_643 = vector.broadcast %add3A_642 : i32 to vector<16xi32>
        %add3A_644 = arith.addi %add3A_641, %add3A_643 : vector<16xi32>
        %mul3A_645 = arith.mulf %unpack3A_631, %gather3A_634 : vector<16xf32>
        tpu.vector_store_idx %arg15[%add3A_626, %add3A_644], %mul3A_645 : memref<128x72xf32, #tpu.memory_space<vmem>>[vector<16xi32>, vector<16xi32>], vector<16xf32>,
        %get3A_646 = arith.index_cast %add3A_622 : i32 to index
        %get3A_647 = arith.constant 32 : index
        %get3A_648 = tpu.vector_load %arg9[%get3A_646, %get3A_647] {strides = array<i32>} : memref<128x64xbf16, #tpu.memory_space<vmem>>, vector<32xbf16>,
        %unpack3A_649 = tpu.unpack_subelements %get3A_648, 0 {pack_format = #tpu.pack_format<interleaved>} : vector<32xbf16> -> vector<16xf32>
        %unpack3A_650 = tpu.unpack_subelements %get3A_648, 1 {pack_format = #tpu.pack_format<interleaved>} : vector<32xbf16> -> vector<16xf32>
        %broadcast_in_dim3A_651 = vector.shape_cast %broadcast_in_dim3A_18 : vector<16xi32> to vector<16x1xi32>
        %gather3A_652 = vector.shape_cast %broadcast_in_dim3A_651 : vector<16x1xi32> to vector<16xi32>
        %gather3A_653 = tpu.dynamic_gather %exp3A[%gather3A_652] in [0] : vector<16xf32>, vector<16xi32> -> vector<16xf32>
        %add3A_654 = arith.constant 32 : i32
        %add3A_655 = vector.broadcast %add3A_654 : i32 to vector<16xi32>
        %add3A_656 = arith.addi %mul3A_281, %add3A_655 : vector<16xi32>
        %mul3A_657 = arith.mulf %unpack3A_649, %gather3A_653 : vector<16xf32>
        tpu.vector_store_idx %arg15[%add3A_626, %add3A_656], %mul3A_657 : memref<128x72xf32, #tpu.memory_space<vmem>>[vector<16xi32>, vector<16xi32>], vector<16xf32>,
        %add3A_658 = arith.constant 32 : i32
        %add3A_659 = vector.broadcast %add3A_658 : i32 to vector<16xi32>
        %add3A_660 = arith.addi %mul3A_281, %add3A_659 : vector<16xi32>
        %add3A_661 = arith.constant 1 : i32
        %add3A_662 = vector.broadcast %add3A_661 : i32 to vector<16xi32>
        %add3A_663 = arith.addi %add3A_660, %add3A_662 : vector<16xi32>
        %mul3A_664 = arith.mulf %unpack3A_650, %gather3A_653 : vector<16xf32>
        tpu.vector_store_idx %arg15[%add3A_626, %add3A_663], %mul3A_664 : memref<128x72xf32, #tpu.memory_space<vmem>>[vector<16xi32>, vector<16xi32>], vector<16xf32>,
        %mul3A_665 = arith.constant 16 : i32
        %mul3A_666 = arith.muli %mul3A_665, %scan3A_335 : i32
        %add3A_667 = arith.constant 7 : i32
        %add3A_668 = arith.addi %mul3A_666, %add3A_667 : i32
        %broadcast_in_dim3A_669 = arith.constant 0 : i32
        %broadcast_in_dim3A_670 = vector.broadcast %broadcast_in_dim3A_669 : i32 to vector<16xi32>
        %add3A_671 = vector.broadcast %add3A_668 : i32 to vector<16xi32>
        %add3A_672 = arith.addi %broadcast_in_dim3A_670, %add3A_671 : vector<16xi32>
        %get3A_673 = arith.index_cast %add3A_668 : i32 to index
        %get3A_674 = arith.constant 0 : index
        %get3A_675 = tpu.vector_load %arg9[%get3A_673, %get3A_674] {strides = array<i32>} : memref<128x64xbf16, #tpu.memory_space<vmem>>, vector<32xbf16>,
        %unpack3A_676 = tpu.unpack_subelements %get3A_675, 0 {pack_format = #tpu.pack_format<interleaved>} : vector<32xbf16> -> vector<16xf32>
        %unpack3A_677 = tpu.unpack_subelements %get3A_675, 1 {pack_format = #tpu.pack_format<interleaved>} : vector<32xbf16> -> vector<16xf32>
        %broadcast_in_dim3A_678 = vector.shape_cast %broadcast_in_dim3A_20 : vector<16xi32> to vector<16x1xi32>
        %gather3A_679 = vector.shape_cast %broadcast_in_dim3A_678 : vector<16x1xi32> to vector<16xi32>
        %gather3A_680 = tpu.dynamic_gather %exp3A[%gather3A_679] in [0] : vector<16xf32>, vector<16xi32> -> vector<16xf32>
        %add3A_681 = arith.constant 0 : i32
        %add3A_682 = vector.broadcast %add3A_681 : i32 to vector<16xi32>
        %add3A_683 = arith.addi %mul3A_281, %add3A_682 : vector<16xi32>
        %mul3A_684 = arith.mulf %unpack3A_676, %gather3A_680 : vector<16xf32>
        tpu.vector_store_idx %arg15[%add3A_672, %add3A_683], %mul3A_684 : memref<128x72xf32, #tpu.memory_space<vmem>>[vector<16xi32>, vector<16xi32>], vector<16xf32>,
        %add3A_685 = arith.constant 0 : i32
        %add3A_686 = vector.broadcast %add3A_685 : i32 to vector<16xi32>
        %add3A_687 = arith.addi %mul3A_281, %add3A_686 : vector<16xi32>
        %add3A_688 = arith.constant 1 : i32
        %add3A_689 = vector.broadcast %add3A_688 : i32 to vector<16xi32>
        %add3A_690 = arith.addi %add3A_687, %add3A_689 : vector<16xi32>
        %mul3A_691 = arith.mulf %unpack3A_677, %gather3A_680 : vector<16xf32>
        tpu.vector_store_idx %arg15[%add3A_672, %add3A_690], %mul3A_691 : memref<128x72xf32, #tpu.memory_space<vmem>>[vector<16xi32>, vector<16xi32>], vector<16xf32>,
        %get3A_692 = arith.index_cast %add3A_668 : i32 to index
        %get3A_693 = arith.constant 32 : index
        %get3A_694 = tpu.vector_load %arg9[%get3A_692, %get3A_693] {strides = array<i32>} : memref<128x64xbf16, #tpu.memory_space<vmem>>, vector<32xbf16>,
        %unpack3A_695 = tpu.unpack_subelements %get3A_694, 0 {pack_format = #tpu.pack_format<interleaved>} : vector<32xbf16> -> vector<16xf32>
        %unpack3A_696 = tpu.unpack_subelements %get3A_694, 1 {pack_format = #tpu.pack_format<interleaved>} : vector<32xbf16> -> vector<16xf32>
        %broadcast_in_dim3A_697 = vector.shape_cast %broadcast_in_dim3A_20 : vector<16xi32> to vector<16x1xi32>
        %gather3A_698 = vector.shape_cast %broadcast_in_dim3A_697 : vector<16x1xi32> to vector<16xi32>
        %gather3A_699 = tpu.dynamic_gather %exp3A[%gather3A_698] in [0] : vector<16xf32>, vector<16xi32> -> vector<16xf32>
        %add3A_700 = arith.constant 32 : i32
        %add3A_701 = vector.broadcast %add3A_700 : i32 to vector<16xi32>
        %add3A_702 = arith.addi %mul3A_281, %add3A_701 : vector<16xi32>
        %mul3A_703 = arith.mulf %unpack3A_695, %gather3A_699 : vector<16xf32>
        tpu.vector_store_idx %arg15[%add3A_672, %add3A_702], %mul3A_703 : memref<128x72xf32, #tpu.memory_space<vmem>>[vector<16xi32>, vector<16xi32>], vector<16xf32>,
        %add3A_704 = arith.constant 32 : i32
        %add3A_705 = vector.broadcast %add3A_704 : i32 to vector<16xi32>
        %add3A_706 = arith.addi %mul3A_281, %add3A_705 : vector<16xi32>
        %add3A_707 = arith.constant 1 : i32
        %add3A_708 = vector.broadcast %add3A_707 : i32 to vector<16xi32>
        %add3A_709 = arith.addi %add3A_706, %add3A_708 : vector<16xi32>
        %mul3A_710 = arith.mulf %unpack3A_696, %gather3A_699 : vector<16xf32>
        tpu.vector_store_idx %arg15[%add3A_672, %add3A_709], %mul3A_710 : memref<128x72xf32, #tpu.memory_space<vmem>>[vector<16xi32>, vector<16xi32>], vector<16xf32>,
        %mul3A_711 = arith.constant 16 : i32
        %mul3A_712 = arith.muli %mul3A_711, %scan3A_335 : i32
        %add3A_713 = arith.constant 8 : i32
        %add3A_714 = arith.addi %mul3A_712, %add3A_713 : i32
        %broadcast_in_dim3A_715 = arith.constant 0 : i32
        %broadcast_in_dim3A_716 = vector.broadcast %broadcast_in_dim3A_715 : i32 to vector<16xi32>
        %add3A_717 = vector.broadcast %add3A_714 : i32 to vector<16xi32>
        %add3A_718 = arith.addi %broadcast_in_dim3A_716, %add3A_717 : vector<16xi32>
        %get3A_719 = arith.index_cast %add3A_714 : i32 to index
        %get3A_720 = arith.constant 0 : index
        %get3A_721 = tpu.vector_load %arg9[%get3A_719, %get3A_720] {strides = array<i32>} : memref<128x64xbf16, #tpu.memory_space<vmem>>, vector<32xbf16>,
        %unpack3A_722 = tpu.unpack_subelements %get3A_721, 0 {pack_format = #tpu.pack_format<interleaved>} : vector<32xbf16> -> vector<16xf32>
        %unpack3A_723 = tpu.unpack_subelements %get3A_721, 1 {pack_format = #tpu.pack_format<interleaved>} : vector<32xbf16> -> vector<16xf32>
        %broadcast_in_dim3A_724 = vector.shape_cast %broadcast_in_dim3A_22 : vector<16xi32> to vector<16x1xi32>
        %gather3A_725 = vector.shape_cast %broadcast_in_dim3A_724 : vector<16x1xi32> to vector<16xi32>
        %gather3A_726 = tpu.dynamic_gather %exp3A[%gather3A_725] in [0] : vector<16xf32>, vector<16xi32> -> vector<16xf32>
        %add3A_727 = arith.constant 0 : i32
        %add3A_728 = vector.broadcast %add3A_727 : i32 to vector<16xi32>
        %add3A_729 = arith.addi %mul3A_281, %add3A_728 : vector<16xi32>
        %mul3A_730 = arith.mulf %unpack3A_722, %gather3A_726 : vector<16xf32>
        tpu.vector_store_idx %arg15[%add3A_718, %add3A_729], %mul3A_730 : memref<128x72xf32, #tpu.memory_space<vmem>>[vector<16xi32>, vector<16xi32>], vector<16xf32>,
        %add3A_731 = arith.constant 0 : i32
        %add3A_732 = vector.broadcast %add3A_731 : i32 to vector<16xi32>
        %add3A_733 = arith.addi %mul3A_281, %add3A_732 : vector<16xi32>
        %add3A_734 = arith.constant 1 : i32
        %add3A_735 = vector.broadcast %add3A_734 : i32 to vector<16xi32>
        %add3A_736 = arith.addi %add3A_733, %add3A_735 : vector<16xi32>
        %mul3A_737 = arith.mulf %unpack3A_723, %gather3A_726 : vector<16xf32>
        tpu.vector_store_idx %arg15[%add3A_718, %add3A_736], %mul3A_737 : memref<128x72xf32, #tpu.memory_space<vmem>>[vector<16xi32>, vector<16xi32>], vector<16xf32>,
        %get3A_738 = arith.index_cast %add3A_714 : i32 to index
        %get3A_739 = arith.constant 32 : index
        %get3A_740 = tpu.vector_load %arg9[%get3A_738, %get3A_739] {strides = array<i32>} : memref<128x64xbf16, #tpu.memory_space<vmem>>, vector<32xbf16>,
        %unpack3A_741 = tpu.unpack_subelements %get3A_740, 0 {pack_format = #tpu.pack_format<interleaved>} : vector<32xbf16> -> vector<16xf32>
        %unpack3A_742 = tpu.unpack_subelements %get3A_740, 1 {pack_format = #tpu.pack_format<interleaved>} : vector<32xbf16> -> vector<16xf32>
        %broadcast_in_dim3A_743 = vector.shape_cast %broadcast_in_dim3A_22 : vector<16xi32> to vector<16x1xi32>
        %gather3A_744 = vector.shape_cast %broadcast_in_dim3A_743 : vector<16x1xi32> to vector<16xi32>
        %gather3A_745 = tpu.dynamic_gather %exp3A[%gather3A_744] in [0] : vector<16xf32>, vector<16xi32> -> vector<16xf32>
        %add3A_746 = arith.constant 32 : i32
        %add3A_747 = vector.broadcast %add3A_746 : i32 to vector<16xi32>
        %add3A_748 = arith.addi %mul3A_281, %add3A_747 : vector<16xi32>
        %mul3A_749 = arith.mulf %unpack3A_741, %gather3A_745 : vector<16xf32>
        tpu.vector_store_idx %arg15[%add3A_718, %add3A_748], %mul3A_749 : memref<128x72xf32, #tpu.memory_space<vmem>>[vector<16xi32>, vector<16xi32>], vector<16xf32>,
        %add3A_750 = arith.constant 32 : i32
        %add3A_751 = vector.broadcast %add3A_750 : i32 to vector<16xi32>
        %add3A_752 = arith.addi %mul3A_281, %add3A_751 : vector<16xi32>
        %add3A_753 = arith.constant 1 : i32
        %add3A_754 = vector.broadcast %add3A_753 : i32 to vector<16xi32>
        %add3A_755 = arith.addi %add3A_752, %add3A_754 : vector<16xi32>
        %mul3A_756 = arith.mulf %unpack3A_742, %gather3A_745 : vector<16xf32>
        tpu.vector_store_idx %arg15[%add3A_718, %add3A_755], %mul3A_756 : memref<128x72xf32, #tpu.memory_space<vmem>>[vector<16xi32>, vector<16xi32>], vector<16xf32>,
        %mul3A_757 = arith.constant 16 : i32
        %mul3A_758 = arith.muli %mul3A_757, %scan3A_335 : i32
        %add3A_759 = arith.constant 9 : i32
        %add3A_760 = arith.addi %mul3A_758, %add3A_759 : i32
        %broadcast_in_dim3A_761 = arith.constant 0 : i32
        %broadcast_in_dim3A_762 = vector.broadcast %broadcast_in_dim3A_761 : i32 to vector<16xi32>
        %add3A_763 = vector.broadcast %add3A_760 : i32 to vector<16xi32>
        %add3A_764 = arith.addi %broadcast_in_dim3A_762, %add3A_763 : vector<16xi32>
        %get3A_765 = arith.index_cast %add3A_760 : i32 to index
        %get3A_766 = arith.constant 0 : index
        %get3A_767 = tpu.vector_load %arg9[%get3A_765, %get3A_766] {strides = array<i32>} : memref<128x64xbf16, #tpu.memory_space<vmem>>, vector<32xbf16>,
        %unpack3A_768 = tpu.unpack_subelements %get3A_767, 0 {pack_format = #tpu.pack_format<interleaved>} : vector<32xbf16> -> vector<16xf32>
        %unpack3A_769 = tpu.unpack_subelements %get3A_767, 1 {pack_format = #tpu.pack_format<interleaved>} : vector<32xbf16> -> vector<16xf32>
        %broadcast_in_dim3A_770 = vector.shape_cast %broadcast_in_dim3A_24 : vector<16xi32> to vector<16x1xi32>
        %gather3A_771 = vector.shape_cast %broadcast_in_dim3A_770 : vector<16x1xi32> to vector<16xi32>
        %gather3A_772 = tpu.dynamic_gather %exp3A[%gather3A_771] in [0] : vector<16xf32>, vector<16xi32> -> vector<16xf32>
        %add3A_773 = arith.constant 0 : i32
        %add3A_774 = vector.broadcast %add3A_773 : i32 to vector<16xi32>
        %add3A_775 = arith.addi %mul3A_281, %add3A_774 : vector<16xi32>
        %mul3A_776 = arith.mulf %unpack3A_768, %gather3A_772 : vector<16xf32>
        tpu.vector_store_idx %arg15[%add3A_764, %add3A_775], %mul3A_776 : memref<128x72xf32, #tpu.memory_space<vmem>>[vector<16xi32>, vector<16xi32>], vector<16xf32>,
        %add3A_777 = arith.constant 0 : i32
        %add3A_778 = vector.broadcast %add3A_777 : i32 to vector<16xi32>
        %add3A_779 = arith.addi %mul3A_281, %add3A_778 : vector<16xi32>
        %add3A_780 = arith.constant 1 : i32
        %add3A_781 = vector.broadcast %add3A_780 : i32 to vector<16xi32>
        %add3A_782 = arith.addi %add3A_779, %add3A_781 : vector<16xi32>
        %mul3A_783 = arith.mulf %unpack3A_769, %gather3A_772 : vector<16xf32>
        tpu.vector_store_idx %arg15[%add3A_764, %add3A_782], %mul3A_783 : memref<128x72xf32, #tpu.memory_space<vmem>>[vector<16xi32>, vector<16xi32>], vector<16xf32>,
        %get3A_784 = arith.index_cast %add3A_760 : i32 to index
        %get3A_785 = arith.constant 32 : index
        %get3A_786 = tpu.vector_load %arg9[%get3A_784, %get3A_785] {strides = array<i32>} : memref<128x64xbf16, #tpu.memory_space<vmem>>, vector<32xbf16>,
        %unpack3A_787 = tpu.unpack_subelements %get3A_786, 0 {pack_format = #tpu.pack_format<interleaved>} : vector<32xbf16> -> vector<16xf32>
        %unpack3A_788 = tpu.unpack_subelements %get3A_786, 1 {pack_format = #tpu.pack_format<interleaved>} : vector<32xbf16> -> vector<16xf32>
        %broadcast_in_dim3A_789 = vector.shape_cast %broadcast_in_dim3A_24 : vector<16xi32> to vector<16x1xi32>
        %gather3A_790 = vector.shape_cast %broadcast_in_dim3A_789 : vector<16x1xi32> to vector<16xi32>
        %gather3A_791 = tpu.dynamic_gather %exp3A[%gather3A_790] in [0] : vector<16xf32>, vector<16xi32> -> vector<16xf32>
        %add3A_792 = arith.constant 32 : i32
        %add3A_793 = vector.broadcast %add3A_792 : i32 to vector<16xi32>
        %add3A_794 = arith.addi %mul3A_281, %add3A_793 : vector<16xi32>
        %mul3A_795 = arith.mulf %unpack3A_787, %gather3A_791 : vector<16xf32>
        tpu.vector_store_idx %arg15[%add3A_764, %add3A_794], %mul3A_795 : memref<128x72xf32, #tpu.memory_space<vmem>>[vector<16xi32>, vector<16xi32>], vector<16xf32>,
        %add3A_796 = arith.constant 32 : i32
        %add3A_797 = vector.broadcast %add3A_796 : i32 to vector<16xi32>
        %add3A_798 = arith.addi %mul3A_281, %add3A_797 : vector<16xi32>
        %add3A_799 = arith.constant 1 : i32
        %add3A_800 = vector.broadcast %add3A_799 : i32 to vector<16xi32>
        %add3A_801 = arith.addi %add3A_798, %add3A_800 : vector<16xi32>
        %mul3A_802 = arith.mulf %unpack3A_788, %gather3A_791 : vector<16xf32>
        tpu.vector_store_idx %arg15[%add3A_764, %add3A_801], %mul3A_802 : memref<128x72xf32, #tpu.memory_space<vmem>>[vector<16xi32>, vector<16xi32>], vector<16xf32>,
        %mul3A_803 = arith.constant 16 : i32
        %mul3A_804 = arith.muli %mul3A_803, %scan3A_335 : i32
        %add3A_805 = arith.constant 10 : i32
        %add3A_806 = arith.addi %mul3A_804, %add3A_805 : i32
        %broadcast_in_dim3A_807 = arith.constant 0 : i32
        %broadcast_in_dim3A_808 = vector.broadcast %broadcast_in_dim3A_807 : i32 to vector<16xi32>
        %add3A_809 = vector.broadcast %add3A_806 : i32 to vector<16xi32>
        %add3A_810 = arith.addi %broadcast_in_dim3A_808, %add3A_809 : vector<16xi32>
        %get3A_811 = arith.index_cast %add3A_806 : i32 to index
        %get3A_812 = arith.constant 0 : index
        %get3A_813 = tpu.vector_load %arg9[%get3A_811, %get3A_812] {strides = array<i32>} : memref<128x64xbf16, #tpu.memory_space<vmem>>, vector<32xbf16>,
        %unpack3A_814 = tpu.unpack_subelements %get3A_813, 0 {pack_format = #tpu.pack_format<interleaved>} : vector<32xbf16> -> vector<16xf32>
        %unpack3A_815 = tpu.unpack_subelements %get3A_813, 1 {pack_format = #tpu.pack_format<interleaved>} : vector<32xbf16> -> vector<16xf32>
        %broadcast_in_dim3A_816 = vector.shape_cast %broadcast_in_dim3A_26 : vector<16xi32> to vector<16x1xi32>
        %gather3A_817 = vector.shape_cast %broadcast_in_dim3A_816 : vector<16x1xi32> to vector<16xi32>
        %gather3A_818 = tpu.dynamic_gather %exp3A[%gather3A_817] in [0] : vector<16xf32>, vector<16xi32> -> vector<16xf32>
        %add3A_819 = arith.constant 0 : i32
        %add3A_820 = vector.broadcast %add3A_819 : i32 to vector<16xi32>
        %add3A_821 = arith.addi %mul3A_281, %add3A_820 : vector<16xi32>
        %mul3A_822 = arith.mulf %unpack3A_814, %gather3A_818 : vector<16xf32>
        tpu.vector_store_idx %arg15[%add3A_810, %add3A_821], %mul3A_822 : memref<128x72xf32, #tpu.memory_space<vmem>>[vector<16xi32>, vector<16xi32>], vector<16xf32>,
        %add3A_823 = arith.constant 0 : i32
        %add3A_824 = vector.broadcast %add3A_823 : i32 to vector<16xi32>
        %add3A_825 = arith.addi %mul3A_281, %add3A_824 : vector<16xi32>
        %add3A_826 = arith.constant 1 : i32
        %add3A_827 = vector.broadcast %add3A_826 : i32 to vector<16xi32>
        %add3A_828 = arith.addi %add3A_825, %add3A_827 : vector<16xi32>
        %mul3A_829 = arith.mulf %unpack3A_815, %gather3A_818 : vector<16xf32>
        tpu.vector_store_idx %arg15[%add3A_810, %add3A_828], %mul3A_829 : memref<128x72xf32, #tpu.memory_space<vmem>>[vector<16xi32>, vector<16xi32>], vector<16xf32>,
        %get3A_830 = arith.index_cast %add3A_806 : i32 to index
        %get3A_831 = arith.constant 32 : index
        %get3A_832 = tpu.vector_load %arg9[%get3A_830, %get3A_831] {strides = array<i32>} : memref<128x64xbf16, #tpu.memory_space<vmem>>, vector<32xbf16>,
        %unpack3A_833 = tpu.unpack_subelements %get3A_832, 0 {pack_format = #tpu.pack_format<interleaved>} : vector<32xbf16> -> vector<16xf32>
        %unpack3A_834 = tpu.unpack_subelements %get3A_832, 1 {pack_format = #tpu.pack_format<interleaved>} : vector<32xbf16> -> vector<16xf32>
        %broadcast_in_dim3A_835 = vector.shape_cast %broadcast_in_dim3A_26 : vector<16xi32> to vector<16x1xi32>
        %gather3A_836 = vector.shape_cast %broadcast_in_dim3A_835 : vector<16x1xi32> to vector<16xi32>
        %gather3A_837 = tpu.dynamic_gather %exp3A[%gather3A_836] in [0] : vector<16xf32>, vector<16xi32> -> vector<16xf32>
        %add3A_838 = arith.constant 32 : i32
        %add3A_839 = vector.broadcast %add3A_838 : i32 to vector<16xi32>
        %add3A_840 = arith.addi %mul3A_281, %add3A_839 : vector<16xi32>
        %mul3A_841 = arith.mulf %unpack3A_833, %gather3A_837 : vector<16xf32>
        tpu.vector_store_idx %arg15[%add3A_810, %add3A_840], %mul3A_841 : memref<128x72xf32, #tpu.memory_space<vmem>>[vector<16xi32>, vector<16xi32>], vector<16xf32>,
        %add3A_842 = arith.constant 32 : i32
        %add3A_843 = vector.broadcast %add3A_842 : i32 to vector<16xi32>
        %add3A_844 = arith.addi %mul3A_281, %add3A_843 : vector<16xi32>
        %add3A_845 = arith.constant 1 : i32
        %add3A_846 = vector.broadcast %add3A_845 : i32 to vector<16xi32>
        %add3A_847 = arith.addi %add3A_844, %add3A_846 : vector<16xi32>
        %mul3A_848 = arith.mulf %unpack3A_834, %gather3A_837 : vector<16xf32>
        tpu.vector_store_idx %arg15[%add3A_810, %add3A_847], %mul3A_848 : memref<128x72xf32, #tpu.memory_space<vmem>>[vector<16xi32>, vector<16xi32>], vector<16xf32>,
        %mul3A_849 = arith.constant 16 : i32
        %mul3A_850 = arith.muli %mul3A_849, %scan3A_335 : i32
        %add3A_851 = arith.constant 11 : i32
        %add3A_852 = arith.addi %mul3A_850, %add3A_851 : i32
        %broadcast_in_dim3A_853 = arith.constant 0 : i32
        %broadcast_in_dim3A_854 = vector.broadcast %broadcast_in_dim3A_853 : i32 to vector<16xi32>
        %add3A_855 = vector.broadcast %add3A_852 : i32 to vector<16xi32>
        %add3A_856 = arith.addi %broadcast_in_dim3A_854, %add3A_855 : vector<16xi32>
        %get3A_857 = arith.index_cast %add3A_852 : i32 to index
        %get3A_858 = arith.constant 0 : index
        %get3A_859 = tpu.vector_load %arg9[%get3A_857, %get3A_858] {strides = array<i32>} : memref<128x64xbf16, #tpu.memory_space<vmem>>, vector<32xbf16>,
        %unpack3A_860 = tpu.unpack_subelements %get3A_859, 0 {pack_format = #tpu.pack_format<interleaved>} : vector<32xbf16> -> vector<16xf32>
        %unpack3A_861 = tpu.unpack_subelements %get3A_859, 1 {pack_format = #tpu.pack_format<interleaved>} : vector<32xbf16> -> vector<16xf32>
        %broadcast_in_dim3A_862 = vector.shape_cast %broadcast_in_dim3A_28 : vector<16xi32> to vector<16x1xi32>
        %gather3A_863 = vector.shape_cast %broadcast_in_dim3A_862 : vector<16x1xi32> to vector<16xi32>
        %gather3A_864 = tpu.dynamic_gather %exp3A[%gather3A_863] in [0] : vector<16xf32>, vector<16xi32> -> vector<16xf32>
        %add3A_865 = arith.constant 0 : i32
        %add3A_866 = vector.broadcast %add3A_865 : i32 to vector<16xi32>
        %add3A_867 = arith.addi %mul3A_281, %add3A_866 : vector<16xi32>
        %mul3A_868 = arith.mulf %unpack3A_860, %gather3A_864 : vector<16xf32>
        tpu.vector_store_idx %arg15[%add3A_856, %add3A_867], %mul3A_868 : memref<128x72xf32, #tpu.memory_space<vmem>>[vector<16xi32>, vector<16xi32>], vector<16xf32>,
        %add3A_869 = arith.constant 0 : i32
        %add3A_870 = vector.broadcast %add3A_869 : i32 to vector<16xi32>
        %add3A_871 = arith.addi %mul3A_281, %add3A_870 : vector<16xi32>
        %add3A_872 = arith.constant 1 : i32
        %add3A_873 = vector.broadcast %add3A_872 : i32 to vector<16xi32>
        %add3A_874 = arith.addi %add3A_871, %add3A_873 : vector<16xi32>
        %mul3A_875 = arith.mulf %unpack3A_861, %gather3A_864 : vector<16xf32>
        tpu.vector_store_idx %arg15[%add3A_856, %add3A_874], %mul3A_875 : memref<128x72xf32, #tpu.memory_space<vmem>>[vector<16xi32>, vector<16xi32>], vector<16xf32>,
        %get3A_876 = arith.index_cast %add3A_852 : i32 to index
        %get3A_877 = arith.constant 32 : index
        %get3A_878 = tpu.vector_load %arg9[%get3A_876, %get3A_877] {strides = array<i32>} : memref<128x64xbf16, #tpu.memory_space<vmem>>, vector<32xbf16>,
        %unpack3A_879 = tpu.unpack_subelements %get3A_878, 0 {pack_format = #tpu.pack_format<interleaved>} : vector<32xbf16> -> vector<16xf32>
        %unpack3A_880 = tpu.unpack_subelements %get3A_878, 1 {pack_format = #tpu.pack_format<interleaved>} : vector<32xbf16> -> vector<16xf32>
        %broadcast_in_dim3A_881 = vector.shape_cast %broadcast_in_dim3A_28 : vector<16xi32> to vector<16x1xi32>
        %gather3A_882 = vector.shape_cast %broadcast_in_dim3A_881 : vector<16x1xi32> to vector<16xi32>
        %gather3A_883 = tpu.dynamic_gather %exp3A[%gather3A_882] in [0] : vector<16xf32>, vector<16xi32> -> vector<16xf32>
        %add3A_884 = arith.constant 32 : i32
        %add3A_885 = vector.broadcast %add3A_884 : i32 to vector<16xi32>
        %add3A_886 = arith.addi %mul3A_281, %add3A_885 : vector<16xi32>
        %mul3A_887 = arith.mulf %unpack3A_879, %gather3A_883 : vector<16xf32>
        tpu.vector_store_idx %arg15[%add3A_856, %add3A_886], %mul3A_887 : memref<128x72xf32, #tpu.memory_space<vmem>>[vector<16xi32>, vector<16xi32>], vector<16xf32>,
        %add3A_888 = arith.constant 32 : i32
        %add3A_889 = vector.broadcast %add3A_888 : i32 to vector<16xi32>
        %add3A_890 = arith.addi %mul3A_281, %add3A_889 : vector<16xi32>
        %add3A_891 = arith.constant 1 : i32
        %add3A_892 = vector.broadcast %add3A_891 : i32 to vector<16xi32>
        %add3A_893 = arith.addi %add3A_890, %add3A_892 : vector<16xi32>
        %mul3A_894 = arith.mulf %unpack3A_880, %gather3A_883 : vector<16xf32>
        tpu.vector_store_idx %arg15[%add3A_856, %add3A_893], %mul3A_894 : memref<128x72xf32, #tpu.memory_space<vmem>>[vector<16xi32>, vector<16xi32>], vector<16xf32>,
        %mul3A_895 = arith.constant 16 : i32
        %mul3A_896 = arith.muli %mul3A_895, %scan3A_335 : i32
        %add3A_897 = arith.constant 12 : i32
        %add3A_898 = arith.addi %mul3A_896, %add3A_897 : i32
        %broadcast_in_dim3A_899 = arith.constant 0 : i32
        %broadcast_in_dim3A_900 = vector.broadcast %broadcast_in_dim3A_899 : i32 to vector<16xi32>
        %add3A_901 = vector.broadcast %add3A_898 : i32 to vector<16xi32>
        %add3A_902 = arith.addi %broadcast_in_dim3A_900, %add3A_901 : vector<16xi32>
        %get3A_903 = arith.index_cast %add3A_898 : i32 to index
        %get3A_904 = arith.constant 0 : index
        %get3A_905 = tpu.vector_load %arg9[%get3A_903, %get3A_904] {strides = array<i32>} : memref<128x64xbf16, #tpu.memory_space<vmem>>, vector<32xbf16>,
        %unpack3A_906 = tpu.unpack_subelements %get3A_905, 0 {pack_format = #tpu.pack_format<interleaved>} : vector<32xbf16> -> vector<16xf32>
        %unpack3A_907 = tpu.unpack_subelements %get3A_905, 1 {pack_format = #tpu.pack_format<interleaved>} : vector<32xbf16> -> vector<16xf32>
        %broadcast_in_dim3A_908 = vector.shape_cast %broadcast_in_dim3A_30 : vector<16xi32> to vector<16x1xi32>
        %gather3A_909 = vector.shape_cast %broadcast_in_dim3A_908 : vector<16x1xi32> to vector<16xi32>
        %gather3A_910 = tpu.dynamic_gather %exp3A[%gather3A_909] in [0] : vector<16xf32>, vector<16xi32> -> vector<16xf32>
        %add3A_911 = arith.constant 0 : i32
        %add3A_912 = vector.broadcast %add3A_911 : i32 to vector<16xi32>
        %add3A_913 = arith.addi %mul3A_281, %add3A_912 : vector<16xi32>
        %mul3A_914 = arith.mulf %unpack3A_906, %gather3A_910 : vector<16xf32>
        tpu.vector_store_idx %arg15[%add3A_902, %add3A_913], %mul3A_914 : memref<128x72xf32, #tpu.memory_space<vmem>>[vector<16xi32>, vector<16xi32>], vector<16xf32>,
        %add3A_915 = arith.constant 0 : i32
        %add3A_916 = vector.broadcast %add3A_915 : i32 to vector<16xi32>
        %add3A_917 = arith.addi %mul3A_281, %add3A_916 : vector<16xi32>
        %add3A_918 = arith.constant 1 : i32
        %add3A_919 = vector.broadcast %add3A_918 : i32 to vector<16xi32>
        %add3A_920 = arith.addi %add3A_917, %add3A_919 : vector<16xi32>
        %mul3A_921 = arith.mulf %unpack3A_907, %gather3A_910 : vector<16xf32>
        tpu.vector_store_idx %arg15[%add3A_902, %add3A_920], %mul3A_921 : memref<128x72xf32, #tpu.memory_space<vmem>>[vector<16xi32>, vector<16xi32>], vector<16xf32>,
        %get3A_922 = arith.index_cast %add3A_898 : i32 to index
        %get3A_923 = arith.constant 32 : index
        %get3A_924 = tpu.vector_load %arg9[%get3A_922, %get3A_923] {strides = array<i32>} : memref<128x64xbf16, #tpu.memory_space<vmem>>, vector<32xbf16>,
        %unpack3A_925 = tpu.unpack_subelements %get3A_924, 0 {pack_format = #tpu.pack_format<interleaved>} : vector<32xbf16> -> vector<16xf32>
        %unpack3A_926 = tpu.unpack_subelements %get3A_924, 1 {pack_format = #tpu.pack_format<interleaved>} : vector<32xbf16> -> vector<16xf32>
        %broadcast_in_dim3A_927 = vector.shape_cast %broadcast_in_dim3A_30 : vector<16xi32> to vector<16x1xi32>
        %gather3A_928 = vector.shape_cast %broadcast_in_dim3A_927 : vector<16x1xi32> to vector<16xi32>
        %gather3A_929 = tpu.dynamic_gather %exp3A[%gather3A_928] in [0] : vector<16xf32>, vector<16xi32> -> vector<16xf32>
        %add3A_930 = arith.constant 32 : i32
        %add3A_931 = vector.broadcast %add3A_930 : i32 to vector<16xi32>
        %add3A_932 = arith.addi %mul3A_281, %add3A_931 : vector<16xi32>
        %mul3A_933 = arith.mulf %unpack3A_925, %gather3A_929 : vector<16xf32>
        tpu.vector_store_idx %arg15[%add3A_902, %add3A_932], %mul3A_933 : memref<128x72xf32, #tpu.memory_space<vmem>>[vector<16xi32>, vector<16xi32>], vector<16xf32>,
        %add3A_934 = arith.constant 32 : i32
        %add3A_935 = vector.broadcast %add3A_934 : i32 to vector<16xi32>
        %add3A_936 = arith.addi %mul3A_281, %add3A_935 : vector<16xi32>
        %add3A_937 = arith.constant 1 : i32
        %add3A_938 = vector.broadcast %add3A_937 : i32 to vector<16xi32>
        %add3A_939 = arith.addi %add3A_936, %add3A_938 : vector<16xi32>
        %mul3A_940 = arith.mulf %unpack3A_926, %gather3A_929 : vector<16xf32>
        tpu.vector_store_idx %arg15[%add3A_902, %add3A_939], %mul3A_940 : memref<128x72xf32, #tpu.memory_space<vmem>>[vector<16xi32>, vector<16xi32>], vector<16xf32>,
        %mul3A_941 = arith.constant 16 : i32
        %mul3A_942 = arith.muli %mul3A_941, %scan3A_335 : i32
        %add3A_943 = arith.constant 13 : i32
        %add3A_944 = arith.addi %mul3A_942, %add3A_943 : i32
        %broadcast_in_dim3A_945 = arith.constant 0 : i32
        %broadcast_in_dim3A_946 = vector.broadcast %broadcast_in_dim3A_945 : i32 to vector<16xi32>
        %add3A_947 = vector.broadcast %add3A_944 : i32 to vector<16xi32>
        %add3A_948 = arith.addi %broadcast_in_dim3A_946, %add3A_947 : vector<16xi32>
        %get3A_949 = arith.index_cast %add3A_944 : i32 to index
        %get3A_950 = arith.constant 0 : index
        %get3A_951 = tpu.vector_load %arg9[%get3A_949, %get3A_950] {strides = array<i32>} : memref<128x64xbf16, #tpu.memory_space<vmem>>, vector<32xbf16>,
        %unpack3A_952 = tpu.unpack_subelements %get3A_951, 0 {pack_format = #tpu.pack_format<interleaved>} : vector<32xbf16> -> vector<16xf32>
        %unpack3A_953 = tpu.unpack_subelements %get3A_951, 1 {pack_format = #tpu.pack_format<interleaved>} : vector<32xbf16> -> vector<16xf32>
        %broadcast_in_dim3A_954 = vector.shape_cast %broadcast_in_dim3A_32 : vector<16xi32> to vector<16x1xi32>
        %gather3A_955 = vector.shape_cast %broadcast_in_dim3A_954 : vector<16x1xi32> to vector<16xi32>
        %gather3A_956 = tpu.dynamic_gather %exp3A[%gather3A_955] in [0] : vector<16xf32>, vector<16xi32> -> vector<16xf32>
        %add3A_957 = arith.constant 0 : i32
        %add3A_958 = vector.broadcast %add3A_957 : i32 to vector<16xi32>
        %add3A_959 = arith.addi %mul3A_281, %add3A_958 : vector<16xi32>
        %mul3A_960 = arith.mulf %unpack3A_952, %gather3A_956 : vector<16xf32>
        tpu.vector_store_idx %arg15[%add3A_948, %add3A_959], %mul3A_960 : memref<128x72xf32, #tpu.memory_space<vmem>>[vector<16xi32>, vector<16xi32>], vector<16xf32>,
        %add3A_961 = arith.constant 0 : i32
        %add3A_962 = vector.broadcast %add3A_961 : i32 to vector<16xi32>
        %add3A_963 = arith.addi %mul3A_281, %add3A_962 : vector<16xi32>
        %add3A_964 = arith.constant 1 : i32
        %add3A_965 = vector.broadcast %add3A_964 : i32 to vector<16xi32>
        %add3A_966 = arith.addi %add3A_963, %add3A_965 : vector<16xi32>
        %mul3A_967 = arith.mulf %unpack3A_953, %gather3A_956 : vector<16xf32>
        tpu.vector_store_idx %arg15[%add3A_948, %add3A_966], %mul3A_967 : memref<128x72xf32, #tpu.memory_space<vmem>>[vector<16xi32>, vector<16xi32>], vector<16xf32>,
        %get3A_968 = arith.index_cast %add3A_944 : i32 to index
        %get3A_969 = arith.constant 32 : index
        %get3A_970 = tpu.vector_load %arg9[%get3A_968, %get3A_969] {strides = array<i32>} : memref<128x64xbf16, #tpu.memory_space<vmem>>, vector<32xbf16>,
        %unpack3A_971 = tpu.unpack_subelements %get3A_970, 0 {pack_format = #tpu.pack_format<interleaved>} : vector<32xbf16> -> vector<16xf32>
        %unpack3A_972 = tpu.unpack_subelements %get3A_970, 1 {pack_format = #tpu.pack_format<interleaved>} : vector<32xbf16> -> vector<16xf32>
        %broadcast_in_dim3A_973 = vector.shape_cast %broadcast_in_dim3A_32 : vector<16xi32> to vector<16x1xi32>
        %gather3A_974 = vector.shape_cast %broadcast_in_dim3A_973 : vector<16x1xi32> to vector<16xi32>
        %gather3A_975 = tpu.dynamic_gather %exp3A[%gather3A_974] in [0] : vector<16xf32>, vector<16xi32> -> vector<16xf32>
        %add3A_976 = arith.constant 32 : i32
        %add3A_977 = vector.broadcast %add3A_976 : i32 to vector<16xi32>
        %add3A_978 = arith.addi %mul3A_281, %add3A_977 : vector<16xi32>
        %mul3A_979 = arith.mulf %unpack3A_971, %gather3A_975 : vector<16xf32>
        tpu.vector_store_idx %arg15[%add3A_948, %add3A_978], %mul3A_979 : memref<128x72xf32, #tpu.memory_space<vmem>>[vector<16xi32>, vector<16xi32>], vector<16xf32>,
        %add3A_980 = arith.constant 32 : i32
        %add3A_981 = vector.broadcast %add3A_980 : i32 to vector<16xi32>
        %add3A_982 = arith.addi %mul3A_281, %add3A_981 : vector<16xi32>
        %add3A_983 = arith.constant 1 : i32
        %add3A_984 = vector.broadcast %add3A_983 : i32 to vector<16xi32>
        %add3A_985 = arith.addi %add3A_982, %add3A_984 : vector<16xi32>
        %mul3A_986 = arith.mulf %unpack3A_972, %gather3A_975 : vector<16xf32>
        tpu.vector_store_idx %arg15[%add3A_948, %add3A_985], %mul3A_986 : memref<128x72xf32, #tpu.memory_space<vmem>>[vector<16xi32>, vector<16xi32>], vector<16xf32>,
        %mul3A_987 = arith.constant 16 : i32
        %mul3A_988 = arith.muli %mul3A_987, %scan3A_335 : i32
        %add3A_989 = arith.constant 14 : i32
        %add3A_990 = arith.addi %mul3A_988, %add3A_989 : i32
        %broadcast_in_dim3A_991 = arith.constant 0 : i32
        %broadcast_in_dim3A_992 = vector.broadcast %broadcast_in_dim3A_991 : i32 to vector<16xi32>
        %add3A_993 = vector.broadcast %add3A_990 : i32 to vector<16xi32>
        %add3A_994 = arith.addi %broadcast_in_dim3A_992, %add3A_993 : vector<16xi32>
        %get3A_995 = arith.index_cast %add3A_990 : i32 to index
        %get3A_996 = arith.constant 0 : index
        %get3A_997 = tpu.vector_load %arg9[%get3A_995, %get3A_996] {strides = array<i32>} : memref<128x64xbf16, #tpu.memory_space<vmem>>, vector<32xbf16>,
        %unpack3A_998 = tpu.unpack_subelements %get3A_997, 0 {pack_format = #tpu.pack_format<interleaved>} : vector<32xbf16> -> vector<16xf32>
        %unpack3A_999 = tpu.unpack_subelements %get3A_997, 1 {pack_format = #tpu.pack_format<interleaved>} : vector<32xbf16> -> vector<16xf32>
        %broadcast_in_dim3A_1000 = vector.shape_cast %broadcast_in_dim3A_34 : vector<16xi32> to vector<16x1xi32>
        %gather3A_1001 = vector.shape_cast %broadcast_in_dim3A_1000 : vector<16x1xi32> to vector<16xi32>
        %gather3A_1002 = tpu.dynamic_gather %exp3A[%gather3A_1001] in [0] : vector<16xf32>, vector<16xi32> -> vector<16xf32>
        %add3A_1003 = arith.constant 0 : i32
        %add3A_1004 = vector.broadcast %add3A_1003 : i32 to vector<16xi32>
        %add3A_1005 = arith.addi %mul3A_281, %add3A_1004 : vector<16xi32>
        %mul3A_1006 = arith.mulf %unpack3A_998, %gather3A_1002 : vector<16xf32>
        tpu.vector_store_idx %arg15[%add3A_994, %add3A_1005], %mul3A_1006 : memref<128x72xf32, #tpu.memory_space<vmem>>[vector<16xi32>, vector<16xi32>], vector<16xf32>,
        %add3A_1007 = arith.constant 0 : i32
        %add3A_1008 = vector.broadcast %add3A_1007 : i32 to vector<16xi32>
        %add3A_1009 = arith.addi %mul3A_281, %add3A_1008 : vector<16xi32>
        %add3A_1010 = arith.constant 1 : i32
        %add3A_1011 = vector.broadcast %add3A_1010 : i32 to vector<16xi32>
        %add3A_1012 = arith.addi %add3A_1009, %add3A_1011 : vector<16xi32>
        %mul3A_1013 = arith.mulf %unpack3A_999, %gather3A_1002 : vector<16xf32>
        tpu.vector_store_idx %arg15[%add3A_994, %add3A_1012], %mul3A_1013 : memref<128x72xf32, #tpu.memory_space<vmem>>[vector<16xi32>, vector<16xi32>], vector<16xf32>,
        %get3A_1014 = arith.index_cast %add3A_990 : i32 to index
        %get3A_1015 = arith.constant 32 : index
        %get3A_1016 = tpu.vector_load %arg9[%get3A_1014, %get3A_1015] {strides = array<i32>} : memref<128x64xbf16, #tpu.memory_space<vmem>>, vector<32xbf16>,
        %unpack3A_1017 = tpu.unpack_subelements %get3A_1016, 0 {pack_format = #tpu.pack_format<interleaved>} : vector<32xbf16> -> vector<16xf32>
        %unpack3A_1018 = tpu.unpack_subelements %get3A_1016, 1 {pack_format = #tpu.pack_format<interleaved>} : vector<32xbf16> -> vector<16xf32>
        %broadcast_in_dim3A_1019 = vector.shape_cast %broadcast_in_dim3A_34 : vector<16xi32> to vector<16x1xi32>
        %gather3A_1020 = vector.shape_cast %broadcast_in_dim3A_1019 : vector<16x1xi32> to vector<16xi32>
        %gather3A_1021 = tpu.dynamic_gather %exp3A[%gather3A_1020] in [0] : vector<16xf32>, vector<16xi32> -> vector<16xf32>
        %add3A_1022 = arith.constant 32 : i32
        %add3A_1023 = vector.broadcast %add3A_1022 : i32 to vector<16xi32>
        %add3A_1024 = arith.addi %mul3A_281, %add3A_1023 : vector<16xi32>
        %mul3A_1025 = arith.mulf %unpack3A_1017, %gather3A_1021 : vector<16xf32>
        tpu.vector_store_idx %arg15[%add3A_994, %add3A_1024], %mul3A_1025 : memref<128x72xf32, #tpu.memory_space<vmem>>[vector<16xi32>, vector<16xi32>], vector<16xf32>,
        %add3A_1026 = arith.constant 32 : i32
        %add3A_1027 = vector.broadcast %add3A_1026 : i32 to vector<16xi32>
        %add3A_1028 = arith.addi %mul3A_281, %add3A_1027 : vector<16xi32>
        %add3A_1029 = arith.constant 1 : i32
        %add3A_1030 = vector.broadcast %add3A_1029 : i32 to vector<16xi32>
        %add3A_1031 = arith.addi %add3A_1028, %add3A_1030 : vector<16xi32>
        %mul3A_1032 = arith.mulf %unpack3A_1018, %gather3A_1021 : vector<16xf32>
        tpu.vector_store_idx %arg15[%add3A_994, %add3A_1031], %mul3A_1032 : memref<128x72xf32, #tpu.memory_space<vmem>>[vector<16xi32>, vector<16xi32>], vector<16xf32>,
        %mul3A_1033 = arith.constant 16 : i32
        %mul3A_1034 = arith.muli %mul3A_1033, %scan3A_335 : i32
        %add3A_1035 = arith.constant 15 : i32
        %add3A_1036 = arith.addi %mul3A_1034, %add3A_1035 : i32
        %broadcast_in_dim3A_1037 = arith.constant 0 : i32
        %broadcast_in_dim3A_1038 = vector.broadcast %broadcast_in_dim3A_1037 : i32 to vector<16xi32>
        %add3A_1039 = vector.broadcast %add3A_1036 : i32 to vector<16xi32>
        %add3A_1040 = arith.addi %broadcast_in_dim3A_1038, %add3A_1039 : vector<16xi32>
        %get3A_1041 = arith.index_cast %add3A_1036 : i32 to index
        %get3A_1042 = arith.constant 0 : index
        %get3A_1043 = tpu.vector_load %arg9[%get3A_1041, %get3A_1042] {strides = array<i32>} : memref<128x64xbf16, #tpu.memory_space<vmem>>, vector<32xbf16>,
        %unpack3A_1044 = tpu.unpack_subelements %get3A_1043, 0 {pack_format = #tpu.pack_format<interleaved>} : vector<32xbf16> -> vector<16xf32>
        %unpack3A_1045 = tpu.unpack_subelements %get3A_1043, 1 {pack_format = #tpu.pack_format<interleaved>} : vector<32xbf16> -> vector<16xf32>
        %broadcast_in_dim3A_1046 = vector.shape_cast %broadcast_in_dim3A_36 : vector<16xi32> to vector<16x1xi32>
        %gather3A_1047 = vector.shape_cast %broadcast_in_dim3A_1046 : vector<16x1xi32> to vector<16xi32>
        %gather3A_1048 = tpu.dynamic_gather %exp3A[%gather3A_1047] in [0] : vector<16xf32>, vector<16xi32> -> vector<16xf32>
        %add3A_1049 = arith.constant 0 : i32
        %add3A_1050 = vector.broadcast %add3A_1049 : i32 to vector<16xi32>
        %add3A_1051 = arith.addi %mul3A_281, %add3A_1050 : vector<16xi32>
        %mul3A_1052 = arith.mulf %unpack3A_1044, %gather3A_1048 : vector<16xf32>
        tpu.vector_store_idx %arg15[%add3A_1040, %add3A_1051], %mul3A_1052 : memref<128x72xf32, #tpu.memory_space<vmem>>[vector<16xi32>, vector<16xi32>], vector<16xf32>,
        %add3A_1053 = arith.constant 0 : i32
        %add3A_1054 = vector.broadcast %add3A_1053 : i32 to vector<16xi32>
        %add3A_1055 = arith.addi %mul3A_281, %add3A_1054 : vector<16xi32>
        %add3A_1056 = arith.constant 1 : i32
        %add3A_1057 = vector.broadcast %add3A_1056 : i32 to vector<16xi32>
        %add3A_1058 = arith.addi %add3A_1055, %add3A_1057 : vector<16xi32>
        %mul3A_1059 = arith.mulf %unpack3A_1045, %gather3A_1048 : vector<16xf32>
        tpu.vector_store_idx %arg15[%add3A_1040, %add3A_1058], %mul3A_1059 : memref<128x72xf32, #tpu.memory_space<vmem>>[vector<16xi32>, vector<16xi32>], vector<16xf32>,
        %get3A_1060 = arith.index_cast %add3A_1036 : i32 to index
        %get3A_1061 = arith.constant 32 : index
        %get3A_1062 = tpu.vector_load %arg9[%get3A_1060, %get3A_1061] {strides = array<i32>} : memref<128x64xbf16, #tpu.memory_space<vmem>>, vector<32xbf16>,
        %unpack3A_1063 = tpu.unpack_subelements %get3A_1062, 0 {pack_format = #tpu.pack_format<interleaved>} : vector<32xbf16> -> vector<16xf32>
        %unpack3A_1064 = tpu.unpack_subelements %get3A_1062, 1 {pack_format = #tpu.pack_format<interleaved>} : vector<32xbf16> -> vector<16xf32>
        %broadcast_in_dim3A_1065 = vector.shape_cast %broadcast_in_dim3A_36 : vector<16xi32> to vector<16x1xi32>
        %gather3A_1066 = vector.shape_cast %broadcast_in_dim3A_1065 : vector<16x1xi32> to vector<16xi32>
        %gather3A_1067 = tpu.dynamic_gather %exp3A[%gather3A_1066] in [0] : vector<16xf32>, vector<16xi32> -> vector<16xf32>
        %add3A_1068 = arith.constant 32 : i32
        %add3A_1069 = vector.broadcast %add3A_1068 : i32 to vector<16xi32>
        %add3A_1070 = arith.addi %mul3A_281, %add3A_1069 : vector<16xi32>
        %mul3A_1071 = arith.mulf %unpack3A_1063, %gather3A_1067 : vector<16xf32>
        tpu.vector_store_idx %arg15[%add3A_1040, %add3A_1070], %mul3A_1071 : memref<128x72xf32, #tpu.memory_space<vmem>>[vector<16xi32>, vector<16xi32>], vector<16xf32>,
        %add3A_1072 = arith.constant 32 : i32
        %add3A_1073 = vector.broadcast %add3A_1072 : i32 to vector<16xi32>
        %add3A_1074 = arith.addi %mul3A_281, %add3A_1073 : vector<16xi32>
        %add3A_1075 = arith.constant 1 : i32
        %add3A_1076 = vector.broadcast %add3A_1075 : i32 to vector<16xi32>
        %add3A_1077 = arith.addi %add3A_1074, %add3A_1076 : vector<16xi32>
        %mul3A_1078 = arith.mulf %unpack3A_1064, %gather3A_1067 : vector<16xf32>
        tpu.vector_store_idx %arg15[%add3A_1040, %add3A_1077], %mul3A_1078 : memref<128x72xf32, #tpu.memory_space<vmem>>[vector<16xi32>, vector<16xi32>], vector<16xf32>,
      }
      %scan3A_287 = arith.constant 8 : i32
      "tpu.region"() ({
        %run_scoped3A = tpu.sem_alloc : memref<!tpu.dma_semaphore, #tpu.memory_space<semaphore_mem>>
        %dma_start3A_335 = arith.constant 0 : i32
        %dma_start3A_336 = tpu.memref_slice %arg8[%mul3A_238, %dma_start3A_335] : memref<82x128xi32, #tpu.memory_space<vmem>> -> memref<1x128xi32, #tpu.memory_space<vmem>>
        %dma_start3A_337 = tpu.memref_squeeze %dma_start3A_336 : memref<1x128xi32, #tpu.memory_space<vmem>> -> memref<128xi32, #tpu.memory_space<vmem>>
        %dma_start3A_338 = arith.constant 0 : i32
        %dma_start3A_339 = arith.constant 0 : i32
        %dma_start3A_340 = tpu.memref_slice %arg16[%dma_start3A_338, %dma_start3A_339] : memref<10112x72xf32, #tpu.memory_space<vmem_shared>> -> memref<10112x72xf32, #tpu.memory_space<vmem_shared>>
        tpu.enqueue_indirect_dma source(%arg15 : memref<128x72xf32, #tpu.memory_space<vmem>>) target(%dma_start3A_340 : memref<10112x72xf32, #tpu.memory_space<vmem_shared>>) offsets(%dma_start3A_337 : memref<128xi32, #tpu.memory_space<vmem>>) semaphore(%run_scoped3A : memref<!tpu.dma_semaphore, #tpu.memory_space<semaphore_mem>>) {add = true}
        %dma_wait3A_341 = arith.constant 0 : i32
        %dma_wait3A_342 = tpu.memref_slice %arg8[%mul3A_238, %dma_wait3A_341] : memref<82x128xi32, #tpu.memory_space<vmem>> -> memref<1x128xi32, #tpu.memory_space<vmem>>
        %dma_wait3A_343 = tpu.memref_squeeze %dma_wait3A_342 : memref<1x128xi32, #tpu.memory_space<vmem>> -> memref<128xi32, #tpu.memory_space<vmem>>
        %dma_wait3A_344 = arith.constant 0 : i32
        %dma_wait3A_345 = arith.constant 0 : i32
        %dma_wait3A_346 = tpu.memref_slice %arg16[%dma_wait3A_344, %dma_wait3A_345] : memref<10112x72xf32, #tpu.memory_space<vmem_shared>> -> memref<10112x72xf32, #tpu.memory_space<vmem_shared>>
        tpu.wait_indirect_dma semaphore(%run_scoped3A : memref<!tpu.dma_semaphore, #tpu.memory_space<semaphore_mem>>) src(%arg15 : memref<128x72xf32, #tpu.memory_space<vmem>>) dst(%dma_wait3A_346 : memref<10112x72xf32, #tpu.memory_space<vmem_shared>>)
        tpu.yield
      }) : () -> ()
      %dma_wait3A_288 = arith.constant 0 : i32
      %dma_wait3A_289 = tpu.memref_slice %arg7[%add3A_242, %dma_wait3A_288] : memref<82x128xi32, #tpu.memory_space<vmem>> -> memref<1x128xi32, #tpu.memory_space<vmem>>
      %dma_wait3A_290 = tpu.memref_squeeze %dma_wait3A_289 : memref<1x128xi32, #tpu.memory_space<vmem>> -> memref<128xi32, #tpu.memory_space<vmem>>
      %dma_wait3A_291 = arith.constant 0 : i32
      %dma_wait3A_292 = arith.constant 0 : i32
      %dma_wait3A_293 = tpu.memref_slice %arg4[%dma_wait3A_291, %dma_wait3A_292] : memref<10016x64xbf16, #tpu.memory_space<hbm>> -> memref<10016x64xbf16, #tpu.memory_space<hbm>>
      tpu.wait_indirect_dma semaphore(%arg18 : memref<!tpu.dma_semaphore, #tpu.memory_space<semaphore_mem>>) src(%dma_wait3A_293 : memref<10016x64xbf16, #tpu.memory_space<hbm>>) dst(%arg10 : memref<128x64xbf16, #tpu.memory_space<vmem>>)
      %dma_wait3A_294 = arith.constant 0 : i32
      %dma_wait3A_295 = tpu.memref_slice %arg7[%add3A_242, %dma_wait3A_294] : memref<82x128xi32, #tpu.memory_space<vmem>> -> memref<1x128xi32, #tpu.memory_space<vmem>>
      %dma_wait3A_296 = tpu.memref_squeeze %dma_wait3A_295 : memref<1x128xi32, #tpu.memory_space<vmem>> -> memref<128xi32, #tpu.memory_space<vmem>>
      %dma_wait3A_297 = arith.constant 0 : i32
      %dma_wait3A_298 = arith.constant 0 : i32
      %dma_wait3A_299 = tpu.memref_slice %arg5[%dma_wait3A_297, %dma_wait3A_298] : memref<10016x16xf32, #tpu.memory_space<hbm>> -> memref<10016x16xf32, #tpu.memory_space<hbm>>
      tpu.wait_indirect_dma semaphore(%arg18 : memref<!tpu.dma_semaphore, #tpu.memory_space<semaphore_mem>>) src(%dma_wait3A_299 : memref<10016x16xf32, #tpu.memory_space<hbm>>) dst(%arg12 : memref<128x16xf32, #tpu.memory_space<vmem>>)
      %dma_wait3A_300 = arith.constant 0 : i32
      %dma_wait3A_301 = tpu.memref_slice %arg8[%add3A_242, %dma_wait3A_300] : memref<82x128xi32, #tpu.memory_space<vmem>> -> memref<1x128xi32, #tpu.memory_space<vmem>>
      %dma_wait3A_302 = tpu.memref_squeeze %dma_wait3A_301 : memref<1x128xi32, #tpu.memory_space<vmem>> -> memref<128xi32, #tpu.memory_space<vmem>>
      %dma_wait3A_303 = arith.constant 0 : i32
      %dma_wait3A_304 = arith.constant 0 : i32
      %dma_wait3A_305 = tpu.memref_slice %arg5[%dma_wait3A_303, %dma_wait3A_304] : memref<10016x16xf32, #tpu.memory_space<hbm>> -> memref<10016x16xf32, #tpu.memory_space<hbm>>
      tpu.wait_indirect_dma semaphore(%arg18 : memref<!tpu.dma_semaphore, #tpu.memory_space<semaphore_mem>>) src(%dma_wait3A_305 : memref<10016x16xf32, #tpu.memory_space<hbm>>) dst(%arg14 : memref<128x16xf32, #tpu.memory_space<vmem>>)
      %add3A_306 = arith.constant 2 : i32
      %add3A_307 = arith.addi %mul3A_238, %add3A_306 : i32
      %dma_start3A_308 = arith.constant 0 : i32
      %dma_start3A_309 = tpu.memref_slice %arg7[%add3A_307, %dma_start3A_308] : memref<82x128xi32, #tpu.memory_space<vmem>> -> memref<1x128xi32, #tpu.memory_space<vmem>>
      %dma_start3A_310 = tpu.memref_squeeze %dma_start3A_309 : memref<1x128xi32, #tpu.memory_space<vmem>> -> memref<128xi32, #tpu.memory_space<vmem>>
      %dma_start3A_311 = arith.constant 0 : i32
      %dma_start3A_312 = arith.constant 0 : i32
      %dma_start3A_313 = tpu.memref_slice %arg4[%dma_start3A_311, %dma_start3A_312] : memref<10016x64xbf16, #tpu.memory_space<hbm>> -> memref<10016x64xbf16, #tpu.memory_space<hbm>>
      tpu.enqueue_indirect_dma source(%dma_start3A_313 : memref<10016x64xbf16, #tpu.memory_space<hbm>>) target(%arg9 : memref<128x64xbf16, #tpu.memory_space<vmem>>) offsets(%dma_start3A_310 : memref<128xi32, #tpu.memory_space<vmem>>) semaphore(%arg17 : memref<!tpu.dma_semaphore, #tpu.memory_space<semaphore_mem>>)
      %dma_start3A_314 = arith.constant 0 : i32
      %dma_start3A_315 = tpu.memref_slice %arg7[%add3A_307, %dma_start3A_314] : memref<82x128xi32, #tpu.memory_space<vmem>> -> memref<1x128xi32, #tpu.memory_space<vmem>>
      %dma_start3A_316 = tpu.memref_squeeze %dma_start3A_315 : memref<1x128xi32, #tpu.memory_space<vmem>> -> memref<128xi32, #tpu.memory_space<vmem>>
      %dma_start3A_317 = arith.constant 0 : i32
      %dma_start3A_318 = arith.constant 0 : i32
      %dma_start3A_319 = tpu.memref_slice %arg5[%dma_start3A_317, %dma_start3A_318] : memref<10016x16xf32, #tpu.memory_space<hbm>> -> memref<10016x16xf32, #tpu.memory_space<hbm>>
      tpu.enqueue_indirect_dma source(%dma_start3A_319 : memref<10016x16xf32, #tpu.memory_space<hbm>>) target(%arg11 : memref<128x16xf32, #tpu.memory_space<vmem>>) offsets(%dma_start3A_316 : memref<128xi32, #tpu.memory_space<vmem>>) semaphore(%arg17 : memref<!tpu.dma_semaphore, #tpu.memory_space<semaphore_mem>>)
      %dma_start3A_320 = arith.constant 0 : i32
      %dma_start3A_321 = tpu.memref_slice %arg8[%add3A_307, %dma_start3A_320] : memref<82x128xi32, #tpu.memory_space<vmem>> -> memref<1x128xi32, #tpu.memory_space<vmem>>
      %dma_start3A_322 = tpu.memref_squeeze %dma_start3A_321 : memref<1x128xi32, #tpu.memory_space<vmem>> -> memref<128xi32, #tpu.memory_space<vmem>>
      %dma_start3A_323 = arith.constant 0 : i32
      %dma_start3A_324 = arith.constant 0 : i32
      %dma_start3A_325 = tpu.memref_slice %arg5[%dma_start3A_323, %dma_start3A_324] : memref<10016x16xf32, #tpu.memory_space<hbm>> -> memref<10016x16xf32, #tpu.memory_space<hbm>>
      tpu.enqueue_indirect_dma source(%dma_start3A_325 : memref<10016x16xf32, #tpu.memory_space<hbm>>) target(%arg13 : memref<128x16xf32, #tpu.memory_space<vmem>>) offsets(%dma_start3A_322 : memref<128xi32, #tpu.memory_space<vmem>>) semaphore(%arg17 : memref<!tpu.dma_semaphore, #tpu.memory_space<semaphore_mem>>)
      %mul3A_326 = arith.constant 2 : i32
      %mul3A_327 = vector.broadcast %mul3A_326 : i32 to vector<16xi32>
      %mul3A_328 = arith.muli %mul3A_327, %iota3A : vector<16xi32>
      %scan3A_329 = arith.constant 0 : i32
      %scan3A_330 = arith.constant 0 : i32
      %scan3A_331 = arith.constant 8 : i32
      %scan3A_332 = arith.addi %scan3A_330, %scan3A_331 : i32
      %scan3A_333 = arith.constant 1 : i32
      scf.for %scan3A_335 = %scan3A_330 to %scan3A_332 step %scan3A_333  : i32 {
        %mul3A_336 = arith.constant 16 : i32
        %mul3A_337 = arith.muli %mul3A_336, %scan3A_335 : i32
        %add3A_338 = vector.broadcast %mul3A_337 : i32 to vector<16xi32>
        %add3A_339 = arith.addi %add3A_338, %iota3A : vector<16xi32>
        %gather3A = tpu.vector_load_idx %arg12[%add3A_339, %broadcast_in_dim3A_2] : memref<128x16xf32, #tpu.memory_space<vmem>>[vector<16xi32>, vector<16xi32>], vector<16xf32>,
        %gather3A_340 = tpu.vector_load_idx %arg14[%add3A_339, %broadcast_in_dim3A_4] : memref<128x16xf32, #tpu.memory_space<vmem>>[vector<16xi32>, vector<16xi32>], vector<16xf32>,
        %add3A_341 = arith.addf %gather3A, %gather3A_340 : vector<16xf32>
        %mul3A_342 = arith.constant 2.000000e-01 : f32
        %mul3A_343 = vector.broadcast %mul3A_342 : f32 to vector<16xf32>
        %mul3A_344 = arith.mulf %mul3A_343, %add3A_341 : vector<16xf32>
        %max3A = arith.maximumf %add3A_341, %mul3A_344 : vector<16xf32>
        %exp3A = math.exp %max3A : vector<16xf32>
        tpu.vector_store_idx %arg15[%add3A_339, %broadcast_in_dim3A_0], %exp3A : memref<128x72xf32, #tpu.memory_space<vmem>>[vector<16xi32>, vector<16xi32>], vector<16xf32>,
        %mul3A_345 = arith.constant 16 : i32
        %mul3A_346 = arith.muli %mul3A_345, %scan3A_335 : i32
        %add3A_347 = arith.constant 0 : i32
        %add3A_348 = arith.addi %mul3A_346, %add3A_347 : i32
        %broadcast_in_dim3A_349 = arith.constant 0 : i32
        %broadcast_in_dim3A_350 = vector.broadcast %broadcast_in_dim3A_349 : i32 to vector<16xi32>
        %add3A_351 = vector.broadcast %add3A_348 : i32 to vector<16xi32>
        %add3A_352 = arith.addi %broadcast_in_dim3A_350, %add3A_351 : vector<16xi32>
        %get3A = arith.index_cast %add3A_348 : i32 to index
        %get3A_353 = arith.constant 0 : index
        %get3A_354 = tpu.vector_load %arg10[%get3A, %get3A_353] {strides = array<i32>} : memref<128x64xbf16, #tpu.memory_space<vmem>>, vector<32xbf16>,
        %unpack3A = tpu.unpack_subelements %get3A_354, 0 {pack_format = #tpu.pack_format<interleaved>} : vector<32xbf16> -> vector<16xf32>
        %unpack3A_355 = tpu.unpack_subelements %get3A_354, 1 {pack_format = #tpu.pack_format<interleaved>} : vector<32xbf16> -> vector<16xf32>
        %broadcast_in_dim3A_356 = vector.shape_cast %broadcast_in_dim3A_6 : vector<16xi32> to vector<16x1xi32>
        %gather3A_357 = vector.shape_cast %broadcast_in_dim3A_356 : vector<16x1xi32> to vector<16xi32>
        %gather3A_358 = tpu.dynamic_gather %exp3A[%gather3A_357] in [0] : vector<16xf32>, vector<16xi32> -> vector<16xf32>
        %add3A_359 = arith.constant 0 : i32
        %add3A_360 = vector.broadcast %add3A_359 : i32 to vector<16xi32>
        %add3A_361 = arith.addi %mul3A_328, %add3A_360 : vector<16xi32>
        %mul3A_362 = arith.mulf %unpack3A, %gather3A_358 : vector<16xf32>
        tpu.vector_store_idx %arg15[%add3A_352, %add3A_361], %mul3A_362 : memref<128x72xf32, #tpu.memory_space<vmem>>[vector<16xi32>, vector<16xi32>], vector<16xf32>,
        %add3A_363 = arith.constant 0 : i32
        %add3A_364 = vector.broadcast %add3A_363 : i32 to vector<16xi32>
        %add3A_365 = arith.addi %mul3A_328, %add3A_364 : vector<16xi32>
        %add3A_366 = arith.constant 1 : i32
        %add3A_367 = vector.broadcast %add3A_366 : i32 to vector<16xi32>
        %add3A_368 = arith.addi %add3A_365, %add3A_367 : vector<16xi32>
        %mul3A_369 = arith.mulf %unpack3A_355, %gather3A_358 : vector<16xf32>
        tpu.vector_store_idx %arg15[%add3A_352, %add3A_368], %mul3A_369 : memref<128x72xf32, #tpu.memory_space<vmem>>[vector<16xi32>, vector<16xi32>], vector<16xf32>,
        %get3A_370 = arith.index_cast %add3A_348 : i32 to index
        %get3A_371 = arith.constant 32 : index
        %get3A_372 = tpu.vector_load %arg10[%get3A_370, %get3A_371] {strides = array<i32>} : memref<128x64xbf16, #tpu.memory_space<vmem>>, vector<32xbf16>,
        %unpack3A_373 = tpu.unpack_subelements %get3A_372, 0 {pack_format = #tpu.pack_format<interleaved>} : vector<32xbf16> -> vector<16xf32>
        %unpack3A_374 = tpu.unpack_subelements %get3A_372, 1 {pack_format = #tpu.pack_format<interleaved>} : vector<32xbf16> -> vector<16xf32>
        %broadcast_in_dim3A_375 = vector.shape_cast %broadcast_in_dim3A_6 : vector<16xi32> to vector<16x1xi32>
        %gather3A_376 = vector.shape_cast %broadcast_in_dim3A_375 : vector<16x1xi32> to vector<16xi32>
        %gather3A_377 = tpu.dynamic_gather %exp3A[%gather3A_376] in [0] : vector<16xf32>, vector<16xi32> -> vector<16xf32>
        %add3A_378 = arith.constant 32 : i32
        %add3A_379 = vector.broadcast %add3A_378 : i32 to vector<16xi32>
        %add3A_380 = arith.addi %mul3A_328, %add3A_379 : vector<16xi32>
        %mul3A_381 = arith.mulf %unpack3A_373, %gather3A_377 : vector<16xf32>
        tpu.vector_store_idx %arg15[%add3A_352, %add3A_380], %mul3A_381 : memref<128x72xf32, #tpu.memory_space<vmem>>[vector<16xi32>, vector<16xi32>], vector<16xf32>,
        %add3A_382 = arith.constant 32 : i32
        %add3A_383 = vector.broadcast %add3A_382 : i32 to vector<16xi32>
        %add3A_384 = arith.addi %mul3A_328, %add3A_383 : vector<16xi32>
        %add3A_385 = arith.constant 1 : i32
        %add3A_386 = vector.broadcast %add3A_385 : i32 to vector<16xi32>
        %add3A_387 = arith.addi %add3A_384, %add3A_386 : vector<16xi32>
        %mul3A_388 = arith.mulf %unpack3A_374, %gather3A_377 : vector<16xf32>
        tpu.vector_store_idx %arg15[%add3A_352, %add3A_387], %mul3A_388 : memref<128x72xf32, #tpu.memory_space<vmem>>[vector<16xi32>, vector<16xi32>], vector<16xf32>,
        %mul3A_389 = arith.constant 16 : i32
        %mul3A_390 = arith.muli %mul3A_389, %scan3A_335 : i32
        %add3A_391 = arith.constant 1 : i32
        %add3A_392 = arith.addi %mul3A_390, %add3A_391 : i32
        %broadcast_in_dim3A_393 = arith.constant 0 : i32
        %broadcast_in_dim3A_394 = vector.broadcast %broadcast_in_dim3A_393 : i32 to vector<16xi32>
        %add3A_395 = vector.broadcast %add3A_392 : i32 to vector<16xi32>
        %add3A_396 = arith.addi %broadcast_in_dim3A_394, %add3A_395 : vector<16xi32>
        %get3A_397 = arith.index_cast %add3A_392 : i32 to index
        %get3A_398 = arith.constant 0 : index
        %get3A_399 = tpu.vector_load %arg10[%get3A_397, %get3A_398] {strides = array<i32>} : memref<128x64xbf16, #tpu.memory_space<vmem>>, vector<32xbf16>,
        %unpack3A_400 = tpu.unpack_subelements %get3A_399, 0 {pack_format = #tpu.pack_format<interleaved>} : vector<32xbf16> -> vector<16xf32>
        %unpack3A_401 = tpu.unpack_subelements %get3A_399, 1 {pack_format = #tpu.pack_format<interleaved>} : vector<32xbf16> -> vector<16xf32>
        %broadcast_in_dim3A_402 = vector.shape_cast %broadcast_in_dim3A_8 : vector<16xi32> to vector<16x1xi32>
        %gather3A_403 = vector.shape_cast %broadcast_in_dim3A_402 : vector<16x1xi32> to vector<16xi32>
        %gather3A_404 = tpu.dynamic_gather %exp3A[%gather3A_403] in [0] : vector<16xf32>, vector<16xi32> -> vector<16xf32>
        %add3A_405 = arith.constant 0 : i32
        %add3A_406 = vector.broadcast %add3A_405 : i32 to vector<16xi32>
        %add3A_407 = arith.addi %mul3A_328, %add3A_406 : vector<16xi32>
        %mul3A_408 = arith.mulf %unpack3A_400, %gather3A_404 : vector<16xf32>
        tpu.vector_store_idx %arg15[%add3A_396, %add3A_407], %mul3A_408 : memref<128x72xf32, #tpu.memory_space<vmem>>[vector<16xi32>, vector<16xi32>], vector<16xf32>,
        %add3A_409 = arith.constant 0 : i32
        %add3A_410 = vector.broadcast %add3A_409 : i32 to vector<16xi32>
        %add3A_411 = arith.addi %mul3A_328, %add3A_410 : vector<16xi32>
        %add3A_412 = arith.constant 1 : i32
        %add3A_413 = vector.broadcast %add3A_412 : i32 to vector<16xi32>
        %add3A_414 = arith.addi %add3A_411, %add3A_413 : vector<16xi32>
        %mul3A_415 = arith.mulf %unpack3A_401, %gather3A_404 : vector<16xf32>
        tpu.vector_store_idx %arg15[%add3A_396, %add3A_414], %mul3A_415 : memref<128x72xf32, #tpu.memory_space<vmem>>[vector<16xi32>, vector<16xi32>], vector<16xf32>,
        %get3A_416 = arith.index_cast %add3A_392 : i32 to index
        %get3A_417 = arith.constant 32 : index
        %get3A_418 = tpu.vector_load %arg10[%get3A_416, %get3A_417] {strides = array<i32>} : memref<128x64xbf16, #tpu.memory_space<vmem>>, vector<32xbf16>,
        %unpack3A_419 = tpu.unpack_subelements %get3A_418, 0 {pack_format = #tpu.pack_format<interleaved>} : vector<32xbf16> -> vector<16xf32>
        %unpack3A_420 = tpu.unpack_subelements %get3A_418, 1 {pack_format = #tpu.pack_format<interleaved>} : vector<32xbf16> -> vector<16xf32>
        %broadcast_in_dim3A_421 = vector.shape_cast %broadcast_in_dim3A_8 : vector<16xi32> to vector<16x1xi32>
        %gather3A_422 = vector.shape_cast %broadcast_in_dim3A_421 : vector<16x1xi32> to vector<16xi32>
        %gather3A_423 = tpu.dynamic_gather %exp3A[%gather3A_422] in [0] : vector<16xf32>, vector<16xi32> -> vector<16xf32>
        %add3A_424 = arith.constant 32 : i32
        %add3A_425 = vector.broadcast %add3A_424 : i32 to vector<16xi32>
        %add3A_426 = arith.addi %mul3A_328, %add3A_425 : vector<16xi32>
        %mul3A_427 = arith.mulf %unpack3A_419, %gather3A_423 : vector<16xf32>
        tpu.vector_store_idx %arg15[%add3A_396, %add3A_426], %mul3A_427 : memref<128x72xf32, #tpu.memory_space<vmem>>[vector<16xi32>, vector<16xi32>], vector<16xf32>,
        %add3A_428 = arith.constant 32 : i32
        %add3A_429 = vector.broadcast %add3A_428 : i32 to vector<16xi32>
        %add3A_430 = arith.addi %mul3A_328, %add3A_429 : vector<16xi32>
        %add3A_431 = arith.constant 1 : i32
        %add3A_432 = vector.broadcast %add3A_431 : i32 to vector<16xi32>
        %add3A_433 = arith.addi %add3A_430, %add3A_432 : vector<16xi32>
        %mul3A_434 = arith.mulf %unpack3A_420, %gather3A_423 : vector<16xf32>
        tpu.vector_store_idx %arg15[%add3A_396, %add3A_433], %mul3A_434 : memref<128x72xf32, #tpu.memory_space<vmem>>[vector<16xi32>, vector<16xi32>], vector<16xf32>,
        %mul3A_435 = arith.constant 16 : i32
        %mul3A_436 = arith.muli %mul3A_435, %scan3A_335 : i32
        %add3A_437 = arith.constant 2 : i32
        %add3A_438 = arith.addi %mul3A_436, %add3A_437 : i32
        %broadcast_in_dim3A_439 = arith.constant 0 : i32
        %broadcast_in_dim3A_440 = vector.broadcast %broadcast_in_dim3A_439 : i32 to vector<16xi32>
        %add3A_441 = vector.broadcast %add3A_438 : i32 to vector<16xi32>
        %add3A_442 = arith.addi %broadcast_in_dim3A_440, %add3A_441 : vector<16xi32>
        %get3A_443 = arith.index_cast %add3A_438 : i32 to index
        %get3A_444 = arith.constant 0 : index
        %get3A_445 = tpu.vector_load %arg10[%get3A_443, %get3A_444] {strides = array<i32>} : memref<128x64xbf16, #tpu.memory_space<vmem>>, vector<32xbf16>,
        %unpack3A_446 = tpu.unpack_subelements %get3A_445, 0 {pack_format = #tpu.pack_format<interleaved>} : vector<32xbf16> -> vector<16xf32>
        %unpack3A_447 = tpu.unpack_subelements %get3A_445, 1 {pack_format = #tpu.pack_format<interleaved>} : vector<32xbf16> -> vector<16xf32>
        %broadcast_in_dim3A_448 = vector.shape_cast %broadcast_in_dim3A_10 : vector<16xi32> to vector<16x1xi32>
        %gather3A_449 = vector.shape_cast %broadcast_in_dim3A_448 : vector<16x1xi32> to vector<16xi32>
        %gather3A_450 = tpu.dynamic_gather %exp3A[%gather3A_449] in [0] : vector<16xf32>, vector<16xi32> -> vector<16xf32>
        %add3A_451 = arith.constant 0 : i32
        %add3A_452 = vector.broadcast %add3A_451 : i32 to vector<16xi32>
        %add3A_453 = arith.addi %mul3A_328, %add3A_452 : vector<16xi32>
        %mul3A_454 = arith.mulf %unpack3A_446, %gather3A_450 : vector<16xf32>
        tpu.vector_store_idx %arg15[%add3A_442, %add3A_453], %mul3A_454 : memref<128x72xf32, #tpu.memory_space<vmem>>[vector<16xi32>, vector<16xi32>], vector<16xf32>,
        %add3A_455 = arith.constant 0 : i32
        %add3A_456 = vector.broadcast %add3A_455 : i32 to vector<16xi32>
        %add3A_457 = arith.addi %mul3A_328, %add3A_456 : vector<16xi32>
        %add3A_458 = arith.constant 1 : i32
        %add3A_459 = vector.broadcast %add3A_458 : i32 to vector<16xi32>
        %add3A_460 = arith.addi %add3A_457, %add3A_459 : vector<16xi32>
        %mul3A_461 = arith.mulf %unpack3A_447, %gather3A_450 : vector<16xf32>
        tpu.vector_store_idx %arg15[%add3A_442, %add3A_460], %mul3A_461 : memref<128x72xf32, #tpu.memory_space<vmem>>[vector<16xi32>, vector<16xi32>], vector<16xf32>,
        %get3A_462 = arith.index_cast %add3A_438 : i32 to index
        %get3A_463 = arith.constant 32 : index
        %get3A_464 = tpu.vector_load %arg10[%get3A_462, %get3A_463] {strides = array<i32>} : memref<128x64xbf16, #tpu.memory_space<vmem>>, vector<32xbf16>,
        %unpack3A_465 = tpu.unpack_subelements %get3A_464, 0 {pack_format = #tpu.pack_format<interleaved>} : vector<32xbf16> -> vector<16xf32>
        %unpack3A_466 = tpu.unpack_subelements %get3A_464, 1 {pack_format = #tpu.pack_format<interleaved>} : vector<32xbf16> -> vector<16xf32>
        %broadcast_in_dim3A_467 = vector.shape_cast %broadcast_in_dim3A_10 : vector<16xi32> to vector<16x1xi32>
        %gather3A_468 = vector.shape_cast %broadcast_in_dim3A_467 : vector<16x1xi32> to vector<16xi32>
        %gather3A_469 = tpu.dynamic_gather %exp3A[%gather3A_468] in [0] : vector<16xf32>, vector<16xi32> -> vector<16xf32>
        %add3A_470 = arith.constant 32 : i32
        %add3A_471 = vector.broadcast %add3A_470 : i32 to vector<16xi32>
        %add3A_472 = arith.addi %mul3A_328, %add3A_471 : vector<16xi32>
        %mul3A_473 = arith.mulf %unpack3A_465, %gather3A_469 : vector<16xf32>
        tpu.vector_store_idx %arg15[%add3A_442, %add3A_472], %mul3A_473 : memref<128x72xf32, #tpu.memory_space<vmem>>[vector<16xi32>, vector<16xi32>], vector<16xf32>,
        %add3A_474 = arith.constant 32 : i32
        %add3A_475 = vector.broadcast %add3A_474 : i32 to vector<16xi32>
        %add3A_476 = arith.addi %mul3A_328, %add3A_475 : vector<16xi32>
        %add3A_477 = arith.constant 1 : i32
        %add3A_478 = vector.broadcast %add3A_477 : i32 to vector<16xi32>
        %add3A_479 = arith.addi %add3A_476, %add3A_478 : vector<16xi32>
        %mul3A_480 = arith.mulf %unpack3A_466, %gather3A_469 : vector<16xf32>
        tpu.vector_store_idx %arg15[%add3A_442, %add3A_479], %mul3A_480 : memref<128x72xf32, #tpu.memory_space<vmem>>[vector<16xi32>, vector<16xi32>], vector<16xf32>,
        %mul3A_481 = arith.constant 16 : i32
        %mul3A_482 = arith.muli %mul3A_481, %scan3A_335 : i32
        %add3A_483 = arith.constant 3 : i32
        %add3A_484 = arith.addi %mul3A_482, %add3A_483 : i32
        %broadcast_in_dim3A_485 = arith.constant 0 : i32
        %broadcast_in_dim3A_486 = vector.broadcast %broadcast_in_dim3A_485 : i32 to vector<16xi32>
        %add3A_487 = vector.broadcast %add3A_484 : i32 to vector<16xi32>
        %add3A_488 = arith.addi %broadcast_in_dim3A_486, %add3A_487 : vector<16xi32>
        %get3A_489 = arith.index_cast %add3A_484 : i32 to index
        %get3A_490 = arith.constant 0 : index
        %get3A_491 = tpu.vector_load %arg10[%get3A_489, %get3A_490] {strides = array<i32>} : memref<128x64xbf16, #tpu.memory_space<vmem>>, vector<32xbf16>,
        %unpack3A_492 = tpu.unpack_subelements %get3A_491, 0 {pack_format = #tpu.pack_format<interleaved>} : vector<32xbf16> -> vector<16xf32>
        %unpack3A_493 = tpu.unpack_subelements %get3A_491, 1 {pack_format = #tpu.pack_format<interleaved>} : vector<32xbf16> -> vector<16xf32>
        %broadcast_in_dim3A_494 = vector.shape_cast %broadcast_in_dim3A_12 : vector<16xi32> to vector<16x1xi32>
        %gather3A_495 = vector.shape_cast %broadcast_in_dim3A_494 : vector<16x1xi32> to vector<16xi32>
        %gather3A_496 = tpu.dynamic_gather %exp3A[%gather3A_495] in [0] : vector<16xf32>, vector<16xi32> -> vector<16xf32>
        %add3A_497 = arith.constant 0 : i32
        %add3A_498 = vector.broadcast %add3A_497 : i32 to vector<16xi32>
        %add3A_499 = arith.addi %mul3A_328, %add3A_498 : vector<16xi32>
        %mul3A_500 = arith.mulf %unpack3A_492, %gather3A_496 : vector<16xf32>
        tpu.vector_store_idx %arg15[%add3A_488, %add3A_499], %mul3A_500 : memref<128x72xf32, #tpu.memory_space<vmem>>[vector<16xi32>, vector<16xi32>], vector<16xf32>,
        %add3A_501 = arith.constant 0 : i32
        %add3A_502 = vector.broadcast %add3A_501 : i32 to vector<16xi32>
        %add3A_503 = arith.addi %mul3A_328, %add3A_502 : vector<16xi32>
        %add3A_504 = arith.constant 1 : i32
        %add3A_505 = vector.broadcast %add3A_504 : i32 to vector<16xi32>
        %add3A_506 = arith.addi %add3A_503, %add3A_505 : vector<16xi32>
        %mul3A_507 = arith.mulf %unpack3A_493, %gather3A_496 : vector<16xf32>
        tpu.vector_store_idx %arg15[%add3A_488, %add3A_506], %mul3A_507 : memref<128x72xf32, #tpu.memory_space<vmem>>[vector<16xi32>, vector<16xi32>], vector<16xf32>,
        %get3A_508 = arith.index_cast %add3A_484 : i32 to index
        %get3A_509 = arith.constant 32 : index
        %get3A_510 = tpu.vector_load %arg10[%get3A_508, %get3A_509] {strides = array<i32>} : memref<128x64xbf16, #tpu.memory_space<vmem>>, vector<32xbf16>,
        %unpack3A_511 = tpu.unpack_subelements %get3A_510, 0 {pack_format = #tpu.pack_format<interleaved>} : vector<32xbf16> -> vector<16xf32>
        %unpack3A_512 = tpu.unpack_subelements %get3A_510, 1 {pack_format = #tpu.pack_format<interleaved>} : vector<32xbf16> -> vector<16xf32>
        %broadcast_in_dim3A_513 = vector.shape_cast %broadcast_in_dim3A_12 : vector<16xi32> to vector<16x1xi32>
        %gather3A_514 = vector.shape_cast %broadcast_in_dim3A_513 : vector<16x1xi32> to vector<16xi32>
        %gather3A_515 = tpu.dynamic_gather %exp3A[%gather3A_514] in [0] : vector<16xf32>, vector<16xi32> -> vector<16xf32>
        %add3A_516 = arith.constant 32 : i32
        %add3A_517 = vector.broadcast %add3A_516 : i32 to vector<16xi32>
        %add3A_518 = arith.addi %mul3A_328, %add3A_517 : vector<16xi32>
        %mul3A_519 = arith.mulf %unpack3A_511, %gather3A_515 : vector<16xf32>
        tpu.vector_store_idx %arg15[%add3A_488, %add3A_518], %mul3A_519 : memref<128x72xf32, #tpu.memory_space<vmem>>[vector<16xi32>, vector<16xi32>], vector<16xf32>,
        %add3A_520 = arith.constant 32 : i32
        %add3A_521 = vector.broadcast %add3A_520 : i32 to vector<16xi32>
        %add3A_522 = arith.addi %mul3A_328, %add3A_521 : vector<16xi32>
        %add3A_523 = arith.constant 1 : i32
        %add3A_524 = vector.broadcast %add3A_523 : i32 to vector<16xi32>
        %add3A_525 = arith.addi %add3A_522, %add3A_524 : vector<16xi32>
        %mul3A_526 = arith.mulf %unpack3A_512, %gather3A_515 : vector<16xf32>
        tpu.vector_store_idx %arg15[%add3A_488, %add3A_525], %mul3A_526 : memref<128x72xf32, #tpu.memory_space<vmem>>[vector<16xi32>, vector<16xi32>], vector<16xf32>,
        %mul3A_527 = arith.constant 16 : i32
        %mul3A_528 = arith.muli %mul3A_527, %scan3A_335 : i32
        %add3A_529 = arith.constant 4 : i32
        %add3A_530 = arith.addi %mul3A_528, %add3A_529 : i32
        %broadcast_in_dim3A_531 = arith.constant 0 : i32
        %broadcast_in_dim3A_532 = vector.broadcast %broadcast_in_dim3A_531 : i32 to vector<16xi32>
        %add3A_533 = vector.broadcast %add3A_530 : i32 to vector<16xi32>
        %add3A_534 = arith.addi %broadcast_in_dim3A_532, %add3A_533 : vector<16xi32>
        %get3A_535 = arith.index_cast %add3A_530 : i32 to index
        %get3A_536 = arith.constant 0 : index
        %get3A_537 = tpu.vector_load %arg10[%get3A_535, %get3A_536] {strides = array<i32>} : memref<128x64xbf16, #tpu.memory_space<vmem>>, vector<32xbf16>,
        %unpack3A_538 = tpu.unpack_subelements %get3A_537, 0 {pack_format = #tpu.pack_format<interleaved>} : vector<32xbf16> -> vector<16xf32>
        %unpack3A_539 = tpu.unpack_subelements %get3A_537, 1 {pack_format = #tpu.pack_format<interleaved>} : vector<32xbf16> -> vector<16xf32>
        %broadcast_in_dim3A_540 = vector.shape_cast %broadcast_in_dim3A_14 : vector<16xi32> to vector<16x1xi32>
        %gather3A_541 = vector.shape_cast %broadcast_in_dim3A_540 : vector<16x1xi32> to vector<16xi32>
        %gather3A_542 = tpu.dynamic_gather %exp3A[%gather3A_541] in [0] : vector<16xf32>, vector<16xi32> -> vector<16xf32>
        %add3A_543 = arith.constant 0 : i32
        %add3A_544 = vector.broadcast %add3A_543 : i32 to vector<16xi32>
        %add3A_545 = arith.addi %mul3A_328, %add3A_544 : vector<16xi32>
        %mul3A_546 = arith.mulf %unpack3A_538, %gather3A_542 : vector<16xf32>
        tpu.vector_store_idx %arg15[%add3A_534, %add3A_545], %mul3A_546 : memref<128x72xf32, #tpu.memory_space<vmem>>[vector<16xi32>, vector<16xi32>], vector<16xf32>,
        %add3A_547 = arith.constant 0 : i32
        %add3A_548 = vector.broadcast %add3A_547 : i32 to vector<16xi32>
        %add3A_549 = arith.addi %mul3A_328, %add3A_548 : vector<16xi32>
        %add3A_550 = arith.constant 1 : i32
        %add3A_551 = vector.broadcast %add3A_550 : i32 to vector<16xi32>
        %add3A_552 = arith.addi %add3A_549, %add3A_551 : vector<16xi32>
        %mul3A_553 = arith.mulf %unpack3A_539, %gather3A_542 : vector<16xf32>
        tpu.vector_store_idx %arg15[%add3A_534, %add3A_552], %mul3A_553 : memref<128x72xf32, #tpu.memory_space<vmem>>[vector<16xi32>, vector<16xi32>], vector<16xf32>,
        %get3A_554 = arith.index_cast %add3A_530 : i32 to index
        %get3A_555 = arith.constant 32 : index
        %get3A_556 = tpu.vector_load %arg10[%get3A_554, %get3A_555] {strides = array<i32>} : memref<128x64xbf16, #tpu.memory_space<vmem>>, vector<32xbf16>,
        %unpack3A_557 = tpu.unpack_subelements %get3A_556, 0 {pack_format = #tpu.pack_format<interleaved>} : vector<32xbf16> -> vector<16xf32>
        %unpack3A_558 = tpu.unpack_subelements %get3A_556, 1 {pack_format = #tpu.pack_format<interleaved>} : vector<32xbf16> -> vector<16xf32>
        %broadcast_in_dim3A_559 = vector.shape_cast %broadcast_in_dim3A_14 : vector<16xi32> to vector<16x1xi32>
        %gather3A_560 = vector.shape_cast %broadcast_in_dim3A_559 : vector<16x1xi32> to vector<16xi32>
        %gather3A_561 = tpu.dynamic_gather %exp3A[%gather3A_560] in [0] : vector<16xf32>, vector<16xi32> -> vector<16xf32>
        %add3A_562 = arith.constant 32 : i32
        %add3A_563 = vector.broadcast %add3A_562 : i32 to vector<16xi32>
        %add3A_564 = arith.addi %mul3A_328, %add3A_563 : vector<16xi32>
        %mul3A_565 = arith.mulf %unpack3A_557, %gather3A_561 : vector<16xf32>
        tpu.vector_store_idx %arg15[%add3A_534, %add3A_564], %mul3A_565 : memref<128x72xf32, #tpu.memory_space<vmem>>[vector<16xi32>, vector<16xi32>], vector<16xf32>,
        %add3A_566 = arith.constant 32 : i32
        %add3A_567 = vector.broadcast %add3A_566 : i32 to vector<16xi32>
        %add3A_568 = arith.addi %mul3A_328, %add3A_567 : vector<16xi32>
        %add3A_569 = arith.constant 1 : i32
        %add3A_570 = vector.broadcast %add3A_569 : i32 to vector<16xi32>
        %add3A_571 = arith.addi %add3A_568, %add3A_570 : vector<16xi32>
        %mul3A_572 = arith.mulf %unpack3A_558, %gather3A_561 : vector<16xf32>
        tpu.vector_store_idx %arg15[%add3A_534, %add3A_571], %mul3A_572 : memref<128x72xf32, #tpu.memory_space<vmem>>[vector<16xi32>, vector<16xi32>], vector<16xf32>,
        %mul3A_573 = arith.constant 16 : i32
        %mul3A_574 = arith.muli %mul3A_573, %scan3A_335 : i32
        %add3A_575 = arith.constant 5 : i32
        %add3A_576 = arith.addi %mul3A_574, %add3A_575 : i32
        %broadcast_in_dim3A_577 = arith.constant 0 : i32
        %broadcast_in_dim3A_578 = vector.broadcast %broadcast_in_dim3A_577 : i32 to vector<16xi32>
        %add3A_579 = vector.broadcast %add3A_576 : i32 to vector<16xi32>
        %add3A_580 = arith.addi %broadcast_in_dim3A_578, %add3A_579 : vector<16xi32>
        %get3A_581 = arith.index_cast %add3A_576 : i32 to index
        %get3A_582 = arith.constant 0 : index
        %get3A_583 = tpu.vector_load %arg10[%get3A_581, %get3A_582] {strides = array<i32>} : memref<128x64xbf16, #tpu.memory_space<vmem>>, vector<32xbf16>,
        %unpack3A_584 = tpu.unpack_subelements %get3A_583, 0 {pack_format = #tpu.pack_format<interleaved>} : vector<32xbf16> -> vector<16xf32>
        %unpack3A_585 = tpu.unpack_subelements %get3A_583, 1 {pack_format = #tpu.pack_format<interleaved>} : vector<32xbf16> -> vector<16xf32>
        %broadcast_in_dim3A_586 = vector.shape_cast %broadcast_in_dim3A_16 : vector<16xi32> to vector<16x1xi32>
        %gather3A_587 = vector.shape_cast %broadcast_in_dim3A_586 : vector<16x1xi32> to vector<16xi32>
        %gather3A_588 = tpu.dynamic_gather %exp3A[%gather3A_587] in [0] : vector<16xf32>, vector<16xi32> -> vector<16xf32>
        %add3A_589 = arith.constant 0 : i32
        %add3A_590 = vector.broadcast %add3A_589 : i32 to vector<16xi32>
        %add3A_591 = arith.addi %mul3A_328, %add3A_590 : vector<16xi32>
        %mul3A_592 = arith.mulf %unpack3A_584, %gather3A_588 : vector<16xf32>
        tpu.vector_store_idx %arg15[%add3A_580, %add3A_591], %mul3A_592 : memref<128x72xf32, #tpu.memory_space<vmem>>[vector<16xi32>, vector<16xi32>], vector<16xf32>,
        %add3A_593 = arith.constant 0 : i32
        %add3A_594 = vector.broadcast %add3A_593 : i32 to vector<16xi32>
        %add3A_595 = arith.addi %mul3A_328, %add3A_594 : vector<16xi32>
        %add3A_596 = arith.constant 1 : i32
        %add3A_597 = vector.broadcast %add3A_596 : i32 to vector<16xi32>
        %add3A_598 = arith.addi %add3A_595, %add3A_597 : vector<16xi32>
        %mul3A_599 = arith.mulf %unpack3A_585, %gather3A_588 : vector<16xf32>
        tpu.vector_store_idx %arg15[%add3A_580, %add3A_598], %mul3A_599 : memref<128x72xf32, #tpu.memory_space<vmem>>[vector<16xi32>, vector<16xi32>], vector<16xf32>,
        %get3A_600 = arith.index_cast %add3A_576 : i32 to index
        %get3A_601 = arith.constant 32 : index
        %get3A_602 = tpu.vector_load %arg10[%get3A_600, %get3A_601] {strides = array<i32>} : memref<128x64xbf16, #tpu.memory_space<vmem>>, vector<32xbf16>,
        %unpack3A_603 = tpu.unpack_subelements %get3A_602, 0 {pack_format = #tpu.pack_format<interleaved>} : vector<32xbf16> -> vector<16xf32>
        %unpack3A_604 = tpu.unpack_subelements %get3A_602, 1 {pack_format = #tpu.pack_format<interleaved>} : vector<32xbf16> -> vector<16xf32>
        %broadcast_in_dim3A_605 = vector.shape_cast %broadcast_in_dim3A_16 : vector<16xi32> to vector<16x1xi32>
        %gather3A_606 = vector.shape_cast %broadcast_in_dim3A_605 : vector<16x1xi32> to vector<16xi32>
        %gather3A_607 = tpu.dynamic_gather %exp3A[%gather3A_606] in [0] : vector<16xf32>, vector<16xi32> -> vector<16xf32>
        %add3A_608 = arith.constant 32 : i32
        %add3A_609 = vector.broadcast %add3A_608 : i32 to vector<16xi32>
        %add3A_610 = arith.addi %mul3A_328, %add3A_609 : vector<16xi32>
        %mul3A_611 = arith.mulf %unpack3A_603, %gather3A_607 : vector<16xf32>
        tpu.vector_store_idx %arg15[%add3A_580, %add3A_610], %mul3A_611 : memref<128x72xf32, #tpu.memory_space<vmem>>[vector<16xi32>, vector<16xi32>], vector<16xf32>,
        %add3A_612 = arith.constant 32 : i32
        %add3A_613 = vector.broadcast %add3A_612 : i32 to vector<16xi32>
        %add3A_614 = arith.addi %mul3A_328, %add3A_613 : vector<16xi32>
        %add3A_615 = arith.constant 1 : i32
        %add3A_616 = vector.broadcast %add3A_615 : i32 to vector<16xi32>
        %add3A_617 = arith.addi %add3A_614, %add3A_616 : vector<16xi32>
        %mul3A_618 = arith.mulf %unpack3A_604, %gather3A_607 : vector<16xf32>
        tpu.vector_store_idx %arg15[%add3A_580, %add3A_617], %mul3A_618 : memref<128x72xf32, #tpu.memory_space<vmem>>[vector<16xi32>, vector<16xi32>], vector<16xf32>,
        %mul3A_619 = arith.constant 16 : i32
        %mul3A_620 = arith.muli %mul3A_619, %scan3A_335 : i32
        %add3A_621 = arith.constant 6 : i32
        %add3A_622 = arith.addi %mul3A_620, %add3A_621 : i32
        %broadcast_in_dim3A_623 = arith.constant 0 : i32
        %broadcast_in_dim3A_624 = vector.broadcast %broadcast_in_dim3A_623 : i32 to vector<16xi32>
        %add3A_625 = vector.broadcast %add3A_622 : i32 to vector<16xi32>
        %add3A_626 = arith.addi %broadcast_in_dim3A_624, %add3A_625 : vector<16xi32>
        %get3A_627 = arith.index_cast %add3A_622 : i32 to index
        %get3A_628 = arith.constant 0 : index
        %get3A_629 = tpu.vector_load %arg10[%get3A_627, %get3A_628] {strides = array<i32>} : memref<128x64xbf16, #tpu.memory_space<vmem>>, vector<32xbf16>,
        %unpack3A_630 = tpu.unpack_subelements %get3A_629, 0 {pack_format = #tpu.pack_format<interleaved>} : vector<32xbf16> -> vector<16xf32>
        %unpack3A_631 = tpu.unpack_subelements %get3A_629, 1 {pack_format = #tpu.pack_format<interleaved>} : vector<32xbf16> -> vector<16xf32>
        %broadcast_in_dim3A_632 = vector.shape_cast %broadcast_in_dim3A_18 : vector<16xi32> to vector<16x1xi32>
        %gather3A_633 = vector.shape_cast %broadcast_in_dim3A_632 : vector<16x1xi32> to vector<16xi32>
        %gather3A_634 = tpu.dynamic_gather %exp3A[%gather3A_633] in [0] : vector<16xf32>, vector<16xi32> -> vector<16xf32>
        %add3A_635 = arith.constant 0 : i32
        %add3A_636 = vector.broadcast %add3A_635 : i32 to vector<16xi32>
        %add3A_637 = arith.addi %mul3A_328, %add3A_636 : vector<16xi32>
        %mul3A_638 = arith.mulf %unpack3A_630, %gather3A_634 : vector<16xf32>
        tpu.vector_store_idx %arg15[%add3A_626, %add3A_637], %mul3A_638 : memref<128x72xf32, #tpu.memory_space<vmem>>[vector<16xi32>, vector<16xi32>], vector<16xf32>,
        %add3A_639 = arith.constant 0 : i32
        %add3A_640 = vector.broadcast %add3A_639 : i32 to vector<16xi32>
        %add3A_641 = arith.addi %mul3A_328, %add3A_640 : vector<16xi32>
        %add3A_642 = arith.constant 1 : i32
        %add3A_643 = vector.broadcast %add3A_642 : i32 to vector<16xi32>
        %add3A_644 = arith.addi %add3A_641, %add3A_643 : vector<16xi32>
        %mul3A_645 = arith.mulf %unpack3A_631, %gather3A_634 : vector<16xf32>
        tpu.vector_store_idx %arg15[%add3A_626, %add3A_644], %mul3A_645 : memref<128x72xf32, #tpu.memory_space<vmem>>[vector<16xi32>, vector<16xi32>], vector<16xf32>,
        %get3A_646 = arith.index_cast %add3A_622 : i32 to index
        %get3A_647 = arith.constant 32 : index
        %get3A_648 = tpu.vector_load %arg10[%get3A_646, %get3A_647] {strides = array<i32>} : memref<128x64xbf16, #tpu.memory_space<vmem>>, vector<32xbf16>,
        %unpack3A_649 = tpu.unpack_subelements %get3A_648, 0 {pack_format = #tpu.pack_format<interleaved>} : vector<32xbf16> -> vector<16xf32>
        %unpack3A_650 = tpu.unpack_subelements %get3A_648, 1 {pack_format = #tpu.pack_format<interleaved>} : vector<32xbf16> -> vector<16xf32>
        %broadcast_in_dim3A_651 = vector.shape_cast %broadcast_in_dim3A_18 : vector<16xi32> to vector<16x1xi32>
        %gather3A_652 = vector.shape_cast %broadcast_in_dim3A_651 : vector<16x1xi32> to vector<16xi32>
        %gather3A_653 = tpu.dynamic_gather %exp3A[%gather3A_652] in [0] : vector<16xf32>, vector<16xi32> -> vector<16xf32>
        %add3A_654 = arith.constant 32 : i32
        %add3A_655 = vector.broadcast %add3A_654 : i32 to vector<16xi32>
        %add3A_656 = arith.addi %mul3A_328, %add3A_655 : vector<16xi32>
        %mul3A_657 = arith.mulf %unpack3A_649, %gather3A_653 : vector<16xf32>
        tpu.vector_store_idx %arg15[%add3A_626, %add3A_656], %mul3A_657 : memref<128x72xf32, #tpu.memory_space<vmem>>[vector<16xi32>, vector<16xi32>], vector<16xf32>,
        %add3A_658 = arith.constant 32 : i32
        %add3A_659 = vector.broadcast %add3A_658 : i32 to vector<16xi32>
        %add3A_660 = arith.addi %mul3A_328, %add3A_659 : vector<16xi32>
        %add3A_661 = arith.constant 1 : i32
        %add3A_662 = vector.broadcast %add3A_661 : i32 to vector<16xi32>
        %add3A_663 = arith.addi %add3A_660, %add3A_662 : vector<16xi32>
        %mul3A_664 = arith.mulf %unpack3A_650, %gather3A_653 : vector<16xf32>
        tpu.vector_store_idx %arg15[%add3A_626, %add3A_663], %mul3A_664 : memref<128x72xf32, #tpu.memory_space<vmem>>[vector<16xi32>, vector<16xi32>], vector<16xf32>,
        %mul3A_665 = arith.constant 16 : i32
        %mul3A_666 = arith.muli %mul3A_665, %scan3A_335 : i32
        %add3A_667 = arith.constant 7 : i32
        %add3A_668 = arith.addi %mul3A_666, %add3A_667 : i32
        %broadcast_in_dim3A_669 = arith.constant 0 : i32
        %broadcast_in_dim3A_670 = vector.broadcast %broadcast_in_dim3A_669 : i32 to vector<16xi32>
        %add3A_671 = vector.broadcast %add3A_668 : i32 to vector<16xi32>
        %add3A_672 = arith.addi %broadcast_in_dim3A_670, %add3A_671 : vector<16xi32>
        %get3A_673 = arith.index_cast %add3A_668 : i32 to index
        %get3A_674 = arith.constant 0 : index
        %get3A_675 = tpu.vector_load %arg10[%get3A_673, %get3A_674] {strides = array<i32>} : memref<128x64xbf16, #tpu.memory_space<vmem>>, vector<32xbf16>,
        %unpack3A_676 = tpu.unpack_subelements %get3A_675, 0 {pack_format = #tpu.pack_format<interleaved>} : vector<32xbf16> -> vector<16xf32>
        %unpack3A_677 = tpu.unpack_subelements %get3A_675, 1 {pack_format = #tpu.pack_format<interleaved>} : vector<32xbf16> -> vector<16xf32>
        %broadcast_in_dim3A_678 = vector.shape_cast %broadcast_in_dim3A_20 : vector<16xi32> to vector<16x1xi32>
        %gather3A_679 = vector.shape_cast %broadcast_in_dim3A_678 : vector<16x1xi32> to vector<16xi32>
        %gather3A_680 = tpu.dynamic_gather %exp3A[%gather3A_679] in [0] : vector<16xf32>, vector<16xi32> -> vector<16xf32>
        %add3A_681 = arith.constant 0 : i32
        %add3A_682 = vector.broadcast %add3A_681 : i32 to vector<16xi32>
        %add3A_683 = arith.addi %mul3A_328, %add3A_682 : vector<16xi32>
        %mul3A_684 = arith.mulf %unpack3A_676, %gather3A_680 : vector<16xf32>
        tpu.vector_store_idx %arg15[%add3A_672, %add3A_683], %mul3A_684 : memref<128x72xf32, #tpu.memory_space<vmem>>[vector<16xi32>, vector<16xi32>], vector<16xf32>,
        %add3A_685 = arith.constant 0 : i32
        %add3A_686 = vector.broadcast %add3A_685 : i32 to vector<16xi32>
        %add3A_687 = arith.addi %mul3A_328, %add3A_686 : vector<16xi32>
        %add3A_688 = arith.constant 1 : i32
        %add3A_689 = vector.broadcast %add3A_688 : i32 to vector<16xi32>
        %add3A_690 = arith.addi %add3A_687, %add3A_689 : vector<16xi32>
        %mul3A_691 = arith.mulf %unpack3A_677, %gather3A_680 : vector<16xf32>
        tpu.vector_store_idx %arg15[%add3A_672, %add3A_690], %mul3A_691 : memref<128x72xf32, #tpu.memory_space<vmem>>[vector<16xi32>, vector<16xi32>], vector<16xf32>,
        %get3A_692 = arith.index_cast %add3A_668 : i32 to index
        %get3A_693 = arith.constant 32 : index
        %get3A_694 = tpu.vector_load %arg10[%get3A_692, %get3A_693] {strides = array<i32>} : memref<128x64xbf16, #tpu.memory_space<vmem>>, vector<32xbf16>,
        %unpack3A_695 = tpu.unpack_subelements %get3A_694, 0 {pack_format = #tpu.pack_format<interleaved>} : vector<32xbf16> -> vector<16xf32>
        %unpack3A_696 = tpu.unpack_subelements %get3A_694, 1 {pack_format = #tpu.pack_format<interleaved>} : vector<32xbf16> -> vector<16xf32>
        %broadcast_in_dim3A_697 = vector.shape_cast %broadcast_in_dim3A_20 : vector<16xi32> to vector<16x1xi32>
        %gather3A_698 = vector.shape_cast %broadcast_in_dim3A_697 : vector<16x1xi32> to vector<16xi32>
        %gather3A_699 = tpu.dynamic_gather %exp3A[%gather3A_698] in [0] : vector<16xf32>, vector<16xi32> -> vector<16xf32>
        %add3A_700 = arith.constant 32 : i32
        %add3A_701 = vector.broadcast %add3A_700 : i32 to vector<16xi32>
        %add3A_702 = arith.addi %mul3A_328, %add3A_701 : vector<16xi32>
        %mul3A_703 = arith.mulf %unpack3A_695, %gather3A_699 : vector<16xf32>
        tpu.vector_store_idx %arg15[%add3A_672, %add3A_702], %mul3A_703 : memref<128x72xf32, #tpu.memory_space<vmem>>[vector<16xi32>, vector<16xi32>], vector<16xf32>,
        %add3A_704 = arith.constant 32 : i32
        %add3A_705 = vector.broadcast %add3A_704 : i32 to vector<16xi32>
        %add3A_706 = arith.addi %mul3A_328, %add3A_705 : vector<16xi32>
        %add3A_707 = arith.constant 1 : i32
        %add3A_708 = vector.broadcast %add3A_707 : i32 to vector<16xi32>
        %add3A_709 = arith.addi %add3A_706, %add3A_708 : vector<16xi32>
        %mul3A_710 = arith.mulf %unpack3A_696, %gather3A_699 : vector<16xf32>
        tpu.vector_store_idx %arg15[%add3A_672, %add3A_709], %mul3A_710 : memref<128x72xf32, #tpu.memory_space<vmem>>[vector<16xi32>, vector<16xi32>], vector<16xf32>,
        %mul3A_711 = arith.constant 16 : i32
        %mul3A_712 = arith.muli %mul3A_711, %scan3A_335 : i32
        %add3A_713 = arith.constant 8 : i32
        %add3A_714 = arith.addi %mul3A_712, %add3A_713 : i32
        %broadcast_in_dim3A_715 = arith.constant 0 : i32
        %broadcast_in_dim3A_716 = vector.broadcast %broadcast_in_dim3A_715 : i32 to vector<16xi32>
        %add3A_717 = vector.broadcast %add3A_714 : i32 to vector<16xi32>
        %add3A_718 = arith.addi %broadcast_in_dim3A_716, %add3A_717 : vector<16xi32>
        %get3A_719 = arith.index_cast %add3A_714 : i32 to index
        %get3A_720 = arith.constant 0 : index
        %get3A_721 = tpu.vector_load %arg10[%get3A_719, %get3A_720] {strides = array<i32>} : memref<128x64xbf16, #tpu.memory_space<vmem>>, vector<32xbf16>,
        %unpack3A_722 = tpu.unpack_subelements %get3A_721, 0 {pack_format = #tpu.pack_format<interleaved>} : vector<32xbf16> -> vector<16xf32>
        %unpack3A_723 = tpu.unpack_subelements %get3A_721, 1 {pack_format = #tpu.pack_format<interleaved>} : vector<32xbf16> -> vector<16xf32>
        %broadcast_in_dim3A_724 = vector.shape_cast %broadcast_in_dim3A_22 : vector<16xi32> to vector<16x1xi32>
        %gather3A_725 = vector.shape_cast %broadcast_in_dim3A_724 : vector<16x1xi32> to vector<16xi32>
        %gather3A_726 = tpu.dynamic_gather %exp3A[%gather3A_725] in [0] : vector<16xf32>, vector<16xi32> -> vector<16xf32>
        %add3A_727 = arith.constant 0 : i32
        %add3A_728 = vector.broadcast %add3A_727 : i32 to vector<16xi32>
        %add3A_729 = arith.addi %mul3A_328, %add3A_728 : vector<16xi32>
        %mul3A_730 = arith.mulf %unpack3A_722, %gather3A_726 : vector<16xf32>
        tpu.vector_store_idx %arg15[%add3A_718, %add3A_729], %mul3A_730 : memref<128x72xf32, #tpu.memory_space<vmem>>[vector<16xi32>, vector<16xi32>], vector<16xf32>,
        %add3A_731 = arith.constant 0 : i32
        %add3A_732 = vector.broadcast %add3A_731 : i32 to vector<16xi32>
        %add3A_733 = arith.addi %mul3A_328, %add3A_732 : vector<16xi32>
        %add3A_734 = arith.constant 1 : i32
        %add3A_735 = vector.broadcast %add3A_734 : i32 to vector<16xi32>
        %add3A_736 = arith.addi %add3A_733, %add3A_735 : vector<16xi32>
        %mul3A_737 = arith.mulf %unpack3A_723, %gather3A_726 : vector<16xf32>
        tpu.vector_store_idx %arg15[%add3A_718, %add3A_736], %mul3A_737 : memref<128x72xf32, #tpu.memory_space<vmem>>[vector<16xi32>, vector<16xi32>], vector<16xf32>,
        %get3A_738 = arith.index_cast %add3A_714 : i32 to index
        %get3A_739 = arith.constant 32 : index
        %get3A_740 = tpu.vector_load %arg10[%get3A_738, %get3A_739] {strides = array<i32>} : memref<128x64xbf16, #tpu.memory_space<vmem>>, vector<32xbf16>,
        %unpack3A_741 = tpu.unpack_subelements %get3A_740, 0 {pack_format = #tpu.pack_format<interleaved>} : vector<32xbf16> -> vector<16xf32>
        %unpack3A_742 = tpu.unpack_subelements %get3A_740, 1 {pack_format = #tpu.pack_format<interleaved>} : vector<32xbf16> -> vector<16xf32>
        %broadcast_in_dim3A_743 = vector.shape_cast %broadcast_in_dim3A_22 : vector<16xi32> to vector<16x1xi32>
        %gather3A_744 = vector.shape_cast %broadcast_in_dim3A_743 : vector<16x1xi32> to vector<16xi32>
        %gather3A_745 = tpu.dynamic_gather %exp3A[%gather3A_744] in [0] : vector<16xf32>, vector<16xi32> -> vector<16xf32>
        %add3A_746 = arith.constant 32 : i32
        %add3A_747 = vector.broadcast %add3A_746 : i32 to vector<16xi32>
        %add3A_748 = arith.addi %mul3A_328, %add3A_747 : vector<16xi32>
        %mul3A_749 = arith.mulf %unpack3A_741, %gather3A_745 : vector<16xf32>
        tpu.vector_store_idx %arg15[%add3A_718, %add3A_748], %mul3A_749 : memref<128x72xf32, #tpu.memory_space<vmem>>[vector<16xi32>, vector<16xi32>], vector<16xf32>,
        %add3A_750 = arith.constant 32 : i32
        %add3A_751 = vector.broadcast %add3A_750 : i32 to vector<16xi32>
        %add3A_752 = arith.addi %mul3A_328, %add3A_751 : vector<16xi32>
        %add3A_753 = arith.constant 1 : i32
        %add3A_754 = vector.broadcast %add3A_753 : i32 to vector<16xi32>
        %add3A_755 = arith.addi %add3A_752, %add3A_754 : vector<16xi32>
        %mul3A_756 = arith.mulf %unpack3A_742, %gather3A_745 : vector<16xf32>
        tpu.vector_store_idx %arg15[%add3A_718, %add3A_755], %mul3A_756 : memref<128x72xf32, #tpu.memory_space<vmem>>[vector<16xi32>, vector<16xi32>], vector<16xf32>,
        %mul3A_757 = arith.constant 16 : i32
        %mul3A_758 = arith.muli %mul3A_757, %scan3A_335 : i32
        %add3A_759 = arith.constant 9 : i32
        %add3A_760 = arith.addi %mul3A_758, %add3A_759 : i32
        %broadcast_in_dim3A_761 = arith.constant 0 : i32
        %broadcast_in_dim3A_762 = vector.broadcast %broadcast_in_dim3A_761 : i32 to vector<16xi32>
        %add3A_763 = vector.broadcast %add3A_760 : i32 to vector<16xi32>
        %add3A_764 = arith.addi %broadcast_in_dim3A_762, %add3A_763 : vector<16xi32>
        %get3A_765 = arith.index_cast %add3A_760 : i32 to index
        %get3A_766 = arith.constant 0 : index
        %get3A_767 = tpu.vector_load %arg10[%get3A_765, %get3A_766] {strides = array<i32>} : memref<128x64xbf16, #tpu.memory_space<vmem>>, vector<32xbf16>,
        %unpack3A_768 = tpu.unpack_subelements %get3A_767, 0 {pack_format = #tpu.pack_format<interleaved>} : vector<32xbf16> -> vector<16xf32>
        %unpack3A_769 = tpu.unpack_subelements %get3A_767, 1 {pack_format = #tpu.pack_format<interleaved>} : vector<32xbf16> -> vector<16xf32>
        %broadcast_in_dim3A_770 = vector.shape_cast %broadcast_in_dim3A_24 : vector<16xi32> to vector<16x1xi32>
        %gather3A_771 = vector.shape_cast %broadcast_in_dim3A_770 : vector<16x1xi32> to vector<16xi32>
        %gather3A_772 = tpu.dynamic_gather %exp3A[%gather3A_771] in [0] : vector<16xf32>, vector<16xi32> -> vector<16xf32>
        %add3A_773 = arith.constant 0 : i32
        %add3A_774 = vector.broadcast %add3A_773 : i32 to vector<16xi32>
        %add3A_775 = arith.addi %mul3A_328, %add3A_774 : vector<16xi32>
        %mul3A_776 = arith.mulf %unpack3A_768, %gather3A_772 : vector<16xf32>
        tpu.vector_store_idx %arg15[%add3A_764, %add3A_775], %mul3A_776 : memref<128x72xf32, #tpu.memory_space<vmem>>[vector<16xi32>, vector<16xi32>], vector<16xf32>,
        %add3A_777 = arith.constant 0 : i32
        %add3A_778 = vector.broadcast %add3A_777 : i32 to vector<16xi32>
        %add3A_779 = arith.addi %mul3A_328, %add3A_778 : vector<16xi32>
        %add3A_780 = arith.constant 1 : i32
        %add3A_781 = vector.broadcast %add3A_780 : i32 to vector<16xi32>
        %add3A_782 = arith.addi %add3A_779, %add3A_781 : vector<16xi32>
        %mul3A_783 = arith.mulf %unpack3A_769, %gather3A_772 : vector<16xf32>
        tpu.vector_store_idx %arg15[%add3A_764, %add3A_782], %mul3A_783 : memref<128x72xf32, #tpu.memory_space<vmem>>[vector<16xi32>, vector<16xi32>], vector<16xf32>,
        %get3A_784 = arith.index_cast %add3A_760 : i32 to index
        %get3A_785 = arith.constant 32 : index
        %get3A_786 = tpu.vector_load %arg10[%get3A_784, %get3A_785] {strides = array<i32>} : memref<128x64xbf16, #tpu.memory_space<vmem>>, vector<32xbf16>,
        %unpack3A_787 = tpu.unpack_subelements %get3A_786, 0 {pack_format = #tpu.pack_format<interleaved>} : vector<32xbf16> -> vector<16xf32>
        %unpack3A_788 = tpu.unpack_subelements %get3A_786, 1 {pack_format = #tpu.pack_format<interleaved>} : vector<32xbf16> -> vector<16xf32>
        %broadcast_in_dim3A_789 = vector.shape_cast %broadcast_in_dim3A_24 : vector<16xi32> to vector<16x1xi32>
        %gather3A_790 = vector.shape_cast %broadcast_in_dim3A_789 : vector<16x1xi32> to vector<16xi32>
        %gather3A_791 = tpu.dynamic_gather %exp3A[%gather3A_790] in [0] : vector<16xf32>, vector<16xi32> -> vector<16xf32>
        %add3A_792 = arith.constant 32 : i32
        %add3A_793 = vector.broadcast %add3A_792 : i32 to vector<16xi32>
        %add3A_794 = arith.addi %mul3A_328, %add3A_793 : vector<16xi32>
        %mul3A_795 = arith.mulf %unpack3A_787, %gather3A_791 : vector<16xf32>
        tpu.vector_store_idx %arg15[%add3A_764, %add3A_794], %mul3A_795 : memref<128x72xf32, #tpu.memory_space<vmem>>[vector<16xi32>, vector<16xi32>], vector<16xf32>,
        %add3A_796 = arith.constant 32 : i32
        %add3A_797 = vector.broadcast %add3A_796 : i32 to vector<16xi32>
        %add3A_798 = arith.addi %mul3A_328, %add3A_797 : vector<16xi32>
        %add3A_799 = arith.constant 1 : i32
        %add3A_800 = vector.broadcast %add3A_799 : i32 to vector<16xi32>
        %add3A_801 = arith.addi %add3A_798, %add3A_800 : vector<16xi32>
        %mul3A_802 = arith.mulf %unpack3A_788, %gather3A_791 : vector<16xf32>
        tpu.vector_store_idx %arg15[%add3A_764, %add3A_801], %mul3A_802 : memref<128x72xf32, #tpu.memory_space<vmem>>[vector<16xi32>, vector<16xi32>], vector<16xf32>,
        %mul3A_803 = arith.constant 16 : i32
        %mul3A_804 = arith.muli %mul3A_803, %scan3A_335 : i32
        %add3A_805 = arith.constant 10 : i32
        %add3A_806 = arith.addi %mul3A_804, %add3A_805 : i32
        %broadcast_in_dim3A_807 = arith.constant 0 : i32
        %broadcast_in_dim3A_808 = vector.broadcast %broadcast_in_dim3A_807 : i32 to vector<16xi32>
        %add3A_809 = vector.broadcast %add3A_806 : i32 to vector<16xi32>
        %add3A_810 = arith.addi %broadcast_in_dim3A_808, %add3A_809 : vector<16xi32>
        %get3A_811 = arith.index_cast %add3A_806 : i32 to index
        %get3A_812 = arith.constant 0 : index
        %get3A_813 = tpu.vector_load %arg10[%get3A_811, %get3A_812] {strides = array<i32>} : memref<128x64xbf16, #tpu.memory_space<vmem>>, vector<32xbf16>,
        %unpack3A_814 = tpu.unpack_subelements %get3A_813, 0 {pack_format = #tpu.pack_format<interleaved>} : vector<32xbf16> -> vector<16xf32>
        %unpack3A_815 = tpu.unpack_subelements %get3A_813, 1 {pack_format = #tpu.pack_format<interleaved>} : vector<32xbf16> -> vector<16xf32>
        %broadcast_in_dim3A_816 = vector.shape_cast %broadcast_in_dim3A_26 : vector<16xi32> to vector<16x1xi32>
        %gather3A_817 = vector.shape_cast %broadcast_in_dim3A_816 : vector<16x1xi32> to vector<16xi32>
        %gather3A_818 = tpu.dynamic_gather %exp3A[%gather3A_817] in [0] : vector<16xf32>, vector<16xi32> -> vector<16xf32>
        %add3A_819 = arith.constant 0 : i32
        %add3A_820 = vector.broadcast %add3A_819 : i32 to vector<16xi32>
        %add3A_821 = arith.addi %mul3A_328, %add3A_820 : vector<16xi32>
        %mul3A_822 = arith.mulf %unpack3A_814, %gather3A_818 : vector<16xf32>
        tpu.vector_store_idx %arg15[%add3A_810, %add3A_821], %mul3A_822 : memref<128x72xf32, #tpu.memory_space<vmem>>[vector<16xi32>, vector<16xi32>], vector<16xf32>,
        %add3A_823 = arith.constant 0 : i32
        %add3A_824 = vector.broadcast %add3A_823 : i32 to vector<16xi32>
        %add3A_825 = arith.addi %mul3A_328, %add3A_824 : vector<16xi32>
        %add3A_826 = arith.constant 1 : i32
        %add3A_827 = vector.broadcast %add3A_826 : i32 to vector<16xi32>
        %add3A_828 = arith.addi %add3A_825, %add3A_827 : vector<16xi32>
        %mul3A_829 = arith.mulf %unpack3A_815, %gather3A_818 : vector<16xf32>
        tpu.vector_store_idx %arg15[%add3A_810, %add3A_828], %mul3A_829 : memref<128x72xf32, #tpu.memory_space<vmem>>[vector<16xi32>, vector<16xi32>], vector<16xf32>,
        %get3A_830 = arith.index_cast %add3A_806 : i32 to index
        %get3A_831 = arith.constant 32 : index
        %get3A_832 = tpu.vector_load %arg10[%get3A_830, %get3A_831] {strides = array<i32>} : memref<128x64xbf16, #tpu.memory_space<vmem>>, vector<32xbf16>,
        %unpack3A_833 = tpu.unpack_subelements %get3A_832, 0 {pack_format = #tpu.pack_format<interleaved>} : vector<32xbf16> -> vector<16xf32>
        %unpack3A_834 = tpu.unpack_subelements %get3A_832, 1 {pack_format = #tpu.pack_format<interleaved>} : vector<32xbf16> -> vector<16xf32>
        %broadcast_in_dim3A_835 = vector.shape_cast %broadcast_in_dim3A_26 : vector<16xi32> to vector<16x1xi32>
        %gather3A_836 = vector.shape_cast %broadcast_in_dim3A_835 : vector<16x1xi32> to vector<16xi32>
        %gather3A_837 = tpu.dynamic_gather %exp3A[%gather3A_836] in [0] : vector<16xf32>, vector<16xi32> -> vector<16xf32>
        %add3A_838 = arith.constant 32 : i32
        %add3A_839 = vector.broadcast %add3A_838 : i32 to vector<16xi32>
        %add3A_840 = arith.addi %mul3A_328, %add3A_839 : vector<16xi32>
        %mul3A_841 = arith.mulf %unpack3A_833, %gather3A_837 : vector<16xf32>
        tpu.vector_store_idx %arg15[%add3A_810, %add3A_840], %mul3A_841 : memref<128x72xf32, #tpu.memory_space<vmem>>[vector<16xi32>, vector<16xi32>], vector<16xf32>,
        %add3A_842 = arith.constant 32 : i32
        %add3A_843 = vector.broadcast %add3A_842 : i32 to vector<16xi32>
        %add3A_844 = arith.addi %mul3A_328, %add3A_843 : vector<16xi32>
        %add3A_845 = arith.constant 1 : i32
        %add3A_846 = vector.broadcast %add3A_845 : i32 to vector<16xi32>
        %add3A_847 = arith.addi %add3A_844, %add3A_846 : vector<16xi32>
        %mul3A_848 = arith.mulf %unpack3A_834, %gather3A_837 : vector<16xf32>
        tpu.vector_store_idx %arg15[%add3A_810, %add3A_847], %mul3A_848 : memref<128x72xf32, #tpu.memory_space<vmem>>[vector<16xi32>, vector<16xi32>], vector<16xf32>,
        %mul3A_849 = arith.constant 16 : i32
        %mul3A_850 = arith.muli %mul3A_849, %scan3A_335 : i32
        %add3A_851 = arith.constant 11 : i32
        %add3A_852 = arith.addi %mul3A_850, %add3A_851 : i32
        %broadcast_in_dim3A_853 = arith.constant 0 : i32
        %broadcast_in_dim3A_854 = vector.broadcast %broadcast_in_dim3A_853 : i32 to vector<16xi32>
        %add3A_855 = vector.broadcast %add3A_852 : i32 to vector<16xi32>
        %add3A_856 = arith.addi %broadcast_in_dim3A_854, %add3A_855 : vector<16xi32>
        %get3A_857 = arith.index_cast %add3A_852 : i32 to index
        %get3A_858 = arith.constant 0 : index
        %get3A_859 = tpu.vector_load %arg10[%get3A_857, %get3A_858] {strides = array<i32>} : memref<128x64xbf16, #tpu.memory_space<vmem>>, vector<32xbf16>,
        %unpack3A_860 = tpu.unpack_subelements %get3A_859, 0 {pack_format = #tpu.pack_format<interleaved>} : vector<32xbf16> -> vector<16xf32>
        %unpack3A_861 = tpu.unpack_subelements %get3A_859, 1 {pack_format = #tpu.pack_format<interleaved>} : vector<32xbf16> -> vector<16xf32>
        %broadcast_in_dim3A_862 = vector.shape_cast %broadcast_in_dim3A_28 : vector<16xi32> to vector<16x1xi32>
        %gather3A_863 = vector.shape_cast %broadcast_in_dim3A_862 : vector<16x1xi32> to vector<16xi32>
        %gather3A_864 = tpu.dynamic_gather %exp3A[%gather3A_863] in [0] : vector<16xf32>, vector<16xi32> -> vector<16xf32>
        %add3A_865 = arith.constant 0 : i32
        %add3A_866 = vector.broadcast %add3A_865 : i32 to vector<16xi32>
        %add3A_867 = arith.addi %mul3A_328, %add3A_866 : vector<16xi32>
        %mul3A_868 = arith.mulf %unpack3A_860, %gather3A_864 : vector<16xf32>
        tpu.vector_store_idx %arg15[%add3A_856, %add3A_867], %mul3A_868 : memref<128x72xf32, #tpu.memory_space<vmem>>[vector<16xi32>, vector<16xi32>], vector<16xf32>,
        %add3A_869 = arith.constant 0 : i32
        %add3A_870 = vector.broadcast %add3A_869 : i32 to vector<16xi32>
        %add3A_871 = arith.addi %mul3A_328, %add3A_870 : vector<16xi32>
        %add3A_872 = arith.constant 1 : i32
        %add3A_873 = vector.broadcast %add3A_872 : i32 to vector<16xi32>
        %add3A_874 = arith.addi %add3A_871, %add3A_873 : vector<16xi32>
        %mul3A_875 = arith.mulf %unpack3A_861, %gather3A_864 : vector<16xf32>
        tpu.vector_store_idx %arg15[%add3A_856, %add3A_874], %mul3A_875 : memref<128x72xf32, #tpu.memory_space<vmem>>[vector<16xi32>, vector<16xi32>], vector<16xf32>,
        %get3A_876 = arith.index_cast %add3A_852 : i32 to index
        %get3A_877 = arith.constant 32 : index
        %get3A_878 = tpu.vector_load %arg10[%get3A_876, %get3A_877] {strides = array<i32>} : memref<128x64xbf16, #tpu.memory_space<vmem>>, vector<32xbf16>,
        %unpack3A_879 = tpu.unpack_subelements %get3A_878, 0 {pack_format = #tpu.pack_format<interleaved>} : vector<32xbf16> -> vector<16xf32>
        %unpack3A_880 = tpu.unpack_subelements %get3A_878, 1 {pack_format = #tpu.pack_format<interleaved>} : vector<32xbf16> -> vector<16xf32>
        %broadcast_in_dim3A_881 = vector.shape_cast %broadcast_in_dim3A_28 : vector<16xi32> to vector<16x1xi32>
        %gather3A_882 = vector.shape_cast %broadcast_in_dim3A_881 : vector<16x1xi32> to vector<16xi32>
        %gather3A_883 = tpu.dynamic_gather %exp3A[%gather3A_882] in [0] : vector<16xf32>, vector<16xi32> -> vector<16xf32>
        %add3A_884 = arith.constant 32 : i32
        %add3A_885 = vector.broadcast %add3A_884 : i32 to vector<16xi32>
        %add3A_886 = arith.addi %mul3A_328, %add3A_885 : vector<16xi32>
        %mul3A_887 = arith.mulf %unpack3A_879, %gather3A_883 : vector<16xf32>
        tpu.vector_store_idx %arg15[%add3A_856, %add3A_886], %mul3A_887 : memref<128x72xf32, #tpu.memory_space<vmem>>[vector<16xi32>, vector<16xi32>], vector<16xf32>,
        %add3A_888 = arith.constant 32 : i32
        %add3A_889 = vector.broadcast %add3A_888 : i32 to vector<16xi32>
        %add3A_890 = arith.addi %mul3A_328, %add3A_889 : vector<16xi32>
        %add3A_891 = arith.constant 1 : i32
        %add3A_892 = vector.broadcast %add3A_891 : i32 to vector<16xi32>
        %add3A_893 = arith.addi %add3A_890, %add3A_892 : vector<16xi32>
        %mul3A_894 = arith.mulf %unpack3A_880, %gather3A_883 : vector<16xf32>
        tpu.vector_store_idx %arg15[%add3A_856, %add3A_893], %mul3A_894 : memref<128x72xf32, #tpu.memory_space<vmem>>[vector<16xi32>, vector<16xi32>], vector<16xf32>,
        %mul3A_895 = arith.constant 16 : i32
        %mul3A_896 = arith.muli %mul3A_895, %scan3A_335 : i32
        %add3A_897 = arith.constant 12 : i32
        %add3A_898 = arith.addi %mul3A_896, %add3A_897 : i32
        %broadcast_in_dim3A_899 = arith.constant 0 : i32
        %broadcast_in_dim3A_900 = vector.broadcast %broadcast_in_dim3A_899 : i32 to vector<16xi32>
        %add3A_901 = vector.broadcast %add3A_898 : i32 to vector<16xi32>
        %add3A_902 = arith.addi %broadcast_in_dim3A_900, %add3A_901 : vector<16xi32>
        %get3A_903 = arith.index_cast %add3A_898 : i32 to index
        %get3A_904 = arith.constant 0 : index
        %get3A_905 = tpu.vector_load %arg10[%get3A_903, %get3A_904] {strides = array<i32>} : memref<128x64xbf16, #tpu.memory_space<vmem>>, vector<32xbf16>,
        %unpack3A_906 = tpu.unpack_subelements %get3A_905, 0 {pack_format = #tpu.pack_format<interleaved>} : vector<32xbf16> -> vector<16xf32>
        %unpack3A_907 = tpu.unpack_subelements %get3A_905, 1 {pack_format = #tpu.pack_format<interleaved>} : vector<32xbf16> -> vector<16xf32>
        %broadcast_in_dim3A_908 = vector.shape_cast %broadcast_in_dim3A_30 : vector<16xi32> to vector<16x1xi32>
        %gather3A_909 = vector.shape_cast %broadcast_in_dim3A_908 : vector<16x1xi32> to vector<16xi32>
        %gather3A_910 = tpu.dynamic_gather %exp3A[%gather3A_909] in [0] : vector<16xf32>, vector<16xi32> -> vector<16xf32>
        %add3A_911 = arith.constant 0 : i32
        %add3A_912 = vector.broadcast %add3A_911 : i32 to vector<16xi32>
        %add3A_913 = arith.addi %mul3A_328, %add3A_912 : vector<16xi32>
        %mul3A_914 = arith.mulf %unpack3A_906, %gather3A_910 : vector<16xf32>
        tpu.vector_store_idx %arg15[%add3A_902, %add3A_913], %mul3A_914 : memref<128x72xf32, #tpu.memory_space<vmem>>[vector<16xi32>, vector<16xi32>], vector<16xf32>,
        %add3A_915 = arith.constant 0 : i32
        %add3A_916 = vector.broadcast %add3A_915 : i32 to vector<16xi32>
        %add3A_917 = arith.addi %mul3A_328, %add3A_916 : vector<16xi32>
        %add3A_918 = arith.constant 1 : i32
        %add3A_919 = vector.broadcast %add3A_918 : i32 to vector<16xi32>
        %add3A_920 = arith.addi %add3A_917, %add3A_919 : vector<16xi32>
        %mul3A_921 = arith.mulf %unpack3A_907, %gather3A_910 : vector<16xf32>
        tpu.vector_store_idx %arg15[%add3A_902, %add3A_920], %mul3A_921 : memref<128x72xf32, #tpu.memory_space<vmem>>[vector<16xi32>, vector<16xi32>], vector<16xf32>,
        %get3A_922 = arith.index_cast %add3A_898 : i32 to index
        %get3A_923 = arith.constant 32 : index
        %get3A_924 = tpu.vector_load %arg10[%get3A_922, %get3A_923] {strides = array<i32>} : memref<128x64xbf16, #tpu.memory_space<vmem>>, vector<32xbf16>,
        %unpack3A_925 = tpu.unpack_subelements %get3A_924, 0 {pack_format = #tpu.pack_format<interleaved>} : vector<32xbf16> -> vector<16xf32>
        %unpack3A_926 = tpu.unpack_subelements %get3A_924, 1 {pack_format = #tpu.pack_format<interleaved>} : vector<32xbf16> -> vector<16xf32>
        %broadcast_in_dim3A_927 = vector.shape_cast %broadcast_in_dim3A_30 : vector<16xi32> to vector<16x1xi32>
        %gather3A_928 = vector.shape_cast %broadcast_in_dim3A_927 : vector<16x1xi32> to vector<16xi32>
        %gather3A_929 = tpu.dynamic_gather %exp3A[%gather3A_928] in [0] : vector<16xf32>, vector<16xi32> -> vector<16xf32>
        %add3A_930 = arith.constant 32 : i32
        %add3A_931 = vector.broadcast %add3A_930 : i32 to vector<16xi32>
        %add3A_932 = arith.addi %mul3A_328, %add3A_931 : vector<16xi32>
        %mul3A_933 = arith.mulf %unpack3A_925, %gather3A_929 : vector<16xf32>
        tpu.vector_store_idx %arg15[%add3A_902, %add3A_932], %mul3A_933 : memref<128x72xf32, #tpu.memory_space<vmem>>[vector<16xi32>, vector<16xi32>], vector<16xf32>,
        %add3A_934 = arith.constant 32 : i32
        %add3A_935 = vector.broadcast %add3A_934 : i32 to vector<16xi32>
        %add3A_936 = arith.addi %mul3A_328, %add3A_935 : vector<16xi32>
        %add3A_937 = arith.constant 1 : i32
        %add3A_938 = vector.broadcast %add3A_937 : i32 to vector<16xi32>
        %add3A_939 = arith.addi %add3A_936, %add3A_938 : vector<16xi32>
        %mul3A_940 = arith.mulf %unpack3A_926, %gather3A_929 : vector<16xf32>
        tpu.vector_store_idx %arg15[%add3A_902, %add3A_939], %mul3A_940 : memref<128x72xf32, #tpu.memory_space<vmem>>[vector<16xi32>, vector<16xi32>], vector<16xf32>,
        %mul3A_941 = arith.constant 16 : i32
        %mul3A_942 = arith.muli %mul3A_941, %scan3A_335 : i32
        %add3A_943 = arith.constant 13 : i32
        %add3A_944 = arith.addi %mul3A_942, %add3A_943 : i32
        %broadcast_in_dim3A_945 = arith.constant 0 : i32
        %broadcast_in_dim3A_946 = vector.broadcast %broadcast_in_dim3A_945 : i32 to vector<16xi32>
        %add3A_947 = vector.broadcast %add3A_944 : i32 to vector<16xi32>
        %add3A_948 = arith.addi %broadcast_in_dim3A_946, %add3A_947 : vector<16xi32>
        %get3A_949 = arith.index_cast %add3A_944 : i32 to index
        %get3A_950 = arith.constant 0 : index
        %get3A_951 = tpu.vector_load %arg10[%get3A_949, %get3A_950] {strides = array<i32>} : memref<128x64xbf16, #tpu.memory_space<vmem>>, vector<32xbf16>,
        %unpack3A_952 = tpu.unpack_subelements %get3A_951, 0 {pack_format = #tpu.pack_format<interleaved>} : vector<32xbf16> -> vector<16xf32>
        %unpack3A_953 = tpu.unpack_subelements %get3A_951, 1 {pack_format = #tpu.pack_format<interleaved>} : vector<32xbf16> -> vector<16xf32>
        %broadcast_in_dim3A_954 = vector.shape_cast %broadcast_in_dim3A_32 : vector<16xi32> to vector<16x1xi32>
        %gather3A_955 = vector.shape_cast %broadcast_in_dim3A_954 : vector<16x1xi32> to vector<16xi32>
        %gather3A_956 = tpu.dynamic_gather %exp3A[%gather3A_955] in [0] : vector<16xf32>, vector<16xi32> -> vector<16xf32>
        %add3A_957 = arith.constant 0 : i32
        %add3A_958 = vector.broadcast %add3A_957 : i32 to vector<16xi32>
        %add3A_959 = arith.addi %mul3A_328, %add3A_958 : vector<16xi32>
        %mul3A_960 = arith.mulf %unpack3A_952, %gather3A_956 : vector<16xf32>
        tpu.vector_store_idx %arg15[%add3A_948, %add3A_959], %mul3A_960 : memref<128x72xf32, #tpu.memory_space<vmem>>[vector<16xi32>, vector<16xi32>], vector<16xf32>,
        %add3A_961 = arith.constant 0 : i32
        %add3A_962 = vector.broadcast %add3A_961 : i32 to vector<16xi32>
        %add3A_963 = arith.addi %mul3A_328, %add3A_962 : vector<16xi32>
        %add3A_964 = arith.constant 1 : i32
        %add3A_965 = vector.broadcast %add3A_964 : i32 to vector<16xi32>
        %add3A_966 = arith.addi %add3A_963, %add3A_965 : vector<16xi32>
        %mul3A_967 = arith.mulf %unpack3A_953, %gather3A_956 : vector<16xf32>
        tpu.vector_store_idx %arg15[%add3A_948, %add3A_966], %mul3A_967 : memref<128x72xf32, #tpu.memory_space<vmem>>[vector<16xi32>, vector<16xi32>], vector<16xf32>,
        %get3A_968 = arith.index_cast %add3A_944 : i32 to index
        %get3A_969 = arith.constant 32 : index
        %get3A_970 = tpu.vector_load %arg10[%get3A_968, %get3A_969] {strides = array<i32>} : memref<128x64xbf16, #tpu.memory_space<vmem>>, vector<32xbf16>,
        %unpack3A_971 = tpu.unpack_subelements %get3A_970, 0 {pack_format = #tpu.pack_format<interleaved>} : vector<32xbf16> -> vector<16xf32>
        %unpack3A_972 = tpu.unpack_subelements %get3A_970, 1 {pack_format = #tpu.pack_format<interleaved>} : vector<32xbf16> -> vector<16xf32>
        %broadcast_in_dim3A_973 = vector.shape_cast %broadcast_in_dim3A_32 : vector<16xi32> to vector<16x1xi32>
        %gather3A_974 = vector.shape_cast %broadcast_in_dim3A_973 : vector<16x1xi32> to vector<16xi32>
        %gather3A_975 = tpu.dynamic_gather %exp3A[%gather3A_974] in [0] : vector<16xf32>, vector<16xi32> -> vector<16xf32>
        %add3A_976 = arith.constant 32 : i32
        %add3A_977 = vector.broadcast %add3A_976 : i32 to vector<16xi32>
        %add3A_978 = arith.addi %mul3A_328, %add3A_977 : vector<16xi32>
        %mul3A_979 = arith.mulf %unpack3A_971, %gather3A_975 : vector<16xf32>
        tpu.vector_store_idx %arg15[%add3A_948, %add3A_978], %mul3A_979 : memref<128x72xf32, #tpu.memory_space<vmem>>[vector<16xi32>, vector<16xi32>], vector<16xf32>,
        %add3A_980 = arith.constant 32 : i32
        %add3A_981 = vector.broadcast %add3A_980 : i32 to vector<16xi32>
        %add3A_982 = arith.addi %mul3A_328, %add3A_981 : vector<16xi32>
        %add3A_983 = arith.constant 1 : i32
        %add3A_984 = vector.broadcast %add3A_983 : i32 to vector<16xi32>
        %add3A_985 = arith.addi %add3A_982, %add3A_984 : vector<16xi32>
        %mul3A_986 = arith.mulf %unpack3A_972, %gather3A_975 : vector<16xf32>
        tpu.vector_store_idx %arg15[%add3A_948, %add3A_985], %mul3A_986 : memref<128x72xf32, #tpu.memory_space<vmem>>[vector<16xi32>, vector<16xi32>], vector<16xf32>,
        %mul3A_987 = arith.constant 16 : i32
        %mul3A_988 = arith.muli %mul3A_987, %scan3A_335 : i32
        %add3A_989 = arith.constant 14 : i32
        %add3A_990 = arith.addi %mul3A_988, %add3A_989 : i32
        %broadcast_in_dim3A_991 = arith.constant 0 : i32
        %broadcast_in_dim3A_992 = vector.broadcast %broadcast_in_dim3A_991 : i32 to vector<16xi32>
        %add3A_993 = vector.broadcast %add3A_990 : i32 to vector<16xi32>
        %add3A_994 = arith.addi %broadcast_in_dim3A_992, %add3A_993 : vector<16xi32>
        %get3A_995 = arith.index_cast %add3A_990 : i32 to index
        %get3A_996 = arith.constant 0 : index
        %get3A_997 = tpu.vector_load %arg10[%get3A_995, %get3A_996] {strides = array<i32>} : memref<128x64xbf16, #tpu.memory_space<vmem>>, vector<32xbf16>,
        %unpack3A_998 = tpu.unpack_subelements %get3A_997, 0 {pack_format = #tpu.pack_format<interleaved>} : vector<32xbf16> -> vector<16xf32>
        %unpack3A_999 = tpu.unpack_subelements %get3A_997, 1 {pack_format = #tpu.pack_format<interleaved>} : vector<32xbf16> -> vector<16xf32>
        %broadcast_in_dim3A_1000 = vector.shape_cast %broadcast_in_dim3A_34 : vector<16xi32> to vector<16x1xi32>
        %gather3A_1001 = vector.shape_cast %broadcast_in_dim3A_1000 : vector<16x1xi32> to vector<16xi32>
        %gather3A_1002 = tpu.dynamic_gather %exp3A[%gather3A_1001] in [0] : vector<16xf32>, vector<16xi32> -> vector<16xf32>
        %add3A_1003 = arith.constant 0 : i32
        %add3A_1004 = vector.broadcast %add3A_1003 : i32 to vector<16xi32>
        %add3A_1005 = arith.addi %mul3A_328, %add3A_1004 : vector<16xi32>
        %mul3A_1006 = arith.mulf %unpack3A_998, %gather3A_1002 : vector<16xf32>
        tpu.vector_store_idx %arg15[%add3A_994, %add3A_1005], %mul3A_1006 : memref<128x72xf32, #tpu.memory_space<vmem>>[vector<16xi32>, vector<16xi32>], vector<16xf32>,
        %add3A_1007 = arith.constant 0 : i32
        %add3A_1008 = vector.broadcast %add3A_1007 : i32 to vector<16xi32>
        %add3A_1009 = arith.addi %mul3A_328, %add3A_1008 : vector<16xi32>
        %add3A_1010 = arith.constant 1 : i32
        %add3A_1011 = vector.broadcast %add3A_1010 : i32 to vector<16xi32>
        %add3A_1012 = arith.addi %add3A_1009, %add3A_1011 : vector<16xi32>
        %mul3A_1013 = arith.mulf %unpack3A_999, %gather3A_1002 : vector<16xf32>
        tpu.vector_store_idx %arg15[%add3A_994, %add3A_1012], %mul3A_1013 : memref<128x72xf32, #tpu.memory_space<vmem>>[vector<16xi32>, vector<16xi32>], vector<16xf32>,
        %get3A_1014 = arith.index_cast %add3A_990 : i32 to index
        %get3A_1015 = arith.constant 32 : index
        %get3A_1016 = tpu.vector_load %arg10[%get3A_1014, %get3A_1015] {strides = array<i32>} : memref<128x64xbf16, #tpu.memory_space<vmem>>, vector<32xbf16>,
        %unpack3A_1017 = tpu.unpack_subelements %get3A_1016, 0 {pack_format = #tpu.pack_format<interleaved>} : vector<32xbf16> -> vector<16xf32>
        %unpack3A_1018 = tpu.unpack_subelements %get3A_1016, 1 {pack_format = #tpu.pack_format<interleaved>} : vector<32xbf16> -> vector<16xf32>
        %broadcast_in_dim3A_1019 = vector.shape_cast %broadcast_in_dim3A_34 : vector<16xi32> to vector<16x1xi32>
        %gather3A_1020 = vector.shape_cast %broadcast_in_dim3A_1019 : vector<16x1xi32> to vector<16xi32>
        %gather3A_1021 = tpu.dynamic_gather %exp3A[%gather3A_1020] in [0] : vector<16xf32>, vector<16xi32> -> vector<16xf32>
        %add3A_1022 = arith.constant 32 : i32
        %add3A_1023 = vector.broadcast %add3A_1022 : i32 to vector<16xi32>
        %add3A_1024 = arith.addi %mul3A_328, %add3A_1023 : vector<16xi32>
        %mul3A_1025 = arith.mulf %unpack3A_1017, %gather3A_1021 : vector<16xf32>
        tpu.vector_store_idx %arg15[%add3A_994, %add3A_1024], %mul3A_1025 : memref<128x72xf32, #tpu.memory_space<vmem>>[vector<16xi32>, vector<16xi32>], vector<16xf32>,
        %add3A_1026 = arith.constant 32 : i32
        %add3A_1027 = vector.broadcast %add3A_1026 : i32 to vector<16xi32>
        %add3A_1028 = arith.addi %mul3A_328, %add3A_1027 : vector<16xi32>
        %add3A_1029 = arith.constant 1 : i32
        %add3A_1030 = vector.broadcast %add3A_1029 : i32 to vector<16xi32>
        %add3A_1031 = arith.addi %add3A_1028, %add3A_1030 : vector<16xi32>
        %mul3A_1032 = arith.mulf %unpack3A_1018, %gather3A_1021 : vector<16xf32>
        tpu.vector_store_idx %arg15[%add3A_994, %add3A_1031], %mul3A_1032 : memref<128x72xf32, #tpu.memory_space<vmem>>[vector<16xi32>, vector<16xi32>], vector<16xf32>,
        %mul3A_1033 = arith.constant 16 : i32
        %mul3A_1034 = arith.muli %mul3A_1033, %scan3A_335 : i32
        %add3A_1035 = arith.constant 15 : i32
        %add3A_1036 = arith.addi %mul3A_1034, %add3A_1035 : i32
        %broadcast_in_dim3A_1037 = arith.constant 0 : i32
        %broadcast_in_dim3A_1038 = vector.broadcast %broadcast_in_dim3A_1037 : i32 to vector<16xi32>
        %add3A_1039 = vector.broadcast %add3A_1036 : i32 to vector<16xi32>
        %add3A_1040 = arith.addi %broadcast_in_dim3A_1038, %add3A_1039 : vector<16xi32>
        %get3A_1041 = arith.index_cast %add3A_1036 : i32 to index
        %get3A_1042 = arith.constant 0 : index
        %get3A_1043 = tpu.vector_load %arg10[%get3A_1041, %get3A_1042] {strides = array<i32>} : memref<128x64xbf16, #tpu.memory_space<vmem>>, vector<32xbf16>,
        %unpack3A_1044 = tpu.unpack_subelements %get3A_1043, 0 {pack_format = #tpu.pack_format<interleaved>} : vector<32xbf16> -> vector<16xf32>
        %unpack3A_1045 = tpu.unpack_subelements %get3A_1043, 1 {pack_format = #tpu.pack_format<interleaved>} : vector<32xbf16> -> vector<16xf32>
        %broadcast_in_dim3A_1046 = vector.shape_cast %broadcast_in_dim3A_36 : vector<16xi32> to vector<16x1xi32>
        %gather3A_1047 = vector.shape_cast %broadcast_in_dim3A_1046 : vector<16x1xi32> to vector<16xi32>
        %gather3A_1048 = tpu.dynamic_gather %exp3A[%gather3A_1047] in [0] : vector<16xf32>, vector<16xi32> -> vector<16xf32>
        %add3A_1049 = arith.constant 0 : i32
        %add3A_1050 = vector.broadcast %add3A_1049 : i32 to vector<16xi32>
        %add3A_1051 = arith.addi %mul3A_328, %add3A_1050 : vector<16xi32>
        %mul3A_1052 = arith.mulf %unpack3A_1044, %gather3A_1048 : vector<16xf32>
        tpu.vector_store_idx %arg15[%add3A_1040, %add3A_1051], %mul3A_1052 : memref<128x72xf32, #tpu.memory_space<vmem>>[vector<16xi32>, vector<16xi32>], vector<16xf32>,
        %add3A_1053 = arith.constant 0 : i32
        %add3A_1054 = vector.broadcast %add3A_1053 : i32 to vector<16xi32>
        %add3A_1055 = arith.addi %mul3A_328, %add3A_1054 : vector<16xi32>
        %add3A_1056 = arith.constant 1 : i32
        %add3A_1057 = vector.broadcast %add3A_1056 : i32 to vector<16xi32>
        %add3A_1058 = arith.addi %add3A_1055, %add3A_1057 : vector<16xi32>
        %mul3A_1059 = arith.mulf %unpack3A_1045, %gather3A_1048 : vector<16xf32>
        tpu.vector_store_idx %arg15[%add3A_1040, %add3A_1058], %mul3A_1059 : memref<128x72xf32, #tpu.memory_space<vmem>>[vector<16xi32>, vector<16xi32>], vector<16xf32>,
        %get3A_1060 = arith.index_cast %add3A_1036 : i32 to index
        %get3A_1061 = arith.constant 32 : index
        %get3A_1062 = tpu.vector_load %arg10[%get3A_1060, %get3A_1061] {strides = array<i32>} : memref<128x64xbf16, #tpu.memory_space<vmem>>, vector<32xbf16>,
        %unpack3A_1063 = tpu.unpack_subelements %get3A_1062, 0 {pack_format = #tpu.pack_format<interleaved>} : vector<32xbf16> -> vector<16xf32>
        %unpack3A_1064 = tpu.unpack_subelements %get3A_1062, 1 {pack_format = #tpu.pack_format<interleaved>} : vector<32xbf16> -> vector<16xf32>
        %broadcast_in_dim3A_1065 = vector.shape_cast %broadcast_in_dim3A_36 : vector<16xi32> to vector<16x1xi32>
        %gather3A_1066 = vector.shape_cast %broadcast_in_dim3A_1065 : vector<16x1xi32> to vector<16xi32>
        %gather3A_1067 = tpu.dynamic_gather %exp3A[%gather3A_1066] in [0] : vector<16xf32>, vector<16xi32> -> vector<16xf32>
        %add3A_1068 = arith.constant 32 : i32
        %add3A_1069 = vector.broadcast %add3A_1068 : i32 to vector<16xi32>
        %add3A_1070 = arith.addi %mul3A_328, %add3A_1069 : vector<16xi32>
        %mul3A_1071 = arith.mulf %unpack3A_1063, %gather3A_1067 : vector<16xf32>
        tpu.vector_store_idx %arg15[%add3A_1040, %add3A_1070], %mul3A_1071 : memref<128x72xf32, #tpu.memory_space<vmem>>[vector<16xi32>, vector<16xi32>], vector<16xf32>,
        %add3A_1072 = arith.constant 32 : i32
        %add3A_1073 = vector.broadcast %add3A_1072 : i32 to vector<16xi32>
        %add3A_1074 = arith.addi %mul3A_328, %add3A_1073 : vector<16xi32>
        %add3A_1075 = arith.constant 1 : i32
        %add3A_1076 = vector.broadcast %add3A_1075 : i32 to vector<16xi32>
        %add3A_1077 = arith.addi %add3A_1074, %add3A_1076 : vector<16xi32>
        %mul3A_1078 = arith.mulf %unpack3A_1064, %gather3A_1067 : vector<16xf32>
        tpu.vector_store_idx %arg15[%add3A_1040, %add3A_1077], %mul3A_1078 : memref<128x72xf32, #tpu.memory_space<vmem>>[vector<16xi32>, vector<16xi32>], vector<16xf32>,
      }
      %scan3A_334 = arith.constant 8 : i32
      "tpu.region"() ({
        %run_scoped3A = tpu.sem_alloc : memref<!tpu.dma_semaphore, #tpu.memory_space<semaphore_mem>>
        %dma_start3A_335 = arith.constant 0 : i32
        %dma_start3A_336 = tpu.memref_slice %arg8[%add3A_242, %dma_start3A_335] : memref<82x128xi32, #tpu.memory_space<vmem>> -> memref<1x128xi32, #tpu.memory_space<vmem>>
        %dma_start3A_337 = tpu.memref_squeeze %dma_start3A_336 : memref<1x128xi32, #tpu.memory_space<vmem>> -> memref<128xi32, #tpu.memory_space<vmem>>
        %dma_start3A_338 = arith.constant 0 : i32
        %dma_start3A_339 = arith.constant 0 : i32
        %dma_start3A_340 = tpu.memref_slice %arg16[%dma_start3A_338, %dma_start3A_339] : memref<10112x72xf32, #tpu.memory_space<vmem_shared>> -> memref<10112x72xf32, #tpu.memory_space<vmem_shared>>
        tpu.enqueue_indirect_dma source(%arg15 : memref<128x72xf32, #tpu.memory_space<vmem>>) target(%dma_start3A_340 : memref<10112x72xf32, #tpu.memory_space<vmem_shared>>) offsets(%dma_start3A_337 : memref<128xi32, #tpu.memory_space<vmem>>) semaphore(%run_scoped3A : memref<!tpu.dma_semaphore, #tpu.memory_space<semaphore_mem>>) {add = true}
        %dma_wait3A_341 = arith.constant 0 : i32
        %dma_wait3A_342 = tpu.memref_slice %arg8[%add3A_242, %dma_wait3A_341] : memref<82x128xi32, #tpu.memory_space<vmem>> -> memref<1x128xi32, #tpu.memory_space<vmem>>
        %dma_wait3A_343 = tpu.memref_squeeze %dma_wait3A_342 : memref<1x128xi32, #tpu.memory_space<vmem>> -> memref<128xi32, #tpu.memory_space<vmem>>
        %dma_wait3A_344 = arith.constant 0 : i32
        %dma_wait3A_345 = arith.constant 0 : i32
        %dma_wait3A_346 = tpu.memref_slice %arg16[%dma_wait3A_344, %dma_wait3A_345] : memref<10112x72xf32, #tpu.memory_space<vmem_shared>> -> memref<10112x72xf32, #tpu.memory_space<vmem_shared>>
        tpu.wait_indirect_dma semaphore(%run_scoped3A : memref<!tpu.dma_semaphore, #tpu.memory_space<semaphore_mem>>) src(%arg15 : memref<128x72xf32, #tpu.memory_space<vmem>>) dst(%dma_wait3A_346 : memref<10112x72xf32, #tpu.memory_space<vmem_shared>>)
        tpu.yield
      }) : () -> ()
    }
    %scan3A_212 = arith.constant 40 : i32
    %dma_wait3A = arith.constant 80 : i32
    %dma_wait3A_213 = arith.constant 0 : i32
    %dma_wait3A_214 = tpu.memref_slice %arg7[%dma_wait3A, %dma_wait3A_213] : memref<82x128xi32, #tpu.memory_space<vmem>> -> memref<1x128xi32, #tpu.memory_space<vmem>>
    %dma_wait3A_215 = tpu.memref_squeeze %dma_wait3A_214 : memref<1x128xi32, #tpu.memory_space<vmem>> -> memref<128xi32, #tpu.memory_space<vmem>>
    %dma_wait3A_216 = arith.constant 0 : i32
    %dma_wait3A_217 = arith.constant 0 : i32
    %dma_wait3A_218 = tpu.memref_slice %arg4[%dma_wait3A_216, %dma_wait3A_217] : memref<10016x64xbf16, #tpu.memory_space<hbm>> -> memref<10016x64xbf16, #tpu.memory_space<hbm>>
    tpu.wait_indirect_dma semaphore(%arg17 : memref<!tpu.dma_semaphore, #tpu.memory_space<semaphore_mem>>) src(%dma_wait3A_218 : memref<10016x64xbf16, #tpu.memory_space<hbm>>) dst(%arg9 : memref<128x64xbf16, #tpu.memory_space<vmem>>)
    %dma_wait3A_219 = arith.constant 80 : i32
    %dma_wait3A_220 = arith.constant 0 : i32
    %dma_wait3A_221 = tpu.memref_slice %arg7[%dma_wait3A_219, %dma_wait3A_220] : memref<82x128xi32, #tpu.memory_space<vmem>> -> memref<1x128xi32, #tpu.memory_space<vmem>>
    %dma_wait3A_222 = tpu.memref_squeeze %dma_wait3A_221 : memref<1x128xi32, #tpu.memory_space<vmem>> -> memref<128xi32, #tpu.memory_space<vmem>>
    %dma_wait3A_223 = arith.constant 0 : i32
    %dma_wait3A_224 = arith.constant 0 : i32
    %dma_wait3A_225 = tpu.memref_slice %arg5[%dma_wait3A_223, %dma_wait3A_224] : memref<10016x16xf32, #tpu.memory_space<hbm>> -> memref<10016x16xf32, #tpu.memory_space<hbm>>
    tpu.wait_indirect_dma semaphore(%arg17 : memref<!tpu.dma_semaphore, #tpu.memory_space<semaphore_mem>>) src(%dma_wait3A_225 : memref<10016x16xf32, #tpu.memory_space<hbm>>) dst(%arg11 : memref<128x16xf32, #tpu.memory_space<vmem>>)
    %dma_wait3A_226 = arith.constant 80 : i32
    %dma_wait3A_227 = arith.constant 0 : i32
    %dma_wait3A_228 = tpu.memref_slice %arg8[%dma_wait3A_226, %dma_wait3A_227] : memref<82x128xi32, #tpu.memory_space<vmem>> -> memref<1x128xi32, #tpu.memory_space<vmem>>
    %dma_wait3A_229 = tpu.memref_squeeze %dma_wait3A_228 : memref<1x128xi32, #tpu.memory_space<vmem>> -> memref<128xi32, #tpu.memory_space<vmem>>
    %dma_wait3A_230 = arith.constant 0 : i32
    %dma_wait3A_231 = arith.constant 0 : i32
    %dma_wait3A_232 = tpu.memref_slice %arg5[%dma_wait3A_230, %dma_wait3A_231] : memref<10016x16xf32, #tpu.memory_space<hbm>> -> memref<10016x16xf32, #tpu.memory_space<hbm>>
    tpu.wait_indirect_dma semaphore(%arg17 : memref<!tpu.dma_semaphore, #tpu.memory_space<semaphore_mem>>) src(%dma_wait3A_232 : memref<10016x16xf32, #tpu.memory_space<hbm>>) dst(%arg13 : memref<128x16xf32, #tpu.memory_space<vmem>>)
    %barrier3A_233 = arith.constant 0 : index
    tpu.barrier barrier_id(%barrier3A_233)
    %mul3A_234 = arith.constant 632 : i32
    %mul3A_235 = arith.muli %arg1, %mul3A_234 : i32
    "tpu.region"() ({
      %run_scoped3A = tpu.sem_alloc : memref<!tpu.dma_semaphore, #tpu.memory_space<semaphore_mem>>
      %dma_start3A_236 = arith.constant 0 : i32
      %dma_start3A_237 = tpu.memref_slice %arg6[%arg0, %mul3A_235, %dma_start3A_236] : memref<2x10112x72xf32, #tpu.memory_space<hbm>> -> memref<1x632x72xf32, #tpu.memory_space<hbm>>
      %dma_start3A_238 = tpu.memref_squeeze %dma_start3A_237 : memref<1x632x72xf32, #tpu.memory_space<hbm>> -> memref<632x72xf32, #tpu.memory_space<hbm>>
      %dma_start3A_239 = arith.constant 0 : i32
      %dma_start3A_240 = tpu.memref_slice %arg16[%mul3A_235, %dma_start3A_239] : memref<10112x72xf32, #tpu.memory_space<vmem_shared>> -> memref<632x72xf32, #tpu.memory_space<vmem_shared>>
      tpu.enqueue_dma source(%dma_start3A_240 : memref<632x72xf32, #tpu.memory_space<vmem_shared>>) target(%dma_start3A_238 : memref<632x72xf32, #tpu.memory_space<hbm>>) target_semaphore(%run_scoped3A : memref<!tpu.dma_semaphore, #tpu.memory_space<semaphore_mem>>)
      %dma_wait3A_241 = arith.constant 0 : i32
      %dma_wait3A_242 = tpu.memref_slice %arg6[%arg0, %mul3A_235, %dma_wait3A_241] : memref<2x10112x72xf32, #tpu.memory_space<hbm>> -> memref<1x632x72xf32, #tpu.memory_space<hbm>>
      %dma_wait3A_243 = tpu.memref_squeeze %dma_wait3A_242 : memref<1x632x72xf32, #tpu.memory_space<hbm>> -> memref<632x72xf32, #tpu.memory_space<hbm>>
      %dma_wait3A_244 = arith.constant 0 : i32
      %dma_wait3A_245 = tpu.memref_slice %arg16[%mul3A_235, %dma_wait3A_244] : memref<10112x72xf32, #tpu.memory_space<vmem_shared>> -> memref<632x72xf32, #tpu.memory_space<vmem_shared>>
      tpu.wait_dma2 semaphore(%run_scoped3A : memref<!tpu.dma_semaphore, #tpu.memory_space<semaphore_mem>>) src(%dma_wait3A_245 : memref<632x72xf32, #tpu.memory_space<vmem_shared>>) dst(%dma_wait3A_243 : memref<632x72xf32, #tpu.memory_space<hbm>>)
      tpu.yield
    }) : () -> ()
    return
  }
}

module attributes {stable_mosaic.version = 14 : i64} {
  func.func @_tc_pre_body(%arg0: i32, %arg1: memref<1000x128xf32, #tpu.memory_space<vmem>>, %arg2: memref<128x64xf32, #tpu.memory_space<vmem>>, %arg3: memref<64x8xf32, #tpu.memory_space<vmem>>, %arg4: memref<64x8xf32, #tpu.memory_space<vmem>>, %arg5: memref<1000x64xbf16, #tpu.memory_space<vmem>>, %arg6: memref<1000x16xf32, #tpu.memory_space<vmem>>) attributes {dimension_semantics = [#tpu.dimension_semantics<arbitrary>], iteration_bounds = array<i64: 10>, scalar_prefetch = 0 : i64, scratch_operands = 0 : i64, tpu.core_type = #tpu.core_type<tc>, window_params = [{transform_indices = @transform_0, window_bounds = array<i64: 1000, 128>}, {pipeline_mode = #tpu.pipeline_mode<synchronous>, transform_indices = @transform_1, window_bounds = array<i64: 128, 64>}, {pipeline_mode = #tpu.pipeline_mode<synchronous>, transform_indices = @transform_2, window_bounds = array<i64: 64, 8>}, {pipeline_mode = #tpu.pipeline_mode<synchronous>, transform_indices = @transform_3, window_bounds = array<i64: 64, 8>}, {transform_indices = @transform_4, window_bounds = array<i64: 1000, 64>}, {transform_indices = @transform_5, window_bounds = array<i64: 1000, 16>}]} {
    %get3A = arith.constant 0 : index
    %get3A_0 = arith.constant 0 : index
    %get3A_1 = vector.load %arg1[%get3A, %get3A_0] : memref<1000x128xf32, #tpu.memory_space<vmem>>, vector<1000x128xf32>
    %get3A_2 = arith.constant 0 : index
    %get3A_3 = arith.constant 0 : index
    %get3A_4 = vector.load %arg2[%get3A_2, %get3A_3] : memref<128x64xf32, #tpu.memory_space<vmem>>, vector<128x64xf32>
    %dot_general3A = arith.constant dense<0.000000e+00> : vector<1000x64xf32>
    %dot_general3A_5 = tpu.matmul %get3A_1, %get3A_4, %dot_general3A {dimension_numbers = #tpu.dot_dimension_numbers<[1], [0], [0], [1], [0, 0, 1, 1], [], []>, transpose_lhs_hint = false} : vector<1000x128xf32>, vector<128x64xf32>, vector<1000x64xf32> -> vector<1000x64xf32>
    %get3A_6 = arith.constant 0 : index
    %get3A_7 = arith.constant 0 : index
    %get3A_8 = vector.load %arg3[%get3A_6, %get3A_7] : memref<64x8xf32, #tpu.memory_space<vmem>>, vector<64x8xf32>
    %dot_general3A_9 = arith.constant dense<0.000000e+00> : vector<1000x8xf32>
    %dot_general3A_10 = tpu.matmul %dot_general3A_5, %get3A_8, %dot_general3A_9 {dimension_numbers = #tpu.dot_dimension_numbers<[1], [0], [0], [1], [0, 0, 1, 1], [], []>, transpose_lhs_hint = false} : vector<1000x64xf32>, vector<64x8xf32>, vector<1000x8xf32> -> vector<1000x8xf32>
    %get3A_11 = arith.constant 0 : index
    %get3A_12 = arith.constant 0 : index
    %get3A_13 = vector.load %arg4[%get3A_11, %get3A_12] : memref<64x8xf32, #tpu.memory_space<vmem>>, vector<64x8xf32>
    %dot_general3A_14 = arith.constant dense<0.000000e+00> : vector<1000x8xf32>
    %dot_general3A_15 = tpu.matmul %dot_general3A_5, %get3A_13, %dot_general3A_14 {dimension_numbers = #tpu.dot_dimension_numbers<[1], [0], [0], [1], [0, 0, 1, 1], [], []>, transpose_lhs_hint = false} : vector<1000x64xf32>, vector<64x8xf32>, vector<1000x8xf32> -> vector<1000x8xf32>
    %convert_element_type3A = arith.truncf %dot_general3A_5 : vector<1000x64xf32> to vector<1000x64xbf16>
    %swap3A = arith.constant 0 : index
    %swap3A_16 = arith.constant 0 : index
    %swap3A_17 = vector.load %arg5[%swap3A, %swap3A_16] : memref<1000x64xbf16, #tpu.memory_space<vmem>>, vector<1000x64xbf16>
    tpu.vector_store %arg5[%swap3A, %swap3A_16], %convert_element_type3A {strides = array<i32>} : memref<1000x64xbf16, #tpu.memory_space<vmem>>, vector<1000x64xbf16>,
    %concatenate3A = tpu.concatenate %dot_general3A_10, %dot_general3A_15 in 1 : vector<1000x8xf32>, vector<1000x8xf32> -> vector<1000x16xf32>
    %swap3A_18 = arith.constant 0 : index
    %swap3A_19 = arith.constant 0 : index
    %swap3A_20 = vector.load %arg6[%swap3A_18, %swap3A_19] : memref<1000x16xf32, #tpu.memory_space<vmem>>, vector<1000x16xf32>
    tpu.vector_store %arg6[%swap3A_18, %swap3A_19], %concatenate3A {strides = array<i32>} : memref<1000x16xf32, #tpu.memory_space<vmem>>, vector<1000x16xf32>,
    return
  }
  func.func @transform_0(%arg0: i32) -> (i32, i32) {
    %c0_i32 = arith.constant 0 : i32
    %c0_i32_0 = arith.constant 0 : i32
    return %arg0, %c0_i32 : i32, i32
  }
  func.func @transform_1(%arg0: i32) -> (i32, i32) {
    %c0_i32 = arith.constant 0 : i32
    %c0_i32_0 = arith.constant 0 : i32
    %c0_i32_1 = arith.constant 0 : i32
    return %c0_i32, %c0_i32_0 : i32, i32
  }
  func.func @transform_2(%arg0: i32) -> (i32, i32) {
    %c0_i32 = arith.constant 0 : i32
    %c0_i32_0 = arith.constant 0 : i32
    %c0_i32_1 = arith.constant 0 : i32
    return %c0_i32, %c0_i32_0 : i32, i32
  }
  func.func @transform_3(%arg0: i32) -> (i32, i32) {
    %c0_i32 = arith.constant 0 : i32
    %c0_i32_0 = arith.constant 0 : i32
    %c0_i32_1 = arith.constant 0 : i32
    return %c0_i32, %c0_i32_0 : i32, i32
  }
  func.func @transform_4(%arg0: i32) -> (i32, i32) {
    %c0_i32 = arith.constant 0 : i32
    %c0_i32_0 = arith.constant 0 : i32
    return %arg0, %c0_i32 : i32, i32
  }
  func.func @transform_5(%arg0: i32) -> (i32, i32) {
    %c0_i32 = arith.constant 0 : i32
    %c0_i32_0 = arith.constant 0 : i32
    return %arg0, %c0_i32 : i32, i32
  }
}

module attributes {stable_mosaic.version = 14 : i64} {
  func.func @_tc_mid_body(%arg0: i32, %arg1: memref<2x1000x72xf32, #tpu.memory_space<vmem>>, %arg2: memref<1000x64xbf16, #tpu.memory_space<vmem>>, %arg3: memref<1000x16xf32, #tpu.memory_space<vmem>>, %arg4: memref<1x64xf32, #tpu.memory_space<vmem>>, %arg5: memref<64x64xf32, #tpu.memory_space<vmem>>, %arg6: memref<64x1xf32, #tpu.memory_space<vmem>>, %arg7: memref<64x1xf32, #tpu.memory_space<vmem>>, %arg8: memref<8x64xf32, #tpu.memory_space<vmem>>, %arg9: memref<1000x64xbf16, #tpu.memory_space<vmem>>, %arg10: memref<1000x16xf32, #tpu.memory_space<vmem>>) attributes {dimension_semantics = [#tpu.dimension_semantics<arbitrary>], iteration_bounds = array<i64: 10>, scalar_prefetch = 0 : i64, scratch_operands = 0 : i64, tpu.core_type = #tpu.core_type<tc>, window_params = [{transform_indices = @transform_0, window_bounds = array<i64: 2, 1000, 72>}, {transform_indices = @transform_1, window_bounds = array<i64: 1000, 64>}, {transform_indices = @transform_2, window_bounds = array<i64: 1000, 16>}, {pipeline_mode = #tpu.pipeline_mode<synchronous>, transform_indices = @transform_3, window_bounds = array<i64: 1, 64>}, {pipeline_mode = #tpu.pipeline_mode<synchronous>, transform_indices = @transform_4, window_bounds = array<i64: 64, 64>}, {pipeline_mode = #tpu.pipeline_mode<synchronous>, transform_indices = @transform_5, window_bounds = array<i64: 64, 1>}, {pipeline_mode = #tpu.pipeline_mode<synchronous>, transform_indices = @transform_6, window_bounds = array<i64: 64, 1>}, {pipeline_mode = #tpu.pipeline_mode<synchronous>, transform_indices = @transform_7, window_bounds = array<i64: 8, 64>}, {transform_indices = @transform_8, window_bounds = array<i64: 1000, 64>}, {transform_indices = @transform_9, window_bounds = array<i64: 1000, 16>}]} {
    %get3A = arith.constant 0 : index
    %get3A_0 = arith.constant 0 : index
    %get3A_1 = vector.load %arg2[%get3A, %get3A_0] : memref<1000x64xbf16, #tpu.memory_space<vmem>>, vector<1000x64xbf16>
    %convert_element_type3A = arith.extf %get3A_1 : vector<1000x64xbf16> to vector<1000x64xf32>
    %get3A_2 = arith.constant 0 : index
    %get3A_3 = arith.constant 0 : index
    %get3A_4 = vector.load %arg3[%get3A_2, %get3A_3] : memref<1000x16xf32, #tpu.memory_space<vmem>>, vector<1000x16xf32>
    %slice3A = vector.extract_strided_slice %get3A_4 {offsets = [0, 0], sizes = [1000, 8], strides = [1, 1]} : vector<1000x16xf32> to vector<1000x8xf32>
    %get3A_5 = arith.constant 0 : index
    %get3A_6 = arith.constant 0 : index
    %get3A_7 = vector.load %arg3[%get3A_5, %get3A_6] : memref<1000x16xf32, #tpu.memory_space<vmem>>, vector<1000x16xf32>
    %slice3A_8 = vector.extract_strided_slice %get3A_7 {offsets = [0, 8], sizes = [1000, 8], strides = [1, 1]} : vector<1000x16xf32> to vector<1000x8xf32>
    %get3A_9 = arith.constant 0 : index
    %get3A_10 = arith.constant 0 : index
    %get3A_11 = arith.constant 0 : index
    %get3A_12 = vector.load %arg1[%get3A_9, %get3A_10, %get3A_11] : memref<2x1000x72xf32, #tpu.memory_space<vmem>>, vector<1x1000x72xf32>
    %get3A_13 = vector.shape_cast %get3A_12 : vector<1x1000x72xf32> to vector<1000x72xf32>
    %slice3A_14 = vector.extract_strided_slice %get3A_13 {offsets = [0, 0], sizes = [1000, 64], strides = [1, 1]} : vector<1000x72xf32> to vector<1000x64xf32>
    %get3A_15 = arith.constant 1 : index
    %get3A_16 = arith.constant 0 : index
    %get3A_17 = arith.constant 0 : index
    %get3A_18 = vector.load %arg1[%get3A_15, %get3A_16, %get3A_17] : memref<2x1000x72xf32, #tpu.memory_space<vmem>>, vector<1x1000x72xf32>
    %get3A_19 = vector.shape_cast %get3A_18 : vector<1x1000x72xf32> to vector<1000x72xf32>
    %slice3A_20 = vector.extract_strided_slice %get3A_19 {offsets = [0, 0], sizes = [1000, 64], strides = [1, 1]} : vector<1000x72xf32> to vector<1000x64xf32>
    %add3A = arith.addf %slice3A_14, %slice3A_20 : vector<1000x64xf32>
    %get3A_21 = arith.constant 0 : index
    %get3A_22 = arith.constant 0 : index
    %get3A_23 = arith.constant 0 : index
    %get3A_24 = vector.load %arg1[%get3A_21, %get3A_22, %get3A_23] : memref<2x1000x72xf32, #tpu.memory_space<vmem>>, vector<1x1000x72xf32>
    %get3A_25 = vector.shape_cast %get3A_24 : vector<1x1000x72xf32> to vector<1000x72xf32>
    %slice3A_26 = vector.extract_strided_slice %get3A_25 {offsets = [0, 64], sizes = [1000, 8], strides = [1, 1]} : vector<1000x72xf32> to vector<1000x8xf32>
    %get3A_27 = arith.constant 1 : index
    %get3A_28 = arith.constant 0 : index
    %get3A_29 = arith.constant 0 : index
    %get3A_30 = vector.load %arg1[%get3A_27, %get3A_28, %get3A_29] : memref<2x1000x72xf32, #tpu.memory_space<vmem>>, vector<1x1000x72xf32>
    %get3A_31 = vector.shape_cast %get3A_30 : vector<1x1000x72xf32> to vector<1000x72xf32>
    %slice3A_32 = vector.extract_strided_slice %get3A_31 {offsets = [0, 64], sizes = [1000, 8], strides = [1, 1]} : vector<1000x72xf32> to vector<1000x8xf32>
    %add3A_33 = arith.addf %slice3A_26, %slice3A_32 : vector<1000x8xf32>
    %add3A_34 = arith.addf %slice3A, %slice3A_8 : vector<1000x8xf32>
    %mul3A = arith.constant 2.000000e-01 : f32
    %mul3A_35 = vector.broadcast %mul3A : f32 to vector<1000x8xf32>
    %mul3A_36 = arith.mulf %mul3A_35, %add3A_34 : vector<1000x8xf32>
    %max3A = arith.maximumf %add3A_34, %mul3A_36 : vector<1000x8xf32>
    %exp3A = math.exp %max3A : vector<1000x8xf32>
    %get3A_37 = arith.constant 0 : index
    %get3A_38 = arith.constant 0 : index
    %get3A_39 = vector.load %arg8[%get3A_37, %get3A_38] : memref<8x64xf32, #tpu.memory_space<vmem>>, vector<8x64xf32>
    %dot_general3A = arith.constant dense<0.000000e+00> : vector<1000x64xf32>
    %dot_general3A_40 = tpu.matmul %exp3A, %get3A_39, %dot_general3A {dimension_numbers = #tpu.dot_dimension_numbers<[1], [0], [0], [1], [0, 0, 1, 1], [], []>, transpose_lhs_hint = false} : vector<1000x8xf32>, vector<8x64xf32>, vector<1000x64xf32> -> vector<1000x64xf32>
    %mul3A_41 = arith.mulf %dot_general3A_40, %convert_element_type3A : vector<1000x64xf32>
    %add3A_42 = arith.addf %add3A, %mul3A_41 : vector<1000x64xf32>
    %add3A_43 = arith.addf %add3A_33, %exp3A : vector<1000x8xf32>
    %dot_general3A_44 = arith.constant dense<0.000000e+00> : vector<1000x64xf32>
    %dot_general3A_45 = tpu.matmul %add3A_43, %get3A_39, %dot_general3A_44 {dimension_numbers = #tpu.dot_dimension_numbers<[1], [0], [0], [1], [0, 0, 1, 1], [], []>, transpose_lhs_hint = false} : vector<1000x8xf32>, vector<8x64xf32>, vector<1000x64xf32> -> vector<1000x64xf32>
    %add3A_46 = arith.constant 1.000000e-16 : f32
    %add3A_47 = vector.broadcast %add3A_46 : f32 to vector<1000x64xf32>
    %add3A_48 = arith.addf %dot_general3A_45, %add3A_47 : vector<1000x64xf32>
    %div3A = arith.divf %add3A_42, %add3A_48 : vector<1000x64xf32>
    %get3A_49 = arith.constant 0 : index
    %get3A_50 = arith.constant 0 : index
    %get3A_51 = vector.load %arg4[%get3A_49, %get3A_50] : memref<1x64xf32, #tpu.memory_space<vmem>>, vector<1x64xf32>
    %add3A_52 = vector.broadcast %get3A_51 : vector<1x64xf32> to vector<1000x64xf32>
    %add3A_53 = arith.addf %div3A, %add3A_52 : vector<1000x64xf32>
    %gt3A = arith.constant 0.000000e+00 : f32
    %gt3A_54 = vector.broadcast %gt3A : f32 to vector<1000x64xf32>
    %gt3A_55 = arith.cmpf ogt, %add3A_53, %gt3A_54 : vector<1000x64xf32>
    %min3A = arith.constant 0.000000e+00 : f32
    %min3A_56 = vector.broadcast %min3A : f32 to vector<1000x64xf32>
    %min3A_57 = arith.minimumf %add3A_53, %min3A_56 : vector<1000x64xf32>
    %exp3A_58 = math.exp %min3A_57 : vector<1000x64xf32>
    %sub3A = arith.constant 1.000000e+00 : f32
    %sub3A_59 = vector.broadcast %sub3A : f32 to vector<1000x64xf32>
    %sub3A_60 = arith.subf %exp3A_58, %sub3A_59 : vector<1000x64xf32>
    %select_n3A = arith.select %gt3A_55, %add3A_53, %sub3A_60 : vector<1000x64xi1>, vector<1000x64xf32>
    %get3A_61 = arith.constant 0 : index
    %get3A_62 = arith.constant 0 : index
    %get3A_63 = vector.load %arg5[%get3A_61, %get3A_62] : memref<64x64xf32, #tpu.memory_space<vmem>>, vector<64x64xf32>
    %dot_general3A_64 = arith.constant dense<0.000000e+00> : vector<1000x64xf32>
    %dot_general3A_65 = tpu.matmul %select_n3A, %get3A_63, %dot_general3A_64 {dimension_numbers = #tpu.dot_dimension_numbers<[1], [0], [0], [1], [0, 0, 1, 1], [], []>, transpose_lhs_hint = false} : vector<1000x64xf32>, vector<64x64xf32>, vector<1000x64xf32> -> vector<1000x64xf32>
    %get3A_66 = arith.constant 0 : index
    %get3A_67 = arith.constant 0 : index
    %get3A_68 = vector.load %arg6[%get3A_66, %get3A_67] : memref<64x1xf32, #tpu.memory_space<vmem>>, vector<64x1xf32>
    %dot_general3A_69 = arith.constant dense<0.000000e+00> : vector<1000x1xf32>
    %dot_general3A_70 = tpu.matmul %dot_general3A_65, %get3A_68, %dot_general3A_69 {dimension_numbers = #tpu.dot_dimension_numbers<[1], [0], [0], [1], [0, 0, 1, 1], [], []>, transpose_lhs_hint = false} : vector<1000x64xf32>, vector<64x1xf32>, vector<1000x1xf32> -> vector<1000x1xf32>
    %get3A_71 = arith.constant 0 : index
    %get3A_72 = arith.constant 0 : index
    %get3A_73 = vector.load %arg7[%get3A_71, %get3A_72] : memref<64x1xf32, #tpu.memory_space<vmem>>, vector<64x1xf32>
    %dot_general3A_74 = arith.constant dense<0.000000e+00> : vector<1000x1xf32>
    %dot_general3A_75 = tpu.matmul %dot_general3A_65, %get3A_73, %dot_general3A_74 {dimension_numbers = #tpu.dot_dimension_numbers<[1], [0], [0], [1], [0, 0, 1, 1], [], []>, transpose_lhs_hint = false} : vector<1000x64xf32>, vector<64x1xf32>, vector<1000x1xf32> -> vector<1000x1xf32>
    %convert_element_type3A_76 = arith.truncf %dot_general3A_65 : vector<1000x64xf32> to vector<1000x64xbf16>
    %swap3A = arith.constant 0 : index
    %swap3A_77 = arith.constant 0 : index
    %swap3A_78 = vector.load %arg9[%swap3A, %swap3A_77] : memref<1000x64xbf16, #tpu.memory_space<vmem>>, vector<1000x64xbf16>
    tpu.vector_store %arg9[%swap3A, %swap3A_77], %convert_element_type3A_76 {strides = array<i32>} : memref<1000x64xbf16, #tpu.memory_space<vmem>>, vector<1000x64xbf16>,
    %broadcast_in_dim3A = arith.constant 0.000000e+00 : f32
    %broadcast_in_dim3A_79 = vector.broadcast %broadcast_in_dim3A : f32 to vector<1000x7xf32>
    %concatenate3A = tpu.concatenate %dot_general3A_70, %broadcast_in_dim3A_79, %dot_general3A_75, %broadcast_in_dim3A_79 in 1 : vector<1000x1xf32>, vector<1000x7xf32>, vector<1000x1xf32>, vector<1000x7xf32> -> vector<1000x16xf32>
    %swap3A_80 = arith.constant 0 : index
    %swap3A_81 = arith.constant 0 : index
    %swap3A_82 = vector.load %arg10[%swap3A_80, %swap3A_81] : memref<1000x16xf32, #tpu.memory_space<vmem>>, vector<1000x16xf32>
    tpu.vector_store %arg10[%swap3A_80, %swap3A_81], %concatenate3A {strides = array<i32>} : memref<1000x16xf32, #tpu.memory_space<vmem>>, vector<1000x16xf32>,
    return
  }
  func.func @transform_0(%arg0: i32) -> (i32, i32, i32) {
    %c0_i32 = arith.constant 0 : i32
    %c0_i32_0 = arith.constant 0 : i32
    %c0_i32_1 = arith.constant 0 : i32
    return %c0_i32, %arg0, %c0_i32_0 : i32, i32, i32
  }
  func.func @transform_1(%arg0: i32) -> (i32, i32) {
    %c0_i32 = arith.constant 0 : i32
    %c0_i32_0 = arith.constant 0 : i32
    return %arg0, %c0_i32 : i32, i32
  }
  func.func @transform_2(%arg0: i32) -> (i32, i32) {
    %c0_i32 = arith.constant 0 : i32
    %c0_i32_0 = arith.constant 0 : i32
    return %arg0, %c0_i32 : i32, i32
  }
  func.func @transform_3(%arg0: i32) -> (i32, i32) {
    %c0_i32 = arith.constant 0 : i32
    %c0_i32_0 = arith.constant 0 : i32
    %c0_i32_1 = arith.constant 0 : i32
    return %c0_i32, %c0_i32_0 : i32, i32
  }
  func.func @transform_4(%arg0: i32) -> (i32, i32) {
    %c0_i32 = arith.constant 0 : i32
    %c0_i32_0 = arith.constant 0 : i32
    %c0_i32_1 = arith.constant 0 : i32
    return %c0_i32, %c0_i32_0 : i32, i32
  }
  func.func @transform_5(%arg0: i32) -> (i32, i32) {
    %c0_i32 = arith.constant 0 : i32
    %c0_i32_0 = arith.constant 0 : i32
    %c0_i32_1 = arith.constant 0 : i32
    return %c0_i32, %c0_i32_0 : i32, i32
  }
  func.func @transform_6(%arg0: i32) -> (i32, i32) {
    %c0_i32 = arith.constant 0 : i32
    %c0_i32_0 = arith.constant 0 : i32
    %c0_i32_1 = arith.constant 0 : i32
    return %c0_i32, %c0_i32_0 : i32, i32
  }
  func.func @transform_7(%arg0: i32) -> (i32, i32) {
    %c0_i32 = arith.constant 0 : i32
    %c0_i32_0 = arith.constant 0 : i32
    %c0_i32_1 = arith.constant 0 : i32
    return %c0_i32, %c0_i32_0 : i32, i32
  }
  func.func @transform_8(%arg0: i32) -> (i32, i32) {
    %c0_i32 = arith.constant 0 : i32
    %c0_i32_0 = arith.constant 0 : i32
    return %arg0, %c0_i32 : i32, i32
  }
  func.func @transform_9(%arg0: i32) -> (i32, i32) {
    %c0_i32 = arith.constant 0 : i32
    %c0_i32_0 = arith.constant 0 : i32
    return %arg0, %c0_i32 : i32, i32
  }
}

module attributes {stable_mosaic.version = 14 : i64} {
  func.func @_tc_post_body(%arg0: i32, %arg1: memref<2x1000x72xf32, #tpu.memory_space<vmem>>, %arg2: memref<1000x64xbf16, #tpu.memory_space<vmem>>, %arg3: memref<1000x16xf32, #tpu.memory_space<vmem>>, %arg4: memref<1x64xf32, #tpu.memory_space<vmem>>, %arg5: memref<1000x64xf32, #tpu.memory_space<vmem>>) attributes {dimension_semantics = [#tpu.dimension_semantics<arbitrary>], iteration_bounds = array<i64: 10>, scalar_prefetch = 0 : i64, scratch_operands = 0 : i64, tpu.core_type = #tpu.core_type<tc>, window_params = [{transform_indices = @transform_0, window_bounds = array<i64: 2, 1000, 72>}, {transform_indices = @transform_1, window_bounds = array<i64: 1000, 64>}, {transform_indices = @transform_2, window_bounds = array<i64: 1000, 16>}, {pipeline_mode = #tpu.pipeline_mode<synchronous>, transform_indices = @transform_3, window_bounds = array<i64: 1, 64>}, {transform_indices = @transform_4, window_bounds = array<i64: 1000, 64>}]} {
    %get3A = arith.constant 0 : index
    %get3A_0 = arith.constant 0 : index
    %get3A_1 = vector.load %arg2[%get3A, %get3A_0] : memref<1000x64xbf16, #tpu.memory_space<vmem>>, vector<1000x64xbf16>
    %convert_element_type3A = arith.extf %get3A_1 : vector<1000x64xbf16> to vector<1000x64xf32>
    %get3A_2 = arith.constant 0 : index
    %get3A_3 = arith.constant 0 : index
    %get3A_4 = vector.load %arg3[%get3A_2, %get3A_3] : memref<1000x16xf32, #tpu.memory_space<vmem>>, vector<1000x16xf32>
    %slice3A = vector.extract_strided_slice %get3A_4 {offsets = [0, 0], sizes = [1000, 1], strides = [1, 1]} : vector<1000x16xf32> to vector<1000x1xf32>
    %get3A_5 = arith.constant 0 : index
    %get3A_6 = arith.constant 0 : index
    %get3A_7 = vector.load %arg3[%get3A_5, %get3A_6] : memref<1000x16xf32, #tpu.memory_space<vmem>>, vector<1000x16xf32>
    %slice3A_8 = vector.extract_strided_slice %get3A_7 {offsets = [0, 8], sizes = [1000, 1], strides = [1, 1]} : vector<1000x16xf32> to vector<1000x1xf32>
    %get3A_9 = arith.constant 0 : index
    %get3A_10 = arith.constant 0 : index
    %get3A_11 = arith.constant 0 : index
    %get3A_12 = vector.load %arg1[%get3A_9, %get3A_10, %get3A_11] : memref<2x1000x72xf32, #tpu.memory_space<vmem>>, vector<1x1000x72xf32>
    %get3A_13 = vector.shape_cast %get3A_12 : vector<1x1000x72xf32> to vector<1000x72xf32>
    %slice3A_14 = vector.extract_strided_slice %get3A_13 {offsets = [0, 0], sizes = [1000, 64], strides = [1, 1]} : vector<1000x72xf32> to vector<1000x64xf32>
    %get3A_15 = arith.constant 1 : index
    %get3A_16 = arith.constant 0 : index
    %get3A_17 = arith.constant 0 : index
    %get3A_18 = vector.load %arg1[%get3A_15, %get3A_16, %get3A_17] : memref<2x1000x72xf32, #tpu.memory_space<vmem>>, vector<1x1000x72xf32>
    %get3A_19 = vector.shape_cast %get3A_18 : vector<1x1000x72xf32> to vector<1000x72xf32>
    %slice3A_20 = vector.extract_strided_slice %get3A_19 {offsets = [0, 0], sizes = [1000, 64], strides = [1, 1]} : vector<1000x72xf32> to vector<1000x64xf32>
    %add3A = arith.addf %slice3A_14, %slice3A_20 : vector<1000x64xf32>
    %get3A_21 = arith.constant 0 : index
    %get3A_22 = arith.constant 0 : index
    %get3A_23 = arith.constant 0 : index
    %get3A_24 = vector.load %arg1[%get3A_21, %get3A_22, %get3A_23] : memref<2x1000x72xf32, #tpu.memory_space<vmem>>, vector<1x1000x72xf32>
    %get3A_25 = vector.shape_cast %get3A_24 : vector<1x1000x72xf32> to vector<1000x72xf32>
    %slice3A_26 = vector.extract_strided_slice %get3A_25 {offsets = [0, 64], sizes = [1000, 1], strides = [1, 1]} : vector<1000x72xf32> to vector<1000x1xf32>
    %get3A_27 = arith.constant 1 : index
    %get3A_28 = arith.constant 0 : index
    %get3A_29 = arith.constant 0 : index
    %get3A_30 = vector.load %arg1[%get3A_27, %get3A_28, %get3A_29] : memref<2x1000x72xf32, #tpu.memory_space<vmem>>, vector<1x1000x72xf32>
    %get3A_31 = vector.shape_cast %get3A_30 : vector<1x1000x72xf32> to vector<1000x72xf32>
    %slice3A_32 = vector.extract_strided_slice %get3A_31 {offsets = [0, 64], sizes = [1000, 1], strides = [1, 1]} : vector<1000x72xf32> to vector<1000x1xf32>
    %add3A_33 = arith.addf %slice3A_26, %slice3A_32 : vector<1000x1xf32>
    %add3A_34 = arith.addf %slice3A, %slice3A_8 : vector<1000x1xf32>
    %mul3A = arith.constant 2.000000e-01 : f32
    %mul3A_35 = vector.broadcast %mul3A : f32 to vector<1000x1xf32>
    %mul3A_36 = arith.mulf %mul3A_35, %add3A_34 : vector<1000x1xf32>
    %max3A = arith.maximumf %add3A_34, %mul3A_36 : vector<1000x1xf32>
    %exp3A = math.exp %max3A : vector<1000x1xf32>
    %mul3A_37 = vector.broadcast %exp3A : vector<1000x1xf32> to vector<1000x64xf32>
    %mul3A_38 = arith.mulf %mul3A_37, %convert_element_type3A : vector<1000x64xf32>
    %add3A_39 = arith.addf %add3A, %mul3A_38 : vector<1000x64xf32>
    %add3A_40 = arith.addf %add3A_33, %exp3A : vector<1000x1xf32>
    %add3A_41 = arith.constant 1.000000e-16 : f32
    %add3A_42 = vector.broadcast %add3A_41 : f32 to vector<1000x1xf32>
    %add3A_43 = arith.addf %add3A_40, %add3A_42 : vector<1000x1xf32>
    %div3A = vector.broadcast %add3A_43 : vector<1000x1xf32> to vector<1000x64xf32>
    %div3A_44 = arith.divf %add3A_39, %div3A : vector<1000x64xf32>
    %get3A_45 = arith.constant 0 : index
    %get3A_46 = arith.constant 0 : index
    %get3A_47 = vector.load %arg4[%get3A_45, %get3A_46] : memref<1x64xf32, #tpu.memory_space<vmem>>, vector<1x64xf32>
    %add3A_48 = vector.broadcast %get3A_47 : vector<1x64xf32> to vector<1000x64xf32>
    %add3A_49 = arith.addf %div3A_44, %add3A_48 : vector<1000x64xf32>
    %reduce_max3A = arith.constant dense<0xFF800000> : vector<1000xf32>
    %reduce_max3A_50 = vector.multi_reduction <maximumf>, %add3A_49, %reduce_max3A [1] : vector<1000x64xf32> to vector<1000xf32>
    %broadcast_in_dim3A = vector.shape_cast %reduce_max3A_50 : vector<1000xf32> to vector<1000x1xf32>
    %sub3A = vector.broadcast %broadcast_in_dim3A : vector<1000x1xf32> to vector<1000x64xf32>
    %sub3A_51 = arith.subf %add3A_49, %sub3A : vector<1000x64xf32>
    %sub3A_52 = vector.broadcast %broadcast_in_dim3A : vector<1000x1xf32> to vector<1000x64xf32>
    %sub3A_53 = arith.subf %add3A_49, %sub3A_52 : vector<1000x64xf32>
    %exp3A_54 = math.exp %sub3A_53 : vector<1000x64xf32>
    %reduce_sum3A = arith.constant dense<0.000000e+00> : vector<1000xf32>
    %reduce_sum3A_55 = vector.multi_reduction <add>, %exp3A_54, %reduce_sum3A [1] : vector<1000x64xf32> to vector<1000xf32>
    %broadcast_in_dim3A_56 = vector.shape_cast %reduce_sum3A_55 : vector<1000xf32> to vector<1000x1xf32>
    %log3A = math.log %broadcast_in_dim3A_56 : vector<1000x1xf32>
    %sub3A_57 = vector.broadcast %log3A : vector<1000x1xf32> to vector<1000x64xf32>
    %sub3A_58 = arith.subf %sub3A_51, %sub3A_57 : vector<1000x64xf32>
    %swap3A = arith.constant 0 : index
    %swap3A_59 = arith.constant 0 : index
    %swap3A_60 = vector.load %arg5[%swap3A, %swap3A_59] : memref<1000x64xf32, #tpu.memory_space<vmem>>, vector<1000x64xf32>
    tpu.vector_store %arg5[%swap3A, %swap3A_59], %sub3A_58 {strides = array<i32>} : memref<1000x64xf32, #tpu.memory_space<vmem>>, vector<1000x64xf32>,
    return
  }
  func.func @transform_0(%arg0: i32) -> (i32, i32, i32) {
    %c0_i32 = arith.constant 0 : i32
    %c0_i32_0 = arith.constant 0 : i32
    %c0_i32_1 = arith.constant 0 : i32
    return %c0_i32, %arg0, %c0_i32_0 : i32, i32, i32
  }
  func.func @transform_1(%arg0: i32) -> (i32, i32) {
    %c0_i32 = arith.constant 0 : i32
    %c0_i32_0 = arith.constant 0 : i32
    return %arg0, %c0_i32 : i32, i32
  }
  func.func @transform_2(%arg0: i32) -> (i32, i32) {
    %c0_i32 = arith.constant 0 : i32
    %c0_i32_0 = arith.constant 0 : i32
    return %arg0, %c0_i32 : i32, i32
  }
  func.func @transform_3(%arg0: i32) -> (i32, i32) {
    %c0_i32 = arith.constant 0 : i32
    %c0_i32_0 = arith.constant 0 : i32
    %c0_i32_1 = arith.constant 0 : i32
    return %c0_i32, %c0_i32_0 : i32, i32
  }
  func.func @transform_4(%arg0: i32) -> (i32, i32) {
    %c0_i32 = arith.constant 0 : i32
    %c0_i32_0 = arith.constant 0 : i32
    return %arg0, %c0_i32 : i32, i32
  }
}

</mosaic_0001>

<sc_bundles>
// kernel: kernel.10.cloned.1.call-start
scs
__scs_entry_jumppad:
0x0: {  	(pc) =	sbr.rel $0x88, $3  }
0x1: {  	(tag) =	ssettag $0x0;
	lr =	simm.s32 $0x1  }
0x2: {  	[smem:$0x3F97] =	sst lr;
	_ =	strace $0xD0000000  }
0x3: {  	_ = 	snop  }
0x4: {  	_ = 	snop  }
0x5: {  	_ = 	snop  }
0x6: {  	_ = 	snop  }
0x7: {  	_ = 	snop  }
__scs_overlays_trampoline_lowered:
0x8: {  	[smem:$0x3FA6] =	sst s0  }
0x9: {  	[smem:$0x3FA7] =	sst s1  }
0xa: {  	[smem:$0x3FA8] =	sst s2  }
0xb: {  	[smem:$0x3FA9] =	sst s3  }
0xc: {  	[smem:$0x3FAA] =	sst s4  }
0xd: {  	[smem:$0x3FAB] =	sst s5  }
0xe: {  	[smem:$0x3FAC] =	sst s6  }
0xf: {  	[smem:$0x3FAD] =	sst s7  }
0x10: {  	[smem:$0x3FAE] =	sst s8  }
0x11: {  	[smem:$0x3FAF] =	sst s9;
	s0 =	simm.s32 @!p0 $0x0  }
0x12: {  	s1 =	sld [smem:$0x3F95];
	s0 =	simm.s32 @p0 $0x1  }
0x13: {  	[smem:$0x3FB0] =	sst s0;
	s0 =	simm.s32 @!p1 $0x0  }
0x14: {  	s2 =	sld [smem:$0x3F94];
	s0 =	simm.s32 @p1 $0x1  }
0x15: {  	[smem:$0x3FB1] =	sst s0;
	s0 =	simm.s32 @!p2 $0x0  }
0x16: {  	s3 =	sld [smem:$0x3FDB];
	s0 =	simm.s32 @p2 $0x1  }
0x17: {  	s4 =	simm.s32 $0x1BF5;
	[smem:$0x3FB3] =	sst s0  }
0x18: {  	s0 =	sld [smem:$0x3F96];
	_ =	swait.ge [sflag:s4], $0x0  }
0x19: {  	s7 =	sld [smem:$0x3F97]  }
0x1a: {  	s8 =	sadd.s32 $0xFFFFE003, lr  }
0x1b: {  	s9 =	sadd.s32 $0xFFFFFEF7, lr;
	s5 =	simm.s32 $0xFFFFFFFF;
	p2 =	slt.u32 s8, $0xFFFFF086  }
0x1c: {  	p1 =	slt.u32 s9, $0xF7A;
	s5 =	simm.s32 @!p2 $0x0  }
0x1d: {  	s5 =	simm.s32 @p1 $0x1;
	p0 =	seq.s32 s7, s2  }
0x1e: {  	s7 =	smul.u32 @!p0 $0xF7A, s2;
	p2 =	seq.s32 @!p0 s5, $0x0  }
0x1f: {  	s9 =	smul.u32 $0xF7A, s1;
	s8 =	simm.s32 @!p0 $0x1BF5;
	p2 =	por !p2, p0  }
0x20: {  	[sflag:s8] =	ssyncset.s32 @!p0 $0xFFFFF086;
	s6 =	sadd.s32 @!p0 s3, s7;
	s7 =	simm.s32 @!p0 $0x108  }
0x21: {  	s3 =	sadd.s32 s3, s9;
	s6 =	sadd.s32 @!p0 $0x88, s6;
	s7 =	simm.s32 @p2 $0x1082  }
0x22: {  	[simem:s7], [sflag:s8] =	dma.local @!p0 [hbm:s6], $0xF7A  }
0x23: {  	s9 =	sor.u32 $0xD0000000, s2;
	s6 =	simm.s32 $0x108;
	_ =	swait.ge @!p0 [sflag:s8], $0x0  }
0x24: {  	s3 =	sadd.s32 $0x88, s3;
	s6 =	simm.s32 @!p1 $0x1082;
	[sflag:s4] =	ssyncset.s32 $0xFFFFF086  }
0x25: {  	[simem:s6], [sflag:s4] =	dma.local [hbm:s3], $0xF7A  }
0x26: {  	[smem:$0x3F97] =	sst s1;
	(tag) =	ssettag s2;
	_ =	strace s9  }
0x27: {  	s1 =	sld [smem:$0x3FA7]  }
0x28: {  	s2 =	sld [smem:$0x3FA8]  }
0x29: {  	s4 =	sld [smem:$0x3FAA]  }
0x2a: {  	p0 =	seq.s32 s5, $0x0;
	s5 =	sld [smem:$0x3FAB]  }
0x2b: {  	s6 =	sld [smem:$0x3FAC]  }
0x2c: {  	s7 =	sld [smem:$0x3FAD]  }
0x2d: {  	s3 =	simm.s32 $0x108;
	s8 =	sld [smem:$0x3FAE]  }
0x2e: {  	s3 =	simm.s32 @!p0 $0x1082;
	s9 =	sld [smem:$0x3FAF]  }
0x2f: {  	lr =	sadd.s32 s0, s3;
	s0 =	sld [smem:$0x3FA6]  }
0x30: {  	s3 =	sld [smem:$0x3FA9]  }
0x31: {  	[smem:$0x3FB2] =	sst s10  }
0x32: {  	s10 =	sld [smem:$0x3FB0];
	_ =	sdelay $0x3  }
0x33: {  	p0 =	seq.s32 s10, $0x1;
	s10 =	sld [smem:$0x3FB2];
	_ =	sdelay $0x3  }
0x34: {  	[smem:$0x3FB2] =	sst s10  }
0x35: {  	s10 =	sld [smem:$0x3FB1];
	_ =	sdelay $0x3  }
0x36: {  	p1 =	seq.s32 s10, $0x1;
	s10 =	sld [smem:$0x3FB2];
	_ =	sdelay $0x3  }
0x37: {  	[smem:$0x3FB2] =	sst s10  }
0x38: {  	s10 =	sld [smem:$0x3FB3]  }
0x39: {  	_ = 	snop;
	(pc) =	sbr.ind lr, $3  }
0x3a: {  	_ = 	snop  }
0x3b: {  	_ = 	snop  }
0x3c: {  	p2 =	seq.s32 s10, $0x1;
	s10 =	sld [smem:$0x3FB2]  }
0x3d: {  	_ =	shalt  }
0x3e: {  	_ =	shalt  }
0x3f: {  	_ =	shalt  }
0x40: {  	_ =	shalt  }
0x41: {  	_ =	shalt  }
0x42: {  	_ =	shalt  }
0x43: {  	_ =	shalt  }
0x44: {  	_ =	shalt  }
0x45: {  	_ =	shalt  }
0x46: {  	_ =	shalt  }
0x47: {  	_ =	shalt  }
0x48: {  	_ =	shalt  }
0x49: {  	_ =	shalt  }
0x4a: {  	_ =	shalt  }
0x4b: {  	_ =	shalt  }
0x4c: {  	_ =	shalt  }
0x4d: {  	_ =	shalt  }
0x4e: {  	_ =	shalt  }
0x4f: {  	_ =	shalt  }
0x50: {  	_ =	shalt  }
0x51: {  	_ =	shalt  }
0x52: {  	_ =	shalt  }
0x53: {  	_ =	shalt  }
0x54: {  	_ =	shalt  }
0x55: {  	_ =	shalt  }
0x56: {  	_ =	shalt  }
0x57: {  	_ =	shalt  }
0x58: {  	_ =	shalt  }
0x59: {  	_ =	shalt  }
0x5a: {  	_ =	shalt  }
0x5b: {  	_ =	shalt  }
0x5c: {  	_ =	shalt  }
0x5d: {  	_ =	shalt  }
0x5e: {  	_ =	shalt  }
0x5f: {  	_ =	shalt  }
0x60: {  	_ =	shalt  }
0x61: {  	_ =	shalt  }
0x62: {  	_ =	shalt  }
0x63: {  	_ =	shalt  }
0x64: {  	_ =	shalt  }
0x65: {  	_ =	shalt  }
0x66: {  	_ =	shalt  }
0x67: {  	_ =	shalt  }
0x68: {  	_ =	shalt  }
0x69: {  	_ =	shalt  }
0x6a: {  	_ =	shalt  }
0x6b: {  	_ =	shalt  }
0x6c: {  	_ =	shalt  }
0x6d: {  	_ =	shalt  }
0x6e: {  	_ =	shalt  }
0x6f: {  	_ =	shalt  }
0x70: {  	_ =	shalt  }
0x71: {  	_ =	shalt  }
0x72: {  	_ =	shalt  }
0x73: {  	_ =	shalt  }
0x74: {  	_ =	shalt  }
0x75: {  	_ =	shalt  }
0x76: {  	_ =	shalt  }
0x77: {  	_ =	shalt  }
0x78: {  	_ =	shalt  }
0x79: {  	_ =	shalt  }
0x7a: {  	_ =	shalt  }
0x7b: {  	_ =	shalt  }
0x7c: {  	_ =	shalt  }
0x7d: {  	_ =	shalt  }
0x7e: {  	_ =	shalt  }
0x7f: {  	_ =	shalt  }
0x80: {  	_ =	shalt  }
0x81: {  	_ =	shalt  }
0x82: {  	_ =	shalt  }
0x83: {  	_ =	shalt  }
0x84: {  	_ =	shalt  }
0x85: {  	_ =	shalt  }
0x86: {  	_ =	shalt  }
0x87: {  	_ =	shalt  }
.Lfunc_end0:
.L_simem_size_0:
called_computation.1_lowered:
.L_overlay_start_0:
0x88: {  	s2 =	sld [smem:$0x3FD9]  }
0x89: {  	s3 =	sld [smem:$0x3FFE];
	_ =	sdelay $0x1  }
0x8a: {  	s1 =	srdreg.scid  }
0x8b: {  	s0 =	sand.u32 $0x1, s1  }
0x8c: {  	s17 =	sshll.u32 s0, $0xA;
	s2 =	sadd.s32 s3, s2  }
0x8d: {  	s2 =	sadd.s32 s2, s17  }
0x8e: {  	[smem:$0x3FBE] =	sst s2  }
0x8f: {  	_ = 	snop  }
0x90: {  	s2 =	sld [smem:$0x3FD0];
	(tm) =	ssettm $0x1  }
0x91: {  	s18 =	sld [smem:$0x3FFB];
	_ =	sdelay $0x3  }
0x92: {  	_ =	strace s18  }
0x93: {  	s3 =	sld [smem:$0x3FFC];
	_ =	sdelay $0x3  }
0x94: {  	_ =	strace s3  }
0x95: {  	s3 =	sld [smem:$0x3FFD];
	_ =	sdelay $0x3  }
0x96: {  	_ =	strace s3  }
0x97: {  	_ =	strace $0x8FFFFFFF  }
0x98: {  	s19 =	sld [smem:$0x3FDB];
	_ =	sdelay $0x1  }
0x99: {  	s4 =	simm.s32 $_scs_section_size  }
0x9a: {  	s5 =	simm.s32 $_size__tile_overlayer_lowered;
	s6 =	simm.s32 $_tile_overlayer_lowered  }
0x9b: {  	s22 =	simm.s32 $0x1BFF;
	s21 =	sshll.u32 s6, $0x1;
	s3 =	sadd.s32 s4, s19  }
0x9c: {  	s7 =	simm.s32 $0x0;
	s20 =	sshll.u32 s5, $0x1;
	s5 =	sadd.s32 s21, s3  }
0x9d: {  	[timem:s7], [sflag:s22] =	dma.local [hbm:s5], s20  }
0x9e: {  	_ =	swait.ge [sflag:s22], s20  }
0x9f: {  	s4 =	ssub.s32 $0x0, s20;
	[sflag:s22] =	ssyncset.done $0x0  }
0xa0: {  	[sflag:s22] =	ssyncadd.s32 s4;
	_ =	sdelay $0x1  }
0xa1: {  	s23 =	simm.s32 $0x1B8B  }
0xa2: {  	_ =	swait.ge [sflag:s23], $0x1  }
0xa3: {  	[sflag:s23] =	ssyncset.done $0x0  }
0xa4: {  	s25 =	simm.s32 $0x1B8E;
	s24 =	sld [smem:$0x3FFE];
	[sflag:s23] =	ssyncadd.s32 $0xFFFFFFFF  }
0xa5: {  	s26 =	simm.s32 $execute0_lowered;
	[smem:$0x3FD2] =	sst s25  }
0xa6: {  	s5 =	sshll.u32 s26, $0x1;
	_ =	strace $0x80000049;
	[dreg:$0x1] =	wrdreg $0xFFFFFFFF  }
0xa7: {  	s28 =	simm.s32 $_size_execute0_lowered;
	s3 =	sadd.s32 s3, s5;
	[dreg:$0x0] =	wrdreg $0x0  }
0xa8: {  	s5 =	sshll.u32 s28, $0x1;
	[dreg:$0x2] =	wrdreg s3  }
0xa9: {  	[dreg:$0x3] =	wrdreg s5  }
0xaa: {  	[dreg:$0x4] =	wrdreg $0xC0  }
0xab: {  	_ =	task [dreg:s7], $0x5FFFF  }
0xac: {  	[dreg:$0x1] =	wrdreg $0xFFFFFFFF  }
0xad: {  	[dreg:$0x0] =	wrdreg $0x60  }
0xae: {  	[dreg:$0x2] =	wrdreg s2  }
0xaf: {  	[dreg:$0x3] =	wrdreg s24  }
0xb0: {  	[dreg:$0x4] =	wrdreg $0xB6000  }
0xb1: {  	[dreg:$0x5] =	wrdreg $0x9  }
0xb2: {  	_ =	task.clear_ibuf [dreg:s7], $0x6FFFF;
	_ =	strace $0x90000049  }
0xb3: {  	s29 =	simm.s32 $0x9;
	_ =	strace $0x8000004B  }
0xb4: {  	_ =	swait.ge [sflag:s29], $0x1  }
0xb5: {  	[sflag:s29] =	ssyncadd.s32 $0xFFFFFFFF  }
0xb6: {  	_ =	strace $0x9000004B  }
0xb7: {  	_ =	sfence  }
0xb8: {  	s30 =	sld [smem:$0x0];
	_ =	sdelay $0x2  }
0xb9: {  	s31 =	sshll.u32 s1, $0xD;
	s1 =	sshrl.u32 s1, $0x2  }
0xba: {  	s3 =	sand.u32 $0x4000, s31;
	s1 =	sadd.s32 s1, s30  }
0xbb: {  	s0 =	sor.u32 s3, s0;
	s1 =	sshll.u32 s1, $0x11  }
0xbc: {  	s0 =	sor.u32 s1, s0  }
0xbd: {  	s0 =	sadd.s32 $0x8F2B, s0  }
0xbe: {  	[sflag:s0] =	ssyncadd.remote.s32 $0x1  }
0xbf: {  	_ =	sfence.sel $0xFFFF  }
0xc0: {  	[dreg:$0x0] =	wrdreg $0xFFFFFFFF;
	(pc) =	sbr.abs _section_cstart, $3  }
0xc1: {  	[dreg:$0x1] =	wrdreg $0xFFFFFFFF  }
0xc2: {  	_ =	task.clear_ibuf [dreg:s7], $0x2FFFF;
	_ =	strace $0x9FFFFFFF  }
0xc3: {  	(tm) =	ssettm $0x7FFFFFFF  }
tec
execute0_lowered:
.L_overlay_start_1:
0x0: {  	(tag) =	ssettag $0x1  }
0x1: {  	s0 =	srdreg.scid  }
0x2: {  	s3 =	rddreg [dreg:$0x0];
	s26 =	stileid.u32  }
0x3: {  	s6 =	rddreg [dreg:$0x1];
	s29 =	simm.s32 $0x0;
	s15 =	simm.s32 $0x9200  }
0x4: {  	s16 =	simm.s32 $0x3;
	s17 =	simm.s32 $0x2900;
	s18 =	simm.s32 $0x80  }
0x5: {  	s19 =	simm.s32 $0x5200;
	s20 =	simm.s32 $0x7200;
	s21 =	simm.s32 $0x8200  }
0x6: {  	s22 =	simm.s32 $0x1;
	s23 =	simm.s32 $0x6200;
	s24 =	simm.s32 $0x7A00  }
0x7: {  	s25 =	simm.s32 $0x8A00;
	s28 =	simm.s32 $0x0;
	s7 =	smul.u32 $0xB1C0, s26  }
0x8: {  	s1 =	sand.u32 $0x1, s0;
	[smem:$0x7FF] =	sst s29;
	s9 =	smul.u32 $0x2C700, s26  }
0x9: {  	s2 =	sshll.u32 s1, $0x4;
	s5 =	smul.u32 $0xB1C00, s1;
	s1 =	ssub.s32 $0x2, s1  }
0xa: {  	v0 =	vlaneseq.u32;
	v2 =	vimm.f32 $0.0e+00;
	s4 =	sor.u32 s26, s2;
	s2 =	rddreg [dreg:$0x2];
	_ =	strace $0x8000004A  }
0xb: {  	v4 =	vimm.s32 $0x0;
	v5 =	vimm.s32 $0x4;
	v6 =	vimm.s32 $0x8;
	s30 =	sshrl.u32 s1, $0x1;
	s31 =	sshrl.u32 s9, $0x2;
	s26 =	simm.s32 $0x2  }
0xc: {  	v10 =	vimm.s32 $0x1;
	v11 =	vimm.s32 $0x2;
	v12 =	vimm.s32 $0x3;
	s11 =	smul.u32 $0x500, s4;
	s4 =	sadd.s32 $0x1400, s6;
	s8 =	sadd.s32 s7, s5  }
0xd: {  	v13 =	vimm.s32 $0x5;
	v14 =	vimm.s32 $0x6;
	v15 =	vimm.s32 $0x7;
	s5 =	sadd.s32 $0xB200, s6;
	s1 =	ssub.s32 s1, s30;
	s10 =	sadd.s32 s31, s2  }
0xe: {  	v16 =	vimm.s32 $0x9;
	v17 =	vimm.s32 $0xA;
	v18 =	vimm.s32 $0xB;
	s8 =	sshrl.u32 s8, $0x3;
	s9 =	sadd.s32 $0x6C00, s10;
	s14 =	smax.u32 s1, $0x1  }
0xf: {  	v19 =	vimm.s32 $0xC;
	v20 =	vimm.s32 $0xD;
	v1 =	vmul.u32 $0x2, v0;
	s12 =	sadd.s32 s11, s6;
	s13 =	sadd.s32 s8, s6;
	s6 =	sadd.s32 s7, s2  }
0x10: {  	v21 =	vimm.s32 $0xE;
	v22 =	vimm.s32 $0xF;
	v3 =	vadd.s32 $0x38, v0;
	s7 =	sadd.s32 $0x2400, s10;
	s8 =	sadd.s32 $0x4800, s10;
	s10 =	sadd.s32 $0x9000, s10  }
0x11: {  	v7 =	vor.u32 $0x1, v1;
	v8 =	vor.u32 $0x20, v1;
	v9 =	vor.u32 $0x21, v1;
	s11 =	sadd.s32 s3, s11;
	s12 =	sadd.s32 $0x10200, s12;
	s13 =	sadd.s32 $0x1A200, s13  }
.LBB2_1:
0x12: {  	s0 =	simm.s32 $0x0  }
0x13: {  	v23 =	vmov s0  }
0x14: {  	v23 =	vmul.u32 $0x48, v23;
	_ =	sdelay $0x1  }
0x15: {  	v23 =	vbroadcast v23, $0x0;
	_ =	sdelay $0x1  }
0x16: {  	s1 =	simm.s32 $0x9220;
	s3 =	simm.s32 $0x1;
	v23 =	vadd.s32 v3, v23  }
.LBB2_2:
0x17: {  	v24 =	vmov s3;
	p0 =	sne.s32 s3, $0x7F;
	s3 =	sadd.s32 $0x1, s3;
	[tilespmem:s1+$0xFFFFFFF0] =	vst v2  }
.Ltmp0:
0x18: {  	v24 =	vmul.u32 $0x48, v24;
	[tilespmem:s1+$0x0] =	vst v2;
	(pc) =	sbr.rel @p0 .LBB2_2-.Ltmp0, $4  }
0x19: {  	[tilespmem:s1+$0x10] =	vst v2  }
0x1a: {  	v24 =	vbroadcast v24, $0x0;
	[tilespmem:s1+$0xFFFFFFE0] =	vst v2  }
0x1b: {  	[tilespmem:v23+s15+$0x0] =	vst.idx.msk $0xffff, v2  }
0x1c: {  	s1 =	sadd.s32 $0x48, s1;
	v23 =	vadd.s32 v3, v24  }
0x1d: {  	[tilespmem:s1+$0xFFFFFFF0] =	vst v2  }
0x1e: {  	[tilespmem:s1+$0x0] =	vst v2  }
0x1f: {  	[tilespmem:s1+$0x10] =	vst v2  }
0x20: {  	[tilespmem:s1+$0xFFFFFFE0] =	vst v2  }
0x21: {  	[tilespmem:v23+s15+$0x0] =	vst.idx.msk $0xffff, v2  }
0x22: {  	[spmem:s6] =	stream.linear.scatter [tilespmem:s15], [sflag:$0x3], $0x2400, $0x38;
	[tilespmem:$0x167C0] =	vst v63  }
0x23: {  	_ =	swait.ge [sflag:s16], $0x2400  }
0x24: {  	[sflag:s16] =	ssyncset.done $0x0  }
0x25: {  	[sflag:s16] =	ssyncadd.s32 $0xFFFFDC00  }
0x26: {  	[spmem:s7] =	stream.linear.scatter [tilespmem:s15], [sflag:$0x3], $0x2400, $0x38;
	[tilespmem:$0x167C0] =	vst v63  }
0x27: {  	_ =	swait.ge [sflag:s16], $0x2400  }
0x28: {  	[sflag:s16] =	ssyncset.done $0x0  }
0x29: {  	[sflag:s16] =	ssyncadd.s32 $0xFFFFDC00  }
0x2a: {  	[spmem:s8] =	stream.linear.scatter [tilespmem:s15], [sflag:$0x3], $0x2400, $0x38;
	[tilespmem:$0x167C0] =	vst v63  }
0x2b: {  	_ =	swait.ge [sflag:s16], $0x2400  }
0x2c: {  	[sflag:s16] =	ssyncset.done $0x0  }
0x2d: {  	[sflag:s16] =	ssyncadd.s32 $0xFFFFDC00  }
0x2e: {  	[spmem:s9] =	stream.linear.scatter [tilespmem:s15], [sflag:$0x3], $0x2400, $0x38;
	[tilespmem:$0x167C0] =	vst v63  }
0x2f: {  	_ =	swait.ge [sflag:s16], $0x2400  }
0x30: {  	[sflag:s16] =	ssyncset.done $0x0  }
0x31: {  	[sflag:s16] =	ssyncadd.s32 $0xFFFFDC00  }
0x32: {  	[spmem:s10] =	stream.linear.scatter [tilespmem:s15], [sflag:$0x3], $0x21C0, $0x38;
	[tilespmem:$0x167C0] =	vst v63  }
0x33: {  	_ =	swait.ge [sflag:s16], $0x21C0  }
0x34: {  	[sflag:s16] =	ssyncset.done $0x0  }
0x35: {  	[sflag:s16] =	ssyncadd.s32 $0xFFFFDE40  }
0x36: {  	[tilespmem:$0x2800] =	vst v4  }
0x37: {  	[tilespmem:$0x5100] =	vst v4  }
0x38: {  	[tilespmem:$0x2810] =	vst v4  }
0x39: {  	[tilespmem:$0x5110] =	vst v4  }
0x3a: {  	[tilespmem:$0x2820] =	vst v4  }
0x3b: {  	[tilespmem:$0x5120] =	vst v4  }
0x3c: {  	[tilespmem:$0x2830] =	vst v4  }
0x3d: {  	[tilespmem:$0x5130] =	vst v4  }
0x3e: {  	[tilespmem:$0x2840] =	vst v4  }
0x3f: {  	[tilespmem:$0x5140] =	vst v4  }
0x40: {  	[tilespmem:$0x2850] =	vst v4  }
0x41: {  	[tilespmem:$0x5150] =	vst v4  }
0x42: {  	[tilespmem:$0x2860] =	vst v4  }
0x43: {  	[tilespmem:$0x5160] =	vst v4  }
0x44: {  	[tilespmem:$0x2870] =	vst v4  }
0x45: {  	[tilespmem:$0x5170] =	vst v4  }
0x46: {  	[tilespmem:$0x2880] =	vst v4  }
0x47: {  	[tilespmem:$0x5180] =	vst v4  }
0x48: {  	[tilespmem:$0x2890] =	vst v4  }
0x49: {  	[tilespmem:$0x5190] =	vst v4  }
0x4a: {  	[tilespmem:$0x28A0] =	vst v4  }
0x4b: {  	[tilespmem:$0x51A0] =	vst v4  }
0x4c: {  	[tilespmem:$0x28B0] =	vst v4  }
0x4d: {  	[tilespmem:$0x51B0] =	vst v4  }
0x4e: {  	[tilespmem:$0x28C0] =	vst v4  }
0x4f: {  	[tilespmem:$0x51C0] =	vst v4  }
0x50: {  	[tilespmem:$0x28D0] =	vst v4  }
0x51: {  	[tilespmem:$0x51D0] =	vst v4  }
0x52: {  	[tilespmem:$0x28E0] =	vst v4  }
0x53: {  	[tilespmem:$0x51E0] =	vst v4  }
0x54: {  	[tilespmem:$0x28F0] =	vst v4  }
0x55: {  	[tilespmem:$0x51F0] =	vst v4  }
0x56: {  	s29 =	simm.s32 $0x0;
	[bflag:$0x0] =	sbarrier.arrive $0xFFFF  }
0x57: {  	[tilespmem:s29], [sflag:$0x3] =	stream.linear.gather [hbm4b:s11+s29], $0x2800, $0x38;
	[tilespmem:$0x167C0] =	vst v63  }
0x58: {  	_ =	swait.ge [sflag:s16], $0x2800  }
0x59: {  	[sflag:s16] =	ssyncset.done $0x0  }
0x5a: {  	[sflag:s16] =	ssyncadd.s32 $0xFFFFD800  }
0x5b: {  	[tilespmem:s17], [sflag:$0x3] =	stream.linear.gather [hbm4b:s12+s29], $0x2800, $0x38;
	[tilespmem:$0x167C0] =	vst v63  }
0x5c: {  	_ =	swait.ge [sflag:s16], $0x2800  }
0x5d: {  	[sflag:s16] =	ssyncset.done $0x0  }
0x5e: {  	[sflag:s16] =	ssyncadd.s32 $0xFFFFD800  }
0x5f: {  	[tilespmem:s19], [sflag:$0x1] =	stream.indirect.gather [hbm4b:s4+s18], $0x20, s29, s18, $0xb8;
	[tilespmem:$0x167C0] =	vst v63  }
0x60: {  	_ = 	snop  }
0x61: {  	[tilespmem:s20], [sflag:$0x1] =	stream.indirect.gather [hbm4b:s5+s18], $0x10, s29, s18, $0xb8;
	[tilespmem:$0x167C0] =	vst v63  }
0x62: {  	_ = 	snop  }
0x63: {  	[tilespmem:s21], [sflag:$0x1] =	stream.indirect.gather [hbm4b:s5+s18], $0x10, s17, s18, $0xb8;
	[tilespmem:$0x167C0] =	vst v63  }
.LBB2_4:
0x64: {  	_ =	swait.ge [sflag:s22], $0x1000  }
0x65: {  	[sflag:s22] =	ssyncset.done $0x0  }
0x66: {  	[sflag:s22] =	ssyncadd.s32 $0xFFFFF000  }
0x67: {  	_ =	swait.ge [sflag:s22], $0x800  }
0x68: {  	[sflag:s22] =	ssyncset.done $0x0  }
0x69: {  	[sflag:s22] =	ssyncadd.s32 $0xFFFFF800  }
0x6a: {  	_ =	swait.ge [sflag:s22], $0x800  }
0x6b: {  	s31 =	sshll.u32 s29, $0x8;
	[sflag:s22] =	ssyncset.done $0x0  }
0x6c: {  	s1 =	sor.u32 $0x80, s31;
	[sflag:s22] =	ssyncadd.s32 $0xFFFFF800  }
0x6d: {  	[tilespmem:s23], [sflag:$0x2] =	stream.indirect.gather [hbm4b:s4+s18], $0x20, s1, s18, $0xb8;
	[tilespmem:$0x167C0] =	vst v63  }
0x6e: {  	_ = 	snop  }
0x6f: {  	[tilespmem:s24], [sflag:$0x2] =	stream.indirect.gather [hbm4b:s5+s18], $0x10, s1, s18, $0xb8;
	[tilespmem:$0x167C0] =	vst v63  }
0x70: {  	s3 =	simm.s32 $0x5300;
	s30 =	sadd.s32 $0x2980, s31;
	s1 =	simm.s32 $0xF  }
0x71: {  	[tilespmem:s25], [sflag:$0x2] =	stream.indirect.gather [hbm4b:s5+s18], $0x10, s30, s18, $0xb8;
	[tilespmem:$0x167C0] =	vst v63  }
.LBB2_5:
0x72: {  	s0 =	sadd.s32 $0xFFFFFFF1, s1  }
0x73: {  	v23 =	vor.u32 s0, v0  }
0x74: {  	v24 =	vshll.u32 v23, $0x4  }
0x75: {  	v25 =	vor.u32 $0x8, v24;
	_ =	sdelay $0x3  }
0x76: {  	v24 =	vld.idx.msk [tilespmem:v24+s20+$0x0], $0xffff  }
0x77: {  	v25 =	vld.idx.msk [tilespmem:v25+s21+$0x0], $0xffff;
	_ =	sdelay $0x4  }
0x78: {  	v24 =	vadd.f32 v25, v24;
	_ =	sdelay $0x1  }
0x79: {  	v25 =	vmul.f32 $2.000000030e-01, v24;
	_ =	sdelay $0x1  }
0x7a: {  	v24 =	vmax.f32 v24, v25  }
0x7b: {  	v24 =	vmul.f32 $1.442695020e+00, v24;
	_ =	sdelay $0x1  }
0x7c: {  	(erf) = vpow2.f32 v24;
	_ =	sdelay $0x2  }
0x7d: {  	v23 =	vmul.u32 $0x48, v23;
	_ =	sdelay $0x1  }
0x7e: {  	v36 =	vadd.s32 $0x40, v23;
	_ =	sdelay $0x3  }
0x7f: {  	v23 =	vpop (erf)  }
0x80: {  	[tilespmem:v36+s15+$0x0] =	vst.idx.msk $0xffff, v23  }
0x81: {  	v37 =	vmov s0;
	v38 =	vld [tilespmem:s3+$0xFFFFFF00]  }
0x82: {  	v24 =	vmul.u32 $0x48, v37;
	_ =	sdelay $0x1  }
0x83: {  	v26 =	vor.u32 v1, v24  }
0x84: {  	v28 =	vor.u32 v7, v24;
	v27 =	vperm.xlane v23, v4  }
0x85: {  	v29 =	vunpack.i.l.bf16.f32 v38  }
0x86: {  	v25 =	vunpack.i.u.bf16.f32 v38;
	v29 =	vmul.f32 v27, v29  }
0x87: {  	v25 =	vmul.f32 v27, v25  }
0x88: {  	[tilespmem:v26+s15+$0x0] =	vst.idx.msk $0xffff, v29  }
0x89: {  	[tilespmem:v28+s15+$0x0] =	vst.idx.msk $0xffff, v25  }
0x8a: {  	v25 =	vld [tilespmem:s3+$0xFFFFFF10];
	_ =	sdelay $0x2  }
0x8b: {  	v39 =	vor.u32 v8, v24  }
0x8c: {  	v24 =	vor.u32 v9, v24  }
0x8d: {  	v40 =	vunpack.i.l.bf16.f32 v25  }
0x8e: {  	v25 =	vunpack.i.u.bf16.f32 v25;
	v28 =	vmul.f32 v40, v27  }
0x8f: {  	s0 =	sadd.s32 $0xFFFFFFF2, s1;
	v25 =	vmul.f32 v25, v27  }
0x90: {  	v41 =	vmov s0;
	[tilespmem:v39+s15+$0x0] =	vst.idx.msk $0xffff, v28  }
0x91: {  	v42 =	vmul.u32 $0x48, v41;
	[tilespmem:v24+s15+$0x0] =	vst.idx.msk $0xffff, v25  }
0x92: {  	v25 =	vld [tilespmem:s3+$0xFFFFFF20]  }
0x93: {  	v24 =	vbroadcast v42, $0x0;
	_ =	sdelay $0x1  }
0x94: {  	v43 =	vadd.s32 v1, v24  }
0x95: {  	v44 =	vperm.xlane v23, v10;
	v45 =	vadd.s32 v7, v24  }
0x96: {  	v46 =	vunpack.i.l.bf16.f32 v25  }
0x97: {  	v25 =	vunpack.i.u.bf16.f32 v25;
	v29 =	vmul.f32 v44, v46  }
0x98: {  	v25 =	vmul.f32 v44, v25  }
0x99: {  	[tilespmem:v43+s15+$0x0] =	vst.idx.msk $0xffff, v29  }
0x9a: {  	[tilespmem:v45+s15+$0x0] =	vst.idx.msk $0xffff, v25  }
0x9b: {  	v25 =	vld [tilespmem:s3+$0xFFFFFF30];
	_ =	sdelay $0x2  }
0x9c: {  	v47 =	vadd.s32 v8, v24  }
0x9d: {  	v24 =	vadd.s32 v9, v24  }
0x9e: {  	v48 =	vunpack.i.l.bf16.f32 v25  }
0x9f: {  	v25 =	vunpack.i.u.bf16.f32 v25;
	v28 =	vmul.f32 v48, v44  }
0xa0: {  	s0 =	sadd.s32 $0xFFFFFFF3, s1;
	v25 =	vmul.f32 v25, v44  }
0xa1: {  	v49 =	vmov s0;
	[tilespmem:v47+s15+$0x0] =	vst.idx.msk $0xffff, v28  }
0xa2: {  	v50 =	vmul.u32 $0x48, v49;
	[tilespmem:v24+s15+$0x0] =	vst.idx.msk $0xffff, v25  }
0xa3: {  	v25 =	vld [tilespmem:s3+$0xFFFFFF40]  }
0xa4: {  	v24 =	vbroadcast v50, $0x0;
	_ =	sdelay $0x1  }
0xa5: {  	v51 =	vadd.s32 v1, v24  }
0xa6: {  	v52 =	vperm.xlane v23, v11;
	v53 =	vadd.s32 v7, v24  }
0xa7: {  	v54 =	vunpack.i.l.bf16.f32 v25  }
0xa8: {  	v25 =	vunpack.i.u.bf16.f32 v25;
	v29 =	vmul.f32 v52, v54  }
0xa9: {  	v25 =	vmul.f32 v52, v25  }
0xaa: {  	[tilespmem:v51+s15+$0x0] =	vst.idx.msk $0xffff, v29  }
0xab: {  	[tilespmem:v53+s15+$0x0] =	vst.idx.msk $0xffff, v25  }
0xac: {  	v25 =	vld [tilespmem:s3+$0xFFFFFF50];
	_ =	sdelay $0x2  }
0xad: {  	v55 =	vadd.s32 v8, v24  }
0xae: {  	v24 =	vadd.s32 v9, v24  }
0xaf: {  	v56 =	vunpack.i.l.bf16.f32 v25  }
0xb0: {  	v25 =	vunpack.i.u.bf16.f32 v25;
	v28 =	vmul.f32 v56, v52  }
0xb1: {  	s0 =	sadd.s32 $0xFFFFFFF4, s1;
	v25 =	vmul.f32 v25, v52  }
0xb2: {  	v57 =	vmov s0;
	[tilespmem:v55+s15+$0x0] =	vst.idx.msk $0xffff, v28  }
0xb3: {  	v58 =	vmul.u32 $0x48, v57;
	[tilespmem:v24+s15+$0x0] =	vst.idx.msk $0xffff, v25  }
0xb4: {  	v25 =	vld [tilespmem:s3+$0xFFFFFF60]  }
0xb5: {  	v24 =	vbroadcast v58, $0x0;
	_ =	sdelay $0x1  }
0xb6: {  	v59 =	vadd.s32 v1, v24  }
0xb7: {  	v60 =	vperm.xlane v23, v12;
	v61 =	vadd.s32 v7, v24  }
0xb8: {  	v62 =	vunpack.i.l.bf16.f32 v25  }
0xb9: {  	v25 =	vunpack.i.u.bf16.f32 v25;
	v29 =	vmul.f32 v60, v62  }
0xba: {  	v25 =	vmul.f32 v60, v25  }
0xbb: {  	[tilespmem:v59+s15+$0x0] =	vst.idx.msk $0xffff, v29  }
0xbc: {  	[tilespmem:v61+s15+$0x0] =	vst.idx.msk $0xffff, v25  }
0xbd: {  	v25 =	vld [tilespmem:s3+$0xFFFFFF70];
	_ =	sdelay $0x2  }
0xbe: {  	v63 =	vadd.s32 v8, v24  }
0xbf: {  	v24 =	vadd.s32 v9, v24  }
0xc0: {  	v32 =	vunpack.i.l.bf16.f32 v25  }
0xc1: {  	v25 =	vunpack.i.u.bf16.f32 v25;
	v28 =	vmul.f32 v32, v60  }
0xc2: {  	s0 =	sadd.s32 $0xFFFFFFF5, s1;
	v25 =	vmul.f32 v25, v60  }
0xc3: {  	v33 =	vmov s0;
	[tilespmem:v63+s15+$0x0] =	vst.idx.msk $0xffff, v28  }
0xc4: {  	v34 =	vmul.u32 $0x48, v33;
	[tilespmem:v24+s15+$0x0] =	vst.idx.msk $0xffff, v25  }
0xc5: {  	v25 =	vld [tilespmem:s3+$0xFFFFFF80]  }
0xc6: {  	v24 =	vbroadcast v34, $0x0;
	_ =	sdelay $0x1  }
0xc7: {  	v35 =	vor.u32 v1, v24  }
0xc8: {  	v36 =	vperm.xlane v23, v5;
	v37 =	vor.u32 v7, v24  }
0xc9: {  	v38 =	vunpack.i.l.bf16.f32 v25  }
0xca: {  	v25 =	vunpack.i.u.bf16.f32 v25;
	v29 =	vmul.f32 v36, v38  }
0xcb: {  	v25 =	vmul.f32 v36, v25  }
0xcc: {  	[tilespmem:v35+s15+$0x0] =	vst.idx.msk $0xffff, v29  }
0xcd: {  	[tilespmem:v37+s15+$0x0] =	vst.idx.msk $0xffff, v25  }
0xce: {  	v25 =	vld [tilespmem:s3+$0xFFFFFF90];
	_ =	sdelay $0x2  }
0xcf: {  	v39 =	vadd.s32 v8, v24  }
0xd0: {  	v24 =	vadd.s32 v9, v24  }
0xd1: {  	v40 =	vunpack.i.l.bf16.f32 v25  }
0xd2: {  	v25 =	vunpack.i.u.bf16.f32 v25;
	v28 =	vmul.f32 v40, v36  }
0xd3: {  	s0 =	sadd.s32 $0xFFFFFFF6, s1;
	v25 =	vmul.f32 v25, v36  }
0xd4: {  	v41 =	vmov s0;
	[tilespmem:v39+s15+$0x0] =	vst.idx.msk $0xffff, v28  }
0xd5: {  	v42 =	vmul.u32 $0x48, v41;
	[tilespmem:v24+s15+$0x0] =	vst.idx.msk $0xffff, v25  }
0xd6: {  	v25 =	vld [tilespmem:s3+$0xFFFFFFA0]  }
0xd7: {  	v24 =	vbroadcast v42, $0x0;
	_ =	sdelay $0x1  }
0xd8: {  	v43 =	vadd.s32 v1, v24  }
0xd9: {  	v44 =	vperm.xlane v23, v13;
	v45 =	vadd.s32 v7, v24  }
0xda: {  	v46 =	vunpack.i.l.bf16.f32 v25  }
0xdb: {  	v25 =	vunpack.i.u.bf16.f32 v25;
	v29 =	vmul.f32 v44, v46  }
0xdc: {  	v25 =	vmul.f32 v44, v25  }
0xdd: {  	[tilespmem:v43+s15+$0x0] =	vst.idx.msk $0xffff, v29  }
0xde: {  	[tilespmem:v45+s15+$0x0] =	vst.idx.msk $0xffff, v25  }
0xdf: {  	v25 =	vld [tilespmem:s3+$0xFFFFFFB0];
	_ =	sdelay $0x2  }
0xe0: {  	v47 =	vadd.s32 v8, v24  }
0xe1: {  	v24 =	vadd.s32 v9, v24  }
0xe2: {  	v48 =	vunpack.i.l.bf16.f32 v25  }
0xe3: {  	v25 =	vunpack.i.u.bf16.f32 v25;
	v28 =	vmul.f32 v48, v44  }
0xe4: {  	s0 =	sadd.s32 $0xFFFFFFF7, s1;
	v25 =	vmul.f32 v25, v44  }
0xe5: {  	v49 =	vmov s0;
	[tilespmem:v47+s15+$0x0] =	vst.idx.msk $0xffff, v28  }
0xe6: {  	v50 =	vmul.u32 $0x48, v49;
	[tilespmem:v24+s15+$0x0] =	vst.idx.msk $0xffff, v25  }
0xe7: {  	v25 =	vld [tilespmem:s3+$0xFFFFFFC0]  }
0xe8: {  	v24 =	vbroadcast v50, $0x0;
	_ =	sdelay $0x1  }
0xe9: {  	v51 =	vadd.s32 v1, v24  }
0xea: {  	v52 =	vperm.xlane v23, v14;
	v53 =	vadd.s32 v7, v24  }
0xeb: {  	v54 =	vunpack.i.l.bf16.f32 v25  }
0xec: {  	v25 =	vunpack.i.u.bf16.f32 v25;
	v29 =	vmul.f32 v52, v54  }
0xed: {  	v25 =	vmul.f32 v52, v25  }
0xee: {  	[tilespmem:v51+s15+$0x0] =	vst.idx.msk $0xffff, v29  }
0xef: {  	[tilespmem:v53+s15+$0x0] =	vst.idx.msk $0xffff, v25  }
0xf0: {  	v25 =	vld [tilespmem:s3+$0xFFFFFFD0];
	_ =	sdelay $0x2  }
0xf1: {  	v55 =	vadd.s32 v8, v24  }
0xf2: {  	v24 =	vadd.s32 v9, v24  }
0xf3: {  	v56 =	vunpack.i.l.bf16.f32 v25  }
0xf4: {  	v25 =	vunpack.i.u.bf16.f32 v25;
	v28 =	vmul.f32 v56, v52  }
0xf5: {  	s0 =	sadd.s32 $0xFFFFFFF8, s1;
	v25 =	vmul.f32 v25, v52  }
0xf6: {  	v57 =	vmov s0;
	[tilespmem:v55+s15+$0x0] =	vst.idx.msk $0xffff, v28  }
0xf7: {  	v58 =	vmul.u32 $0x48, v57;
	[tilespmem:v24+s15+$0x0] =	vst.idx.msk $0xffff, v25  }
0xf8: {  	v25 =	vld [tilespmem:s3+$0xFFFFFFE0]  }
0xf9: {  	v24 =	vbroadcast v58, $0x0;
	_ =	sdelay $0x1  }
0xfa: {  	v59 =	vadd.s32 v1, v24  }
0xfb: {  	v60 =	vperm.xlane v23, v15;
	v61 =	vadd.s32 v7, v24  }
0xfc: {  	v62 =	vunpack.i.l.bf16.f32 v25  }
0xfd: {  	v25 =	vunpack.i.u.bf16.f32 v25;
	v29 =	vmul.f32 v60, v62  }
0xfe: {  	v25 =	vmul.f32 v60, v25  }
0xff: {  	[tilespmem:v59+s15+$0x0] =	vst.idx.msk $0xffff, v29  }
0x100: {  	[tilespmem:v61+s15+$0x0] =	vst.idx.msk $0xffff, v25  }
0x101: {  	v25 =	vld [tilespmem:s3+$0xFFFFFFF0];
	_ =	sdelay $0x2  }
0x102: {  	v63 =	vadd.s32 v8, v24  }
0x103: {  	v24 =	vadd.s32 v9, v24  }
0x104: {  	v32 =	vunpack.i.l.bf16.f32 v25  }
0x105: {  	v25 =	vunpack.i.u.bf16.f32 v25;
	v28 =	vmul.f32 v32, v60  }
0x106: {  	s0 =	sadd.s32 $0xFFFFFFF9, s1;
	v25 =	vmul.f32 v25, v60  }
0x107: {  	v33 =	vmov s0;
	[tilespmem:v63+s15+$0x0] =	vst.idx.msk $0xffff, v28  }
0x108: {  	v34 =	vmul.u32 $0x48, v33;
	[tilespmem:v24+s15+$0x0] =	vst.idx.msk $0xffff, v25  }
0x109: {  	v25 =	vld [tilespmem:s3+$0x0]  }
0x10a: {  	v24 =	vbroadcast v34, $0x0;
	_ =	sdelay $0x1  }
0x10b: {  	v35 =	vor.u32 v1, v24  }
0x10c: {  	v36 =	vperm.xlane v23, v6;
	v37 =	vor.u32 v7, v24  }
0x10d: {  	v38 =	vunpack.i.l.bf16.f32 v25  }
0x10e: {  	v25 =	vunpack.i.u.bf16.f32 v25;
	v29 =	vmul.f32 v36, v38  }
0x10f: {  	v25 =	vmul.f32 v36, v25  }
0x110: {  	[tilespmem:v35+s15+$0x0] =	vst.idx.msk $0xffff, v29  }
0x111: {  	[tilespmem:v37+s15+$0x0] =	vst.idx.msk $0xffff, v25  }
0x112: {  	v25 =	vld [tilespmem:s3+$0x10];
	_ =	sdelay $0x2  }
0x113: {  	v39 =	vor.u32 v8, v24  }
0x114: {  	v24 =	vor.u32 v9, v24  }
0x115: {  	v40 =	vunpack.i.l.bf16.f32 v25  }
0x116: {  	v25 =	vunpack.i.u.bf16.f32 v25;
	v28 =	vmul.f32 v40, v36  }
0x117: {  	s0 =	sadd.s32 $0xFFFFFFFA, s1;
	v25 =	vmul.f32 v25, v36  }
0x118: {  	v41 =	vmov s0;
	[tilespmem:v39+s15+$0x0] =	vst.idx.msk $0xffff, v28  }
0x119: {  	v42 =	vmul.u32 $0x48, v41;
	[tilespmem:v24+s15+$0x0] =	vst.idx.msk $0xffff, v25  }
0x11a: {  	v25 =	vld [tilespmem:s3+$0x20]  }
0x11b: {  	v24 =	vbroadcast v42, $0x0;
	_ =	sdelay $0x1  }
0x11c: {  	v43 =	vadd.s32 v1, v24  }
0x11d: {  	v44 =	vperm.xlane v23, v16;
	v45 =	vadd.s32 v7, v24  }
0x11e: {  	v46 =	vunpack.i.l.bf16.f32 v25  }
0x11f: {  	v25 =	vunpack.i.u.bf16.f32 v25;
	v29 =	vmul.f32 v44, v46  }
0x120: {  	v25 =	vmul.f32 v44, v25  }
0x121: {  	[tilespmem:v43+s15+$0x0] =	vst.idx.msk $0xffff, v29  }
0x122: {  	[tilespmem:v45+s15+$0x0] =	vst.idx.msk $0xffff, v25  }
0x123: {  	v25 =	vld [tilespmem:s3+$0x30];
	_ =	sdelay $0x2  }
0x124: {  	v47 =	vadd.s32 v8, v24  }
0x125: {  	v24 =	vadd.s32 v9, v24  }
0x126: {  	v48 =	vunpack.i.l.bf16.f32 v25  }
0x127: {  	v25 =	vunpack.i.u.bf16.f32 v25;
	v28 =	vmul.f32 v48, v44  }
0x128: {  	s0 =	sadd.s32 $0xFFFFFFFB, s1;
	v25 =	vmul.f32 v25, v44  }
0x129: {  	v49 =	vmov s0;
	[tilespmem:v47+s15+$0x0] =	vst.idx.msk $0xffff, v28  }
0x12a: {  	v50 =	vmul.u32 $0x48, v49;
	[tilespmem:v24+s15+$0x0] =	vst.idx.msk $0xffff, v25  }
0x12b: {  	v25 =	vld [tilespmem:s3+$0x40]  }
0x12c: {  	v24 =	vbroadcast v50, $0x0;
	_ =	sdelay $0x1  }
0x12d: {  	v51 =	vadd.s32 v1, v24  }
0x12e: {  	v52 =	vperm.xlane v23, v17;
	v53 =	vadd.s32 v7, v24  }
0x12f: {  	v54 =	vunpack.i.l.bf16.f32 v25  }
0x130: {  	v25 =	vunpack.i.u.bf16.f32 v25;
	v29 =	vmul.f32 v52, v54  }
0x131: {  	v25 =	vmul.f32 v52, v25  }
0x132: {  	[tilespmem:v51+s15+$0x0] =	vst.idx.msk $0xffff, v29  }
0x133: {  	[tilespmem:v53+s15+$0x0] =	vst.idx.msk $0xffff, v25  }
0x134: {  	v25 =	vld [tilespmem:s3+$0x50];
	_ =	sdelay $0x2  }
0x135: {  	v55 =	vadd.s32 v8, v24  }
0x136: {  	v24 =	vadd.s32 v9, v24  }
0x137: {  	v56 =	vunpack.i.l.bf16.f32 v25  }
0x138: {  	v25 =	vunpack.i.u.bf16.f32 v25;
	v28 =	vmul.f32 v56, v52  }
0x139: {  	s0 =	sadd.s32 $0xFFFFFFFC, s1;
	v25 =	vmul.f32 v25, v52  }
0x13a: {  	v57 =	vmov s0;
	[tilespmem:v55+s15+$0x0] =	vst.idx.msk $0xffff, v28  }
0x13b: {  	v58 =	vmul.u32 $0x48, v57;
	[tilespmem:v24+s15+$0x0] =	vst.idx.msk $0xffff, v25  }
0x13c: {  	v25 =	vld [tilespmem:s3+$0x60]  }
0x13d: {  	v24 =	vbroadcast v58, $0x0;
	_ =	sdelay $0x1  }
0x13e: {  	v59 =	vadd.s32 v1, v24  }
0x13f: {  	v60 =	vperm.xlane v23, v18;
	v61 =	vadd.s32 v7, v24  }
0x140: {  	v62 =	vunpack.i.l.bf16.f32 v25  }
0x141: {  	v25 =	vunpack.i.u.bf16.f32 v25;
	v29 =	vmul.f32 v60, v62  }
0x142: {  	v25 =	vmul.f32 v60, v25  }
0x143: {  	[tilespmem:v59+s15+$0x0] =	vst.idx.msk $0xffff, v29  }
0x144: {  	[tilespmem:v61+s15+$0x0] =	vst.idx.msk $0xffff, v25  }
0x145: {  	v25 =	vld [tilespmem:s3+$0x70];
	_ =	sdelay $0x2  }
0x146: {  	v63 =	vadd.s32 v8, v24  }
0x147: {  	v24 =	vadd.s32 v9, v24  }
0x148: {  	v32 =	vunpack.i.l.bf16.f32 v25  }
0x149: {  	v25 =	vunpack.i.u.bf16.f32 v25;
	v28 =	vmul.f32 v32, v60  }
0x14a: {  	s0 =	sadd.s32 $0xFFFFFFFD, s1;
	v25 =	vmul.f32 v25, v60  }
0x14b: {  	v33 =	vmov s0;
	[tilespmem:v63+s15+$0x0] =	vst.idx.msk $0xffff, v28  }
0x14c: {  	v34 =	vmul.u32 $0x48, v33;
	[tilespmem:v24+s15+$0x0] =	vst.idx.msk $0xffff, v25  }
0x14d: {  	v25 =	vld [tilespmem:s3+$0x80]  }
0x14e: {  	v24 =	vbroadcast v34, $0x0;
	_ =	sdelay $0x1  }
0x14f: {  	v35 =	vor.u32 v1, v24  }
0x150: {  	v36 =	vperm.xlane v23, v19;
	v37 =	vor.u32 v7, v24  }
0x151: {  	v38 =	vunpack.i.l.bf16.f32 v25  }
0x152: {  	v25 =	vunpack.i.u.bf16.f32 v25;
	v29 =	vmul.f32 v36, v38  }
0x153: {  	v25 =	vmul.f32 v36, v25  }
0x154: {  	[tilespmem:v35+s15+$0x0] =	vst.idx.msk $0xffff, v29  }
0x155: {  	[tilespmem:v37+s15+$0x0] =	vst.idx.msk $0xffff, v25  }
0x156: {  	v25 =	vld [tilespmem:s3+$0x90];
	_ =	sdelay $0x2  }
0x157: {  	v39 =	vadd.s32 v8, v24  }
0x158: {  	v24 =	vadd.s32 v9, v24  }
0x159: {  	v40 =	vunpack.i.l.bf16.f32 v25  }
0x15a: {  	v25 =	vunpack.i.u.bf16.f32 v25;
	v28 =	vmul.f32 v40, v36  }
0x15b: {  	s0 =	sadd.s32 $0xFFFFFFFE, s1;
	v25 =	vmul.f32 v25, v36  }
0x15c: {  	v41 =	vmov s0;
	[tilespmem:v39+s15+$0x0] =	vst.idx.msk $0xffff, v28  }
0x15d: {  	v42 =	vmul.u32 $0x48, v41;
	[tilespmem:v24+s15+$0x0] =	vst.idx.msk $0xffff, v25  }
0x15e: {  	v25 =	vld [tilespmem:s3+$0xA0]  }
0x15f: {  	v24 =	vbroadcast v42, $0x0;
	_ =	sdelay $0x1  }
0x160: {  	v43 =	vadd.s32 v1, v24  }
0x161: {  	v44 =	vperm.xlane v23, v20;
	v45 =	vadd.s32 v7, v24  }
0x162: {  	v46 =	vunpack.i.l.bf16.f32 v25  }
0x163: {  	v25 =	vunpack.i.u.bf16.f32 v25;
	v29 =	vmul.f32 v44, v46  }
0x164: {  	v25 =	vmul.f32 v44, v25  }
0x165: {  	[tilespmem:v43+s15+$0x0] =	vst.idx.msk $0xffff, v29  }
0x166: {  	[tilespmem:v45+s15+$0x0] =	vst.idx.msk $0xffff, v25  }
0x167: {  	v25 =	vld [tilespmem:s3+$0xB0];
	_ =	sdelay $0x2  }
0x168: {  	v47 =	vadd.s32 v8, v24  }
0x169: {  	v24 =	vadd.s32 v9, v24  }
0x16a: {  	v48 =	vunpack.i.l.bf16.f32 v25  }
0x16b: {  	v25 =	vunpack.i.u.bf16.f32 v25;
	v28 =	vmul.f32 v48, v44  }
0x16c: {  	s0 =	sadd.s32 $0xFFFFFFFF, s1;
	v25 =	vmul.f32 v25, v44  }
0x16d: {  	v49 =	vmov s0;
	[tilespmem:v47+s15+$0x0] =	vst.idx.msk $0xffff, v28  }
0x16e: {  	v50 =	vmul.u32 $0x48, v49;
	[tilespmem:v24+s15+$0x0] =	vst.idx.msk $0xffff, v25  }
0x16f: {  	v25 =	vld [tilespmem:s3+$0xC0]  }
0x170: {  	v24 =	vbroadcast v50, $0x0;
	_ =	sdelay $0x1  }
0x171: {  	v51 =	vadd.s32 v1, v24  }
0x172: {  	v52 =	vperm.xlane v23, v21;
	v53 =	vadd.s32 v7, v24  }
0x173: {  	v54 =	vunpack.i.l.bf16.f32 v25  }
0x174: {  	v25 =	vunpack.i.u.bf16.f32 v25;
	v29 =	vmul.f32 v52, v54  }
0x175: {  	v25 =	vmul.f32 v52, v25  }
0x176: {  	[tilespmem:v51+s15+$0x0] =	vst.idx.msk $0xffff, v29  }
0x177: {  	[tilespmem:v53+s15+$0x0] =	vst.idx.msk $0xffff, v25  }
0x178: {  	v25 =	vld [tilespmem:s3+$0xD0];
	_ =	sdelay $0x2  }
0x179: {  	v55 =	vadd.s32 v8, v24  }
0x17a: {  	v24 =	vadd.s32 v9, v24  }
0x17b: {  	v56 =	vunpack.i.l.bf16.f32 v25  }
0x17c: {  	v25 =	vunpack.i.u.bf16.f32 v25;
	v28 =	vmul.f32 v56, v52  }
0x17d: {  	v25 =	vmul.f32 v25, v52  }
0x17e: {  	v57 =	vmov s1;
	[tilespmem:v55+s15+$0x0] =	vst.idx.msk $0xffff, v28  }
0x17f: {  	v58 =	vmul.u32 $0x48, v57;
	[tilespmem:v24+s15+$0x0] =	vst.idx.msk $0xffff, v25  }
0x180: {  	v25 =	vld [tilespmem:s3+$0xE0]  }
0x181: {  	v24 =	vbroadcast v58, $0x0;
	_ =	sdelay $0x1  }
0x182: {  	v59 =	vadd.s32 v1, v24  }
0x183: {  	v23 =	vperm.xlane v23, v22;
	v60 =	vadd.s32 v7, v24  }
0x184: {  	v61 =	vunpack.i.l.bf16.f32 v25  }
0x185: {  	v25 =	vunpack.i.u.bf16.f32 v25;
	v28 =	vmul.f32 v23, v61  }
0x186: {  	v25 =	vmul.f32 v23, v25  }
0x187: {  	[tilespmem:v59+s15+$0x0] =	vst.idx.msk $0xffff, v28  }
0x188: {  	[tilespmem:v60+s15+$0x0] =	vst.idx.msk $0xffff, v25  }
0x189: {  	v25 =	vld [tilespmem:s3+$0xF0];
	_ =	sdelay $0x2  }
0x18a: {  	v62 =	vadd.s32 v8, v24  }
0x18b: {  	p0 =	sne.s32 s1, $0x7F;
	v24 =	vadd.s32 v9, v24  }
.Ltmp1:
0x18c: {  	v63 =	vunpack.i.l.bf16.f32 v25;
	(pc) =	sbr.rel @p0 .LBB2_5-.Ltmp1, $4  }
0x18d: {  	v25 =	vunpack.i.u.bf16.f32 v25;
	v27 =	vmul.f32 v63, v23  }
0x18e: {  	v23 =	vmul.f32 v25, v23  }
0x18f: {  	[tilespmem:v62+s15+$0x0] =	vst.idx.msk $0xffff, v27  }
0x190: {  	s1 =	sadd.s32 $0x10, s1;
	s3 =	sadd.s32 $0x200, s3;
	[tilespmem:v24+s15+$0x0] =	vst.idx.msk $0xffff, v23  }
0x191: {  	s0 =	sand.u32 $0x3FFFFF00, s31  }
0x192: {  	s0 =	sadd.s32 $0x2900, s0  }
0x193: {  	[spmem:s2] =	stream.indirect.scatter.add.f32 [tilespmem:s15], [sflag:$0x3], $0x48, s0, s18, $0xb8;
	[tilespmem:$0x167C0] =	vst v63  }
0x194: {  	_ =	swait.ge [sflag:s16], $0x2400  }
0x195: {  	[sflag:s16] =	ssyncset.done $0x0  }
0x196: {  	[sflag:s16] =	ssyncadd.s32 $0xFFFFDC00  }
0x197: {  	_ =	swait.ge [sflag:s26], $0x1000  }
0x198: {  	[sflag:s26] =	ssyncset.done $0x0  }
0x199: {  	[sflag:s26] =	ssyncadd.s32 $0xFFFFF000  }
0x19a: {  	_ =	swait.ge [sflag:s26], $0x800  }
0x19b: {  	[sflag:s26] =	ssyncset.done $0x0  }
0x19c: {  	[sflag:s26] =	ssyncadd.s32 $0xFFFFF800  }
0x19d: {  	_ =	swait.ge [sflag:s26], $0x800  }
0x19e: {  	[sflag:s26] =	ssyncset.done $0x0  }
0x19f: {  	s3 =	sadd.s32 $0x100, s31;
	[sflag:s26] =	ssyncadd.s32 $0xFFFFF800  }
0x1a0: {  	[tilespmem:s19], [sflag:$0x1] =	stream.indirect.gather [hbm4b:s4+s18], $0x20, s3, s18, $0xb8;
	[tilespmem:$0x167C0] =	vst v63  }
0x1a1: {  	_ = 	snop  }
0x1a2: {  	[tilespmem:s20], [sflag:$0x1] =	stream.indirect.gather [hbm4b:s5+s18], $0x10, s3, s18, $0xb8;
	[tilespmem:$0x167C0] =	vst v63  }
0x1a3: {  	s31 =	sadd.s32 $0x2A00, s31;
	s1 =	simm.s32 $0xF;
	s3 =	simm.s32 $0x6300  }
0x1a4: {  	[tilespmem:s21], [sflag:$0x1] =	stream.indirect.gather [hbm4b:s5+s18], $0x10, s31, s18, $0xb8;
	[tilespmem:$0x167C0] =	vst v63  }
.LBB2_7:
0x1a5: {  	s0 =	sadd.s32 $0xFFFFFFF1, s1  }
0x1a6: {  	v23 =	vor.u32 s0, v0  }
0x1a7: {  	v24 =	vshll.u32 v23, $0x4  }
0x1a8: {  	v25 =	vor.u32 $0x8, v24;
	_ =	sdelay $0x3  }
0x1a9: {  	v24 =	vld.idx.msk [tilespmem:v24+s24+$0x0], $0xffff  }
0x1aa: {  	v25 =	vld.idx.msk [tilespmem:v25+s25+$0x0], $0xffff;
	_ =	sdelay $0x4  }
0x1ab: {  	v24 =	vadd.f32 v25, v24;
	_ =	sdelay $0x1  }
0x1ac: {  	v25 =	vmul.f32 $2.000000030e-01, v24;
	_ =	sdelay $0x1  }
0x1ad: {  	v24 =	vmax.f32 v24, v25  }
0x1ae: {  	v24 =	vmul.f32 $1.442695020e+00, v24;
	_ =	sdelay $0x1  }
0x1af: {  	(erf) = vpow2.f32 v24;
	_ =	sdelay $0x2  }
0x1b0: {  	v23 =	vmul.u32 $0x48, v23;
	_ =	sdelay $0x1  }
0x1b1: {  	v36 =	vadd.s32 $0x40, v23;
	_ =	sdelay $0x3  }
0x1b2: {  	v23 =	vpop (erf)  }
0x1b3: {  	[tilespmem:v36+s15+$0x0] =	vst.idx.msk $0xffff, v23  }
0x1b4: {  	v37 =	vmov s0;
	v38 =	vld [tilespmem:s3+$0xFFFFFF00]  }
0x1b5: {  	v24 =	vmul.u32 $0x48, v37;
	_ =	sdelay $0x1  }
0x1b6: {  	v26 =	vor.u32 v1, v24  }
0x1b7: {  	v28 =	vor.u32 v7, v24;
	v27 =	vperm.xlane v23, v4  }
0x1b8: {  	v29 =	vunpack.i.l.bf16.f32 v38  }
0x1b9: {  	v25 =	vunpack.i.u.bf16.f32 v38;
	v29 =	vmul.f32 v27, v29  }
0x1ba: {  	v25 =	vmul.f32 v27, v25  }
0x1bb: {  	[tilespmem:v26+s15+$0x0] =	vst.idx.msk $0xffff, v29  }
0x1bc: {  	[tilespmem:v28+s15+$0x0] =	vst.idx.msk $0xffff, v25  }
0x1bd: {  	v25 =	vld [tilespmem:s3+$0xFFFFFF10];
	_ =	sdelay $0x2  }
0x1be: {  	v39 =	vor.u32 v8, v24  }
0x1bf: {  	v24 =	vor.u32 v9, v24  }
0x1c0: {  	v40 =	vunpack.i.l.bf16.f32 v25  }
0x1c1: {  	v25 =	vunpack.i.u.bf16.f32 v25;
	v28 =	vmul.f32 v40, v27  }
0x1c2: {  	s31 =	sadd.s32 $0xFFFFFFF2, s1;
	v25 =	vmul.f32 v25, v27  }
0x1c3: {  	v41 =	vmov s31;
	[tilespmem:v39+s15+$0x0] =	vst.idx.msk $0xffff, v28  }
0x1c4: {  	v42 =	vmul.u32 $0x48, v41;
	[tilespmem:v24+s15+$0x0] =	vst.idx.msk $0xffff, v25  }
0x1c5: {  	v25 =	vld [tilespmem:s3+$0xFFFFFF20]  }
0x1c6: {  	v24 =	vbroadcast v42, $0x0;
	_ =	sdelay $0x1  }
0x1c7: {  	v43 =	vadd.s32 v1, v24  }
0x1c8: {  	v44 =	vperm.xlane v23, v10;
	v45 =	vadd.s32 v7, v24  }
0x1c9: {  	v46 =	vunpack.i.l.bf16.f32 v25  }
0x1ca: {  	v25 =	vunpack.i.u.bf16.f32 v25;
	v29 =	vmul.f32 v44, v46  }
0x1cb: {  	v25 =	vmul.f32 v44, v25  }
0x1cc: {  	[tilespmem:v43+s15+$0x0] =	vst.idx.msk $0xffff, v29  }
0x1cd: {  	[tilespmem:v45+s15+$0x0] =	vst.idx.msk $0xffff, v25  }
0x1ce: {  	v25 =	vld [tilespmem:s3+$0xFFFFFF30];
	_ =	sdelay $0x2  }
0x1cf: {  	v47 =	vadd.s32 v8, v24  }
0x1d0: {  	v24 =	vadd.s32 v9, v24  }
0x1d1: {  	v48 =	vunpack.i.l.bf16.f32 v25  }
0x1d2: {  	v25 =	vunpack.i.u.bf16.f32 v25;
	v28 =	vmul.f32 v48, v44  }
0x1d3: {  	s31 =	sadd.s32 $0xFFFFFFF3, s1;
	v25 =	vmul.f32 v25, v44  }
0x1d4: {  	v49 =	vmov s31;
	[tilespmem:v47+s15+$0x0] =	vst.idx.msk $0xffff, v28  }
0x1d5: {  	v50 =	vmul.u32 $0x48, v49;
	[tilespmem:v24+s15+$0x0] =	vst.idx.msk $0xffff, v25  }
0x1d6: {  	v25 =	vld [tilespmem:s3+$0xFFFFFF40]  }
0x1d7: {  	v24 =	vbroadcast v50, $0x0;
	_ =	sdelay $0x1  }
0x1d8: {  	v51 =	vadd.s32 v1, v24  }
0x1d9: {  	v52 =	vperm.xlane v23, v11;
	v53 =	vadd.s32 v7, v24  }
0x1da: {  	v54 =	vunpack.i.l.bf16.f32 v25  }
0x1db: {  	v25 =	vunpack.i.u.bf16.f32 v25;
	v29 =	vmul.f32 v52, v54  }
0x1dc: {  	v25 =	vmul.f32 v52, v25  }
0x1dd: {  	[tilespmem:v51+s15+$0x0] =	vst.idx.msk $0xffff, v29  }
0x1de: {  	[tilespmem:v53+s15+$0x0] =	vst.idx.msk $0xffff, v25  }
0x1df: {  	v25 =	vld [tilespmem:s3+$0xFFFFFF50];
	_ =	sdelay $0x2  }
0x1e0: {  	v55 =	vadd.s32 v8, v24  }
0x1e1: {  	v24 =	vadd.s32 v9, v24  }
0x1e2: {  	v56 =	vunpack.i.l.bf16.f32 v25  }
0x1e3: {  	v25 =	vunpack.i.u.bf16.f32 v25;
	v28 =	vmul.f32 v56, v52  }
0x1e4: {  	s31 =	sadd.s32 $0xFFFFFFF4, s1;
	v25 =	vmul.f32 v25, v52  }
0x1e5: {  	v57 =	vmov s31;
	[tilespmem:v55+s15+$0x0] =	vst.idx.msk $0xffff, v28  }
0x1e6: {  	v58 =	vmul.u32 $0x48, v57;
	[tilespmem:v24+s15+$0x0] =	vst.idx.msk $0xffff, v25  }
0x1e7: {  	v25 =	vld [tilespmem:s3+$0xFFFFFF60]  }
0x1e8: {  	v24 =	vbroadcast v58, $0x0;
	_ =	sdelay $0x1  }
0x1e9: {  	v59 =	vadd.s32 v1, v24  }
0x1ea: {  	v60 =	vperm.xlane v23, v12;
	v61 =	vadd.s32 v7, v24  }
0x1eb: {  	v62 =	vunpack.i.l.bf16.f32 v25  }
0x1ec: {  	v25 =	vunpack.i.u.bf16.f32 v25;
	v29 =	vmul.f32 v60, v62  }
0x1ed: {  	v25 =	vmul.f32 v60, v25  }
0x1ee: {  	[tilespmem:v59+s15+$0x0] =	vst.idx.msk $0xffff, v29  }
0x1ef: {  	[tilespmem:v61+s15+$0x0] =	vst.idx.msk $0xffff, v25  }
0x1f0: {  	v25 =	vld [tilespmem:s3+$0xFFFFFF70];
	_ =	sdelay $0x2  }
0x1f1: {  	v63 =	vadd.s32 v8, v24  }
0x1f2: {  	v24 =	vadd.s32 v9, v24  }
0x1f3: {  	v32 =	vunpack.i.l.bf16.f32 v25  }
0x1f4: {  	v25 =	vunpack.i.u.bf16.f32 v25;
	v28 =	vmul.f32 v32, v60  }
0x1f5: {  	s31 =	sadd.s32 $0xFFFFFFF5, s1;
	v25 =	vmul.f32 v25, v60  }
0x1f6: {  	v33 =	vmov s31;
	[tilespmem:v63+s15+$0x0] =	vst.idx.msk $0xffff, v28  }
0x1f7: {  	v34 =	vmul.u32 $0x48, v33;
	[tilespmem:v24+s15+$0x0] =	vst.idx.msk $0xffff, v25  }
0x1f8: {  	v25 =	vld [tilespmem:s3+$0xFFFFFF80]  }
0x1f9: {  	v24 =	vbroadcast v34, $0x0;
	_ =	sdelay $0x1  }
0x1fa: {  	v35 =	vor.u32 v1, v24  }
0x1fb: {  	v36 =	vperm.xlane v23, v5;
	v37 =	vor.u32 v7, v24  }
0x1fc: {  	v38 =	vunpack.i.l.bf16.f32 v25  }
0x1fd: {  	v25 =	vunpack.i.u.bf16.f32 v25;
	v29 =	vmul.f32 v36, v38  }
0x1fe: {  	v25 =	vmul.f32 v36, v25  }
0x1ff: {  	[tilespmem:v35+s15+$0x0] =	vst.idx.msk $0xffff, v29  }
0x200: {  	[tilespmem:v37+s15+$0x0] =	vst.idx.msk $0xffff, v25  }
0x201: {  	v25 =	vld [tilespmem:s3+$0xFFFFFF90];
	_ =	sdelay $0x2  }
0x202: {  	v39 =	vadd.s32 v8, v24  }
0x203: {  	v24 =	vadd.s32 v9, v24  }
0x204: {  	v40 =	vunpack.i.l.bf16.f32 v25  }
0x205: {  	v25 =	vunpack.i.u.bf16.f32 v25;
	v28 =	vmul.f32 v40, v36  }
0x206: {  	s31 =	sadd.s32 $0xFFFFFFF6, s1;
	v25 =	vmul.f32 v25, v36  }
0x207: {  	v41 =	vmov s31;
	[tilespmem:v39+s15+$0x0] =	vst.idx.msk $0xffff, v28  }
0x208: {  	v42 =	vmul.u32 $0x48, v41;
	[tilespmem:v24+s15+$0x0] =	vst.idx.msk $0xffff, v25  }
0x209: {  	v25 =	vld [tilespmem:s3+$0xFFFFFFA0]  }
0x20a: {  	v24 =	vbroadcast v42, $0x0;
	_ =	sdelay $0x1  }
0x20b: {  	v43 =	vadd.s32 v1, v24  }
0x20c: {  	v44 =	vperm.xlane v23, v13;
	v45 =	vadd.s32 v7, v24  }
0x20d: {  	v46 =	vunpack.i.l.bf16.f32 v25  }
0x20e: {  	v25 =	vunpack.i.u.bf16.f32 v25;
	v29 =	vmul.f32 v44, v46  }
0x20f: {  	v25 =	vmul.f32 v44, v25  }
0x210: {  	[tilespmem:v43+s15+$0x0] =	vst.idx.msk $0xffff, v29  }
0x211: {  	[tilespmem:v45+s15+$0x0] =	vst.idx.msk $0xffff, v25  }
0x212: {  	v25 =	vld [tilespmem:s3+$0xFFFFFFB0];
	_ =	sdelay $0x2  }
0x213: {  	v47 =	vadd.s32 v8, v24  }
0x214: {  	v24 =	vadd.s32 v9, v24  }
0x215: {  	v48 =	vunpack.i.l.bf16.f32 v25  }
0x216: {  	v25 =	vunpack.i.u.bf16.f32 v25;
	v28 =	vmul.f32 v48, v44  }
0x217: {  	s31 =	sadd.s32 $0xFFFFFFF7, s1;
	v25 =	vmul.f32 v25, v44  }
0x218: {  	v49 =	vmov s31;
	[tilespmem:v47+s15+$0x0] =	vst.idx.msk $0xffff, v28  }
0x219: {  	v50 =	vmul.u32 $0x48, v49;
	[tilespmem:v24+s15+$0x0] =	vst.idx.msk $0xffff, v25  }
0x21a: {  	v25 =	vld [tilespmem:s3+$0xFFFFFFC0]  }
0x21b: {  	v24 =	vbroadcast v50, $0x0;
	_ =	sdelay $0x1  }
0x21c: {  	v51 =	vadd.s32 v1, v24  }
0x21d: {  	v52 =	vperm.xlane v23, v14;
	v53 =	vadd.s32 v7, v24  }
0x21e: {  	v54 =	vunpack.i.l.bf16.f32 v25  }
0x21f: {  	v25 =	vunpack.i.u.bf16.f32 v25;
	v29 =	vmul.f32 v52, v54  }
0x220: {  	v25 =	vmul.f32 v52, v25  }
0x221: {  	[tilespmem:v51+s15+$0x0] =	vst.idx.msk $0xffff, v29  }
0x222: {  	[tilespmem:v53+s15+$0x0] =	vst.idx.msk $0xffff, v25  }
0x223: {  	v25 =	vld [tilespmem:s3+$0xFFFFFFD0];
	_ =	sdelay $0x2  }
0x224: {  	v55 =	vadd.s32 v8, v24  }
0x225: {  	v24 =	vadd.s32 v9, v24  }
0x226: {  	v56 =	vunpack.i.l.bf16.f32 v25  }
0x227: {  	v25 =	vunpack.i.u.bf16.f32 v25;
	v28 =	vmul.f32 v56, v52  }
0x228: {  	s31 =	sadd.s32 $0xFFFFFFF8, s1;
	v25 =	vmul.f32 v25, v52  }
0x229: {  	v57 =	vmov s31;
	[tilespmem:v55+s15+$0x0] =	vst.idx.msk $0xffff, v28  }
0x22a: {  	v58 =	vmul.u32 $0x48, v57;
	[tilespmem:v24+s15+$0x0] =	vst.idx.msk $0xffff, v25  }
0x22b: {  	v25 =	vld [tilespmem:s3+$0xFFFFFFE0]  }
0x22c: {  	v24 =	vbroadcast v58, $0x0;
	_ =	sdelay $0x1  }
0x22d: {  	v59 =	vadd.s32 v1, v24  }
0x22e: {  	v60 =	vperm.xlane v23, v15;
	v61 =	vadd.s32 v7, v24  }
0x22f: {  	v62 =	vunpack.i.l.bf16.f32 v25  }
0x230: {  	v25 =	vunpack.i.u.bf16.f32 v25;
	v29 =	vmul.f32 v60, v62  }
0x231: {  	v25 =	vmul.f32 v60, v25  }
0x232: {  	[tilespmem:v59+s15+$0x0] =	vst.idx.msk $0xffff, v29  }
0x233: {  	[tilespmem:v61+s15+$0x0] =	vst.idx.msk $0xffff, v25  }
0x234: {  	v25 =	vld [tilespmem:s3+$0xFFFFFFF0];
	_ =	sdelay $0x2  }
0x235: {  	v63 =	vadd.s32 v8, v24  }
0x236: {  	v24 =	vadd.s32 v9, v24  }
0x237: {  	v32 =	vunpack.i.l.bf16.f32 v25  }
0x238: {  	v25 =	vunpack.i.u.bf16.f32 v25;
	v28 =	vmul.f32 v32, v60  }
0x239: {  	s31 =	sadd.s32 $0xFFFFFFF9, s1;
	v25 =	vmul.f32 v25, v60  }
0x23a: {  	v33 =	vmov s31;
	[tilespmem:v63+s15+$0x0] =	vst.idx.msk $0xffff, v28  }
0x23b: {  	v34 =	vmul.u32 $0x48, v33;
	[tilespmem:v24+s15+$0x0] =	vst.idx.msk $0xffff, v25  }
0x23c: {  	v25 =	vld [tilespmem:s3+$0x0]  }
0x23d: {  	v24 =	vbroadcast v34, $0x0;
	_ =	sdelay $0x1  }
0x23e: {  	v35 =	vor.u32 v1, v24  }
0x23f: {  	v36 =	vperm.xlane v23, v6;
	v37 =	vor.u32 v7, v24  }
0x240: {  	v38 =	vunpack.i.l.bf16.f32 v25  }
0x241: {  	v25 =	vunpack.i.u.bf16.f32 v25;
	v29 =	vmul.f32 v36, v38  }
0x242: {  	v25 =	vmul.f32 v36, v25  }
0x243: {  	[tilespmem:v35+s15+$0x0] =	vst.idx.msk $0xffff, v29  }
0x244: {  	[tilespmem:v37+s15+$0x0] =	vst.idx.msk $0xffff, v25  }
0x245: {  	v25 =	vld [tilespmem:s3+$0x10];
	_ =	sdelay $0x2  }
0x246: {  	v39 =	vor.u32 v8, v24  }
0x247: {  	v24 =	vor.u32 v9, v24  }
0x248: {  	v40 =	vunpack.i.l.bf16.f32 v25  }
0x249: {  	v25 =	vunpack.i.u.bf16.f32 v25;
	v28 =	vmul.f32 v40, v36  }
0x24a: {  	s31 =	sadd.s32 $0xFFFFFFFA, s1;
	v25 =	vmul.f32 v25, v36  }
0x24b: {  	v41 =	vmov s31;
	[tilespmem:v39+s15+$0x0] =	vst.idx.msk $0xffff, v28  }
0x24c: {  	v42 =	vmul.u32 $0x48, v41;
	[tilespmem:v24+s15+$0x0] =	vst.idx.msk $0xffff, v25  }
0x24d: {  	v25 =	vld [tilespmem:s3+$0x20]  }
0x24e: {  	v24 =	vbroadcast v42, $0x0;
	_ =	sdelay $0x1  }
0x24f: {  	v43 =	vadd.s32 v1, v24  }
0x250: {  	v44 =	vperm.xlane v23, v16;
	v45 =	vadd.s32 v7, v24  }
0x251: {  	v46 =	vunpack.i.l.bf16.f32 v25  }
0x252: {  	v25 =	vunpack.i.u.bf16.f32 v25;
	v29 =	vmul.f32 v44, v46  }
0x253: {  	v25 =	vmul.f32 v44, v25  }
0x254: {  	[tilespmem:v43+s15+$0x0] =	vst.idx.msk $0xffff, v29  }
0x255: {  	[tilespmem:v45+s15+$0x0] =	vst.idx.msk $0xffff, v25  }
0x256: {  	v25 =	vld [tilespmem:s3+$0x30];
	_ =	sdelay $0x2  }
0x257: {  	v47 =	vadd.s32 v8, v24  }
0x258: {  	v24 =	vadd.s32 v9, v24  }
0x259: {  	v48 =	vunpack.i.l.bf16.f32 v25  }
0x25a: {  	v25 =	vunpack.i.u.bf16.f32 v25;
	v28 =	vmul.f32 v48, v44  }
0x25b: {  	s31 =	sadd.s32 $0xFFFFFFFB, s1;
	v25 =	vmul.f32 v25, v44  }
0x25c: {  	v49 =	vmov s31;
	[tilespmem:v47+s15+$0x0] =	vst.idx.msk $0xffff, v28  }
0x25d: {  	v50 =	vmul.u32 $0x48, v49;
	[tilespmem:v24+s15+$0x0] =	vst.idx.msk $0xffff, v25  }
0x25e: {  	v25 =	vld [tilespmem:s3+$0x40]  }
0x25f: {  	v24 =	vbroadcast v50, $0x0;
	_ =	sdelay $0x1  }
0x260: {  	v51 =	vadd.s32 v1, v24  }
0x261: {  	v52 =	vperm.xlane v23, v17;
	v53 =	vadd.s32 v7, v24  }
0x262: {  	v54 =	vunpack.i.l.bf16.f32 v25  }
0x263: {  	v25 =	vunpack.i.u.bf16.f32 v25;
	v29 =	vmul.f32 v52, v54  }
0x264: {  	v25 =	vmul.f32 v52, v25  }
0x265: {  	[tilespmem:v51+s15+$0x0] =	vst.idx.msk $0xffff, v29  }
0x266: {  	[tilespmem:v53+s15+$0x0] =	vst.idx.msk $0xffff, v25  }
0x267: {  	v25 =	vld [tilespmem:s3+$0x50];
	_ =	sdelay $0x2  }
0x268: {  	v55 =	vadd.s32 v8, v24  }
0x269: {  	v24 =	vadd.s32 v9, v24  }
0x26a: {  	v56 =	vunpack.i.l.bf16.f32 v25  }
0x26b: {  	v25 =	vunpack.i.u.bf16.f32 v25;
	v28 =	vmul.f32 v56, v52  }
0x26c: {  	s31 =	sadd.s32 $0xFFFFFFFC, s1;
	v25 =	vmul.f32 v25, v52  }
0x26d: {  	v57 =	vmov s31;
	[tilespmem:v55+s15+$0x0] =	vst.idx.msk $0xffff, v28  }
0x26e: {  	v58 =	vmul.u32 $0x48, v57;
	[tilespmem:v24+s15+$0x0] =	vst.idx.msk $0xffff, v25  }
0x26f: {  	v25 =	vld [tilespmem:s3+$0x60]  }
0x270: {  	v24 =	vbroadcast v58, $0x0;
	_ =	sdelay $0x1  }
0x271: {  	v59 =	vadd.s32 v1, v24  }
0x272: {  	v60 =	vperm.xlane v23, v18;
	v61 =	vadd.s32 v7, v24  }
0x273: {  	v62 =	vunpack.i.l.bf16.f32 v25  }
0x274: {  	v25 =	vunpack.i.u.bf16.f32 v25;
	v29 =	vmul.f32 v60, v62  }
0x275: {  	v25 =	vmul.f32 v60, v25  }
0x276: {  	[tilespmem:v59+s15+$0x0] =	vst.idx.msk $0xffff, v29  }
0x277: {  	[tilespmem:v61+s15+$0x0] =	vst.idx.msk $0xffff, v25  }
0x278: {  	v25 =	vld [tilespmem:s3+$0x70];
	_ =	sdelay $0x2  }
0x279: {  	v63 =	vadd.s32 v8, v24  }
0x27a: {  	v24 =	vadd.s32 v9, v24  }
0x27b: {  	v32 =	vunpack.i.l.bf16.f32 v25  }
0x27c: {  	v25 =	vunpack.i.u.bf16.f32 v25;
	v28 =	vmul.f32 v32, v60  }
0x27d: {  	s31 =	sadd.s32 $0xFFFFFFFD, s1;
	v25 =	vmul.f32 v25, v60  }
0x27e: {  	v33 =	vmov s31;
	[tilespmem:v63+s15+$0x0] =	vst.idx.msk $0xffff, v28  }
0x27f: {  	v34 =	vmul.u32 $0x48, v33;
	[tilespmem:v24+s15+$0x0] =	vst.idx.msk $0xffff, v25  }
0x280: {  	v25 =	vld [tilespmem:s3+$0x80]  }
0x281: {  	v24 =	vbroadcast v34, $0x0;
	_ =	sdelay $0x1  }
0x282: {  	v35 =	vor.u32 v1, v24  }
0x283: {  	v36 =	vperm.xlane v23, v19;
	v37 =	vor.u32 v7, v24  }
0x284: {  	v38 =	vunpack.i.l.bf16.f32 v25  }
0x285: {  	v25 =	vunpack.i.u.bf16.f32 v25;
	v29 =	vmul.f32 v36, v38  }
0x286: {  	v25 =	vmul.f32 v36, v25  }
0x287: {  	[tilespmem:v35+s15+$0x0] =	vst.idx.msk $0xffff, v29  }
0x288: {  	[tilespmem:v37+s15+$0x0] =	vst.idx.msk $0xffff, v25  }
0x289: {  	v25 =	vld [tilespmem:s3+$0x90];
	_ =	sdelay $0x2  }
0x28a: {  	v39 =	vadd.s32 v8, v24  }
0x28b: {  	v24 =	vadd.s32 v9, v24  }
0x28c: {  	v40 =	vunpack.i.l.bf16.f32 v25  }
0x28d: {  	v25 =	vunpack.i.u.bf16.f32 v25;
	v28 =	vmul.f32 v40, v36  }
0x28e: {  	s31 =	sadd.s32 $0xFFFFFFFE, s1;
	v25 =	vmul.f32 v25, v36  }
0x28f: {  	v41 =	vmov s31;
	[tilespmem:v39+s15+$0x0] =	vst.idx.msk $0xffff, v28  }
0x290: {  	v42 =	vmul.u32 $0x48, v41;
	[tilespmem:v24+s15+$0x0] =	vst.idx.msk $0xffff, v25  }
0x291: {  	v25 =	vld [tilespmem:s3+$0xA0]  }
0x292: {  	v24 =	vbroadcast v42, $0x0;
	_ =	sdelay $0x1  }
0x293: {  	v43 =	vadd.s32 v1, v24  }
0x294: {  	v44 =	vperm.xlane v23, v20;
	v45 =	vadd.s32 v7, v24  }
0x295: {  	v46 =	vunpack.i.l.bf16.f32 v25  }
0x296: {  	v25 =	vunpack.i.u.bf16.f32 v25;
	v29 =	vmul.f32 v44, v46  }
0x297: {  	v25 =	vmul.f32 v44, v25  }
0x298: {  	[tilespmem:v43+s15+$0x0] =	vst.idx.msk $0xffff, v29  }
0x299: {  	[tilespmem:v45+s15+$0x0] =	vst.idx.msk $0xffff, v25  }
0x29a: {  	v25 =	vld [tilespmem:s3+$0xB0];
	_ =	sdelay $0x2  }
0x29b: {  	v47 =	vadd.s32 v8, v24  }
0x29c: {  	v24 =	vadd.s32 v9, v24  }
0x29d: {  	v48 =	vunpack.i.l.bf16.f32 v25  }
0x29e: {  	v25 =	vunpack.i.u.bf16.f32 v25;
	v28 =	vmul.f32 v48, v44  }
0x29f: {  	s31 =	sadd.s32 $0xFFFFFFFF, s1;
	v25 =	vmul.f32 v25, v44  }
0x2a0: {  	v49 =	vmov s31;
	[tilespmem:v47+s15+$0x0] =	vst.idx.msk $0xffff, v28  }
0x2a1: {  	v50 =	vmul.u32 $0x48, v49;
	[tilespmem:v24+s15+$0x0] =	vst.idx.msk $0xffff, v25  }
0x2a2: {  	v25 =	vld [tilespmem:s3+$0xC0]  }
0x2a3: {  	v24 =	vbroadcast v50, $0x0;
	_ =	sdelay $0x1  }
0x2a4: {  	v51 =	vadd.s32 v1, v24  }
0x2a5: {  	v52 =	vperm.xlane v23, v21;
	v53 =	vadd.s32 v7, v24  }
0x2a6: {  	v54 =	vunpack.i.l.bf16.f32 v25  }
0x2a7: {  	v25 =	vunpack.i.u.bf16.f32 v25;
	v29 =	vmul.f32 v52, v54  }
0x2a8: {  	v25 =	vmul.f32 v52, v25  }
0x2a9: {  	[tilespmem:v51+s15+$0x0] =	vst.idx.msk $0xffff, v29  }
0x2aa: {  	[tilespmem:v53+s15+$0x0] =	vst.idx.msk $0xffff, v25  }
0x2ab: {  	v25 =	vld [tilespmem:s3+$0xD0];
	_ =	sdelay $0x2  }
0x2ac: {  	v55 =	vadd.s32 v8, v24  }
0x2ad: {  	v24 =	vadd.s32 v9, v24  }
0x2ae: {  	v56 =	vunpack.i.l.bf16.f32 v25  }
0x2af: {  	v25 =	vunpack.i.u.bf16.f32 v25;
	v28 =	vmul.f32 v56, v52  }
0x2b0: {  	v25 =	vmul.f32 v25, v52  }
0x2b1: {  	v57 =	vmov s1;
	[tilespmem:v55+s15+$0x0] =	vst.idx.msk $0xffff, v28  }
0x2b2: {  	v58 =	vmul.u32 $0x48, v57;
	[tilespmem:v24+s15+$0x0] =	vst.idx.msk $0xffff, v25  }
0x2b3: {  	v25 =	vld [tilespmem:s3+$0xE0]  }
0x2b4: {  	v24 =	vbroadcast v58, $0x0;
	_ =	sdelay $0x1  }
0x2b5: {  	v59 =	vadd.s32 v1, v24  }
0x2b6: {  	v23 =	vperm.xlane v23, v22;
	v60 =	vadd.s32 v7, v24  }
0x2b7: {  	v61 =	vunpack.i.l.bf16.f32 v25  }
0x2b8: {  	v25 =	vunpack.i.u.bf16.f32 v25;
	v28 =	vmul.f32 v23, v61  }
0x2b9: {  	v25 =	vmul.f32 v23, v25  }
0x2ba: {  	[tilespmem:v59+s15+$0x0] =	vst.idx.msk $0xffff, v28  }
0x2bb: {  	[tilespmem:v60+s15+$0x0] =	vst.idx.msk $0xffff, v25  }
0x2bc: {  	v25 =	vld [tilespmem:s3+$0xF0];
	_ =	sdelay $0x2  }
0x2bd: {  	v62 =	vadd.s32 v8, v24  }
0x2be: {  	p0 =	sne.s32 s1, $0x7F;
	v24 =	vadd.s32 v9, v24  }
.Ltmp2:
0x2bf: {  	v63 =	vunpack.i.l.bf16.f32 v25;
	(pc) =	sbr.rel @p0 .LBB2_7-.Ltmp2, $4  }
0x2c0: {  	v25 =	vunpack.i.u.bf16.f32 v25;
	v27 =	vmul.f32 v63, v23  }
0x2c1: {  	v23 =	vmul.f32 v25, v23  }
0x2c2: {  	[tilespmem:v62+s15+$0x0] =	vst.idx.msk $0xffff, v27  }
0x2c3: {  	s1 =	sadd.s32 $0x10, s1;
	s3 =	sadd.s32 $0x200, s3;
	[tilespmem:v24+s15+$0x0] =	vst.idx.msk $0xffff, v23  }
0x2c4: {  	s29 =	sadd.s32 $0x1, s29  }
0x2c5: {  	p0 =	sne.s32 s29, $0x28  }
.Ltmp3:
0x2c6: {  	_ = 	snop;
	(pc) =	sbr.rel @p0 .LBB2_4-.Ltmp3, $4  }
0x2c7: {  	[spmem:s2] =	stream.indirect.scatter.add.f32 [tilespmem:s15], [sflag:$0x3], $0x48, s30, s18, $0xb8;
	[tilespmem:$0x167C0] =	vst v63  }
0x2c8: {  	_ =	swait.ge [sflag:s16], $0x2400  }
0x2c9: {  	[sflag:s16] =	ssyncset.done $0x0  }
0x2ca: {  	[sflag:s16] =	ssyncadd.s32 $0xFFFFDC00  }
0x2cb: {  	_ =	swait.ge [sflag:s22], $0x1000  }
0x2cc: {  	[sflag:s22] =	ssyncset.done $0x0  }
0x2cd: {  	[sflag:s22] =	ssyncadd.s32 $0xFFFFF000  }
0x2ce: {  	_ =	swait.ge [sflag:s22], $0x800  }
0x2cf: {  	[sflag:s22] =	ssyncset.done $0x0  }
0x2d0: {  	[sflag:s22] =	ssyncadd.s32 $0xFFFFF800  }
0x2d1: {  	s0 =	stileid.u32;
	_ =	swait.ge [sflag:s22], $0x800  }
0x2d2: {  	s1 =	sshrl.u32 s6, $0x3;
	s28 =	sadd.s32 $0x1, s28;
	[sflag:s22] =	ssyncset.done $0x0  }
0x2d3: {  	s0 =	sshll.u32 s0, $0x6;
	p0 =	sne.s32 s28, s14;
	[sflag:s22] =	ssyncadd.s32 $0xFFFFF800  }
.Ltmp4:
0x2d4: {  	s0 =	sor.u32 $0x1C03, s0;
	[bflag:$0x0] =	sbarrier.arrive $0xFFFF;
	(pc) =	sbr.rel @p0 .LBB2_1-.Ltmp4, $4  }
0x2d5: {  	[hbm:s13], [sflag:s0] =	dma.local [spmem:s1], $0x1638  }
0x2d6: {  	_ =	swait.ge [sflag:s16], $0x1638  }
0x2d7: {  	[sflag:s16] =	ssyncset.done $0x0  }
0x2d8: {  	[sflag:s16] =	ssyncadd.s32 $0xFFFFE9C8  }
0x2d9: {  	_ =	sfence.sel $0x180000  }
0x2da: {  	[bflag:$0x0] =	sbarrier.arrive $0xFFFF  }
0x2db: {  	_ =	strace $0x9000004A  }
0x2dc: {  	s0 =	stileid.u32;
	[bflag:$0x2] =	sbarrier.arrive $0xFFFF  }
0x2dd: {  	p0 =	sne.s32 s0, $0x0;
	s0 =	rddreg [dreg:$0x3]  }
0x2de: {  	s0 =	sadd.s32 @!p0 $0x100000, s0  }
0x2df: {  	[sflag:s0] =	ssyncadd.tile.s32 @!p0 $0x1;
	_ =	shalt  }
.Lfunc_end2:
_tile_overlayer_lowered:
.L_overlay_start_2:
0x2e0: {  	(tag) =	ssettag $0x2  }
0x2e1: {  	s0 =	rddreg [dreg:$0x0];
	s2 =	stileid.u32  }
0x2e2: {  	s1 =	rddreg [dreg:$0x1];
	p0 =	sne.s32 s2, $0x0  }
0x2e3: {  	s3 =	rddreg [dreg:$0x2];
	[bflag:$0x3] =	sbarrier.arrive $0xFFFF;
	s2 =	simm.s32 @!p0 $0x1C03  }
0x2e4: {  	[timem:s3], [sflag:s2] =	dma.local @!p0 [hbm:s0], s1  }
0x2e5: {  	s0 =	simm.s32 @!p0 $0x3  }
0x2e6: {  	_ =	swait.ge @!p0 [sflag:s0], s1  }
0x2e7: {  	s1 =	ssub.s32 @!p0 $0x0, s1;
	[sflag:s0] =	ssyncset.done @!p0 $0x0  }
0x2e8: {  	[sflag:s0] =	ssyncadd.s32 @!p0 s1  }
0x2e9: {  	[bflag:$0x3] =	sbarrier.arrive $0xFFFF  }
0x2ea: {  	_ =	shalt  }

// kernel: kernel.7.cloned.1.call-start
scs
__scs_entry_jumppad:
0x0: {  	(pc) =	sbr.rel $0x88, $3  }
0x1: {  	(tag) =	ssettag $0x0;
	lr =	simm.s32 $0x1  }
0x2: {  	[smem:$0x3F97] =	sst lr;
	_ =	strace $0xD0000000  }
0x3: {  	_ = 	snop  }
0x4: {  	_ = 	snop  }
0x5: {  	_ = 	snop  }
0x6: {  	_ = 	snop  }
0x7: {  	_ = 	snop  }
__scs_overlays_trampoline_lowered:
0x8: {  	[smem:$0x3FA6] =	sst s0  }
0x9: {  	[smem:$0x3FA7] =	sst s1  }
0xa: {  	[smem:$0x3FA8] =	sst s2  }
0xb: {  	[smem:$0x3FA9] =	sst s3  }
0xc: {  	[smem:$0x3FAA] =	sst s4  }
0xd: {  	[smem:$0x3FAB] =	sst s5  }
0xe: {  	[smem:$0x3FAC] =	sst s6  }
0xf: {  	[smem:$0x3FAD] =	sst s7  }
0x10: {  	[smem:$0x3FAE] =	sst s8  }
0x11: {  	[smem:$0x3FAF] =	sst s9;
	s0 =	simm.s32 @!p0 $0x0  }
0x12: {  	s1 =	sld [smem:$0x3F95];
	s0 =	simm.s32 @p0 $0x1  }
0x13: {  	[smem:$0x3FB0] =	sst s0;
	s0 =	simm.s32 @!p1 $0x0  }
0x14: {  	s2 =	sld [smem:$0x3F94];
	s0 =	simm.s32 @p1 $0x1  }
0x15: {  	[smem:$0x3FB1] =	sst s0;
	s0 =	simm.s32 @!p2 $0x0  }
0x16: {  	s3 =	sld [smem:$0x3FDB];
	s0 =	simm.s32 @p2 $0x1  }
0x17: {  	s4 =	simm.s32 $0x1BF5;
	[smem:$0x3FB3] =	sst s0  }
0x18: {  	s0 =	sld [smem:$0x3F96];
	_ =	swait.ge [sflag:s4], $0x0  }
0x19: {  	s7 =	sld [smem:$0x3F97]  }
0x1a: {  	s8 =	sadd.s32 $0xFFFFE003, lr  }
0x1b: {  	s9 =	sadd.s32 $0xFFFFFEF7, lr;
	s5 =	simm.s32 $0xFFFFFFFF;
	p2 =	slt.u32 s8, $0xFFFFF086  }
0x1c: {  	p1 =	slt.u32 s9, $0xF7A;
	s5 =	simm.s32 @!p2 $0x0  }
0x1d: {  	s5 =	simm.s32 @p1 $0x1;
	p0 =	seq.s32 s7, s2  }
0x1e: {  	s7 =	smul.u32 @!p0 $0xF7A, s2;
	p2 =	seq.s32 @!p0 s5, $0x0  }
0x1f: {  	s9 =	smul.u32 $0xF7A, s1;
	s8 =	simm.s32 @!p0 $0x1BF5;
	p2 =	por !p2, p0  }
0x20: {  	[sflag:s8] =	ssyncset.s32 @!p0 $0xFFFFF086;
	s6 =	sadd.s32 @!p0 s3, s7;
	s7 =	simm.s32 @!p0 $0x108  }
0x21: {  	s3 =	sadd.s32 s3, s9;
	s6 =	sadd.s32 @!p0 $0x88, s6;
	s7 =	simm.s32 @p2 $0x1082  }
0x22: {  	[simem:s7], [sflag:s8] =	dma.local @!p0 [hbm:s6], $0xF7A  }
0x23: {  	s9 =	sor.u32 $0xD0000000, s2;
	s6 =	simm.s32 $0x108;
	_ =	swait.ge @!p0 [sflag:s8], $0x0  }
0x24: {  	s3 =	sadd.s32 $0x88, s3;
	s6 =	simm.s32 @!p1 $0x1082;
	[sflag:s4] =	ssyncset.s32 $0xFFFFF086  }
0x25: {  	[simem:s6], [sflag:s4] =	dma.local [hbm:s3], $0xF7A  }
0x26: {  	[smem:$0x3F97] =	sst s1;
	(tag) =	ssettag s2;
	_ =	strace s9  }
0x27: {  	s1 =	sld [smem:$0x3FA7]  }
0x28: {  	s2 =	sld [smem:$0x3FA8]  }
0x29: {  	s4 =	sld [smem:$0x3FAA]  }
0x2a: {  	p0 =	seq.s32 s5, $0x0;
	s5 =	sld [smem:$0x3FAB]  }
0x2b: {  	s6 =	sld [smem:$0x3FAC]  }
0x2c: {  	s7 =	sld [smem:$0x3FAD]  }
0x2d: {  	s3 =	simm.s32 $0x108;
	s8 =	sld [smem:$0x3FAE]  }
0x2e: {  	s3 =	simm.s32 @!p0 $0x1082;
	s9 =	sld [smem:$0x3FAF]  }
0x2f: {  	lr =	sadd.s32 s0, s3;
	s0 =	sld [smem:$0x3FA6]  }
0x30: {  	s3 =	sld [smem:$0x3FA9]  }
0x31: {  	[smem:$0x3FB2] =	sst s10  }
0x32: {  	s10 =	sld [smem:$0x3FB0];
	_ =	sdelay $0x3  }
0x33: {  	p0 =	seq.s32 s10, $0x1;
	s10 =	sld [smem:$0x3FB2];
	_ =	sdelay $0x3  }
0x34: {  	[smem:$0x3FB2] =	sst s10  }
0x35: {  	s10 =	sld [smem:$0x3FB1];
	_ =	sdelay $0x3  }
0x36: {  	p1 =	seq.s32 s10, $0x1;
	s10 =	sld [smem:$0x3FB2];
	_ =	sdelay $0x3  }
0x37: {  	[smem:$0x3FB2] =	sst s10  }
0x38: {  	s10 =	sld [smem:$0x3FB3]  }
0x39: {  	_ = 	snop;
	(pc) =	sbr.ind lr, $3  }
0x3a: {  	_ = 	snop  }
0x3b: {  	_ = 	snop  }
0x3c: {  	p2 =	seq.s32 s10, $0x1;
	s10 =	sld [smem:$0x3FB2]  }
0x3d: {  	_ =	shalt  }
0x3e: {  	_ =	shalt  }
0x3f: {  	_ =	shalt  }
0x40: {  	_ =	shalt  }
0x41: {  	_ =	shalt  }
0x42: {  	_ =	shalt  }
0x43: {  	_ =	shalt  }
0x44: {  	_ =	shalt  }
0x45: {  	_ =	shalt  }
0x46: {  	_ =	shalt  }
0x47: {  	_ =	shalt  }
0x48: {  	_ =	shalt  }
0x49: {  	_ =	shalt  }
0x4a: {  	_ =	shalt  }
0x4b: {  	_ =	shalt  }
0x4c: {  	_ =	shalt  }
0x4d: {  	_ =	shalt  }
0x4e: {  	_ =	shalt  }
0x4f: {  	_ =	shalt  }
0x50: {  	_ =	shalt  }
0x51: {  	_ =	shalt  }
0x52: {  	_ =	shalt  }
0x53: {  	_ =	shalt  }
0x54: {  	_ =	shalt  }
0x55: {  	_ =	shalt  }
0x56: {  	_ =	shalt  }
0x57: {  	_ =	shalt  }
0x58: {  	_ =	shalt  }
0x59: {  	_ =	shalt  }
0x5a: {  	_ =	shalt  }
0x5b: {  	_ =	shalt  }
0x5c: {  	_ =	shalt  }
0x5d: {  	_ =	shalt  }
0x5e: {  	_ =	shalt  }
0x5f: {  	_ =	shalt  }
0x60: {  	_ =	shalt  }
0x61: {  	_ =	shalt  }
0x62: {  	_ =	shalt  }
0x63: {  	_ =	shalt  }
0x64: {  	_ =	shalt  }
0x65: {  	_ =	shalt  }
0x66: {  	_ =	shalt  }
0x67: {  	_ =	shalt  }
0x68: {  	_ =	shalt  }
0x69: {  	_ =	shalt  }
0x6a: {  	_ =	shalt  }
0x6b: {  	_ =	shalt  }
0x6c: {  	_ =	shalt  }
0x6d: {  	_ =	shalt  }
0x6e: {  	_ =	shalt  }
0x6f: {  	_ =	shalt  }
0x70: {  	_ =	shalt  }
0x71: {  	_ =	shalt  }
0x72: {  	_ =	shalt  }
0x73: {  	_ =	shalt  }
0x74: {  	_ =	shalt  }
0x75: {  	_ =	shalt  }
0x76: {  	_ =	shalt  }
0x77: {  	_ =	shalt  }
0x78: {  	_ =	shalt  }
0x79: {  	_ =	shalt  }
0x7a: {  	_ =	shalt  }
0x7b: {  	_ =	shalt  }
0x7c: {  	_ =	shalt  }
0x7d: {  	_ =	shalt  }
0x7e: {  	_ =	shalt  }
0x7f: {  	_ =	shalt  }
0x80: {  	_ =	shalt  }
0x81: {  	_ =	shalt  }
0x82: {  	_ =	shalt  }
0x83: {  	_ =	shalt  }
0x84: {  	_ =	shalt  }
0x85: {  	_ =	shalt  }
0x86: {  	_ =	shalt  }
0x87: {  	_ =	shalt  }
.Lfunc_end0:
.L_simem_size_0:
called_computation_lowered:
.L_overlay_start_0:
0x88: {  	s2 =	sld [smem:$0x3FD9]  }
0x89: {  	s3 =	sld [smem:$0x3FFE];
	_ =	sdelay $0x1  }
0x8a: {  	s1 =	srdreg.scid  }
0x8b: {  	s0 =	sand.u32 $0x1, s1  }
0x8c: {  	s17 =	sshll.u32 s0, $0xA;
	s2 =	sadd.s32 s3, s2  }
0x8d: {  	s2 =	sadd.s32 s2, s17  }
0x8e: {  	[smem:$0x3FBE] =	sst s2  }
0x8f: {  	_ = 	snop  }
0x90: {  	s2 =	sld [smem:$0x3FD0];
	(tm) =	ssettm $0x1  }
0x91: {  	s18 =	sld [smem:$0x3FFB];
	_ =	sdelay $0x3  }
0x92: {  	_ =	strace s18  }
0x93: {  	s3 =	sld [smem:$0x3FFC];
	_ =	sdelay $0x3  }
0x94: {  	_ =	strace s3  }
0x95: {  	s3 =	sld [smem:$0x3FFD];
	_ =	sdelay $0x3  }
0x96: {  	_ =	strace s3  }
0x97: {  	_ =	strace $0x8FFFFFFF  }
0x98: {  	s19 =	sld [smem:$0x3FDB];
	_ =	sdelay $0x1  }
0x99: {  	s4 =	simm.s32 $_scs_section_size  }
0x9a: {  	s5 =	simm.s32 $_size__tile_overlayer_lowered;
	s6 =	simm.s32 $_tile_overlayer_lowered  }
0x9b: {  	s22 =	simm.s32 $0x1BFF;
	s21 =	sshll.u32 s6, $0x1;
	s3 =	sadd.s32 s4, s19  }
0x9c: {  	s7 =	simm.s32 $0x0;
	s20 =	sshll.u32 s5, $0x1;
	s5 =	sadd.s32 s21, s3  }
0x9d: {  	[timem:s7], [sflag:s22] =	dma.local [hbm:s5], s20  }
0x9e: {  	_ =	swait.ge [sflag:s22], s20  }
0x9f: {  	s4 =	ssub.s32 $0x0, s20;
	[sflag:s22] =	ssyncset.done $0x0  }
0xa0: {  	[sflag:s22] =	ssyncadd.s32 s4;
	_ =	sdelay $0x1  }
0xa1: {  	s23 =	simm.s32 $0x1B8B  }
0xa2: {  	_ =	swait.ge [sflag:s23], $0x1  }
0xa3: {  	[sflag:s23] =	ssyncset.done $0x0  }
0xa4: {  	s25 =	simm.s32 $0x1B8E;
	s24 =	sld [smem:$0x3FFE];
	[sflag:s23] =	ssyncadd.s32 $0xFFFFFFFF  }
0xa5: {  	s26 =	simm.s32 $execute0_lowered;
	[smem:$0x3FD2] =	sst s25  }
0xa6: {  	s5 =	sshll.u32 s26, $0x1;
	_ =	strace $0x80000046;
	[dreg:$0x1] =	wrdreg $0xFFFFFFFF  }
0xa7: {  	s28 =	simm.s32 $_size_execute0_lowered;
	s3 =	sadd.s32 s3, s5;
	[dreg:$0x0] =	wrdreg $0x0  }
0xa8: {  	s5 =	sshll.u32 s28, $0x1;
	[dreg:$0x2] =	wrdreg s3  }
0xa9: {  	[dreg:$0x3] =	wrdreg s5  }
0xaa: {  	[dreg:$0x4] =	wrdreg $0xC0  }
0xab: {  	_ =	task [dreg:s7], $0x5FFFF  }
0xac: {  	[dreg:$0x1] =	wrdreg $0xFFFFFFFF  }
0xad: {  	[dreg:$0x0] =	wrdreg $0x60  }
0xae: {  	[dreg:$0x2] =	wrdreg s2  }
0xaf: {  	[dreg:$0x3] =	wrdreg s24  }
0xb0: {  	[dreg:$0x4] =	wrdreg $0xB6000  }
0xb1: {  	[dreg:$0x5] =	wrdreg $0x9  }
0xb2: {  	_ =	task.clear_ibuf [dreg:s7], $0x6FFFF;
	_ =	strace $0x90000046  }
0xb3: {  	s29 =	simm.s32 $0x9;
	_ =	strace $0x80000048  }
0xb4: {  	_ =	swait.ge [sflag:s29], $0x1  }
0xb5: {  	[sflag:s29] =	ssyncadd.s32 $0xFFFFFFFF  }
0xb6: {  	_ =	strace $0x90000048  }
0xb7: {  	_ =	sfence  }
0xb8: {  	s30 =	sld [smem:$0x0];
	_ =	sdelay $0x2  }
0xb9: {  	s31 =	sshll.u32 s1, $0xD;
	s1 =	sshrl.u32 s1, $0x2  }
0xba: {  	s3 =	sand.u32 $0x4000, s31;
	s1 =	sadd.s32 s1, s30  }
0xbb: {  	s0 =	sor.u32 s3, s0;
	s1 =	sshll.u32 s1, $0x11  }
0xbc: {  	s0 =	sor.u32 s1, s0  }
0xbd: {  	s0 =	sadd.s32 $0x8F2B, s0  }
0xbe: {  	[sflag:s0] =	ssyncadd.remote.s32 $0x1  }
0xbf: {  	_ =	sfence.sel $0xFFFF  }
0xc0: {  	[dreg:$0x0] =	wrdreg $0xFFFFFFFF;
	(pc) =	sbr.abs _section_cstart, $3  }
0xc1: {  	[dreg:$0x1] =	wrdreg $0xFFFFFFFF  }
0xc2: {  	_ =	task.clear_ibuf [dreg:s7], $0x2FFFF;
	_ =	strace $0x9FFFFFFF  }
0xc3: {  	(tm) =	ssettm $0x7FFFFFFF  }
tec
execute0_lowered:
.L_overlay_start_1:
0x0: {  	(tag) =	ssettag $0x1  }
0x1: {  	s0 =	srdreg.scid;
	s1 =	rddreg [dreg:$0x0]  }
0x2: {  	s10 =	stileid.u32;
	s3 =	rddreg [dreg:$0x1]  }
0x3: {  	s24 =	simm.s32 $0x0;
	s15 =	simm.s32 $0x9200;
	s16 =	simm.s32 $0x3  }
0x4: {  	s17 =	simm.s32 $0x2900;
	s18 =	simm.s32 $0x80;
	s19 =	simm.s32 $0x5200  }
0x5: {  	s20 =	simm.s32 $0x7200;
	s21 =	simm.s32 $0x8200;
	s22 =	simm.s32 $0x1  }
0x6: {  	s23 =	simm.s32 $0x6200;
	s28 =	simm.s32 $0x0;
	s29 =	simm.s32 $0x0  }
0x7: {  	s0 =	sand.u32 $0x1, s0;
	s6 =	smul.u32 $0xB1C0, s10;
	[smem:$0x7FF] =	sst s24  }
0x8: {  	s24 =	simm.s32 $0x7A00;
	s2 =	sshll.u32 s0, $0x4;
	s5 =	smul.u32 $0xB1C00, s0  }
0x9: {  	s0 =	ssub.s32 $0x2, s0;
	s4 =	sor.u32 s10, s2;
	s2 =	rddreg [dreg:$0x2]  }
0xa: {  	_ =	strace $0x80000047;
	s10 =	smul.u32 $0x2C700, s10;
	s25 =	sshrl.u32 s0, $0x1  }
0xb: {  	s7 =	smul.u32 $0x500, s4;
	s4 =	sadd.s32 $0x1400, s3;
	s9 =	sadd.s32 s6, s5  }
0xc: {  	s5 =	sadd.s32 $0xB200, s3;
	s0 =	ssub.s32 s0, s25;
	s6 =	sadd.s32 s6, s2  }
0xd: {  	v8 =	vlaneseq.u32;
	s25 =	simm.s32 $0x8A00;
	s9 =	sshrl.u32 s9, $0x3;
	s10 =	sshrl.u32 s10, $0x2  }
0xe: {  	v0 =	vimm.f32 $0.0e+00;
	v2 =	vimm.s32 $0x0;
	v1 =	vadd.s32 $0x38, v8;
	s14 =	smax.u32 s0, $0x1;
	s8 =	sadd.s32 s7, s3;
	s10 =	sadd.s32 s10, s2  }
0xf: {  	v3 =	vshrl.u32 v8, $0x3;
	v4 =	vand.u32 $0x7, v8;
	v5 =	vmul.u32 $0x2, v8;
	s3 =	sadd.s32 s9, s3;
	s11 =	sadd.s32 s1, s7;
	s26 =	sadd.s32 $0x2400, s10  }
0x10: {  	v8 =	vshrl.u32 v8, $0x2;
	v6 =	vor.u32 $0x8, v4;
	v7 =	vor.u32 $0x40, v4;
	s30 =	sadd.s32 $0x4800, s10;
	s31 =	sadd.s32 $0x6C00, s10;
	[dreg:$0x4] =	wrdreg s26  }
0x11: {  	v10 =	vor.u32 $0x4, v8;
	v13 =	vor.u32 $0x8, v8;
	v14 =	vor.u32 $0xC, v8;
	s10 =	sadd.s32 $0x9000, s10;
	s12 =	sadd.s32 $0x10200, s8;
	[dreg:$0x5] =	wrdreg s30  }
0x12: {  	v9 =	vor.u32 $0x1, v5;
	v11 =	vor.u32 $0x20, v5;
	v12 =	vor.u32 $0x21, v5;
	s13 =	sadd.s32 $0x1A200, s3;
	[dreg:$0x6] =	wrdreg s31;
	s26 =	simm.s32 $0x2  }
.LBB2_1:
0x13: {  	s0 =	simm.s32 $0x0  }
0x14: {  	v15 =	vmov s0  }
0x15: {  	v15 =	vmul.u32 $0x48, v15;
	_ =	sdelay $0x1  }
0x16: {  	v15 =	vbroadcast v15, $0x0;
	_ =	sdelay $0x1  }
0x17: {  	s1 =	simm.s32 $0x1;
	s0 =	simm.s32 $0x9220;
	v15 =	vadd.s32 v1, v15  }
.LBB2_2:
0x18: {  	v16 =	vmov s1;
	p0 =	sne.s32 s1, $0x7F;
	s1 =	sadd.s32 $0x1, s1;
	[tilespmem:s0+$0xFFFFFFF0] =	vst v0  }
.Ltmp0:
0x19: {  	v16 =	vmul.u32 $0x48, v16;
	[tilespmem:s0+$0x0] =	vst v0;
	(pc) =	sbr.rel @p0 .LBB2_2-.Ltmp0, $4  }
0x1a: {  	[tilespmem:s0+$0x10] =	vst v0  }
0x1b: {  	v16 =	vbroadcast v16, $0x0;
	[tilespmem:s0+$0xFFFFFFE0] =	vst v0  }
0x1c: {  	[tilespmem:v15+s15+$0x0] =	vst.idx.msk $0xffff, v0  }
0x1d: {  	s0 =	sadd.s32 $0x48, s0;
	v15 =	vadd.s32 v1, v16  }
0x1e: {  	[tilespmem:s0+$0xFFFFFFF0] =	vst v0  }
0x1f: {  	[tilespmem:s0+$0x0] =	vst v0  }
0x20: {  	[tilespmem:s0+$0x10] =	vst v0  }
0x21: {  	[tilespmem:s0+$0xFFFFFFE0] =	vst v0  }
0x22: {  	[tilespmem:v15+s15+$0x0] =	vst.idx.msk $0xffff, v0  }
0x23: {  	[spmem:s6] =	stream.linear.scatter [tilespmem:s15], [sflag:$0x3], $0x2400, $0x38;
	[tilespmem:$0x167C0] =	vst v63  }
0x24: {  	_ =	swait.ge [sflag:s16], $0x2400  }
0x25: {  	[sflag:s16] =	ssyncset.done $0x0  }
0x26: {  	s8 =	rddreg [dreg:$0x4];
	[sflag:s16] =	ssyncadd.s32 $0xFFFFDC00  }
0x27: {  	[spmem:s8] =	stream.linear.scatter [tilespmem:s15], [sflag:$0x3], $0x2400, $0x38;
	[tilespmem:$0x167C0] =	vst v63  }
0x28: {  	_ =	swait.ge [sflag:s16], $0x2400  }
0x29: {  	[sflag:s16] =	ssyncset.done $0x0  }
0x2a: {  	s9 =	rddreg [dreg:$0x5];
	[sflag:s16] =	ssyncadd.s32 $0xFFFFDC00  }
0x2b: {  	[spmem:s9] =	stream.linear.scatter [tilespmem:s15], [sflag:$0x3], $0x2400, $0x38;
	[tilespmem:$0x167C0] =	vst v63  }
0x2c: {  	_ =	swait.ge [sflag:s16], $0x2400  }
0x2d: {  	[sflag:s16] =	ssyncset.done $0x0  }
0x2e: {  	s31 =	rddreg [dreg:$0x6];
	[sflag:s16] =	ssyncadd.s32 $0xFFFFDC00  }
0x2f: {  	[spmem:s31] =	stream.linear.scatter [tilespmem:s15], [sflag:$0x3], $0x2400, $0x38;
	[tilespmem:$0x167C0] =	vst v63  }
0x30: {  	_ =	swait.ge [sflag:s16], $0x2400  }
0x31: {  	[sflag:s16] =	ssyncset.done $0x0  }
0x32: {  	[sflag:s16] =	ssyncadd.s32 $0xFFFFDC00  }
0x33: {  	[spmem:s10] =	stream.linear.scatter [tilespmem:s15], [sflag:$0x3], $0x21C0, $0x38;
	[tilespmem:$0x167C0] =	vst v63  }
0x34: {  	_ =	swait.ge [sflag:s16], $0x21C0  }
0x35: {  	[sflag:s16] =	ssyncset.done $0x0  }
0x36: {  	[sflag:s16] =	ssyncadd.s32 $0xFFFFDE40  }
0x37: {  	[tilespmem:$0x2800] =	vst v2  }
0x38: {  	[tilespmem:$0x5100] =	vst v2  }
0x39: {  	[tilespmem:$0x2810] =	vst v2  }
0x3a: {  	[tilespmem:$0x5110] =	vst v2  }
0x3b: {  	[tilespmem:$0x2820] =	vst v2  }
0x3c: {  	[tilespmem:$0x5120] =	vst v2  }
0x3d: {  	[tilespmem:$0x2830] =	vst v2  }
0x3e: {  	[tilespmem:$0x5130] =	vst v2  }
0x3f: {  	[tilespmem:$0x2840] =	vst v2  }
0x40: {  	[tilespmem:$0x5140] =	vst v2  }
0x41: {  	[tilespmem:$0x2850] =	vst v2  }
0x42: {  	[tilespmem:$0x5150] =	vst v2  }
0x43: {  	[tilespmem:$0x2860] =	vst v2  }
0x44: {  	[tilespmem:$0x5160] =	vst v2  }
0x45: {  	[tilespmem:$0x2870] =	vst v2  }
0x46: {  	[tilespmem:$0x5170] =	vst v2  }
0x47: {  	[tilespmem:$0x2880] =	vst v2  }
0x48: {  	[tilespmem:$0x5180] =	vst v2  }
0x49: {  	[tilespmem:$0x2890] =	vst v2  }
0x4a: {  	[tilespmem:$0x5190] =	vst v2  }
0x4b: {  	[tilespmem:$0x28A0] =	vst v2  }
0x4c: {  	[tilespmem:$0x51A0] =	vst v2  }
0x4d: {  	[tilespmem:$0x28B0] =	vst v2  }
0x4e: {  	[tilespmem:$0x51B0] =	vst v2  }
0x4f: {  	[tilespmem:$0x28C0] =	vst v2  }
0x50: {  	[tilespmem:$0x51C0] =	vst v2  }
0x51: {  	[tilespmem:$0x28D0] =	vst v2  }
0x52: {  	[tilespmem:$0x51D0] =	vst v2  }
0x53: {  	[tilespmem:$0x28E0] =	vst v2  }
0x54: {  	[tilespmem:$0x51E0] =	vst v2  }
0x55: {  	[tilespmem:$0x28F0] =	vst v2  }
0x56: {  	[tilespmem:$0x51F0] =	vst v2  }
0x57: {  	[bflag:$0x0] =	sbarrier.arrive $0xFFFF  }
0x58: {  	[tilespmem:s29], [sflag:$0x3] =	stream.linear.gather [hbm4b:s11+s29], $0x2800, $0x38;
	[tilespmem:$0x167C0] =	vst v63  }
0x59: {  	_ =	swait.ge [sflag:s16], $0x2800  }
0x5a: {  	[sflag:s16] =	ssyncset.done $0x0  }
0x5b: {  	[sflag:s16] =	ssyncadd.s32 $0xFFFFD800  }
0x5c: {  	[tilespmem:s17], [sflag:$0x3] =	stream.linear.gather [hbm4b:s12+s29], $0x2800, $0x38;
	[tilespmem:$0x167C0] =	vst v63  }
0x5d: {  	_ =	swait.ge [sflag:s16], $0x2800  }
0x5e: {  	[sflag:s16] =	ssyncset.done $0x0  }
0x5f: {  	[sflag:s16] =	ssyncadd.s32 $0xFFFFD800  }
0x60: {  	[tilespmem:s19], [sflag:$0x1] =	stream.indirect.gather [hbm4b:s4+s18], $0x20, s29, s18, $0xb8;
	[tilespmem:$0x167C0] =	vst v63  }
0x61: {  	_ = 	snop  }
0x62: {  	[tilespmem:s20], [sflag:$0x1] =	stream.indirect.gather [hbm4b:s5+s18], $0x10, s29, s18, $0xb8;
	[tilespmem:$0x167C0] =	vst v63  }
0x63: {  	s30 =	simm.s32 $0x0  }
0x64: {  	[tilespmem:s21], [sflag:$0x1] =	stream.indirect.gather [hbm4b:s5+s18], $0x10, s17, s18, $0xb8;
	[tilespmem:$0x167C0] =	vst v63  }
.LBB2_4:
0x65: {  	_ =	swait.ge [sflag:s22], $0x1000  }
0x66: {  	[sflag:s22] =	ssyncset.done $0x0  }
0x67: {  	[sflag:s22] =	ssyncadd.s32 $0xFFFFF000  }
0x68: {  	_ =	swait.ge [sflag:s22], $0x800  }
0x69: {  	[sflag:s22] =	ssyncset.done $0x0  }
0x6a: {  	[sflag:s22] =	ssyncadd.s32 $0xFFFFF800  }
0x6b: {  	_ =	swait.ge [sflag:s22], $0x800  }
0x6c: {  	s1 =	sshll.u32 s30, $0x8;
	v15 =	vor.u32 s29, v3;
	[sflag:s22] =	ssyncset.done $0x0  }
0x6d: {  	s0 =	sor.u32 $0x80, s1;
	v16 =	vshll.u32 v15, $0x4;
	[sflag:s22] =	ssyncadd.s32 $0xFFFFF800  }
0x6e: {  	v17 =	vor.u32 v4, v16;
	[tilespmem:s23], [sflag:$0x2] =	stream.indirect.gather [hbm4b:s4+s18], $0x20, s0, s18, $0xb8;
	[tilespmem:$0x167C0] =	vst v63  }
0x6f: {  	v16 =	vor.u32 v6, v16  }
0x70: {  	[tilespmem:s24], [sflag:$0x2] =	stream.indirect.gather [hbm4b:s5+s18], $0x10, s0, s18, $0xb8;
	[tilespmem:$0x167C0] =	vst v63  }
0x71: {  	s31 =	sadd.s32 $0x2980, s1  }
0x72: {  	[tilespmem:s25], [sflag:$0x2] =	stream.indirect.gather [hbm4b:s5+s18], $0x10, s31, s18, $0xb8;
	[tilespmem:$0x167C0] =	vst v63  }
0x73: {  	v17 =	vld.idx.msk [tilespmem:v17+s20+$0x0], $0xffff  }
0x74: {  	v16 =	vld.idx.msk [tilespmem:v16+s21+$0x0], $0xffff;
	_ =	sdelay $0x4  }
0x75: {  	v16 =	vadd.f32 v16, v17;
	_ =	sdelay $0x1  }
0x76: {  	v17 =	vmul.f32 $2.000000030e-01, v16;
	_ =	sdelay $0x1  }
0x77: {  	v16 =	vmax.f32 v16, v17  }
0x78: {  	v16 =	vmul.f32 $1.442695020e+00, v16;
	_ =	sdelay $0x1  }
0x79: {  	(erf) = vpow2.f32 v16;
	_ =	sdelay $0x2  }
0x7a: {  	v15 =	vmul.u32 $0x48, v15;
	_ =	sdelay $0x1  }
0x7b: {  	v15 =	vadd.s32 v7, v15;
	_ =	sdelay $0x3  }
0x7c: {  	v18 =	vpop (erf)  }
0x7d: {  	s3 =	simm.s32 $0x5220;
	[tilespmem:v15+s15+$0x0] =	vst.idx.msk $0xffff, v18  }
0x7e: {  	v15 =	vmov s29;
	v16 =	vld [tilespmem:s3+$0xFFFFFFE0]  }
0x7f: {  	v15 =	vmul.u32 $0x48, v15;
	_ =	sdelay $0x1  }
0x80: {  	v17 =	vadd.s32 v5, v15  }
0x81: {  	v19 =	vperm.xlane v18, v8;
	v20 =	vadd.s32 v9, v15  }
0x82: {  	v21 =	vunpack.i.l.bf16.f32 v16  }
0x83: {  	v16 =	vunpack.i.u.bf16.f32 v16;
	v21 =	vmul.f32 v19, v21  }
0x84: {  	v16 =	vmul.f32 v19, v16  }
0x85: {  	[tilespmem:v17+s15+$0x0] =	vst.idx.msk $0xffff, v21  }
0x86: {  	[tilespmem:v20+s15+$0x0] =	vst.idx.msk $0xffff, v16  }
0x87: {  	v16 =	vld [tilespmem:s3+$0xFFFFFFF0];
	_ =	sdelay $0x2  }
0x88: {  	v17 =	vadd.s32 v11, v15  }
0x89: {  	v19 =	vperm.xlane v18, v10;
	v15 =	vadd.s32 v12, v15  }
0x8a: {  	v20 =	vunpack.i.l.bf16.f32 v16  }
0x8b: {  	v16 =	vunpack.i.u.bf16.f32 v16;
	v20 =	vmul.f32 v19, v20  }
0x8c: {  	s9 =	simm.s32 $0x1;
	v16 =	vmul.f32 v19, v16  }
0x8d: {  	[tilespmem:v17+s15+$0x0] =	vst.idx.msk $0xffff, v20;
	v17 =	vmov s9  }
0x8e: {  	[tilespmem:v15+s15+$0x0] =	vst.idx.msk $0xffff, v16;
	v15 =	vmul.u32 $0x48, v17  }
0x8f: {  	v16 =	vld [tilespmem:s3+$0x0]  }
0x90: {  	v15 =	vbroadcast v15, $0x0;
	_ =	sdelay $0x1  }
0x91: {  	v17 =	vadd.s32 v5, v15  }
0x92: {  	v19 =	vperm.xlane v18, v13;
	v20 =	vadd.s32 v9, v15  }
0x93: {  	v21 =	vunpack.i.l.bf16.f32 v16  }
0x94: {  	v16 =	vunpack.i.u.bf16.f32 v16;
	v21 =	vmul.f32 v19, v21  }
0x95: {  	v16 =	vmul.f32 v19, v16  }
0x96: {  	[tilespmem:v17+s15+$0x0] =	vst.idx.msk $0xffff, v21  }
0x97: {  	[tilespmem:v20+s15+$0x0] =	vst.idx.msk $0xffff, v16  }
0x98: {  	v19 =	vld [tilespmem:s3+$0x10];
	_ =	sdelay $0x1  }
0x99: {  	s0 =	simm.s32 $0x2  }
0x9a: {  	v17 =	vadd.s32 v11, v15;
	v20 =	vor.u32 s0, v3;
	v16 =	vadd.s32 v12, v15  }
0x9b: {  	v21 =	vshll.u32 v20, $0x4;
	v15 =	vmul.u32 $0x48, v20;
	v20 =	vperm.xlane v18, v14  }
0x9c: {  	v18 =	vor.u32 v4, v21;
	v22 =	vunpack.i.u.bf16.f32 v19;
	v23 =	vunpack.i.l.bf16.f32 v19  }
0x9d: {  	s7 =	simm.s32 $0x4;
	v19 =	vor.u32 v6, v21;
	v21 =	vmul.f32 v20, v23;
	v20 =	vmul.f32 v20, v22  }
.LBB2_5:
0x9e: {  	p0 =	sne.s32 s7, $0x7E  }
0x9f: {  	s3 =	sadd.s32 $0x40, s3;
	s8 =	smov.u32 s7;
	s7 =	sadd.s32 $0x2, s7  }
0xa0: {  	[tilespmem:v17+s15+$0x0] =	vst.idx.msk $0xffff, v21  }
0xa1: {  	[tilespmem:v16+s15+$0x0] =	vst.idx.msk $0xffff, v20  }
0xa2: {  	v16 =	vld.idx.msk [tilespmem:v18+s20+$0x0], $0xffff  }
0xa3: {  	v17 =	vld.idx.msk [tilespmem:v19+s21+$0x0], $0xffff;
	_ =	sdelay $0x5  }
0xa4: {  	v16 =	vadd.f32 v17, v16;
	_ =	sdelay $0x1  }
0xa5: {  	v17 =	vmul.f32 $2.000000030e-01, v16;
	_ =	sdelay $0x1  }
0xa6: {  	v16 =	vmax.f32 v16, v17  }
0xa7: {  	v16 =	vmul.f32 $1.442695020e+00, v16;
	_ =	sdelay $0x1  }
0xa8: {  	(erf) = vpow2.f32 v16;
	_ =	sdelay $0x4  }
0xa9: {  	v15 =	vadd.s32 v7, v15;
	_ =	sdelay $0x3  }
0xaa: {  	v18 =	vpop (erf)  }
0xab: {  	[tilespmem:v15+s15+$0x0] =	vst.idx.msk $0xffff, v18  }
0xac: {  	v15 =	vmov s0;
	v16 =	vld [tilespmem:s3+$0xFFFFFFE0]  }
0xad: {  	v15 =	vmul.u32 $0x48, v15;
	_ =	sdelay $0x1  }
0xae: {  	v17 =	vadd.s32 v5, v15  }
0xaf: {  	v19 =	vperm.xlane v18, v8;
	v20 =	vadd.s32 v9, v15  }
0xb0: {  	v21 =	vunpack.i.u.bf16.f32 v16;
	v16 =	vunpack.i.l.bf16.f32 v16  }
0xb1: {  	v16 =	vmul.f32 v19, v16  }
0xb2: {  	v19 =	vmul.f32 v19, v21  }
0xb3: {  	[tilespmem:v17+s15+$0x0] =	vst.idx.msk $0xffff, v16  }
0xb4: {  	[tilespmem:v20+s15+$0x0] =	vst.idx.msk $0xffff, v19  }
0xb5: {  	v16 =	vld [tilespmem:s3+$0xFFFFFFF0];
	_ =	sdelay $0x2  }
0xb6: {  	v17 =	vadd.s32 v11, v15  }
0xb7: {  	v15 =	vadd.s32 v12, v15;
	v19 =	vperm.xlane v18, v10  }
0xb8: {  	v20 =	vunpack.i.u.bf16.f32 v16;
	v16 =	vunpack.i.l.bf16.f32 v16  }
0xb9: {  	v16 =	vmul.f32 v19, v16  }
0xba: {  	s9 =	sadd.s32 $0x1, s0;
	s0 =	smov.u32 s8;
	v19 =	vmul.f32 v19, v20  }
0xbb: {  	[tilespmem:v17+s15+$0x0] =	vst.idx.msk $0xffff, v16;
	v16 =	vmov s9  }
0xbc: {  	[tilespmem:v15+s15+$0x0] =	vst.idx.msk $0xffff, v19;
	v15 =	vmul.u32 $0x48, v16  }
0xbd: {  	v16 =	vld [tilespmem:s3+$0x0]  }
0xbe: {  	v15 =	vbroadcast v15, $0x0;
	_ =	sdelay $0x1  }
0xbf: {  	v17 =	vadd.s32 v5, v15  }
0xc0: {  	v19 =	vperm.xlane v18, v13;
	v20 =	vadd.s32 v9, v15  }
0xc1: {  	v21 =	vunpack.i.u.bf16.f32 v16;
	v16 =	vunpack.i.l.bf16.f32 v16  }
0xc2: {  	v16 =	vmul.f32 v19, v16  }
0xc3: {  	v19 =	vmul.f32 v19, v21  }
0xc4: {  	[tilespmem:v17+s15+$0x0] =	vst.idx.msk $0xffff, v16  }
0xc5: {  	[tilespmem:v20+s15+$0x0] =	vst.idx.msk $0xffff, v19  }
0xc6: {  	v20 =	vld [tilespmem:s3+$0x10];
	_ =	sdelay $0x1  }
.Ltmp1:
0xc7: {  	v17 =	vadd.s32 v11, v15;
	v16 =	vadd.s32 v12, v15;
	v19 =	vor.u32 s0, v3;
	(pc) =	sbr.rel @p0 .LBB2_5-.Ltmp1, $4  }
0xc8: {  	v22 =	vperm.xlane v18, v14;
	v21 =	vshll.u32 v19, $0x4;
	v15 =	vmul.u32 $0x48, v19  }
0xc9: {  	v18 =	vor.u32 v4, v21;
	v19 =	vor.u32 v6, v21  }
0xca: {  	v23 =	vunpack.i.u.bf16.f32 v20;
	v20 =	vunpack.i.l.bf16.f32 v20  }
0xcb: {  	v21 =	vmul.f32 v22, v20;
	v20 =	vmul.f32 v22, v23  }
0xcc: {  	_ =	sdelay $0x3  }
0xcd: {  	[tilespmem:v17+s15+$0x0] =	vst.idx.msk $0xffff, v21  }
0xce: {  	[tilespmem:v16+s15+$0x0] =	vst.idx.msk $0xffff, v20  }
0xcf: {  	v16 =	vld.idx.msk [tilespmem:v18+s20+$0x0], $0xffff  }
0xd0: {  	v17 =	vld.idx.msk [tilespmem:v19+s21+$0x0], $0xffff;
	_ =	sdelay $0x4  }
0xd1: {  	v16 =	vadd.f32 v17, v16;
	_ =	sdelay $0x1  }
0xd2: {  	v17 =	vmul.f32 $2.000000030e-01, v16;
	_ =	sdelay $0x1  }
0xd3: {  	v16 =	vmax.f32 v16, v17  }
0xd4: {  	v16 =	vmul.f32 $1.442695020e+00, v16;
	_ =	sdelay $0x1  }
0xd5: {  	(erf) = vpow2.f32 v16;
	_ =	sdelay $0x4  }
0xd6: {  	v15 =	vadd.s32 v7, v15;
	_ =	sdelay $0x3  }
0xd7: {  	v16 =	vpop (erf)  }
0xd8: {  	s3 =	sadd.s32 $0x40, s3;
	[tilespmem:v15+s15+$0x0] =	vst.idx.msk $0xffff, v16  }
0xd9: {  	v15 =	vmov s0;
	v17 =	vld [tilespmem:s3+$0xFFFFFFE0]  }
0xda: {  	v15 =	vmul.u32 $0x48, v15;
	_ =	sdelay $0x1  }
0xdb: {  	v18 =	vadd.s32 v5, v15  }
0xdc: {  	v19 =	vperm.xlane v16, v8;
	v20 =	vadd.s32 v9, v15  }
0xdd: {  	v21 =	vunpack.i.l.bf16.f32 v17  }
0xde: {  	v17 =	vunpack.i.u.bf16.f32 v17;
	v21 =	vmul.f32 v19, v21  }
0xdf: {  	v17 =	vmul.f32 v19, v17  }
0xe0: {  	[tilespmem:v18+s15+$0x0] =	vst.idx.msk $0xffff, v21  }
0xe1: {  	[tilespmem:v20+s15+$0x0] =	vst.idx.msk $0xffff, v17  }
0xe2: {  	v17 =	vld [tilespmem:s3+$0xFFFFFFF0];
	_ =	sdelay $0x2  }
0xe3: {  	v18 =	vadd.s32 v11, v15  }
0xe4: {  	v19 =	vperm.xlane v16, v10;
	v15 =	vadd.s32 v12, v15  }
0xe5: {  	v20 =	vunpack.i.l.bf16.f32 v17  }
0xe6: {  	v17 =	vunpack.i.u.bf16.f32 v17;
	v20 =	vmul.f32 v19, v20  }
0xe7: {  	s7 =	sadd.s32 $0x1, s0;
	v17 =	vmul.f32 v19, v17  }
0xe8: {  	[tilespmem:v18+s15+$0x0] =	vst.idx.msk $0xffff, v20;
	v18 =	vmov s7  }
0xe9: {  	[tilespmem:v15+s15+$0x0] =	vst.idx.msk $0xffff, v17;
	v15 =	vmul.u32 $0x48, v18  }
0xea: {  	v17 =	vld [tilespmem:s3+$0x0]  }
0xeb: {  	v15 =	vbroadcast v15, $0x0;
	_ =	sdelay $0x1  }
0xec: {  	v18 =	vadd.s32 v5, v15  }
0xed: {  	v19 =	vperm.xlane v16, v13;
	v20 =	vadd.s32 v9, v15  }
0xee: {  	v21 =	vunpack.i.l.bf16.f32 v17  }
0xef: {  	v17 =	vunpack.i.u.bf16.f32 v17;
	v21 =	vmul.f32 v19, v21  }
0xf0: {  	v17 =	vmul.f32 v19, v17  }
0xf1: {  	[tilespmem:v18+s15+$0x0] =	vst.idx.msk $0xffff, v21  }
0xf2: {  	[tilespmem:v20+s15+$0x0] =	vst.idx.msk $0xffff, v17  }
0xf3: {  	v17 =	vld [tilespmem:s3+$0x10];
	_ =	sdelay $0x2  }
0xf4: {  	v18 =	vadd.s32 v11, v15  }
0xf5: {  	v16 =	vperm.xlane v16, v14;
	v15 =	vadd.s32 v12, v15  }
0xf6: {  	v19 =	vunpack.i.l.bf16.f32 v17  }
0xf7: {  	v17 =	vunpack.i.u.bf16.f32 v17;
	v19 =	vmul.f32 v16, v19  }
0xf8: {  	v16 =	vmul.f32 v16, v17  }
0xf9: {  	s8 =	sand.u32 $0x3FFFFF00, s1;
	[tilespmem:v18+s15+$0x0] =	vst.idx.msk $0xffff, v19  }
0xfa: {  	s0 =	sadd.s32 $0x2900, s8;
	[tilespmem:v15+s15+$0x0] =	vst.idx.msk $0xffff, v16  }
0xfb: {  	[spmem:s2] =	stream.indirect.scatter.add.f32 [tilespmem:s15], [sflag:$0x3], $0x48, s0, s18, $0xb8;
	[tilespmem:$0x167C0] =	vst v63  }
0xfc: {  	_ =	swait.ge [sflag:s16], $0x2400  }
0xfd: {  	[sflag:s16] =	ssyncset.done $0x0  }
0xfe: {  	[sflag:s16] =	ssyncadd.s32 $0xFFFFDC00  }
0xff: {  	_ =	swait.ge [sflag:s26], $0x1000  }
0x100: {  	[sflag:s26] =	ssyncset.done $0x0  }
0x101: {  	[sflag:s26] =	ssyncadd.s32 $0xFFFFF000  }
0x102: {  	_ =	swait.ge [sflag:s26], $0x800  }
0x103: {  	[sflag:s26] =	ssyncset.done $0x0  }
0x104: {  	[sflag:s26] =	ssyncadd.s32 $0xFFFFF800  }
0x105: {  	s9 =	simm.s32 $0x0;
	_ =	swait.ge [sflag:s26], $0x800  }
0x106: {  	v15 =	vor.u32 s9, v3;
	[sflag:s26] =	ssyncset.done $0x0  }
0x107: {  	s7 =	sadd.s32 $0x100, s1;
	v16 =	vshll.u32 v15, $0x4;
	[sflag:s26] =	ssyncadd.s32 $0xFFFFF800  }
0x108: {  	v17 =	vor.u32 v4, v16;
	[tilespmem:s19], [sflag:$0x1] =	stream.indirect.gather [hbm4b:s4+s18], $0x20, s7, s18, $0xb8;
	[tilespmem:$0x167C0] =	vst v63  }
0x109: {  	v16 =	vor.u32 v6, v16  }
0x10a: {  	[tilespmem:s20], [sflag:$0x1] =	stream.indirect.gather [hbm4b:s5+s18], $0x10, s7, s18, $0xb8;
	[tilespmem:$0x167C0] =	vst v63  }
0x10b: {  	s8 =	sadd.s32 $0x2A00, s1  }
0x10c: {  	[tilespmem:s21], [sflag:$0x1] =	stream.indirect.gather [hbm4b:s5+s18], $0x10, s8, s18, $0xb8;
	[tilespmem:$0x167C0] =	vst v63  }
0x10d: {  	v17 =	vld.idx.msk [tilespmem:v17+s24+$0x0], $0xffff  }
0x10e: {  	v16 =	vld.idx.msk [tilespmem:v16+s25+$0x0], $0xffff;
	_ =	sdelay $0x4  }
0x10f: {  	v16 =	vadd.f32 v16, v17;
	_ =	sdelay $0x1  }
0x110: {  	v17 =	vmul.f32 $2.000000030e-01, v16;
	_ =	sdelay $0x1  }
0x111: {  	v16 =	vmax.f32 v16, v17  }
0x112: {  	v16 =	vmul.f32 $1.442695020e+00, v16;
	_ =	sdelay $0x1  }
0x113: {  	(erf) = vpow2.f32 v16;
	_ =	sdelay $0x2  }
0x114: {  	v15 =	vmul.u32 $0x48, v15;
	_ =	sdelay $0x1  }
0x115: {  	v15 =	vadd.s32 v7, v15;
	_ =	sdelay $0x3  }
0x116: {  	v18 =	vpop (erf)  }
0x117: {  	s1 =	simm.s32 $0x6220;
	[tilespmem:v15+s15+$0x0] =	vst.idx.msk $0xffff, v18  }
0x118: {  	v15 =	vmov s9;
	v16 =	vld [tilespmem:s1+$0xFFFFFFE0]  }
0x119: {  	v15 =	vmul.u32 $0x48, v15;
	_ =	sdelay $0x1  }
0x11a: {  	v17 =	vadd.s32 v5, v15  }
0x11b: {  	v19 =	vperm.xlane v18, v8;
	v20 =	vadd.s32 v9, v15  }
0x11c: {  	v21 =	vunpack.i.l.bf16.f32 v16  }
0x11d: {  	v16 =	vunpack.i.u.bf16.f32 v16;
	v21 =	vmul.f32 v19, v21  }
0x11e: {  	v16 =	vmul.f32 v19, v16  }
0x11f: {  	[tilespmem:v17+s15+$0x0] =	vst.idx.msk $0xffff, v21  }
0x120: {  	[tilespmem:v20+s15+$0x0] =	vst.idx.msk $0xffff, v16  }
0x121: {  	v16 =	vld [tilespmem:s1+$0xFFFFFFF0];
	_ =	sdelay $0x2  }
0x122: {  	v17 =	vadd.s32 v11, v15  }
0x123: {  	v19 =	vperm.xlane v18, v10;
	v15 =	vadd.s32 v12, v15  }
0x124: {  	v20 =	vunpack.i.l.bf16.f32 v16  }
0x125: {  	v16 =	vunpack.i.u.bf16.f32 v16;
	v20 =	vmul.f32 v19, v20  }
0x126: {  	s9 =	simm.s32 $0x1;
	v16 =	vmul.f32 v19, v16  }
0x127: {  	[tilespmem:v17+s15+$0x0] =	vst.idx.msk $0xffff, v20;
	v17 =	vmov s9  }
0x128: {  	[tilespmem:v15+s15+$0x0] =	vst.idx.msk $0xffff, v16;
	v15 =	vmul.u32 $0x48, v17  }
0x129: {  	v16 =	vld [tilespmem:s1+$0x0]  }
0x12a: {  	v15 =	vbroadcast v15, $0x0;
	_ =	sdelay $0x1  }
0x12b: {  	v17 =	vadd.s32 v5, v15  }
0x12c: {  	v19 =	vperm.xlane v18, v13;
	v20 =	vadd.s32 v9, v15  }
0x12d: {  	v21 =	vunpack.i.l.bf16.f32 v16  }
0x12e: {  	v16 =	vunpack.i.u.bf16.f32 v16;
	v21 =	vmul.f32 v19, v21  }
0x12f: {  	v16 =	vmul.f32 v19, v16  }
0x130: {  	[tilespmem:v17+s15+$0x0] =	vst.idx.msk $0xffff, v21  }
0x131: {  	[tilespmem:v20+s15+$0x0] =	vst.idx.msk $0xffff, v16  }
0x132: {  	v19 =	vld [tilespmem:s1+$0x10];
	_ =	sdelay $0x1  }
0x133: {  	s0 =	simm.s32 $0x2  }
0x134: {  	v17 =	vadd.s32 v11, v15;
	v20 =	vor.u32 s0, v3;
	v16 =	vadd.s32 v12, v15  }
0x135: {  	v21 =	vshll.u32 v20, $0x4;
	v15 =	vmul.u32 $0x48, v20;
	v20 =	vperm.xlane v18, v14  }
0x136: {  	v18 =	vor.u32 v4, v21;
	v22 =	vunpack.i.u.bf16.f32 v19;
	v23 =	vunpack.i.l.bf16.f32 v19  }
0x137: {  	s3 =	simm.s32 $0x4;
	v19 =	vor.u32 v6, v21;
	v21 =	vmul.f32 v20, v23;
	v20 =	vmul.f32 v20, v22  }
.LBB2_7:
0x138: {  	p0 =	sne.s32 s3, $0x7E  }
0x139: {  	s1 =	sadd.s32 $0x40, s1;
	s7 =	smov.u32 s3;
	s3 =	sadd.s32 $0x2, s3  }
0x13a: {  	[tilespmem:v17+s15+$0x0] =	vst.idx.msk $0xffff, v21  }
0x13b: {  	[tilespmem:v16+s15+$0x0] =	vst.idx.msk $0xffff, v20  }
0x13c: {  	v16 =	vld.idx.msk [tilespmem:v18+s24+$0x0], $0xffff  }
0x13d: {  	v17 =	vld.idx.msk [tilespmem:v19+s25+$0x0], $0xffff;
	_ =	sdelay $0x5  }
0x13e: {  	v16 =	vadd.f32 v17, v16;
	_ =	sdelay $0x1  }
0x13f: {  	v17 =	vmul.f32 $2.000000030e-01, v16;
	_ =	sdelay $0x1  }
0x140: {  	v16 =	vmax.f32 v16, v17  }
0x141: {  	v16 =	vmul.f32 $1.442695020e+00, v16;
	_ =	sdelay $0x1  }
0x142: {  	(erf) = vpow2.f32 v16;
	_ =	sdelay $0x4  }
0x143: {  	v15 =	vadd.s32 v7, v15;
	_ =	sdelay $0x3  }
0x144: {  	v18 =	vpop (erf)  }
0x145: {  	[tilespmem:v15+s15+$0x0] =	vst.idx.msk $0xffff, v18  }
0x146: {  	v15 =	vmov s0;
	v16 =	vld [tilespmem:s1+$0xFFFFFFE0]  }
0x147: {  	v15 =	vmul.u32 $0x48, v15;
	_ =	sdelay $0x1  }
0x148: {  	v17 =	vadd.s32 v5, v15  }
0x149: {  	v19 =	vperm.xlane v18, v8;
	v20 =	vadd.s32 v9, v15  }
0x14a: {  	v21 =	vunpack.i.u.bf16.f32 v16;
	v16 =	vunpack.i.l.bf16.f32 v16  }
0x14b: {  	v16 =	vmul.f32 v19, v16  }
0x14c: {  	v19 =	vmul.f32 v19, v21  }
0x14d: {  	[tilespmem:v17+s15+$0x0] =	vst.idx.msk $0xffff, v16  }
0x14e: {  	[tilespmem:v20+s15+$0x0] =	vst.idx.msk $0xffff, v19  }
0x14f: {  	v16 =	vld [tilespmem:s1+$0xFFFFFFF0];
	_ =	sdelay $0x2  }
0x150: {  	v17 =	vadd.s32 v11, v15  }
0x151: {  	v15 =	vadd.s32 v12, v15;
	v19 =	vperm.xlane v18, v10  }
0x152: {  	v20 =	vunpack.i.u.bf16.f32 v16;
	v16 =	vunpack.i.l.bf16.f32 v16  }
0x153: {  	v16 =	vmul.f32 v19, v16  }
0x154: {  	s8 =	sadd.s32 $0x1, s0;
	s0 =	smov.u32 s7;
	v19 =	vmul.f32 v19, v20  }
0x155: {  	[tilespmem:v17+s15+$0x0] =	vst.idx.msk $0xffff, v16;
	v16 =	vmov s8  }
0x156: {  	[tilespmem:v15+s15+$0x0] =	vst.idx.msk $0xffff, v19;
	v15 =	vmul.u32 $0x48, v16  }
0x157: {  	v16 =	vld [tilespmem:s1+$0x0]  }
0x158: {  	v15 =	vbroadcast v15, $0x0;
	_ =	sdelay $0x1  }
0x159: {  	v17 =	vadd.s32 v5, v15  }
0x15a: {  	v19 =	vperm.xlane v18, v13;
	v20 =	vadd.s32 v9, v15  }
0x15b: {  	v21 =	vunpack.i.u.bf16.f32 v16;
	v16 =	vunpack.i.l.bf16.f32 v16  }
0x15c: {  	v16 =	vmul.f32 v19, v16  }
0x15d: {  	v19 =	vmul.f32 v19, v21  }
0x15e: {  	[tilespmem:v17+s15+$0x0] =	vst.idx.msk $0xffff, v16  }
0x15f: {  	[tilespmem:v20+s15+$0x0] =	vst.idx.msk $0xffff, v19  }
0x160: {  	v20 =	vld [tilespmem:s1+$0x10];
	_ =	sdelay $0x1  }
.Ltmp2:
0x161: {  	v17 =	vadd.s32 v11, v15;
	v16 =	vadd.s32 v12, v15;
	v19 =	vor.u32 s0, v3;
	(pc) =	sbr.rel @p0 .LBB2_7-.Ltmp2, $4  }
0x162: {  	v22 =	vperm.xlane v18, v14;
	v21 =	vshll.u32 v19, $0x4;
	v15 =	vmul.u32 $0x48, v19  }
0x163: {  	v18 =	vor.u32 v4, v21;
	v19 =	vor.u32 v6, v21  }
0x164: {  	v23 =	vunpack.i.u.bf16.f32 v20;
	v20 =	vunpack.i.l.bf16.f32 v20  }
0x165: {  	v21 =	vmul.f32 v22, v20;
	v20 =	vmul.f32 v22, v23  }
0x166: {  	_ =	sdelay $0x3  }
0x167: {  	[tilespmem:v17+s15+$0x0] =	vst.idx.msk $0xffff, v21  }
0x168: {  	[tilespmem:v16+s15+$0x0] =	vst.idx.msk $0xffff, v20  }
0x169: {  	v16 =	vld.idx.msk [tilespmem:v18+s24+$0x0], $0xffff  }
0x16a: {  	v17 =	vld.idx.msk [tilespmem:v19+s25+$0x0], $0xffff;
	_ =	sdelay $0x4  }
0x16b: {  	v16 =	vadd.f32 v17, v16;
	_ =	sdelay $0x1  }
0x16c: {  	v17 =	vmul.f32 $2.000000030e-01, v16;
	_ =	sdelay $0x1  }
0x16d: {  	v16 =	vmax.f32 v16, v17  }
0x16e: {  	v16 =	vmul.f32 $1.442695020e+00, v16;
	_ =	sdelay $0x1  }
0x16f: {  	(erf) = vpow2.f32 v16;
	_ =	sdelay $0x4  }
0x170: {  	v15 =	vadd.s32 v7, v15;
	_ =	sdelay $0x3  }
0x171: {  	v16 =	vpop (erf)  }
0x172: {  	s1 =	sadd.s32 $0x40, s1;
	[tilespmem:v15+s15+$0x0] =	vst.idx.msk $0xffff, v16  }
0x173: {  	v15 =	vmov s0;
	v49 =	vld [tilespmem:s1+$0xFFFFFFE0]  }
0x174: {  	v15 =	vmul.u32 $0x48, v15;
	_ =	sdelay $0x1  }
0x175: {  	v50 =	vadd.s32 v5, v15  }
0x176: {  	v51 =	vperm.xlane v16, v8;
	v52 =	vadd.s32 v9, v15  }
0x177: {  	v53 =	vunpack.i.l.bf16.f32 v49  }
0x178: {  	v17 =	vunpack.i.u.bf16.f32 v49;
	v21 =	vmul.f32 v51, v53  }
0x179: {  	v17 =	vmul.f32 v51, v17  }
0x17a: {  	[tilespmem:v50+s15+$0x0] =	vst.idx.msk $0xffff, v21  }
0x17b: {  	[tilespmem:v52+s15+$0x0] =	vst.idx.msk $0xffff, v17  }
0x17c: {  	v17 =	vld [tilespmem:s1+$0xFFFFFFF0];
	_ =	sdelay $0x2  }
0x17d: {  	v54 =	vadd.s32 v11, v15  }
0x17e: {  	v55 =	vperm.xlane v16, v10;
	v15 =	vadd.s32 v12, v15  }
0x17f: {  	v56 =	vunpack.i.l.bf16.f32 v17  }
0x180: {  	v17 =	vunpack.i.u.bf16.f32 v17;
	v20 =	vmul.f32 v55, v56  }
0x181: {  	s9 =	sadd.s32 $0x1, s0;
	v17 =	vmul.f32 v55, v17  }
0x182: {  	v57 =	vmov s9;
	[tilespmem:v54+s15+$0x0] =	vst.idx.msk $0xffff, v20  }
0x183: {  	[tilespmem:v15+s15+$0x0] =	vst.idx.msk $0xffff, v17;
	v15 =	vmul.u32 $0x48, v57  }
0x184: {  	v17 =	vld [tilespmem:s1+$0x0]  }
0x185: {  	v15 =	vbroadcast v15, $0x0;
	_ =	sdelay $0x1  }
0x186: {  	v58 =	vadd.s32 v5, v15  }
0x187: {  	v59 =	vperm.xlane v16, v13;
	v60 =	vadd.s32 v9, v15  }
0x188: {  	v61 =	vunpack.i.l.bf16.f32 v17  }
0x189: {  	v17 =	vunpack.i.u.bf16.f32 v17;
	v21 =	vmul.f32 v59, v61  }
0x18a: {  	v17 =	vmul.f32 v59, v17  }
0x18b: {  	[tilespmem:v58+s15+$0x0] =	vst.idx.msk $0xffff, v21  }
0x18c: {  	[tilespmem:v60+s15+$0x0] =	vst.idx.msk $0xffff, v17  }
0x18d: {  	v17 =	vld [tilespmem:s1+$0x10];
	_ =	sdelay $0x2  }
0x18e: {  	v62 =	vadd.s32 v11, v15  }
0x18f: {  	v16 =	vperm.xlane v16, v14;
	v15 =	vadd.s32 v12, v15  }
0x190: {  	v63 =	vunpack.i.l.bf16.f32 v17  }
0x191: {  	v17 =	vunpack.i.u.bf16.f32 v17;
	v19 =	vmul.f32 v16, v63  }
0x192: {  	s30 =	sadd.s32 $0x1, s30;
	v16 =	vmul.f32 v16, v17  }
0x193: {  	p0 =	sne.s32 s30, $0x28;
	[tilespmem:v62+s15+$0x0] =	vst.idx.msk $0xffff, v19  }
.Ltmp3:
0x194: {  	[tilespmem:v15+s15+$0x0] =	vst.idx.msk $0xffff, v16;
	(pc) =	sbr.rel @p0 .LBB2_4-.Ltmp3, $4  }
0x195: {  	[spmem:s2] =	stream.indirect.scatter.add.f32 [tilespmem:s15], [sflag:$0x3], $0x48, s31, s18, $0xb8;
	[tilespmem:$0x167C0] =	vst v63  }
0x196: {  	_ =	swait.ge [sflag:s16], $0x2400  }
0x197: {  	[sflag:s16] =	ssyncset.done $0x0  }
0x198: {  	[sflag:s16] =	ssyncadd.s32 $0xFFFFDC00  }
0x199: {  	_ =	swait.ge [sflag:s22], $0x1000  }
0x19a: {  	[sflag:s22] =	ssyncset.done $0x0  }
0x19b: {  	[sflag:s22] =	ssyncadd.s32 $0xFFFFF000  }
0x19c: {  	_ =	swait.ge [sflag:s22], $0x800  }
0x19d: {  	[sflag:s22] =	ssyncset.done $0x0  }
0x19e: {  	[sflag:s22] =	ssyncadd.s32 $0xFFFFF800  }
0x19f: {  	s0 =	stileid.u32;
	_ =	swait.ge [sflag:s22], $0x800  }
0x1a0: {  	s1 =	sshrl.u32 s6, $0x3;
	s28 =	sadd.s32 $0x1, s28;
	[sflag:s22] =	ssyncset.done $0x0  }
0x1a1: {  	s0 =	sshll.u32 s0, $0x6;
	p0 =	sne.s32 s28, s14;
	[sflag:s22] =	ssyncadd.s32 $0xFFFFF800  }
.Ltmp4:
0x1a2: {  	s0 =	sor.u32 $0x1C03, s0;
	[bflag:$0x0] =	sbarrier.arrive $0xFFFF;
	(pc) =	sbr.rel @p0 .LBB2_1-.Ltmp4, $4  }
0x1a3: {  	[hbm:s13], [sflag:s0] =	dma.local [spmem:s1], $0x1638  }
0x1a4: {  	_ =	swait.ge [sflag:s16], $0x1638  }
0x1a5: {  	[sflag:s16] =	ssyncset.done $0x0  }
0x1a6: {  	[sflag:s16] =	ssyncadd.s32 $0xFFFFE9C8  }
0x1a7: {  	_ =	sfence.sel $0x180000  }
0x1a8: {  	[bflag:$0x0] =	sbarrier.arrive $0xFFFF  }
0x1a9: {  	_ =	strace $0x90000047  }
0x1aa: {  	s0 =	stileid.u32;
	[bflag:$0x2] =	sbarrier.arrive $0xFFFF  }
0x1ab: {  	p0 =	sne.s32 s0, $0x0;
	s0 =	rddreg [dreg:$0x3]  }
0x1ac: {  	s0 =	sadd.s32 @!p0 $0x100000, s0  }
0x1ad: {  	[sflag:s0] =	ssyncadd.tile.s32 @!p0 $0x1;
	_ =	shalt  }
.Lfunc_end2:
_tile_overlayer_lowered:
.L_overlay_start_2:
0x1ae: {  	(tag) =	ssettag $0x2  }
0x1af: {  	s0 =	rddreg [dreg:$0x0];
	s2 =	stileid.u32  }
0x1b0: {  	s1 =	rddreg [dreg:$0x1];
	p0 =	sne.s32 s2, $0x0  }
0x1b1: {  	s3 =	rddreg [dreg:$0x2];
	[bflag:$0x3] =	sbarrier.arrive $0xFFFF;
	s2 =	simm.s32 @!p0 $0x1C03  }
0x1b2: {  	[timem:s3], [sflag:s2] =	dma.local @!p0 [hbm:s0], s1  }
0x1b3: {  	s0 =	simm.s32 @!p0 $0x3  }
0x1b4: {  	_ =	swait.ge @!p0 [sflag:s0], s1  }
0x1b5: {  	s1 =	ssub.s32 @!p0 $0x0, s1;
	[sflag:s0] =	ssyncset.done @!p0 $0x0  }
0x1b6: {  	[sflag:s0] =	ssyncadd.s32 @!p0 s1  }
0x1b7: {  	[bflag:$0x3] =	sbarrier.arrive $0xFFFF  }
0x1b8: {  	_ =	shalt  }

</sc_bundles>
